<compile_context>
chip_gen: v7x
topology: tpu7x:2x2x1
jax: 0.10.2.dev20260603
libtpu: 0.0.44.dev20260713+nightly
codegen_flags: <defaults>
</compile_context>

<pallas_src>
import functools

import jax
import jax.numpy as jnp
from jax import lax
from jax.experimental import pallas as pl
from jax.experimental.pallas import tpu as pltpu
from jax.experimental.pallas import tpu_sc as plsc

_LAMBDA = 0.15
_B = 16384
_D = 64
_L = 16
_NC = 2
_NS = 16
_NW = _NC * _NS
_BPW = _B // _NW
_CH = 256
_NCH = _BPW // _CH
_GROUPS = _CH // _L

_mesh = plsc.VectorSubcoreMesh(core_axis_name="c", subcore_axis_name="s")


@functools.partial(
    pl.kernel,
    mesh=_mesh,
    out_type=jax.ShapeDtypeStruct((_NW * _L,), jnp.float32),
    scratch_types=[
        pltpu.VMEM((_BPW,), jnp.int32),
        pltpu.VMEM((_CH, _D), jnp.float32),
        pltpu.VMEM((_CH, _D), jnp.float32),
        pltpu.VMEM((_L,), jnp.float32),
        pltpu.SemaphoreType.DMA,
        pltpu.SemaphoreType.DMA,
        pltpu.SemaphoreType.DMA,
    ],
)
def _sc_loss(feat_hbm, table_hbm, lab_hbm, out_hbm,
             lab_v, rows_v, feat_v, acc_v, sem_l, sem_f, sem_g):
    cid = lax.axis_index("c")
    sid = lax.axis_index("s")
    wid = sid * _NC + cid
    base = wid * _BPW

    pltpu.async_copy(lab_hbm.at[pl.ds(base, _BPW)], lab_v, sem_l).wait()

    lane = lax.iota(jnp.int32, _L)
    lane_masks = [lane == jnp.int32(rr) for rr in range(_L)]
    shuffles = [jnp.bitwise_xor(lane, jnp.int32(k)) for k in (8, 4, 2, 1)]
    _dnums = lax.GatherDimensionNumbers(
        offset_dims=(), collapsed_slice_dims=(0,), start_index_map=(0,))

    def hsum_splat(v):
        for perm in shuffles:
            v = v + lax.gather(
                v, perm[:, None], dimension_numbers=_dnums,
                slice_sizes=(1,),
                mode=lax.GatherScatterMode.PROMISE_IN_BOUNDS)
        return v

    def make_group_body(ch):
        def group_body(g, acc):
            row0 = g * _L
            tot = jnp.zeros((_L,), jnp.float32)
            for rr in range(_L):
                r = row0 + rr
                parts = []
                for c in range(_D // _L):
                    f = feat_v[r, pl.ds(c * _L, _L)]
                    p = rows_v[r, pl.ds(c * _L, _L)]
                    df = f - p
                    parts.append(df * df)
                sq = (parts[0] + parts[1]) + (parts[2] + parts[3])
                tot = jnp.where(lane_masks[rr], hsum_splat(sq), tot)
            x = tot
            i = lax.bitcast_convert_type(x, jnp.int32)
            i = jnp.int32(0x5F3759DF) - (i >> 1)
            y = lax.bitcast_convert_type(i, jnp.float32)
            for _ in range(3):
                y = y * (jnp.float32(1.5) - jnp.float32(0.5) * x * y * y)
            return acc + x * y
        return group_body

    acc = jnp.zeros((_L,), jnp.float32)
    for ch in range(_NCH):
        cbase = base + ch * _CH
        feat_cp = pltpu.async_copy(
            feat_hbm.at[pl.ds(cbase, _CH)], feat_v, sem_f)

        def issue(i, carry, _ch=ch):
            lvec = lab_v[pl.ds(_ch * _CH + i * _L, _L)]
            for u in range(_L):
                pltpu.async_copy(table_hbm.at[pl.ds(lvec[u], 1)],
                                 rows_v.at[pl.ds(i * _L + u, 1)], sem_g)
            return carry

        lax.fori_loop(0, _CH // _L, issue, jnp.int32(0))
        pltpu.make_async_copy(
            table_hbm.at[pl.ds(0, _CH)], rows_v, sem_g).wait()
        feat_cp.wait()
        acc = lax.fori_loop(0, _GROUPS, make_group_body(ch), acc)

    acc_v[...] = acc
    pltpu.sync_copy(acc_v, out_hbm.at[pl.ds(wid * _L, _L)])


def kernel(feature_prototypes, prototypes, labels):
    partials = _sc_loss(feature_prototypes, prototypes,
                        labels.astype(jnp.int32))
    return (_LAMBDA / _B) * jnp.sum(partials)

# --- scband reference (transcript-rebuilt; emitter-appended) ---
"""Pipeline reference for scband-prototype-loss-28226525069811 (READ-ONLY COPY).

The authoritative reference and input builder live on the scoring server;
editing this copy changes nothing except your own understanding.
"""

import jax, jax.numpy as jnp
import numpy as np

LAMBDA_REG = 0.15
NUM_CLASSES = 100000
BATCH = 16384
DIM = 64

def setup_inputs(seed: int = 0) -> dict:
    key = jax.random.key(seed)
    k1, k2, k3 = jax.random.split(key, 3)
    feature_prototypes = jax.random.normal(k1, (BATCH, DIM), dtype=jnp.float32)
    prototypes = jax.random.normal(k2, (NUM_CLASSES, DIM), dtype=jnp.float32)
    labels = jax.random.randint(k3, (BATCH,), 0, NUM_CLASSES, dtype=jnp.int64 if jax.config.jax_enable_x64 else jnp.int32)
    return {"feature_prototypes": feature_prototypes, "prototypes": prototypes, "labels": labels}

def reference(feature_prototypes, prototypes, labels):
    # gather per-sample class prototypes (SparseCore-style gather)
    batch_prototypes = jnp.take(prototypes, labels, axis=0)
    diff = feature_prototypes - batch_prototypes
    l2_dist = jnp.sqrt(jnp.sum(diff * diff, axis=1))
    prototype_loss = jnp.mean(l2_dist)
    return LAMBDA_REG * prototype_loss

if __name__ == "__main__":
    import jax
    _d = setup_inputs()
    print(jax.jit(kernel)(*tuple(_d.values())))

</pallas_src>

<mosaic_0001>
#map = affine_map<(d0, d1) -> (0, 0)>
#map1 = affine_map<(d0, d1) -> (0)>
module attributes {stable_mosaic.version = 14 : i64} {
  func.func @_sc_loss(%arg0: i32, %arg1: i32, %arg2: memref<16384x64xf32, #tpu.memory_space<hbm>>, %arg3: memref<100000x64xf32, #tpu.memory_space<hbm>>, %arg4: memref<16384xi32, #tpu.memory_space<hbm>>, %arg5: memref<512xf32, #tpu.memory_space<hbm>>, %arg6: memref<512xi32, #tpu.memory_space<vmem>>, %arg7: memref<256x64xf32, #tpu.memory_space<vmem>>, %arg8: memref<256x64xf32, #tpu.memory_space<vmem>>, %arg9: memref<16xf32, #tpu.memory_space<vmem>>, %arg10: memref<!tpu.dma_semaphore, #tpu.memory_space<semaphore_mem>>, %arg11: memref<!tpu.dma_semaphore, #tpu.memory_space<semaphore_mem>>, %arg12: memref<!tpu.dma_semaphore, #tpu.memory_space<semaphore_mem>>) attributes {dimension_semantics = [#tpu.dimension_semantics<core_parallel>, #tpu.dimension_semantics<subcore_parallel>], iteration_bounds = array<i64: 2, 16>, scalar_prefetch = 0 : i64, scratch_operands = 7 : i64, tpu.core_type = #tpu.core_type<sc_vector_subcore>, window_params = [{transform_indices = #map}, {transform_indices = #map}, {transform_indices = #map1}, {transform_indices = #map1}]} {
    %mul3A = arith.constant 2 : i32
    %mul3A_0 = arith.muli %arg1, %mul3A : i32
    %add3A = arith.addi %mul3A_0, %arg0 : i32
    %mul3A_1 = arith.constant 512 : i32
    %mul3A_2 = arith.muli %add3A, %mul3A_1 : i32
    %dma_start3A = tpu.memref_slice %arg4[%mul3A_2] : memref<16384xi32, #tpu.memory_space<hbm>> -> memref<512xi32, #tpu.memory_space<hbm>>
    %dma_start3A_3 = tpu.memref_slice %arg4[%mul3A_2] : memref<16384xi32, #tpu.memory_space<hbm>> -> memref<512xi32, #tpu.memory_space<hbm>>
    tpu.enqueue_dma source(%dma_start3A_3 : memref<512xi32, #tpu.memory_space<hbm>>) target(%arg6 : memref<512xi32, #tpu.memory_space<vmem>>) target_semaphore(%arg10 : memref<!tpu.dma_semaphore, #tpu.memory_space<semaphore_mem>>)
    %dma_wait3A = tpu.memref_slice %arg4[%mul3A_2] : memref<16384xi32, #tpu.memory_space<hbm>> -> memref<512xi32, #tpu.memory_space<hbm>>
    %dma_wait3A_4 = tpu.memref_slice %arg4[%mul3A_2] : memref<16384xi32, #tpu.memory_space<hbm>> -> memref<512xi32, #tpu.memory_space<hbm>>
    tpu.wait_dma2 semaphore(%arg10 : memref<!tpu.dma_semaphore, #tpu.memory_space<semaphore_mem>>) src(%dma_wait3A_4 : memref<512xi32, #tpu.memory_space<hbm>>) dst(%arg6 : memref<512xi32, #tpu.memory_space<vmem>>)
    %iota3A = tpu.iota {dimensions = array<i32: 0>} : vector<16xi32>
    %eq3A = arith.constant 0 : i32
    %eq3A_5 = vector.broadcast %eq3A : i32 to vector<16xi32>
    %eq3A_6 = arith.cmpi eq, %iota3A, %eq3A_5 : vector<16xi32>
    %eq3A_7 = arith.constant 1 : i32
    %eq3A_8 = vector.broadcast %eq3A_7 : i32 to vector<16xi32>
    %eq3A_9 = arith.cmpi eq, %iota3A, %eq3A_8 : vector<16xi32>
    %eq3A_10 = arith.constant 2 : i32
    %eq3A_11 = vector.broadcast %eq3A_10 : i32 to vector<16xi32>
    %eq3A_12 = arith.cmpi eq, %iota3A, %eq3A_11 : vector<16xi32>
    %eq3A_13 = arith.constant 3 : i32
    %eq3A_14 = vector.broadcast %eq3A_13 : i32 to vector<16xi32>
    %eq3A_15 = arith.cmpi eq, %iota3A, %eq3A_14 : vector<16xi32>
    %eq3A_16 = arith.constant 4 : i32
    %eq3A_17 = vector.broadcast %eq3A_16 : i32 to vector<16xi32>
    %eq3A_18 = arith.cmpi eq, %iota3A, %eq3A_17 : vector<16xi32>
    %eq3A_19 = arith.constant 5 : i32
    %eq3A_20 = vector.broadcast %eq3A_19 : i32 to vector<16xi32>
    %eq3A_21 = arith.cmpi eq, %iota3A, %eq3A_20 : vector<16xi32>
    %eq3A_22 = arith.constant 6 : i32
    %eq3A_23 = vector.broadcast %eq3A_22 : i32 to vector<16xi32>
    %eq3A_24 = arith.cmpi eq, %iota3A, %eq3A_23 : vector<16xi32>
    %eq3A_25 = arith.constant 7 : i32
    %eq3A_26 = vector.broadcast %eq3A_25 : i32 to vector<16xi32>
    %eq3A_27 = arith.cmpi eq, %iota3A, %eq3A_26 : vector<16xi32>
    %eq3A_28 = arith.constant 8 : i32
    %eq3A_29 = vector.broadcast %eq3A_28 : i32 to vector<16xi32>
    %eq3A_30 = arith.cmpi eq, %iota3A, %eq3A_29 : vector<16xi32>
    %eq3A_31 = arith.constant 9 : i32
    %eq3A_32 = vector.broadcast %eq3A_31 : i32 to vector<16xi32>
    %eq3A_33 = arith.cmpi eq, %iota3A, %eq3A_32 : vector<16xi32>
    %eq3A_34 = arith.constant 10 : i32
    %eq3A_35 = vector.broadcast %eq3A_34 : i32 to vector<16xi32>
    %eq3A_36 = arith.cmpi eq, %iota3A, %eq3A_35 : vector<16xi32>
    %eq3A_37 = arith.constant 11 : i32
    %eq3A_38 = vector.broadcast %eq3A_37 : i32 to vector<16xi32>
    %eq3A_39 = arith.cmpi eq, %iota3A, %eq3A_38 : vector<16xi32>
    %eq3A_40 = arith.constant 12 : i32
    %eq3A_41 = vector.broadcast %eq3A_40 : i32 to vector<16xi32>
    %eq3A_42 = arith.cmpi eq, %iota3A, %eq3A_41 : vector<16xi32>
    %eq3A_43 = arith.constant 13 : i32
    %eq3A_44 = vector.broadcast %eq3A_43 : i32 to vector<16xi32>
    %eq3A_45 = arith.cmpi eq, %iota3A, %eq3A_44 : vector<16xi32>
    %eq3A_46 = arith.constant 14 : i32
    %eq3A_47 = vector.broadcast %eq3A_46 : i32 to vector<16xi32>
    %eq3A_48 = arith.cmpi eq, %iota3A, %eq3A_47 : vector<16xi32>
    %eq3A_49 = arith.constant 15 : i32
    %eq3A_50 = vector.broadcast %eq3A_49 : i32 to vector<16xi32>
    %eq3A_51 = arith.cmpi eq, %iota3A, %eq3A_50 : vector<16xi32>
    %xor3A = arith.constant 8 : i32
    %xor3A_52 = vector.broadcast %xor3A : i32 to vector<16xi32>
    %xor3A_53 = arith.xori %iota3A, %xor3A_52 : vector<16xi32>
    %xor3A_54 = arith.constant 4 : i32
    %xor3A_55 = vector.broadcast %xor3A_54 : i32 to vector<16xi32>
    %xor3A_56 = arith.xori %iota3A, %xor3A_55 : vector<16xi32>
    %xor3A_57 = arith.constant 2 : i32
    %xor3A_58 = vector.broadcast %xor3A_57 : i32 to vector<16xi32>
    %xor3A_59 = arith.xori %iota3A, %xor3A_58 : vector<16xi32>
    %xor3A_60 = arith.constant 1 : i32
    %xor3A_61 = vector.broadcast %xor3A_60 : i32 to vector<16xi32>
    %xor3A_62 = arith.xori %iota3A, %xor3A_61 : vector<16xi32>
    %broadcast_in_dim3A = arith.constant 0.000000e+00 : f32
    %broadcast_in_dim3A_63 = vector.broadcast %broadcast_in_dim3A : f32 to vector<16xf32>
    %add3A_64 = arith.constant 0 : i32
    %add3A_65 = arith.addi %mul3A_2, %add3A_64 : i32
    %dma_start3A_66 = arith.constant 0 : i32
    %dma_start3A_67 = tpu.memref_slice %arg2[%add3A_65, %dma_start3A_66] : memref<16384x64xf32, #tpu.memory_space<hbm>> -> memref<256x64xf32, #tpu.memory_space<hbm>>
    %dma_start3A_68 = arith.constant 0 : i32
    %dma_start3A_69 = tpu.memref_slice %arg2[%add3A_65, %dma_start3A_68] : memref<16384x64xf32, #tpu.memory_space<hbm>> -> memref<256x64xf32, #tpu.memory_space<hbm>>
    tpu.enqueue_dma source(%dma_start3A_69 : memref<256x64xf32, #tpu.memory_space<hbm>>) target(%arg8 : memref<256x64xf32, #tpu.memory_space<vmem>>) target_semaphore(%arg11 : memref<!tpu.dma_semaphore, #tpu.memory_space<semaphore_mem>>)
    %scan3A = arith.constant 0 : i32
    %scan3A_70 = arith.constant 0 : i32
    %scan3A_71 = arith.constant 16 : i32
    %scan3A_72 = arith.addi %scan3A_70, %scan3A_71 : i32
    %scan3A_73 = arith.constant 1 : i32
    scf.for %scan3A_124 = %scan3A_70 to %scan3A_72 step %scan3A_73  : i32 {
      %mul3A_125 = arith.constant 16 : i32
      %mul3A_126 = arith.muli %scan3A_124, %mul3A_125 : i32
      %add3A_127 = arith.constant 0 : i32
      %add3A_128 = arith.addi %add3A_127, %mul3A_126 : i32
      %get3A = arith.index_cast %add3A_128 : i32 to index
      %get3A_129 = tpu.vector_load %arg6[%get3A] {strides = array<i32>} : memref<512xi32, #tpu.memory_space<vmem>>, vector<16xi32>,
      %get3A_130 = vector.shape_cast %get3A_129 : vector<16xi32> to vector<16xi32>
      %slice3A = vector.extract_strided_slice %get3A_130 {offsets = [0], sizes = [1], strides = [1]} : vector<16xi32> to vector<1xi32>
      %squeeze3A = vector.extract %slice3A[0] : i32 from vector<1xi32>
      %mul3A_131 = arith.constant 16 : i32
      %mul3A_132 = arith.muli %scan3A_124, %mul3A_131 : i32
      %add3A_133 = arith.constant 0 : i32
      %add3A_134 = arith.addi %mul3A_132, %add3A_133 : i32
      %dma_start3A_135 = arith.constant 0 : i32
      %dma_start3A_136 = tpu.memref_slice %arg7[%add3A_134, %dma_start3A_135] : memref<256x64xf32, #tpu.memory_space<vmem>> -> memref<1x64xf32, #tpu.memory_space<vmem>>
      %dma_start3A_137 = arith.constant 0 : i32
      %dma_start3A_138 = tpu.memref_slice %arg3[%squeeze3A, %dma_start3A_137] : memref<100000x64xf32, #tpu.memory_space<hbm>> -> memref<1x64xf32, #tpu.memory_space<hbm>>
      %dma_start3A_139 = arith.constant 0 : i32
      %dma_start3A_140 = tpu.memref_slice %arg7[%add3A_134, %dma_start3A_139] : memref<256x64xf32, #tpu.memory_space<vmem>> -> memref<1x64xf32, #tpu.memory_space<vmem>>
      %dma_start3A_141 = arith.constant 0 : i32
      %dma_start3A_142 = tpu.memref_slice %arg3[%squeeze3A, %dma_start3A_141] : memref<100000x64xf32, #tpu.memory_space<hbm>> -> memref<1x64xf32, #tpu.memory_space<hbm>>
      tpu.enqueue_dma source(%dma_start3A_142 : memref<1x64xf32, #tpu.memory_space<hbm>>) target(%dma_start3A_140 : memref<1x64xf32, #tpu.memory_space<vmem>>) target_semaphore(%arg12 : memref<!tpu.dma_semaphore, #tpu.memory_space<semaphore_mem>>)
      %slice3A_143 = vector.extract_strided_slice %get3A_130 {offsets = [1], sizes = [1], strides = [1]} : vector<16xi32> to vector<1xi32>
      %squeeze3A_144 = vector.extract %slice3A_143[0] : i32 from vector<1xi32>
      %mul3A_145 = arith.constant 16 : i32
      %mul3A_146 = arith.muli %scan3A_124, %mul3A_145 : i32
      %add3A_147 = arith.constant 1 : i32
      %add3A_148 = arith.addi %mul3A_146, %add3A_147 : i32
      %dma_start3A_149 = arith.constant 0 : i32
      %dma_start3A_150 = tpu.memref_slice %arg7[%add3A_148, %dma_start3A_149] : memref<256x64xf32, #tpu.memory_space<vmem>> -> memref<1x64xf32, #tpu.memory_space<vmem>>
      %dma_start3A_151 = arith.constant 0 : i32
      %dma_start3A_152 = tpu.memref_slice %arg3[%squeeze3A_144, %dma_start3A_151] : memref<100000x64xf32, #tpu.memory_space<hbm>> -> memref<1x64xf32, #tpu.memory_space<hbm>>
      %dma_start3A_153 = arith.constant 0 : i32
      %dma_start3A_154 = tpu.memref_slice %arg7[%add3A_148, %dma_start3A_153] : memref<256x64xf32, #tpu.memory_space<vmem>> -> memref<1x64xf32, #tpu.memory_space<vmem>>
      %dma_start3A_155 = arith.constant 0 : i32
      %dma_start3A_156 = tpu.memref_slice %arg3[%squeeze3A_144, %dma_start3A_155] : memref<100000x64xf32, #tpu.memory_space<hbm>> -> memref<1x64xf32, #tpu.memory_space<hbm>>
      tpu.enqueue_dma source(%dma_start3A_156 : memref<1x64xf32, #tpu.memory_space<hbm>>) target(%dma_start3A_154 : memref<1x64xf32, #tpu.memory_space<vmem>>) target_semaphore(%arg12 : memref<!tpu.dma_semaphore, #tpu.memory_space<semaphore_mem>>)
      %slice3A_157 = vector.extract_strided_slice %get3A_130 {offsets = [2], sizes = [1], strides = [1]} : vector<16xi32> to vector<1xi32>
      %squeeze3A_158 = vector.extract %slice3A_157[0] : i32 from vector<1xi32>
      %mul3A_159 = arith.constant 16 : i32
      %mul3A_160 = arith.muli %scan3A_124, %mul3A_159 : i32
      %add3A_161 = arith.constant 2 : i32
      %add3A_162 = arith.addi %mul3A_160, %add3A_161 : i32
      %dma_start3A_163 = arith.constant 0 : i32
      %dma_start3A_164 = tpu.memref_slice %arg7[%add3A_162, %dma_start3A_163] : memref<256x64xf32, #tpu.memory_space<vmem>> -> memref<1x64xf32, #tpu.memory_space<vmem>>
      %dma_start3A_165 = arith.constant 0 : i32
      %dma_start3A_166 = tpu.memref_slice %arg3[%squeeze3A_158, %dma_start3A_165] : memref<100000x64xf32, #tpu.memory_space<hbm>> -> memref<1x64xf32, #tpu.memory_space<hbm>>
      %dma_start3A_167 = arith.constant 0 : i32
      %dma_start3A_168 = tpu.memref_slice %arg7[%add3A_162, %dma_start3A_167] : memref<256x64xf32, #tpu.memory_space<vmem>> -> memref<1x64xf32, #tpu.memory_space<vmem>>
      %dma_start3A_169 = arith.constant 0 : i32
      %dma_start3A_170 = tpu.memref_slice %arg3[%squeeze3A_158, %dma_start3A_169] : memref<100000x64xf32, #tpu.memory_space<hbm>> -> memref<1x64xf32, #tpu.memory_space<hbm>>
      tpu.enqueue_dma source(%dma_start3A_170 : memref<1x64xf32, #tpu.memory_space<hbm>>) target(%dma_start3A_168 : memref<1x64xf32, #tpu.memory_space<vmem>>) target_semaphore(%arg12 : memref<!tpu.dma_semaphore, #tpu.memory_space<semaphore_mem>>)
      %slice3A_171 = vector.extract_strided_slice %get3A_130 {offsets = [3], sizes = [1], strides = [1]} : vector<16xi32> to vector<1xi32>
      %squeeze3A_172 = vector.extract %slice3A_171[0] : i32 from vector<1xi32>
      %mul3A_173 = arith.constant 16 : i32
      %mul3A_174 = arith.muli %scan3A_124, %mul3A_173 : i32
      %add3A_175 = arith.constant 3 : i32
      %add3A_176 = arith.addi %mul3A_174, %add3A_175 : i32
      %dma_start3A_177 = arith.constant 0 : i32
      %dma_start3A_178 = tpu.memref_slice %arg7[%add3A_176, %dma_start3A_177] : memref<256x64xf32, #tpu.memory_space<vmem>> -> memref<1x64xf32, #tpu.memory_space<vmem>>
      %dma_start3A_179 = arith.constant 0 : i32
      %dma_start3A_180 = tpu.memref_slice %arg3[%squeeze3A_172, %dma_start3A_179] : memref<100000x64xf32, #tpu.memory_space<hbm>> -> memref<1x64xf32, #tpu.memory_space<hbm>>
      %dma_start3A_181 = arith.constant 0 : i32
      %dma_start3A_182 = tpu.memref_slice %arg7[%add3A_176, %dma_start3A_181] : memref<256x64xf32, #tpu.memory_space<vmem>> -> memref<1x64xf32, #tpu.memory_space<vmem>>
      %dma_start3A_183 = arith.constant 0 : i32
      %dma_start3A_184 = tpu.memref_slice %arg3[%squeeze3A_172, %dma_start3A_183] : memref<100000x64xf32, #tpu.memory_space<hbm>> -> memref<1x64xf32, #tpu.memory_space<hbm>>
      tpu.enqueue_dma source(%dma_start3A_184 : memref<1x64xf32, #tpu.memory_space<hbm>>) target(%dma_start3A_182 : memref<1x64xf32, #tpu.memory_space<vmem>>) target_semaphore(%arg12 : memref<!tpu.dma_semaphore, #tpu.memory_space<semaphore_mem>>)
      %slice3A_185 = vector.extract_strided_slice %get3A_130 {offsets = [4], sizes = [1], strides = [1]} : vector<16xi32> to vector<1xi32>
      %squeeze3A_186 = vector.extract %slice3A_185[0] : i32 from vector<1xi32>
      %mul3A_187 = arith.constant 16 : i32
      %mul3A_188 = arith.muli %scan3A_124, %mul3A_187 : i32
      %add3A_189 = arith.constant 4 : i32
      %add3A_190 = arith.addi %mul3A_188, %add3A_189 : i32
      %dma_start3A_191 = arith.constant 0 : i32
      %dma_start3A_192 = tpu.memref_slice %arg7[%add3A_190, %dma_start3A_191] : memref<256x64xf32, #tpu.memory_space<vmem>> -> memref<1x64xf32, #tpu.memory_space<vmem>>
      %dma_start3A_193 = arith.constant 0 : i32
      %dma_start3A_194 = tpu.memref_slice %arg3[%squeeze3A_186, %dma_start3A_193] : memref<100000x64xf32, #tpu.memory_space<hbm>> -> memref<1x64xf32, #tpu.memory_space<hbm>>
      %dma_start3A_195 = arith.constant 0 : i32
      %dma_start3A_196 = tpu.memref_slice %arg7[%add3A_190, %dma_start3A_195] : memref<256x64xf32, #tpu.memory_space<vmem>> -> memref<1x64xf32, #tpu.memory_space<vmem>>
      %dma_start3A_197 = arith.constant 0 : i32
      %dma_start3A_198 = tpu.memref_slice %arg3[%squeeze3A_186, %dma_start3A_197] : memref<100000x64xf32, #tpu.memory_space<hbm>> -> memref<1x64xf32, #tpu.memory_space<hbm>>
      tpu.enqueue_dma source(%dma_start3A_198 : memref<1x64xf32, #tpu.memory_space<hbm>>) target(%dma_start3A_196 : memref<1x64xf32, #tpu.memory_space<vmem>>) target_semaphore(%arg12 : memref<!tpu.dma_semaphore, #tpu.memory_space<semaphore_mem>>)
      %slice3A_199 = vector.extract_strided_slice %get3A_130 {offsets = [5], sizes = [1], strides = [1]} : vector<16xi32> to vector<1xi32>
      %squeeze3A_200 = vector.extract %slice3A_199[0] : i32 from vector<1xi32>
      %mul3A_201 = arith.constant 16 : i32
      %mul3A_202 = arith.muli %scan3A_124, %mul3A_201 : i32
      %add3A_203 = arith.constant 5 : i32
      %add3A_204 = arith.addi %mul3A_202, %add3A_203 : i32
      %dma_start3A_205 = arith.constant 0 : i32
      %dma_start3A_206 = tpu.memref_slice %arg7[%add3A_204, %dma_start3A_205] : memref<256x64xf32, #tpu.memory_space<vmem>> -> memref<1x64xf32, #tpu.memory_space<vmem>>
      %dma_start3A_207 = arith.constant 0 : i32
      %dma_start3A_208 = tpu.memref_slice %arg3[%squeeze3A_200, %dma_start3A_207] : memref<100000x64xf32, #tpu.memory_space<hbm>> -> memref<1x64xf32, #tpu.memory_space<hbm>>
      %dma_start3A_209 = arith.constant 0 : i32
      %dma_start3A_210 = tpu.memref_slice %arg7[%add3A_204, %dma_start3A_209] : memref<256x64xf32, #tpu.memory_space<vmem>> -> memref<1x64xf32, #tpu.memory_space<vmem>>
      %dma_start3A_211 = arith.constant 0 : i32
      %dma_start3A_212 = tpu.memref_slice %arg3[%squeeze3A_200, %dma_start3A_211] : memref<100000x64xf32, #tpu.memory_space<hbm>> -> memref<1x64xf32, #tpu.memory_space<hbm>>
      tpu.enqueue_dma source(%dma_start3A_212 : memref<1x64xf32, #tpu.memory_space<hbm>>) target(%dma_start3A_210 : memref<1x64xf32, #tpu.memory_space<vmem>>) target_semaphore(%arg12 : memref<!tpu.dma_semaphore, #tpu.memory_space<semaphore_mem>>)
      %slice3A_213 = vector.extract_strided_slice %get3A_130 {offsets = [6], sizes = [1], strides = [1]} : vector<16xi32> to vector<1xi32>
      %squeeze3A_214 = vector.extract %slice3A_213[0] : i32 from vector<1xi32>
      %mul3A_215 = arith.constant 16 : i32
      %mul3A_216 = arith.muli %scan3A_124, %mul3A_215 : i32
      %add3A_217 = arith.constant 6 : i32
      %add3A_218 = arith.addi %mul3A_216, %add3A_217 : i32
      %dma_start3A_219 = arith.constant 0 : i32
      %dma_start3A_220 = tpu.memref_slice %arg7[%add3A_218, %dma_start3A_219] : memref<256x64xf32, #tpu.memory_space<vmem>> -> memref<1x64xf32, #tpu.memory_space<vmem>>
      %dma_start3A_221 = arith.constant 0 : i32
      %dma_start3A_222 = tpu.memref_slice %arg3[%squeeze3A_214, %dma_start3A_221] : memref<100000x64xf32, #tpu.memory_space<hbm>> -> memref<1x64xf32, #tpu.memory_space<hbm>>
      %dma_start3A_223 = arith.constant 0 : i32
      %dma_start3A_224 = tpu.memref_slice %arg7[%add3A_218, %dma_start3A_223] : memref<256x64xf32, #tpu.memory_space<vmem>> -> memref<1x64xf32, #tpu.memory_space<vmem>>
      %dma_start3A_225 = arith.constant 0 : i32
      %dma_start3A_226 = tpu.memref_slice %arg3[%squeeze3A_214, %dma_start3A_225] : memref<100000x64xf32, #tpu.memory_space<hbm>> -> memref<1x64xf32, #tpu.memory_space<hbm>>
      tpu.enqueue_dma source(%dma_start3A_226 : memref<1x64xf32, #tpu.memory_space<hbm>>) target(%dma_start3A_224 : memref<1x64xf32, #tpu.memory_space<vmem>>) target_semaphore(%arg12 : memref<!tpu.dma_semaphore, #tpu.memory_space<semaphore_mem>>)
      %slice3A_227 = vector.extract_strided_slice %get3A_130 {offsets = [7], sizes = [1], strides = [1]} : vector<16xi32> to vector<1xi32>
      %squeeze3A_228 = vector.extract %slice3A_227[0] : i32 from vector<1xi32>
      %mul3A_229 = arith.constant 16 : i32
      %mul3A_230 = arith.muli %scan3A_124, %mul3A_229 : i32
      %add3A_231 = arith.constant 7 : i32
      %add3A_232 = arith.addi %mul3A_230, %add3A_231 : i32
      %dma_start3A_233 = arith.constant 0 : i32
      %dma_start3A_234 = tpu.memref_slice %arg7[%add3A_232, %dma_start3A_233] : memref<256x64xf32, #tpu.memory_space<vmem>> -> memref<1x64xf32, #tpu.memory_space<vmem>>
      %dma_start3A_235 = arith.constant 0 : i32
      %dma_start3A_236 = tpu.memref_slice %arg3[%squeeze3A_228, %dma_start3A_235] : memref<100000x64xf32, #tpu.memory_space<hbm>> -> memref<1x64xf32, #tpu.memory_space<hbm>>
      %dma_start3A_237 = arith.constant 0 : i32
      %dma_start3A_238 = tpu.memref_slice %arg7[%add3A_232, %dma_start3A_237] : memref<256x64xf32, #tpu.memory_space<vmem>> -> memref<1x64xf32, #tpu.memory_space<vmem>>
      %dma_start3A_239 = arith.constant 0 : i32
      %dma_start3A_240 = tpu.memref_slice %arg3[%squeeze3A_228, %dma_start3A_239] : memref<100000x64xf32, #tpu.memory_space<hbm>> -> memref<1x64xf32, #tpu.memory_space<hbm>>
      tpu.enqueue_dma source(%dma_start3A_240 : memref<1x64xf32, #tpu.memory_space<hbm>>) target(%dma_start3A_238 : memref<1x64xf32, #tpu.memory_space<vmem>>) target_semaphore(%arg12 : memref<!tpu.dma_semaphore, #tpu.memory_space<semaphore_mem>>)
      %slice3A_241 = vector.extract_strided_slice %get3A_130 {offsets = [8], sizes = [1], strides = [1]} : vector<16xi32> to vector<1xi32>
      %squeeze3A_242 = vector.extract %slice3A_241[0] : i32 from vector<1xi32>
      %mul3A_243 = arith.constant 16 : i32
      %mul3A_244 = arith.muli %scan3A_124, %mul3A_243 : i32
      %add3A_245 = arith.constant 8 : i32
      %add3A_246 = arith.addi %mul3A_244, %add3A_245 : i32
      %dma_start3A_247 = arith.constant 0 : i32
      %dma_start3A_248 = tpu.memref_slice %arg7[%add3A_246, %dma_start3A_247] : memref<256x64xf32, #tpu.memory_space<vmem>> -> memref<1x64xf32, #tpu.memory_space<vmem>>
      %dma_start3A_249 = arith.constant 0 : i32
      %dma_start3A_250 = tpu.memref_slice %arg3[%squeeze3A_242, %dma_start3A_249] : memref<100000x64xf32, #tpu.memory_space<hbm>> -> memref<1x64xf32, #tpu.memory_space<hbm>>
      %dma_start3A_251 = arith.constant 0 : i32
      %dma_start3A_252 = tpu.memref_slice %arg7[%add3A_246, %dma_start3A_251] : memref<256x64xf32, #tpu.memory_space<vmem>> -> memref<1x64xf32, #tpu.memory_space<vmem>>
      %dma_start3A_253 = arith.constant 0 : i32
      %dma_start3A_254 = tpu.memref_slice %arg3[%squeeze3A_242, %dma_start3A_253] : memref<100000x64xf32, #tpu.memory_space<hbm>> -> memref<1x64xf32, #tpu.memory_space<hbm>>
      tpu.enqueue_dma source(%dma_start3A_254 : memref<1x64xf32, #tpu.memory_space<hbm>>) target(%dma_start3A_252 : memref<1x64xf32, #tpu.memory_space<vmem>>) target_semaphore(%arg12 : memref<!tpu.dma_semaphore, #tpu.memory_space<semaphore_mem>>)
      %slice3A_255 = vector.extract_strided_slice %get3A_130 {offsets = [9], sizes = [1], strides = [1]} : vector<16xi32> to vector<1xi32>
      %squeeze3A_256 = vector.extract %slice3A_255[0] : i32 from vector<1xi32>
      %mul3A_257 = arith.constant 16 : i32
      %mul3A_258 = arith.muli %scan3A_124, %mul3A_257 : i32
      %add3A_259 = arith.constant 9 : i32
      %add3A_260 = arith.addi %mul3A_258, %add3A_259 : i32
      %dma_start3A_261 = arith.constant 0 : i32
      %dma_start3A_262 = tpu.memref_slice %arg7[%add3A_260, %dma_start3A_261] : memref<256x64xf32, #tpu.memory_space<vmem>> -> memref<1x64xf32, #tpu.memory_space<vmem>>
      %dma_start3A_263 = arith.constant 0 : i32
      %dma_start3A_264 = tpu.memref_slice %arg3[%squeeze3A_256, %dma_start3A_263] : memref<100000x64xf32, #tpu.memory_space<hbm>> -> memref<1x64xf32, #tpu.memory_space<hbm>>
      %dma_start3A_265 = arith.constant 0 : i32
      %dma_start3A_266 = tpu.memref_slice %arg7[%add3A_260, %dma_start3A_265] : memref<256x64xf32, #tpu.memory_space<vmem>> -> memref<1x64xf32, #tpu.memory_space<vmem>>
      %dma_start3A_267 = arith.constant 0 : i32
      %dma_start3A_268 = tpu.memref_slice %arg3[%squeeze3A_256, %dma_start3A_267] : memref<100000x64xf32, #tpu.memory_space<hbm>> -> memref<1x64xf32, #tpu.memory_space<hbm>>
      tpu.enqueue_dma source(%dma_start3A_268 : memref<1x64xf32, #tpu.memory_space<hbm>>) target(%dma_start3A_266 : memref<1x64xf32, #tpu.memory_space<vmem>>) target_semaphore(%arg12 : memref<!tpu.dma_semaphore, #tpu.memory_space<semaphore_mem>>)
      %slice3A_269 = vector.extract_strided_slice %get3A_130 {offsets = [10], sizes = [1], strides = [1]} : vector<16xi32> to vector<1xi32>
      %squeeze3A_270 = vector.extract %slice3A_269[0] : i32 from vector<1xi32>
      %mul3A_271 = arith.constant 16 : i32
      %mul3A_272 = arith.muli %scan3A_124, %mul3A_271 : i32
      %add3A_273 = arith.constant 10 : i32
      %add3A_274 = arith.addi %mul3A_272, %add3A_273 : i32
      %dma_start3A_275 = arith.constant 0 : i32
      %dma_start3A_276 = tpu.memref_slice %arg7[%add3A_274, %dma_start3A_275] : memref<256x64xf32, #tpu.memory_space<vmem>> -> memref<1x64xf32, #tpu.memory_space<vmem>>
      %dma_start3A_277 = arith.constant 0 : i32
      %dma_start3A_278 = tpu.memref_slice %arg3[%squeeze3A_270, %dma_start3A_277] : memref<100000x64xf32, #tpu.memory_space<hbm>> -> memref<1x64xf32, #tpu.memory_space<hbm>>
      %dma_start3A_279 = arith.constant 0 : i32
      %dma_start3A_280 = tpu.memref_slice %arg7[%add3A_274, %dma_start3A_279] : memref<256x64xf32, #tpu.memory_space<vmem>> -> memref<1x64xf32, #tpu.memory_space<vmem>>
      %dma_start3A_281 = arith.constant 0 : i32
      %dma_start3A_282 = tpu.memref_slice %arg3[%squeeze3A_270, %dma_start3A_281] : memref<100000x64xf32, #tpu.memory_space<hbm>> -> memref<1x64xf32, #tpu.memory_space<hbm>>
      tpu.enqueue_dma source(%dma_start3A_282 : memref<1x64xf32, #tpu.memory_space<hbm>>) target(%dma_start3A_280 : memref<1x64xf32, #tpu.memory_space<vmem>>) target_semaphore(%arg12 : memref<!tpu.dma_semaphore, #tpu.memory_space<semaphore_mem>>)
      %slice3A_283 = vector.extract_strided_slice %get3A_130 {offsets = [11], sizes = [1], strides = [1]} : vector<16xi32> to vector<1xi32>
      %squeeze3A_284 = vector.extract %slice3A_283[0] : i32 from vector<1xi32>
      %mul3A_285 = arith.constant 16 : i32
      %mul3A_286 = arith.muli %scan3A_124, %mul3A_285 : i32
      %add3A_287 = arith.constant 11 : i32
      %add3A_288 = arith.addi %mul3A_286, %add3A_287 : i32
      %dma_start3A_289 = arith.constant 0 : i32
      %dma_start3A_290 = tpu.memref_slice %arg7[%add3A_288, %dma_start3A_289] : memref<256x64xf32, #tpu.memory_space<vmem>> -> memref<1x64xf32, #tpu.memory_space<vmem>>
      %dma_start3A_291 = arith.constant 0 : i32
      %dma_start3A_292 = tpu.memref_slice %arg3[%squeeze3A_284, %dma_start3A_291] : memref<100000x64xf32, #tpu.memory_space<hbm>> -> memref<1x64xf32, #tpu.memory_space<hbm>>
      %dma_start3A_293 = arith.constant 0 : i32
      %dma_start3A_294 = tpu.memref_slice %arg7[%add3A_288, %dma_start3A_293] : memref<256x64xf32, #tpu.memory_space<vmem>> -> memref<1x64xf32, #tpu.memory_space<vmem>>
      %dma_start3A_295 = arith.constant 0 : i32
      %dma_start3A_296 = tpu.memref_slice %arg3[%squeeze3A_284, %dma_start3A_295] : memref<100000x64xf32, #tpu.memory_space<hbm>> -> memref<1x64xf32, #tpu.memory_space<hbm>>
      tpu.enqueue_dma source(%dma_start3A_296 : memref<1x64xf32, #tpu.memory_space<hbm>>) target(%dma_start3A_294 : memref<1x64xf32, #tpu.memory_space<vmem>>) target_semaphore(%arg12 : memref<!tpu.dma_semaphore, #tpu.memory_space<semaphore_mem>>)
      %slice3A_297 = vector.extract_strided_slice %get3A_130 {offsets = [12], sizes = [1], strides = [1]} : vector<16xi32> to vector<1xi32>
      %squeeze3A_298 = vector.extract %slice3A_297[0] : i32 from vector<1xi32>
      %mul3A_299 = arith.constant 16 : i32
      %mul3A_300 = arith.muli %scan3A_124, %mul3A_299 : i32
      %add3A_301 = arith.constant 12 : i32
      %add3A_302 = arith.addi %mul3A_300, %add3A_301 : i32
      %dma_start3A_303 = arith.constant 0 : i32
      %dma_start3A_304 = tpu.memref_slice %arg7[%add3A_302, %dma_start3A_303] : memref<256x64xf32, #tpu.memory_space<vmem>> -> memref<1x64xf32, #tpu.memory_space<vmem>>
      %dma_start3A_305 = arith.constant 0 : i32
      %dma_start3A_306 = tpu.memref_slice %arg3[%squeeze3A_298, %dma_start3A_305] : memref<100000x64xf32, #tpu.memory_space<hbm>> -> memref<1x64xf32, #tpu.memory_space<hbm>>
      %dma_start3A_307 = arith.constant 0 : i32
      %dma_start3A_308 = tpu.memref_slice %arg7[%add3A_302, %dma_start3A_307] : memref<256x64xf32, #tpu.memory_space<vmem>> -> memref<1x64xf32, #tpu.memory_space<vmem>>
      %dma_start3A_309 = arith.constant 0 : i32
      %dma_start3A_310 = tpu.memref_slice %arg3[%squeeze3A_298, %dma_start3A_309] : memref<100000x64xf32, #tpu.memory_space<hbm>> -> memref<1x64xf32, #tpu.memory_space<hbm>>
      tpu.enqueue_dma source(%dma_start3A_310 : memref<1x64xf32, #tpu.memory_space<hbm>>) target(%dma_start3A_308 : memref<1x64xf32, #tpu.memory_space<vmem>>) target_semaphore(%arg12 : memref<!tpu.dma_semaphore, #tpu.memory_space<semaphore_mem>>)
      %slice3A_311 = vector.extract_strided_slice %get3A_130 {offsets = [13], sizes = [1], strides = [1]} : vector<16xi32> to vector<1xi32>
      %squeeze3A_312 = vector.extract %slice3A_311[0] : i32 from vector<1xi32>
      %mul3A_313 = arith.constant 16 : i32
      %mul3A_314 = arith.muli %scan3A_124, %mul3A_313 : i32
      %add3A_315 = arith.constant 13 : i32
      %add3A_316 = arith.addi %mul3A_314, %add3A_315 : i32
      %dma_start3A_317 = arith.constant 0 : i32
      %dma_start3A_318 = tpu.memref_slice %arg7[%add3A_316, %dma_start3A_317] : memref<256x64xf32, #tpu.memory_space<vmem>> -> memref<1x64xf32, #tpu.memory_space<vmem>>
      %dma_start3A_319 = arith.constant 0 : i32
      %dma_start3A_320 = tpu.memref_slice %arg3[%squeeze3A_312, %dma_start3A_319] : memref<100000x64xf32, #tpu.memory_space<hbm>> -> memref<1x64xf32, #tpu.memory_space<hbm>>
      %dma_start3A_321 = arith.constant 0 : i32
      %dma_start3A_322 = tpu.memref_slice %arg7[%add3A_316, %dma_start3A_321] : memref<256x64xf32, #tpu.memory_space<vmem>> -> memref<1x64xf32, #tpu.memory_space<vmem>>
      %dma_start3A_323 = arith.constant 0 : i32
      %dma_start3A_324 = tpu.memref_slice %arg3[%squeeze3A_312, %dma_start3A_323] : memref<100000x64xf32, #tpu.memory_space<hbm>> -> memref<1x64xf32, #tpu.memory_space<hbm>>
      tpu.enqueue_dma source(%dma_start3A_324 : memref<1x64xf32, #tpu.memory_space<hbm>>) target(%dma_start3A_322 : memref<1x64xf32, #tpu.memory_space<vmem>>) target_semaphore(%arg12 : memref<!tpu.dma_semaphore, #tpu.memory_space<semaphore_mem>>)
      %slice3A_325 = vector.extract_strided_slice %get3A_130 {offsets = [14], sizes = [1], strides = [1]} : vector<16xi32> to vector<1xi32>
      %squeeze3A_326 = vector.extract %slice3A_325[0] : i32 from vector<1xi32>
      %mul3A_327 = arith.constant 16 : i32
      %mul3A_328 = arith.muli %scan3A_124, %mul3A_327 : i32
      %add3A_329 = arith.constant 14 : i32
      %add3A_330 = arith.addi %mul3A_328, %add3A_329 : i32
      %dma_start3A_331 = arith.constant 0 : i32
      %dma_start3A_332 = tpu.memref_slice %arg7[%add3A_330, %dma_start3A_331] : memref<256x64xf32, #tpu.memory_space<vmem>> -> memref<1x64xf32, #tpu.memory_space<vmem>>
      %dma_start3A_333 = arith.constant 0 : i32
      %dma_start3A_334 = tpu.memref_slice %arg3[%squeeze3A_326, %dma_start3A_333] : memref<100000x64xf32, #tpu.memory_space<hbm>> -> memref<1x64xf32, #tpu.memory_space<hbm>>
      %dma_start3A_335 = arith.constant 0 : i32
      %dma_start3A_336 = tpu.memref_slice %arg7[%add3A_330, %dma_start3A_335] : memref<256x64xf32, #tpu.memory_space<vmem>> -> memref<1x64xf32, #tpu.memory_space<vmem>>
      %dma_start3A_337 = arith.constant 0 : i32
      %dma_start3A_338 = tpu.memref_slice %arg3[%squeeze3A_326, %dma_start3A_337] : memref<100000x64xf32, #tpu.memory_space<hbm>> -> memref<1x64xf32, #tpu.memory_space<hbm>>
      tpu.enqueue_dma source(%dma_start3A_338 : memref<1x64xf32, #tpu.memory_space<hbm>>) target(%dma_start3A_336 : memref<1x64xf32, #tpu.memory_space<vmem>>) target_semaphore(%arg12 : memref<!tpu.dma_semaphore, #tpu.memory_space<semaphore_mem>>)
      %slice3A_339 = vector.extract_strided_slice %get3A_130 {offsets = [15], sizes = [1], strides = [1]} : vector<16xi32> to vector<1xi32>
      %squeeze3A_340 = vector.extract %slice3A_339[0] : i32 from vector<1xi32>
      %mul3A_341 = arith.constant 16 : i32
      %mul3A_342 = arith.muli %scan3A_124, %mul3A_341 : i32
      %add3A_343 = arith.constant 15 : i32
      %add3A_344 = arith.addi %mul3A_342, %add3A_343 : i32
      %dma_start3A_345 = arith.constant 0 : i32
      %dma_start3A_346 = tpu.memref_slice %arg7[%add3A_344, %dma_start3A_345] : memref<256x64xf32, #tpu.memory_space<vmem>> -> memref<1x64xf32, #tpu.memory_space<vmem>>
      %dma_start3A_347 = arith.constant 0 : i32
      %dma_start3A_348 = tpu.memref_slice %arg3[%squeeze3A_340, %dma_start3A_347] : memref<100000x64xf32, #tpu.memory_space<hbm>> -> memref<1x64xf32, #tpu.memory_space<hbm>>
      %dma_start3A_349 = arith.constant 0 : i32
      %dma_start3A_350 = tpu.memref_slice %arg7[%add3A_344, %dma_start3A_349] : memref<256x64xf32, #tpu.memory_space<vmem>> -> memref<1x64xf32, #tpu.memory_space<vmem>>
      %dma_start3A_351 = arith.constant 0 : i32
      %dma_start3A_352 = tpu.memref_slice %arg3[%squeeze3A_340, %dma_start3A_351] : memref<100000x64xf32, #tpu.memory_space<hbm>> -> memref<1x64xf32, #tpu.memory_space<hbm>>
      tpu.enqueue_dma source(%dma_start3A_352 : memref<1x64xf32, #tpu.memory_space<hbm>>) target(%dma_start3A_350 : memref<1x64xf32, #tpu.memory_space<vmem>>) target_semaphore(%arg12 : memref<!tpu.dma_semaphore, #tpu.memory_space<semaphore_mem>>)
    }
    %scan3A_74 = arith.constant 16 : i32
    %dma_wait3A_75 = arith.constant 0 : i32
    %dma_wait3A_76 = arith.constant 0 : i32
    %dma_wait3A_77 = tpu.memref_slice %arg3[%dma_wait3A_75, %dma_wait3A_76] : memref<100000x64xf32, #tpu.memory_space<hbm>> -> memref<256x64xf32, #tpu.memory_space<hbm>>
    %dma_wait3A_78 = arith.constant 0 : i32
    %dma_wait3A_79 = arith.constant 0 : i32
    %dma_wait3A_80 = tpu.memref_slice %arg3[%dma_wait3A_78, %dma_wait3A_79] : memref<100000x64xf32, #tpu.memory_space<hbm>> -> memref<256x64xf32, #tpu.memory_space<hbm>>
    tpu.wait_dma2 semaphore(%arg12 : memref<!tpu.dma_semaphore, #tpu.memory_space<semaphore_mem>>) src(%dma_wait3A_80 : memref<256x64xf32, #tpu.memory_space<hbm>>) dst(%arg7 : memref<256x64xf32, #tpu.memory_space<vmem>>)
    %dma_wait3A_81 = arith.constant 0 : i32
    %dma_wait3A_82 = tpu.memref_slice %arg2[%add3A_65, %dma_wait3A_81] : memref<16384x64xf32, #tpu.memory_space<hbm>> -> memref<256x64xf32, #tpu.memory_space<hbm>>
    %dma_wait3A_83 = arith.constant 0 : i32
    %dma_wait3A_84 = tpu.memref_slice %arg2[%add3A_65, %dma_wait3A_83] : memref<16384x64xf32, #tpu.memory_space<hbm>> -> memref<256x64xf32, #tpu.memory_space<hbm>>
    tpu.wait_dma2 semaphore(%arg11 : memref<!tpu.dma_semaphore, #tpu.memory_space<semaphore_mem>>) src(%dma_wait3A_84 : memref<256x64xf32, #tpu.memory_space<hbm>>) dst(%arg8 : memref<256x64xf32, #tpu.memory_space<vmem>>)
    %scan3A_85 = arith.constant 0 : i32
    %scan3A_86 = arith.constant 16 : i32
    %scan3A_87 = arith.addi %scan3A_85, %scan3A_86 : i32
    %scan3A_88 = arith.constant 1 : i32
    %scan3A_89 = scf.for %scan3A_124 = %scan3A_85 to %scan3A_87 step %scan3A_88 iter_args(%scan3A_125 = %broadcast_in_dim3A_63) -> (vector<16xf32>)  : i32 {
      %mul3A_126 = arith.constant 16 : i32
      %mul3A_127 = arith.muli %scan3A_124, %mul3A_126 : i32
      %broadcast_in_dim3A_128 = arith.constant 0.000000e+00 : f32
      %broadcast_in_dim3A_129 = vector.broadcast %broadcast_in_dim3A_128 : f32 to vector<16xf32>
      %add3A_130 = arith.constant 0 : i32
      %add3A_131 = arith.addi %mul3A_127, %add3A_130 : i32
      %get3A = arith.index_cast %add3A_131 : i32 to index
      %get3A_132 = arith.constant 0 : index
      %get3A_133 = tpu.vector_load %arg8[%get3A, %get3A_132] {strides = array<i32>} : memref<256x64xf32, #tpu.memory_space<vmem>>, vector<1x16xf32>,
      %get3A_134 = vector.shape_cast %get3A_133 : vector<1x16xf32> to vector<16xf32>
      %get3A_135 = arith.index_cast %add3A_131 : i32 to index
      %get3A_136 = arith.constant 0 : index
      %get3A_137 = tpu.vector_load %arg7[%get3A_135, %get3A_136] {strides = array<i32>} : memref<256x64xf32, #tpu.memory_space<vmem>>, vector<1x16xf32>,
      %get3A_138 = vector.shape_cast %get3A_137 : vector<1x16xf32> to vector<16xf32>
      %sub3A = arith.subf %get3A_134, %get3A_138 : vector<16xf32>
      %mul3A_139 = arith.mulf %sub3A, %sub3A : vector<16xf32>
      %get3A_140 = arith.index_cast %add3A_131 : i32 to index
      %get3A_141 = arith.constant 16 : index
      %get3A_142 = tpu.vector_load %arg8[%get3A_140, %get3A_141] {strides = array<i32>} : memref<256x64xf32, #tpu.memory_space<vmem>>, vector<1x16xf32>,
      %get3A_143 = vector.shape_cast %get3A_142 : vector<1x16xf32> to vector<16xf32>
      %get3A_144 = arith.index_cast %add3A_131 : i32 to index
      %get3A_145 = arith.constant 16 : index
      %get3A_146 = tpu.vector_load %arg7[%get3A_144, %get3A_145] {strides = array<i32>} : memref<256x64xf32, #tpu.memory_space<vmem>>, vector<1x16xf32>,
      %get3A_147 = vector.shape_cast %get3A_146 : vector<1x16xf32> to vector<16xf32>
      %sub3A_148 = arith.subf %get3A_143, %get3A_147 : vector<16xf32>
      %mul3A_149 = arith.mulf %sub3A_148, %sub3A_148 : vector<16xf32>
      %get3A_150 = arith.index_cast %add3A_131 : i32 to index
      %get3A_151 = arith.constant 32 : index
      %get3A_152 = tpu.vector_load %arg8[%get3A_150, %get3A_151] {strides = array<i32>} : memref<256x64xf32, #tpu.memory_space<vmem>>, vector<1x16xf32>,
      %get3A_153 = vector.shape_cast %get3A_152 : vector<1x16xf32> to vector<16xf32>
      %get3A_154 = arith.index_cast %add3A_131 : i32 to index
      %get3A_155 = arith.constant 32 : index
      %get3A_156 = tpu.vector_load %arg7[%get3A_154, %get3A_155] {strides = array<i32>} : memref<256x64xf32, #tpu.memory_space<vmem>>, vector<1x16xf32>,
      %get3A_157 = vector.shape_cast %get3A_156 : vector<1x16xf32> to vector<16xf32>
      %sub3A_158 = arith.subf %get3A_153, %get3A_157 : vector<16xf32>
      %mul3A_159 = arith.mulf %sub3A_158, %sub3A_158 : vector<16xf32>
      %get3A_160 = arith.index_cast %add3A_131 : i32 to index
      %get3A_161 = arith.constant 48 : index
      %get3A_162 = tpu.vector_load %arg8[%get3A_160, %get3A_161] {strides = array<i32>} : memref<256x64xf32, #tpu.memory_space<vmem>>, vector<1x16xf32>,
      %get3A_163 = vector.shape_cast %get3A_162 : vector<1x16xf32> to vector<16xf32>
      %get3A_164 = arith.index_cast %add3A_131 : i32 to index
      %get3A_165 = arith.constant 48 : index
      %get3A_166 = tpu.vector_load %arg7[%get3A_164, %get3A_165] {strides = array<i32>} : memref<256x64xf32, #tpu.memory_space<vmem>>, vector<1x16xf32>,
      %get3A_167 = vector.shape_cast %get3A_166 : vector<1x16xf32> to vector<16xf32>
      %sub3A_168 = arith.subf %get3A_163, %get3A_167 : vector<16xf32>
      %mul3A_169 = arith.mulf %sub3A_168, %sub3A_168 : vector<16xf32>
      %add3A_170 = arith.addf %mul3A_139, %mul3A_149 : vector<16xf32>
      %add3A_171 = arith.addf %mul3A_159, %mul3A_169 : vector<16xf32>
      %add3A_172 = arith.addf %add3A_170, %add3A_171 : vector<16xf32>
      %broadcast_in_dim3A_173 = vector.shape_cast %xor3A_53 : vector<16xi32> to vector<16x1xi32>
      %gather3A = vector.shape_cast %broadcast_in_dim3A_173 : vector<16x1xi32> to vector<16xi32>
      %gather3A_174 = tpu.dynamic_gather %add3A_172[%gather3A] in [0] : vector<16xf32>, vector<16xi32> -> vector<16xf32>
      %add3A_175 = arith.addf %add3A_172, %gather3A_174 : vector<16xf32>
      %broadcast_in_dim3A_176 = vector.shape_cast %xor3A_56 : vector<16xi32> to vector<16x1xi32>
      %gather3A_177 = vector.shape_cast %broadcast_in_dim3A_176 : vector<16x1xi32> to vector<16xi32>
      %gather3A_178 = tpu.dynamic_gather %add3A_175[%gather3A_177] in [0] : vector<16xf32>, vector<16xi32> -> vector<16xf32>
      %add3A_179 = arith.addf %add3A_175, %gather3A_178 : vector<16xf32>
      %broadcast_in_dim3A_180 = vector.shape_cast %xor3A_59 : vector<16xi32> to vector<16x1xi32>
      %gather3A_181 = vector.shape_cast %broadcast_in_dim3A_180 : vector<16x1xi32> to vector<16xi32>
      %gather3A_182 = tpu.dynamic_gather %add3A_179[%gather3A_181] in [0] : vector<16xf32>, vector<16xi32> -> vector<16xf32>
      %add3A_183 = arith.addf %add3A_179, %gather3A_182 : vector<16xf32>
      %broadcast_in_dim3A_184 = vector.shape_cast %xor3A_62 : vector<16xi32> to vector<16x1xi32>
      %gather3A_185 = vector.shape_cast %broadcast_in_dim3A_184 : vector<16x1xi32> to vector<16xi32>
      %gather3A_186 = tpu.dynamic_gather %add3A_183[%gather3A_185] in [0] : vector<16xf32>, vector<16xi32> -> vector<16xf32>
      %add3A_187 = arith.addf %add3A_183, %gather3A_186 : vector<16xf32>
      %select_n3A = arith.select %eq3A_6, %add3A_187, %broadcast_in_dim3A_129 : vector<16xi1>, vector<16xf32>
      %add3A_188 = arith.constant 1 : i32
      %add3A_189 = arith.addi %mul3A_127, %add3A_188 : i32
      %get3A_190 = arith.index_cast %add3A_189 : i32 to index
      %get3A_191 = arith.constant 0 : index
      %get3A_192 = tpu.vector_load %arg8[%get3A_190, %get3A_191] {strides = array<i32>} : memref<256x64xf32, #tpu.memory_space<vmem>>, vector<1x16xf32>,
      %get3A_193 = vector.shape_cast %get3A_192 : vector<1x16xf32> to vector<16xf32>
      %get3A_194 = arith.index_cast %add3A_189 : i32 to index
      %get3A_195 = arith.constant 0 : index
      %get3A_196 = tpu.vector_load %arg7[%get3A_194, %get3A_195] {strides = array<i32>} : memref<256x64xf32, #tpu.memory_space<vmem>>, vector<1x16xf32>,
      %get3A_197 = vector.shape_cast %get3A_196 : vector<1x16xf32> to vector<16xf32>
      %sub3A_198 = arith.subf %get3A_193, %get3A_197 : vector<16xf32>
      %mul3A_199 = arith.mulf %sub3A_198, %sub3A_198 : vector<16xf32>
      %get3A_200 = arith.index_cast %add3A_189 : i32 to index
      %get3A_201 = arith.constant 16 : index
      %get3A_202 = tpu.vector_load %arg8[%get3A_200, %get3A_201] {strides = array<i32>} : memref<256x64xf32, #tpu.memory_space<vmem>>, vector<1x16xf32>,
      %get3A_203 = vector.shape_cast %get3A_202 : vector<1x16xf32> to vector<16xf32>
      %get3A_204 = arith.index_cast %add3A_189 : i32 to index
      %get3A_205 = arith.constant 16 : index
      %get3A_206 = tpu.vector_load %arg7[%get3A_204, %get3A_205] {strides = array<i32>} : memref<256x64xf32, #tpu.memory_space<vmem>>, vector<1x16xf32>,
      %get3A_207 = vector.shape_cast %get3A_206 : vector<1x16xf32> to vector<16xf32>
      %sub3A_208 = arith.subf %get3A_203, %get3A_207 : vector<16xf32>
      %mul3A_209 = arith.mulf %sub3A_208, %sub3A_208 : vector<16xf32>
      %get3A_210 = arith.index_cast %add3A_189 : i32 to index
      %get3A_211 = arith.constant 32 : index
      %get3A_212 = tpu.vector_load %arg8[%get3A_210, %get3A_211] {strides = array<i32>} : memref<256x64xf32, #tpu.memory_space<vmem>>, vector<1x16xf32>,
      %get3A_213 = vector.shape_cast %get3A_212 : vector<1x16xf32> to vector<16xf32>
      %get3A_214 = arith.index_cast %add3A_189 : i32 to index
      %get3A_215 = arith.constant 32 : index
      %get3A_216 = tpu.vector_load %arg7[%get3A_214, %get3A_215] {strides = array<i32>} : memref<256x64xf32, #tpu.memory_space<vmem>>, vector<1x16xf32>,
      %get3A_217 = vector.shape_cast %get3A_216 : vector<1x16xf32> to vector<16xf32>
      %sub3A_218 = arith.subf %get3A_213, %get3A_217 : vector<16xf32>
      %mul3A_219 = arith.mulf %sub3A_218, %sub3A_218 : vector<16xf32>
      %get3A_220 = arith.index_cast %add3A_189 : i32 to index
      %get3A_221 = arith.constant 48 : index
      %get3A_222 = tpu.vector_load %arg8[%get3A_220, %get3A_221] {strides = array<i32>} : memref<256x64xf32, #tpu.memory_space<vmem>>, vector<1x16xf32>,
      %get3A_223 = vector.shape_cast %get3A_222 : vector<1x16xf32> to vector<16xf32>
      %get3A_224 = arith.index_cast %add3A_189 : i32 to index
      %get3A_225 = arith.constant 48 : index
      %get3A_226 = tpu.vector_load %arg7[%get3A_224, %get3A_225] {strides = array<i32>} : memref<256x64xf32, #tpu.memory_space<vmem>>, vector<1x16xf32>,
      %get3A_227 = vector.shape_cast %get3A_226 : vector<1x16xf32> to vector<16xf32>
      %sub3A_228 = arith.subf %get3A_223, %get3A_227 : vector<16xf32>
      %mul3A_229 = arith.mulf %sub3A_228, %sub3A_228 : vector<16xf32>
      %add3A_230 = arith.addf %mul3A_199, %mul3A_209 : vector<16xf32>
      %add3A_231 = arith.addf %mul3A_219, %mul3A_229 : vector<16xf32>
      %add3A_232 = arith.addf %add3A_230, %add3A_231 : vector<16xf32>
      %broadcast_in_dim3A_233 = vector.shape_cast %xor3A_53 : vector<16xi32> to vector<16x1xi32>
      %gather3A_234 = vector.shape_cast %broadcast_in_dim3A_233 : vector<16x1xi32> to vector<16xi32>
      %gather3A_235 = tpu.dynamic_gather %add3A_232[%gather3A_234] in [0] : vector<16xf32>, vector<16xi32> -> vector<16xf32>
      %add3A_236 = arith.addf %add3A_232, %gather3A_235 : vector<16xf32>
      %broadcast_in_dim3A_237 = vector.shape_cast %xor3A_56 : vector<16xi32> to vector<16x1xi32>
      %gather3A_238 = vector.shape_cast %broadcast_in_dim3A_237 : vector<16x1xi32> to vector<16xi32>
      %gather3A_239 = tpu.dynamic_gather %add3A_236[%gather3A_238] in [0] : vector<16xf32>, vector<16xi32> -> vector<16xf32>
      %add3A_240 = arith.addf %add3A_236, %gather3A_239 : vector<16xf32>
      %broadcast_in_dim3A_241 = vector.shape_cast %xor3A_59 : vector<16xi32> to vector<16x1xi32>
      %gather3A_242 = vector.shape_cast %broadcast_in_dim3A_241 : vector<16x1xi32> to vector<16xi32>
      %gather3A_243 = tpu.dynamic_gather %add3A_240[%gather3A_242] in [0] : vector<16xf32>, vector<16xi32> -> vector<16xf32>
      %add3A_244 = arith.addf %add3A_240, %gather3A_243 : vector<16xf32>
      %broadcast_in_dim3A_245 = vector.shape_cast %xor3A_62 : vector<16xi32> to vector<16x1xi32>
      %gather3A_246 = vector.shape_cast %broadcast_in_dim3A_245 : vector<16x1xi32> to vector<16xi32>
      %gather3A_247 = tpu.dynamic_gather %add3A_244[%gather3A_246] in [0] : vector<16xf32>, vector<16xi32> -> vector<16xf32>
      %add3A_248 = arith.addf %add3A_244, %gather3A_247 : vector<16xf32>
      %select_n3A_249 = arith.select %eq3A_9, %add3A_248, %select_n3A : vector<16xi1>, vector<16xf32>
      %add3A_250 = arith.constant 2 : i32
      %add3A_251 = arith.addi %mul3A_127, %add3A_250 : i32
      %get3A_252 = arith.index_cast %add3A_251 : i32 to index
      %get3A_253 = arith.constant 0 : index
      %get3A_254 = tpu.vector_load %arg8[%get3A_252, %get3A_253] {strides = array<i32>} : memref<256x64xf32, #tpu.memory_space<vmem>>, vector<1x16xf32>,
      %get3A_255 = vector.shape_cast %get3A_254 : vector<1x16xf32> to vector<16xf32>
      %get3A_256 = arith.index_cast %add3A_251 : i32 to index
      %get3A_257 = arith.constant 0 : index
      %get3A_258 = tpu.vector_load %arg7[%get3A_256, %get3A_257] {strides = array<i32>} : memref<256x64xf32, #tpu.memory_space<vmem>>, vector<1x16xf32>,
      %get3A_259 = vector.shape_cast %get3A_258 : vector<1x16xf32> to vector<16xf32>
      %sub3A_260 = arith.subf %get3A_255, %get3A_259 : vector<16xf32>
      %mul3A_261 = arith.mulf %sub3A_260, %sub3A_260 : vector<16xf32>
      %get3A_262 = arith.index_cast %add3A_251 : i32 to index
      %get3A_263 = arith.constant 16 : index
      %get3A_264 = tpu.vector_load %arg8[%get3A_262, %get3A_263] {strides = array<i32>} : memref<256x64xf32, #tpu.memory_space<vmem>>, vector<1x16xf32>,
      %get3A_265 = vector.shape_cast %get3A_264 : vector<1x16xf32> to vector<16xf32>
      %get3A_266 = arith.index_cast %add3A_251 : i32 to index
      %get3A_267 = arith.constant 16 : index
      %get3A_268 = tpu.vector_load %arg7[%get3A_266, %get3A_267] {strides = array<i32>} : memref<256x64xf32, #tpu.memory_space<vmem>>, vector<1x16xf32>,
      %get3A_269 = vector.shape_cast %get3A_268 : vector<1x16xf32> to vector<16xf32>
      %sub3A_270 = arith.subf %get3A_265, %get3A_269 : vector<16xf32>
      %mul3A_271 = arith.mulf %sub3A_270, %sub3A_270 : vector<16xf32>
      %get3A_272 = arith.index_cast %add3A_251 : i32 to index
      %get3A_273 = arith.constant 32 : index
      %get3A_274 = tpu.vector_load %arg8[%get3A_272, %get3A_273] {strides = array<i32>} : memref<256x64xf32, #tpu.memory_space<vmem>>, vector<1x16xf32>,
      %get3A_275 = vector.shape_cast %get3A_274 : vector<1x16xf32> to vector<16xf32>
      %get3A_276 = arith.index_cast %add3A_251 : i32 to index
      %get3A_277 = arith.constant 32 : index
      %get3A_278 = tpu.vector_load %arg7[%get3A_276, %get3A_277] {strides = array<i32>} : memref<256x64xf32, #tpu.memory_space<vmem>>, vector<1x16xf32>,
      %get3A_279 = vector.shape_cast %get3A_278 : vector<1x16xf32> to vector<16xf32>
      %sub3A_280 = arith.subf %get3A_275, %get3A_279 : vector<16xf32>
      %mul3A_281 = arith.mulf %sub3A_280, %sub3A_280 : vector<16xf32>
      %get3A_282 = arith.index_cast %add3A_251 : i32 to index
      %get3A_283 = arith.constant 48 : index
      %get3A_284 = tpu.vector_load %arg8[%get3A_282, %get3A_283] {strides = array<i32>} : memref<256x64xf32, #tpu.memory_space<vmem>>, vector<1x16xf32>,
      %get3A_285 = vector.shape_cast %get3A_284 : vector<1x16xf32> to vector<16xf32>
      %get3A_286 = arith.index_cast %add3A_251 : i32 to index
      %get3A_287 = arith.constant 48 : index
      %get3A_288 = tpu.vector_load %arg7[%get3A_286, %get3A_287] {strides = array<i32>} : memref<256x64xf32, #tpu.memory_space<vmem>>, vector<1x16xf32>,
      %get3A_289 = vector.shape_cast %get3A_288 : vector<1x16xf32> to vector<16xf32>
      %sub3A_290 = arith.subf %get3A_285, %get3A_289 : vector<16xf32>
      %mul3A_291 = arith.mulf %sub3A_290, %sub3A_290 : vector<16xf32>
      %add3A_292 = arith.addf %mul3A_261, %mul3A_271 : vector<16xf32>
      %add3A_293 = arith.addf %mul3A_281, %mul3A_291 : vector<16xf32>
      %add3A_294 = arith.addf %add3A_292, %add3A_293 : vector<16xf32>
      %broadcast_in_dim3A_295 = vector.shape_cast %xor3A_53 : vector<16xi32> to vector<16x1xi32>
      %gather3A_296 = vector.shape_cast %broadcast_in_dim3A_295 : vector<16x1xi32> to vector<16xi32>
      %gather3A_297 = tpu.dynamic_gather %add3A_294[%gather3A_296] in [0] : vector<16xf32>, vector<16xi32> -> vector<16xf32>
      %add3A_298 = arith.addf %add3A_294, %gather3A_297 : vector<16xf32>
      %broadcast_in_dim3A_299 = vector.shape_cast %xor3A_56 : vector<16xi32> to vector<16x1xi32>
      %gather3A_300 = vector.shape_cast %broadcast_in_dim3A_299 : vector<16x1xi32> to vector<16xi32>
      %gather3A_301 = tpu.dynamic_gather %add3A_298[%gather3A_300] in [0] : vector<16xf32>, vector<16xi32> -> vector<16xf32>
      %add3A_302 = arith.addf %add3A_298, %gather3A_301 : vector<16xf32>
      %broadcast_in_dim3A_303 = vector.shape_cast %xor3A_59 : vector<16xi32> to vector<16x1xi32>
      %gather3A_304 = vector.shape_cast %broadcast_in_dim3A_303 : vector<16x1xi32> to vector<16xi32>
      %gather3A_305 = tpu.dynamic_gather %add3A_302[%gather3A_304] in [0] : vector<16xf32>, vector<16xi32> -> vector<16xf32>
      %add3A_306 = arith.addf %add3A_302, %gather3A_305 : vector<16xf32>
      %broadcast_in_dim3A_307 = vector.shape_cast %xor3A_62 : vector<16xi32> to vector<16x1xi32>
      %gather3A_308 = vector.shape_cast %broadcast_in_dim3A_307 : vector<16x1xi32> to vector<16xi32>
      %gather3A_309 = tpu.dynamic_gather %add3A_306[%gather3A_308] in [0] : vector<16xf32>, vector<16xi32> -> vector<16xf32>
      %add3A_310 = arith.addf %add3A_306, %gather3A_309 : vector<16xf32>
      %select_n3A_311 = arith.select %eq3A_12, %add3A_310, %select_n3A_249 : vector<16xi1>, vector<16xf32>
      %add3A_312 = arith.constant 3 : i32
      %add3A_313 = arith.addi %mul3A_127, %add3A_312 : i32
      %get3A_314 = arith.index_cast %add3A_313 : i32 to index
      %get3A_315 = arith.constant 0 : index
      %get3A_316 = tpu.vector_load %arg8[%get3A_314, %get3A_315] {strides = array<i32>} : memref<256x64xf32, #tpu.memory_space<vmem>>, vector<1x16xf32>,
      %get3A_317 = vector.shape_cast %get3A_316 : vector<1x16xf32> to vector<16xf32>
      %get3A_318 = arith.index_cast %add3A_313 : i32 to index
      %get3A_319 = arith.constant 0 : index
      %get3A_320 = tpu.vector_load %arg7[%get3A_318, %get3A_319] {strides = array<i32>} : memref<256x64xf32, #tpu.memory_space<vmem>>, vector<1x16xf32>,
      %get3A_321 = vector.shape_cast %get3A_320 : vector<1x16xf32> to vector<16xf32>
      %sub3A_322 = arith.subf %get3A_317, %get3A_321 : vector<16xf32>
      %mul3A_323 = arith.mulf %sub3A_322, %sub3A_322 : vector<16xf32>
      %get3A_324 = arith.index_cast %add3A_313 : i32 to index
      %get3A_325 = arith.constant 16 : index
      %get3A_326 = tpu.vector_load %arg8[%get3A_324, %get3A_325] {strides = array<i32>} : memref<256x64xf32, #tpu.memory_space<vmem>>, vector<1x16xf32>,
      %get3A_327 = vector.shape_cast %get3A_326 : vector<1x16xf32> to vector<16xf32>
      %get3A_328 = arith.index_cast %add3A_313 : i32 to index
      %get3A_329 = arith.constant 16 : index
      %get3A_330 = tpu.vector_load %arg7[%get3A_328, %get3A_329] {strides = array<i32>} : memref<256x64xf32, #tpu.memory_space<vmem>>, vector<1x16xf32>,
      %get3A_331 = vector.shape_cast %get3A_330 : vector<1x16xf32> to vector<16xf32>
      %sub3A_332 = arith.subf %get3A_327, %get3A_331 : vector<16xf32>
      %mul3A_333 = arith.mulf %sub3A_332, %sub3A_332 : vector<16xf32>
      %get3A_334 = arith.index_cast %add3A_313 : i32 to index
      %get3A_335 = arith.constant 32 : index
      %get3A_336 = tpu.vector_load %arg8[%get3A_334, %get3A_335] {strides = array<i32>} : memref<256x64xf32, #tpu.memory_space<vmem>>, vector<1x16xf32>,
      %get3A_337 = vector.shape_cast %get3A_336 : vector<1x16xf32> to vector<16xf32>
      %get3A_338 = arith.index_cast %add3A_313 : i32 to index
      %get3A_339 = arith.constant 32 : index
      %get3A_340 = tpu.vector_load %arg7[%get3A_338, %get3A_339] {strides = array<i32>} : memref<256x64xf32, #tpu.memory_space<vmem>>, vector<1x16xf32>,
      %get3A_341 = vector.shape_cast %get3A_340 : vector<1x16xf32> to vector<16xf32>
      %sub3A_342 = arith.subf %get3A_337, %get3A_341 : vector<16xf32>
      %mul3A_343 = arith.mulf %sub3A_342, %sub3A_342 : vector<16xf32>
      %get3A_344 = arith.index_cast %add3A_313 : i32 to index
      %get3A_345 = arith.constant 48 : index
      %get3A_346 = tpu.vector_load %arg8[%get3A_344, %get3A_345] {strides = array<i32>} : memref<256x64xf32, #tpu.memory_space<vmem>>, vector<1x16xf32>,
      %get3A_347 = vector.shape_cast %get3A_346 : vector<1x16xf32> to vector<16xf32>
      %get3A_348 = arith.index_cast %add3A_313 : i32 to index
      %get3A_349 = arith.constant 48 : index
      %get3A_350 = tpu.vector_load %arg7[%get3A_348, %get3A_349] {strides = array<i32>} : memref<256x64xf32, #tpu.memory_space<vmem>>, vector<1x16xf32>,
      %get3A_351 = vector.shape_cast %get3A_350 : vector<1x16xf32> to vector<16xf32>
      %sub3A_352 = arith.subf %get3A_347, %get3A_351 : vector<16xf32>
      %mul3A_353 = arith.mulf %sub3A_352, %sub3A_352 : vector<16xf32>
      %add3A_354 = arith.addf %mul3A_323, %mul3A_333 : vector<16xf32>
      %add3A_355 = arith.addf %mul3A_343, %mul3A_353 : vector<16xf32>
      %add3A_356 = arith.addf %add3A_354, %add3A_355 : vector<16xf32>
      %broadcast_in_dim3A_357 = vector.shape_cast %xor3A_53 : vector<16xi32> to vector<16x1xi32>
      %gather3A_358 = vector.shape_cast %broadcast_in_dim3A_357 : vector<16x1xi32> to vector<16xi32>
      %gather3A_359 = tpu.dynamic_gather %add3A_356[%gather3A_358] in [0] : vector<16xf32>, vector<16xi32> -> vector<16xf32>
      %add3A_360 = arith.addf %add3A_356, %gather3A_359 : vector<16xf32>
      %broadcast_in_dim3A_361 = vector.shape_cast %xor3A_56 : vector<16xi32> to vector<16x1xi32>
      %gather3A_362 = vector.shape_cast %broadcast_in_dim3A_361 : vector<16x1xi32> to vector<16xi32>
      %gather3A_363 = tpu.dynamic_gather %add3A_360[%gather3A_362] in [0] : vector<16xf32>, vector<16xi32> -> vector<16xf32>
      %add3A_364 = arith.addf %add3A_360, %gather3A_363 : vector<16xf32>
      %broadcast_in_dim3A_365 = vector.shape_cast %xor3A_59 : vector<16xi32> to vector<16x1xi32>
      %gather3A_366 = vector.shape_cast %broadcast_in_dim3A_365 : vector<16x1xi32> to vector<16xi32>
      %gather3A_367 = tpu.dynamic_gather %add3A_364[%gather3A_366] in [0] : vector<16xf32>, vector<16xi32> -> vector<16xf32>
      %add3A_368 = arith.addf %add3A_364, %gather3A_367 : vector<16xf32>
      %broadcast_in_dim3A_369 = vector.shape_cast %xor3A_62 : vector<16xi32> to vector<16x1xi32>
      %gather3A_370 = vector.shape_cast %broadcast_in_dim3A_369 : vector<16x1xi32> to vector<16xi32>
      %gather3A_371 = tpu.dynamic_gather %add3A_368[%gather3A_370] in [0] : vector<16xf32>, vector<16xi32> -> vector<16xf32>
      %add3A_372 = arith.addf %add3A_368, %gather3A_371 : vector<16xf32>
      %select_n3A_373 = arith.select %eq3A_15, %add3A_372, %select_n3A_311 : vector<16xi1>, vector<16xf32>
      %add3A_374 = arith.constant 4 : i32
      %add3A_375 = arith.addi %mul3A_127, %add3A_374 : i32
      %get3A_376 = arith.index_cast %add3A_375 : i32 to index
      %get3A_377 = arith.constant 0 : index
      %get3A_378 = tpu.vector_load %arg8[%get3A_376, %get3A_377] {strides = array<i32>} : memref<256x64xf32, #tpu.memory_space<vmem>>, vector<1x16xf32>,
      %get3A_379 = vector.shape_cast %get3A_378 : vector<1x16xf32> to vector<16xf32>
      %get3A_380 = arith.index_cast %add3A_375 : i32 to index
      %get3A_381 = arith.constant 0 : index
      %get3A_382 = tpu.vector_load %arg7[%get3A_380, %get3A_381] {strides = array<i32>} : memref<256x64xf32, #tpu.memory_space<vmem>>, vector<1x16xf32>,
      %get3A_383 = vector.shape_cast %get3A_382 : vector<1x16xf32> to vector<16xf32>
      %sub3A_384 = arith.subf %get3A_379, %get3A_383 : vector<16xf32>
      %mul3A_385 = arith.mulf %sub3A_384, %sub3A_384 : vector<16xf32>
      %get3A_386 = arith.index_cast %add3A_375 : i32 to index
      %get3A_387 = arith.constant 16 : index
      %get3A_388 = tpu.vector_load %arg8[%get3A_386, %get3A_387] {strides = array<i32>} : memref<256x64xf32, #tpu.memory_space<vmem>>, vector<1x16xf32>,
      %get3A_389 = vector.shape_cast %get3A_388 : vector<1x16xf32> to vector<16xf32>
      %get3A_390 = arith.index_cast %add3A_375 : i32 to index
      %get3A_391 = arith.constant 16 : index
      %get3A_392 = tpu.vector_load %arg7[%get3A_390, %get3A_391] {strides = array<i32>} : memref<256x64xf32, #tpu.memory_space<vmem>>, vector<1x16xf32>,
      %get3A_393 = vector.shape_cast %get3A_392 : vector<1x16xf32> to vector<16xf32>
      %sub3A_394 = arith.subf %get3A_389, %get3A_393 : vector<16xf32>
      %mul3A_395 = arith.mulf %sub3A_394, %sub3A_394 : vector<16xf32>
      %get3A_396 = arith.index_cast %add3A_375 : i32 to index
      %get3A_397 = arith.constant 32 : index
      %get3A_398 = tpu.vector_load %arg8[%get3A_396, %get3A_397] {strides = array<i32>} : memref<256x64xf32, #tpu.memory_space<vmem>>, vector<1x16xf32>,
      %get3A_399 = vector.shape_cast %get3A_398 : vector<1x16xf32> to vector<16xf32>
      %get3A_400 = arith.index_cast %add3A_375 : i32 to index
      %get3A_401 = arith.constant 32 : index
      %get3A_402 = tpu.vector_load %arg7[%get3A_400, %get3A_401] {strides = array<i32>} : memref<256x64xf32, #tpu.memory_space<vmem>>, vector<1x16xf32>,
      %get3A_403 = vector.shape_cast %get3A_402 : vector<1x16xf32> to vector<16xf32>
      %sub3A_404 = arith.subf %get3A_399, %get3A_403 : vector<16xf32>
      %mul3A_405 = arith.mulf %sub3A_404, %sub3A_404 : vector<16xf32>
      %get3A_406 = arith.index_cast %add3A_375 : i32 to index
      %get3A_407 = arith.constant 48 : index
      %get3A_408 = tpu.vector_load %arg8[%get3A_406, %get3A_407] {strides = array<i32>} : memref<256x64xf32, #tpu.memory_space<vmem>>, vector<1x16xf32>,
      %get3A_409 = vector.shape_cast %get3A_408 : vector<1x16xf32> to vector<16xf32>
      %get3A_410 = arith.index_cast %add3A_375 : i32 to index
      %get3A_411 = arith.constant 48 : index
      %get3A_412 = tpu.vector_load %arg7[%get3A_410, %get3A_411] {strides = array<i32>} : memref<256x64xf32, #tpu.memory_space<vmem>>, vector<1x16xf32>,
      %get3A_413 = vector.shape_cast %get3A_412 : vector<1x16xf32> to vector<16xf32>
      %sub3A_414 = arith.subf %get3A_409, %get3A_413 : vector<16xf32>
      %mul3A_415 = arith.mulf %sub3A_414, %sub3A_414 : vector<16xf32>
      %add3A_416 = arith.addf %mul3A_385, %mul3A_395 : vector<16xf32>
      %add3A_417 = arith.addf %mul3A_405, %mul3A_415 : vector<16xf32>
      %add3A_418 = arith.addf %add3A_416, %add3A_417 : vector<16xf32>
      %broadcast_in_dim3A_419 = vector.shape_cast %xor3A_53 : vector<16xi32> to vector<16x1xi32>
      %gather3A_420 = vector.shape_cast %broadcast_in_dim3A_419 : vector<16x1xi32> to vector<16xi32>
      %gather3A_421 = tpu.dynamic_gather %add3A_418[%gather3A_420] in [0] : vector<16xf32>, vector<16xi32> -> vector<16xf32>
      %add3A_422 = arith.addf %add3A_418, %gather3A_421 : vector<16xf32>
      %broadcast_in_dim3A_423 = vector.shape_cast %xor3A_56 : vector<16xi32> to vector<16x1xi32>
      %gather3A_424 = vector.shape_cast %broadcast_in_dim3A_423 : vector<16x1xi32> to vector<16xi32>
      %gather3A_425 = tpu.dynamic_gather %add3A_422[%gather3A_424] in [0] : vector<16xf32>, vector<16xi32> -> vector<16xf32>
      %add3A_426 = arith.addf %add3A_422, %gather3A_425 : vector<16xf32>
      %broadcast_in_dim3A_427 = vector.shape_cast %xor3A_59 : vector<16xi32> to vector<16x1xi32>
      %gather3A_428 = vector.shape_cast %broadcast_in_dim3A_427 : vector<16x1xi32> to vector<16xi32>
      %gather3A_429 = tpu.dynamic_gather %add3A_426[%gather3A_428] in [0] : vector<16xf32>, vector<16xi32> -> vector<16xf32>
      %add3A_430 = arith.addf %add3A_426, %gather3A_429 : vector<16xf32>
      %broadcast_in_dim3A_431 = vector.shape_cast %xor3A_62 : vector<16xi32> to vector<16x1xi32>
      %gather3A_432 = vector.shape_cast %broadcast_in_dim3A_431 : vector<16x1xi32> to vector<16xi32>
      %gather3A_433 = tpu.dynamic_gather %add3A_430[%gather3A_432] in [0] : vector<16xf32>, vector<16xi32> -> vector<16xf32>
      %add3A_434 = arith.addf %add3A_430, %gather3A_433 : vector<16xf32>
      %select_n3A_435 = arith.select %eq3A_18, %add3A_434, %select_n3A_373 : vector<16xi1>, vector<16xf32>
      %add3A_436 = arith.constant 5 : i32
      %add3A_437 = arith.addi %mul3A_127, %add3A_436 : i32
      %get3A_438 = arith.index_cast %add3A_437 : i32 to index
      %get3A_439 = arith.constant 0 : index
      %get3A_440 = tpu.vector_load %arg8[%get3A_438, %get3A_439] {strides = array<i32>} : memref<256x64xf32, #tpu.memory_space<vmem>>, vector<1x16xf32>,
      %get3A_441 = vector.shape_cast %get3A_440 : vector<1x16xf32> to vector<16xf32>
      %get3A_442 = arith.index_cast %add3A_437 : i32 to index
      %get3A_443 = arith.constant 0 : index
      %get3A_444 = tpu.vector_load %arg7[%get3A_442, %get3A_443] {strides = array<i32>} : memref<256x64xf32, #tpu.memory_space<vmem>>, vector<1x16xf32>,
      %get3A_445 = vector.shape_cast %get3A_444 : vector<1x16xf32> to vector<16xf32>
      %sub3A_446 = arith.subf %get3A_441, %get3A_445 : vector<16xf32>
      %mul3A_447 = arith.mulf %sub3A_446, %sub3A_446 : vector<16xf32>
      %get3A_448 = arith.index_cast %add3A_437 : i32 to index
      %get3A_449 = arith.constant 16 : index
      %get3A_450 = tpu.vector_load %arg8[%get3A_448, %get3A_449] {strides = array<i32>} : memref<256x64xf32, #tpu.memory_space<vmem>>, vector<1x16xf32>,
      %get3A_451 = vector.shape_cast %get3A_450 : vector<1x16xf32> to vector<16xf32>
      %get3A_452 = arith.index_cast %add3A_437 : i32 to index
      %get3A_453 = arith.constant 16 : index
      %get3A_454 = tpu.vector_load %arg7[%get3A_452, %get3A_453] {strides = array<i32>} : memref<256x64xf32, #tpu.memory_space<vmem>>, vector<1x16xf32>,
      %get3A_455 = vector.shape_cast %get3A_454 : vector<1x16xf32> to vector<16xf32>
      %sub3A_456 = arith.subf %get3A_451, %get3A_455 : vector<16xf32>
      %mul3A_457 = arith.mulf %sub3A_456, %sub3A_456 : vector<16xf32>
      %get3A_458 = arith.index_cast %add3A_437 : i32 to index
      %get3A_459 = arith.constant 32 : index
      %get3A_460 = tpu.vector_load %arg8[%get3A_458, %get3A_459] {strides = array<i32>} : memref<256x64xf32, #tpu.memory_space<vmem>>, vector<1x16xf32>,
      %get3A_461 = vector.shape_cast %get3A_460 : vector<1x16xf32> to vector<16xf32>
      %get3A_462 = arith.index_cast %add3A_437 : i32 to index
      %get3A_463 = arith.constant 32 : index
      %get3A_464 = tpu.vector_load %arg7[%get3A_462, %get3A_463] {strides = array<i32>} : memref<256x64xf32, #tpu.memory_space<vmem>>, vector<1x16xf32>,
      %get3A_465 = vector.shape_cast %get3A_464 : vector<1x16xf32> to vector<16xf32>
      %sub3A_466 = arith.subf %get3A_461, %get3A_465 : vector<16xf32>
      %mul3A_467 = arith.mulf %sub3A_466, %sub3A_466 : vector<16xf32>
      %get3A_468 = arith.index_cast %add3A_437 : i32 to index
      %get3A_469 = arith.constant 48 : index
      %get3A_470 = tpu.vector_load %arg8[%get3A_468, %get3A_469] {strides = array<i32>} : memref<256x64xf32, #tpu.memory_space<vmem>>, vector<1x16xf32>,
      %get3A_471 = vector.shape_cast %get3A_470 : vector<1x16xf32> to vector<16xf32>
      %get3A_472 = arith.index_cast %add3A_437 : i32 to index
      %get3A_473 = arith.constant 48 : index
      %get3A_474 = tpu.vector_load %arg7[%get3A_472, %get3A_473] {strides = array<i32>} : memref<256x64xf32, #tpu.memory_space<vmem>>, vector<1x16xf32>,
      %get3A_475 = vector.shape_cast %get3A_474 : vector<1x16xf32> to vector<16xf32>
      %sub3A_476 = arith.subf %get3A_471, %get3A_475 : vector<16xf32>
      %mul3A_477 = arith.mulf %sub3A_476, %sub3A_476 : vector<16xf32>
      %add3A_478 = arith.addf %mul3A_447, %mul3A_457 : vector<16xf32>
      %add3A_479 = arith.addf %mul3A_467, %mul3A_477 : vector<16xf32>
      %add3A_480 = arith.addf %add3A_478, %add3A_479 : vector<16xf32>
      %broadcast_in_dim3A_481 = vector.shape_cast %xor3A_53 : vector<16xi32> to vector<16x1xi32>
      %gather3A_482 = vector.shape_cast %broadcast_in_dim3A_481 : vector<16x1xi32> to vector<16xi32>
      %gather3A_483 = tpu.dynamic_gather %add3A_480[%gather3A_482] in [0] : vector<16xf32>, vector<16xi32> -> vector<16xf32>
      %add3A_484 = arith.addf %add3A_480, %gather3A_483 : vector<16xf32>
      %broadcast_in_dim3A_485 = vector.shape_cast %xor3A_56 : vector<16xi32> to vector<16x1xi32>
      %gather3A_486 = vector.shape_cast %broadcast_in_dim3A_485 : vector<16x1xi32> to vector<16xi32>
      %gather3A_487 = tpu.dynamic_gather %add3A_484[%gather3A_486] in [0] : vector<16xf32>, vector<16xi32> -> vector<16xf32>
      %add3A_488 = arith.addf %add3A_484, %gather3A_487 : vector<16xf32>
      %broadcast_in_dim3A_489 = vector.shape_cast %xor3A_59 : vector<16xi32> to vector<16x1xi32>
      %gather3A_490 = vector.shape_cast %broadcast_in_dim3A_489 : vector<16x1xi32> to vector<16xi32>
      %gather3A_491 = tpu.dynamic_gather %add3A_488[%gather3A_490] in [0] : vector<16xf32>, vector<16xi32> -> vector<16xf32>
      %add3A_492 = arith.addf %add3A_488, %gather3A_491 : vector<16xf32>
      %broadcast_in_dim3A_493 = vector.shape_cast %xor3A_62 : vector<16xi32> to vector<16x1xi32>
      %gather3A_494 = vector.shape_cast %broadcast_in_dim3A_493 : vector<16x1xi32> to vector<16xi32>
      %gather3A_495 = tpu.dynamic_gather %add3A_492[%gather3A_494] in [0] : vector<16xf32>, vector<16xi32> -> vector<16xf32>
      %add3A_496 = arith.addf %add3A_492, %gather3A_495 : vector<16xf32>
      %select_n3A_497 = arith.select %eq3A_21, %add3A_496, %select_n3A_435 : vector<16xi1>, vector<16xf32>
      %add3A_498 = arith.constant 6 : i32
      %add3A_499 = arith.addi %mul3A_127, %add3A_498 : i32
      %get3A_500 = arith.index_cast %add3A_499 : i32 to index
      %get3A_501 = arith.constant 0 : index
      %get3A_502 = tpu.vector_load %arg8[%get3A_500, %get3A_501] {strides = array<i32>} : memref<256x64xf32, #tpu.memory_space<vmem>>, vector<1x16xf32>,
      %get3A_503 = vector.shape_cast %get3A_502 : vector<1x16xf32> to vector<16xf32>
      %get3A_504 = arith.index_cast %add3A_499 : i32 to index
      %get3A_505 = arith.constant 0 : index
      %get3A_506 = tpu.vector_load %arg7[%get3A_504, %get3A_505] {strides = array<i32>} : memref<256x64xf32, #tpu.memory_space<vmem>>, vector<1x16xf32>,
      %get3A_507 = vector.shape_cast %get3A_506 : vector<1x16xf32> to vector<16xf32>
      %sub3A_508 = arith.subf %get3A_503, %get3A_507 : vector<16xf32>
      %mul3A_509 = arith.mulf %sub3A_508, %sub3A_508 : vector<16xf32>
      %get3A_510 = arith.index_cast %add3A_499 : i32 to index
      %get3A_511 = arith.constant 16 : index
      %get3A_512 = tpu.vector_load %arg8[%get3A_510, %get3A_511] {strides = array<i32>} : memref<256x64xf32, #tpu.memory_space<vmem>>, vector<1x16xf32>,
      %get3A_513 = vector.shape_cast %get3A_512 : vector<1x16xf32> to vector<16xf32>
      %get3A_514 = arith.index_cast %add3A_499 : i32 to index
      %get3A_515 = arith.constant 16 : index
      %get3A_516 = tpu.vector_load %arg7[%get3A_514, %get3A_515] {strides = array<i32>} : memref<256x64xf32, #tpu.memory_space<vmem>>, vector<1x16xf32>,
      %get3A_517 = vector.shape_cast %get3A_516 : vector<1x16xf32> to vector<16xf32>
      %sub3A_518 = arith.subf %get3A_513, %get3A_517 : vector<16xf32>
      %mul3A_519 = arith.mulf %sub3A_518, %sub3A_518 : vector<16xf32>
      %get3A_520 = arith.index_cast %add3A_499 : i32 to index
      %get3A_521 = arith.constant 32 : index
      %get3A_522 = tpu.vector_load %arg8[%get3A_520, %get3A_521] {strides = array<i32>} : memref<256x64xf32, #tpu.memory_space<vmem>>, vector<1x16xf32>,
      %get3A_523 = vector.shape_cast %get3A_522 : vector<1x16xf32> to vector<16xf32>
      %get3A_524 = arith.index_cast %add3A_499 : i32 to index
      %get3A_525 = arith.constant 32 : index
      %get3A_526 = tpu.vector_load %arg7[%get3A_524, %get3A_525] {strides = array<i32>} : memref<256x64xf32, #tpu.memory_space<vmem>>, vector<1x16xf32>,
      %get3A_527 = vector.shape_cast %get3A_526 : vector<1x16xf32> to vector<16xf32>
      %sub3A_528 = arith.subf %get3A_523, %get3A_527 : vector<16xf32>
      %mul3A_529 = arith.mulf %sub3A_528, %sub3A_528 : vector<16xf32>
      %get3A_530 = arith.index_cast %add3A_499 : i32 to index
      %get3A_531 = arith.constant 48 : index
      %get3A_532 = tpu.vector_load %arg8[%get3A_530, %get3A_531] {strides = array<i32>} : memref<256x64xf32, #tpu.memory_space<vmem>>, vector<1x16xf32>,
      %get3A_533 = vector.shape_cast %get3A_532 : vector<1x16xf32> to vector<16xf32>
      %get3A_534 = arith.index_cast %add3A_499 : i32 to index
      %get3A_535 = arith.constant 48 : index
      %get3A_536 = tpu.vector_load %arg7[%get3A_534, %get3A_535] {strides = array<i32>} : memref<256x64xf32, #tpu.memory_space<vmem>>, vector<1x16xf32>,
      %get3A_537 = vector.shape_cast %get3A_536 : vector<1x16xf32> to vector<16xf32>
      %sub3A_538 = arith.subf %get3A_533, %get3A_537 : vector<16xf32>
      %mul3A_539 = arith.mulf %sub3A_538, %sub3A_538 : vector<16xf32>
      %add3A_540 = arith.addf %mul3A_509, %mul3A_519 : vector<16xf32>
      %add3A_541 = arith.addf %mul3A_529, %mul3A_539 : vector<16xf32>
      %add3A_542 = arith.addf %add3A_540, %add3A_541 : vector<16xf32>
      %broadcast_in_dim3A_543 = vector.shape_cast %xor3A_53 : vector<16xi32> to vector<16x1xi32>
      %gather3A_544 = vector.shape_cast %broadcast_in_dim3A_543 : vector<16x1xi32> to vector<16xi32>
      %gather3A_545 = tpu.dynamic_gather %add3A_542[%gather3A_544] in [0] : vector<16xf32>, vector<16xi32> -> vector<16xf32>
      %add3A_546 = arith.addf %add3A_542, %gather3A_545 : vector<16xf32>
      %broadcast_in_dim3A_547 = vector.shape_cast %xor3A_56 : vector<16xi32> to vector<16x1xi32>
      %gather3A_548 = vector.shape_cast %broadcast_in_dim3A_547 : vector<16x1xi32> to vector<16xi32>
      %gather3A_549 = tpu.dynamic_gather %add3A_546[%gather3A_548] in [0] : vector<16xf32>, vector<16xi32> -> vector<16xf32>
      %add3A_550 = arith.addf %add3A_546, %gather3A_549 : vector<16xf32>
      %broadcast_in_dim3A_551 = vector.shape_cast %xor3A_59 : vector<16xi32> to vector<16x1xi32>
      %gather3A_552 = vector.shape_cast %broadcast_in_dim3A_551 : vector<16x1xi32> to vector<16xi32>
      %gather3A_553 = tpu.dynamic_gather %add3A_550[%gather3A_552] in [0] : vector<16xf32>, vector<16xi32> -> vector<16xf32>
      %add3A_554 = arith.addf %add3A_550, %gather3A_553 : vector<16xf32>
      %broadcast_in_dim3A_555 = vector.shape_cast %xor3A_62 : vector<16xi32> to vector<16x1xi32>
      %gather3A_556 = vector.shape_cast %broadcast_in_dim3A_555 : vector<16x1xi32> to vector<16xi32>
      %gather3A_557 = tpu.dynamic_gather %add3A_554[%gather3A_556] in [0] : vector<16xf32>, vector<16xi32> -> vector<16xf32>
      %add3A_558 = arith.addf %add3A_554, %gather3A_557 : vector<16xf32>
      %select_n3A_559 = arith.select %eq3A_24, %add3A_558, %select_n3A_497 : vector<16xi1>, vector<16xf32>
      %add3A_560 = arith.constant 7 : i32
      %add3A_561 = arith.addi %mul3A_127, %add3A_560 : i32
      %get3A_562 = arith.index_cast %add3A_561 : i32 to index
      %get3A_563 = arith.constant 0 : index
      %get3A_564 = tpu.vector_load %arg8[%get3A_562, %get3A_563] {strides = array<i32>} : memref<256x64xf32, #tpu.memory_space<vmem>>, vector<1x16xf32>,
      %get3A_565 = vector.shape_cast %get3A_564 : vector<1x16xf32> to vector<16xf32>
      %get3A_566 = arith.index_cast %add3A_561 : i32 to index
      %get3A_567 = arith.constant 0 : index
      %get3A_568 = tpu.vector_load %arg7[%get3A_566, %get3A_567] {strides = array<i32>} : memref<256x64xf32, #tpu.memory_space<vmem>>, vector<1x16xf32>,
      %get3A_569 = vector.shape_cast %get3A_568 : vector<1x16xf32> to vector<16xf32>
      %sub3A_570 = arith.subf %get3A_565, %get3A_569 : vector<16xf32>
      %mul3A_571 = arith.mulf %sub3A_570, %sub3A_570 : vector<16xf32>
      %get3A_572 = arith.index_cast %add3A_561 : i32 to index
      %get3A_573 = arith.constant 16 : index
      %get3A_574 = tpu.vector_load %arg8[%get3A_572, %get3A_573] {strides = array<i32>} : memref<256x64xf32, #tpu.memory_space<vmem>>, vector<1x16xf32>,
      %get3A_575 = vector.shape_cast %get3A_574 : vector<1x16xf32> to vector<16xf32>
      %get3A_576 = arith.index_cast %add3A_561 : i32 to index
      %get3A_577 = arith.constant 16 : index
      %get3A_578 = tpu.vector_load %arg7[%get3A_576, %get3A_577] {strides = array<i32>} : memref<256x64xf32, #tpu.memory_space<vmem>>, vector<1x16xf32>,
      %get3A_579 = vector.shape_cast %get3A_578 : vector<1x16xf32> to vector<16xf32>
      %sub3A_580 = arith.subf %get3A_575, %get3A_579 : vector<16xf32>
      %mul3A_581 = arith.mulf %sub3A_580, %sub3A_580 : vector<16xf32>
      %get3A_582 = arith.index_cast %add3A_561 : i32 to index
      %get3A_583 = arith.constant 32 : index
      %get3A_584 = tpu.vector_load %arg8[%get3A_582, %get3A_583] {strides = array<i32>} : memref<256x64xf32, #tpu.memory_space<vmem>>, vector<1x16xf32>,
      %get3A_585 = vector.shape_cast %get3A_584 : vector<1x16xf32> to vector<16xf32>
      %get3A_586 = arith.index_cast %add3A_561 : i32 to index
      %get3A_587 = arith.constant 32 : index
      %get3A_588 = tpu.vector_load %arg7[%get3A_586, %get3A_587] {strides = array<i32>} : memref<256x64xf32, #tpu.memory_space<vmem>>, vector<1x16xf32>,
      %get3A_589 = vector.shape_cast %get3A_588 : vector<1x16xf32> to vector<16xf32>
      %sub3A_590 = arith.subf %get3A_585, %get3A_589 : vector<16xf32>
      %mul3A_591 = arith.mulf %sub3A_590, %sub3A_590 : vector<16xf32>
      %get3A_592 = arith.index_cast %add3A_561 : i32 to index
      %get3A_593 = arith.constant 48 : index
      %get3A_594 = tpu.vector_load %arg8[%get3A_592, %get3A_593] {strides = array<i32>} : memref<256x64xf32, #tpu.memory_space<vmem>>, vector<1x16xf32>,
      %get3A_595 = vector.shape_cast %get3A_594 : vector<1x16xf32> to vector<16xf32>
      %get3A_596 = arith.index_cast %add3A_561 : i32 to index
      %get3A_597 = arith.constant 48 : index
      %get3A_598 = tpu.vector_load %arg7[%get3A_596, %get3A_597] {strides = array<i32>} : memref<256x64xf32, #tpu.memory_space<vmem>>, vector<1x16xf32>,
      %get3A_599 = vector.shape_cast %get3A_598 : vector<1x16xf32> to vector<16xf32>
      %sub3A_600 = arith.subf %get3A_595, %get3A_599 : vector<16xf32>
      %mul3A_601 = arith.mulf %sub3A_600, %sub3A_600 : vector<16xf32>
      %add3A_602 = arith.addf %mul3A_571, %mul3A_581 : vector<16xf32>
      %add3A_603 = arith.addf %mul3A_591, %mul3A_601 : vector<16xf32>
      %add3A_604 = arith.addf %add3A_602, %add3A_603 : vector<16xf32>
      %broadcast_in_dim3A_605 = vector.shape_cast %xor3A_53 : vector<16xi32> to vector<16x1xi32>
      %gather3A_606 = vector.shape_cast %broadcast_in_dim3A_605 : vector<16x1xi32> to vector<16xi32>
      %gather3A_607 = tpu.dynamic_gather %add3A_604[%gather3A_606] in [0] : vector<16xf32>, vector<16xi32> -> vector<16xf32>
      %add3A_608 = arith.addf %add3A_604, %gather3A_607 : vector<16xf32>
      %broadcast_in_dim3A_609 = vector.shape_cast %xor3A_56 : vector<16xi32> to vector<16x1xi32>
      %gather3A_610 = vector.shape_cast %broadcast_in_dim3A_609 : vector<16x1xi32> to vector<16xi32>
      %gather3A_611 = tpu.dynamic_gather %add3A_608[%gather3A_610] in [0] : vector<16xf32>, vector<16xi32> -> vector<16xf32>
      %add3A_612 = arith.addf %add3A_608, %gather3A_611 : vector<16xf32>
      %broadcast_in_dim3A_613 = vector.shape_cast %xor3A_59 : vector<16xi32> to vector<16x1xi32>
      %gather3A_614 = vector.shape_cast %broadcast_in_dim3A_613 : vector<16x1xi32> to vector<16xi32>
      %gather3A_615 = tpu.dynamic_gather %add3A_612[%gather3A_614] in [0] : vector<16xf32>, vector<16xi32> -> vector<16xf32>
      %add3A_616 = arith.addf %add3A_612, %gather3A_615 : vector<16xf32>
      %broadcast_in_dim3A_617 = vector.shape_cast %xor3A_62 : vector<16xi32> to vector<16x1xi32>
      %gather3A_618 = vector.shape_cast %broadcast_in_dim3A_617 : vector<16x1xi32> to vector<16xi32>
      %gather3A_619 = tpu.dynamic_gather %add3A_616[%gather3A_618] in [0] : vector<16xf32>, vector<16xi32> -> vector<16xf32>
      %add3A_620 = arith.addf %add3A_616, %gather3A_619 : vector<16xf32>
      %select_n3A_621 = arith.select %eq3A_27, %add3A_620, %select_n3A_559 : vector<16xi1>, vector<16xf32>
      %add3A_622 = arith.constant 8 : i32
      %add3A_623 = arith.addi %mul3A_127, %add3A_622 : i32
      %get3A_624 = arith.index_cast %add3A_623 : i32 to index
      %get3A_625 = arith.constant 0 : index
      %get3A_626 = tpu.vector_load %arg8[%get3A_624, %get3A_625] {strides = array<i32>} : memref<256x64xf32, #tpu.memory_space<vmem>>, vector<1x16xf32>,
      %get3A_627 = vector.shape_cast %get3A_626 : vector<1x16xf32> to vector<16xf32>
      %get3A_628 = arith.index_cast %add3A_623 : i32 to index
      %get3A_629 = arith.constant 0 : index
      %get3A_630 = tpu.vector_load %arg7[%get3A_628, %get3A_629] {strides = array<i32>} : memref<256x64xf32, #tpu.memory_space<vmem>>, vector<1x16xf32>,
      %get3A_631 = vector.shape_cast %get3A_630 : vector<1x16xf32> to vector<16xf32>
      %sub3A_632 = arith.subf %get3A_627, %get3A_631 : vector<16xf32>
      %mul3A_633 = arith.mulf %sub3A_632, %sub3A_632 : vector<16xf32>
      %get3A_634 = arith.index_cast %add3A_623 : i32 to index
      %get3A_635 = arith.constant 16 : index
      %get3A_636 = tpu.vector_load %arg8[%get3A_634, %get3A_635] {strides = array<i32>} : memref<256x64xf32, #tpu.memory_space<vmem>>, vector<1x16xf32>,
      %get3A_637 = vector.shape_cast %get3A_636 : vector<1x16xf32> to vector<16xf32>
      %get3A_638 = arith.index_cast %add3A_623 : i32 to index
      %get3A_639 = arith.constant 16 : index
      %get3A_640 = tpu.vector_load %arg7[%get3A_638, %get3A_639] {strides = array<i32>} : memref<256x64xf32, #tpu.memory_space<vmem>>, vector<1x16xf32>,
      %get3A_641 = vector.shape_cast %get3A_640 : vector<1x16xf32> to vector<16xf32>
      %sub3A_642 = arith.subf %get3A_637, %get3A_641 : vector<16xf32>
      %mul3A_643 = arith.mulf %sub3A_642, %sub3A_642 : vector<16xf32>
      %get3A_644 = arith.index_cast %add3A_623 : i32 to index
      %get3A_645 = arith.constant 32 : index
      %get3A_646 = tpu.vector_load %arg8[%get3A_644, %get3A_645] {strides = array<i32>} : memref<256x64xf32, #tpu.memory_space<vmem>>, vector<1x16xf32>,
      %get3A_647 = vector.shape_cast %get3A_646 : vector<1x16xf32> to vector<16xf32>
      %get3A_648 = arith.index_cast %add3A_623 : i32 to index
      %get3A_649 = arith.constant 32 : index
      %get3A_650 = tpu.vector_load %arg7[%get3A_648, %get3A_649] {strides = array<i32>} : memref<256x64xf32, #tpu.memory_space<vmem>>, vector<1x16xf32>,
      %get3A_651 = vector.shape_cast %get3A_650 : vector<1x16xf32> to vector<16xf32>
      %sub3A_652 = arith.subf %get3A_647, %get3A_651 : vector<16xf32>
      %mul3A_653 = arith.mulf %sub3A_652, %sub3A_652 : vector<16xf32>
      %get3A_654 = arith.index_cast %add3A_623 : i32 to index
      %get3A_655 = arith.constant 48 : index
      %get3A_656 = tpu.vector_load %arg8[%get3A_654, %get3A_655] {strides = array<i32>} : memref<256x64xf32, #tpu.memory_space<vmem>>, vector<1x16xf32>,
      %get3A_657 = vector.shape_cast %get3A_656 : vector<1x16xf32> to vector<16xf32>
      %get3A_658 = arith.index_cast %add3A_623 : i32 to index
      %get3A_659 = arith.constant 48 : index
      %get3A_660 = tpu.vector_load %arg7[%get3A_658, %get3A_659] {strides = array<i32>} : memref<256x64xf32, #tpu.memory_space<vmem>>, vector<1x16xf32>,
      %get3A_661 = vector.shape_cast %get3A_660 : vector<1x16xf32> to vector<16xf32>
      %sub3A_662 = arith.subf %get3A_657, %get3A_661 : vector<16xf32>
      %mul3A_663 = arith.mulf %sub3A_662, %sub3A_662 : vector<16xf32>
      %add3A_664 = arith.addf %mul3A_633, %mul3A_643 : vector<16xf32>
      %add3A_665 = arith.addf %mul3A_653, %mul3A_663 : vector<16xf32>
      %add3A_666 = arith.addf %add3A_664, %add3A_665 : vector<16xf32>
      %broadcast_in_dim3A_667 = vector.shape_cast %xor3A_53 : vector<16xi32> to vector<16x1xi32>
      %gather3A_668 = vector.shape_cast %broadcast_in_dim3A_667 : vector<16x1xi32> to vector<16xi32>
      %gather3A_669 = tpu.dynamic_gather %add3A_666[%gather3A_668] in [0] : vector<16xf32>, vector<16xi32> -> vector<16xf32>
      %add3A_670 = arith.addf %add3A_666, %gather3A_669 : vector<16xf32>
      %broadcast_in_dim3A_671 = vector.shape_cast %xor3A_56 : vector<16xi32> to vector<16x1xi32>
      %gather3A_672 = vector.shape_cast %broadcast_in_dim3A_671 : vector<16x1xi32> to vector<16xi32>
      %gather3A_673 = tpu.dynamic_gather %add3A_670[%gather3A_672] in [0] : vector<16xf32>, vector<16xi32> -> vector<16xf32>
      %add3A_674 = arith.addf %add3A_670, %gather3A_673 : vector<16xf32>
      %broadcast_in_dim3A_675 = vector.shape_cast %xor3A_59 : vector<16xi32> to vector<16x1xi32>
      %gather3A_676 = vector.shape_cast %broadcast_in_dim3A_675 : vector<16x1xi32> to vector<16xi32>
      %gather3A_677 = tpu.dynamic_gather %add3A_674[%gather3A_676] in [0] : vector<16xf32>, vector<16xi32> -> vector<16xf32>
      %add3A_678 = arith.addf %add3A_674, %gather3A_677 : vector<16xf32>
      %broadcast_in_dim3A_679 = vector.shape_cast %xor3A_62 : vector<16xi32> to vector<16x1xi32>
      %gather3A_680 = vector.shape_cast %broadcast_in_dim3A_679 : vector<16x1xi32> to vector<16xi32>
      %gather3A_681 = tpu.dynamic_gather %add3A_678[%gather3A_680] in [0] : vector<16xf32>, vector<16xi32> -> vector<16xf32>
      %add3A_682 = arith.addf %add3A_678, %gather3A_681 : vector<16xf32>
      %select_n3A_683 = arith.select %eq3A_30, %add3A_682, %select_n3A_621 : vector<16xi1>, vector<16xf32>
      %add3A_684 = arith.constant 9 : i32
      %add3A_685 = arith.addi %mul3A_127, %add3A_684 : i32
      %get3A_686 = arith.index_cast %add3A_685 : i32 to index
      %get3A_687 = arith.constant 0 : index
      %get3A_688 = tpu.vector_load %arg8[%get3A_686, %get3A_687] {strides = array<i32>} : memref<256x64xf32, #tpu.memory_space<vmem>>, vector<1x16xf32>,
      %get3A_689 = vector.shape_cast %get3A_688 : vector<1x16xf32> to vector<16xf32>
      %get3A_690 = arith.index_cast %add3A_685 : i32 to index
      %get3A_691 = arith.constant 0 : index
      %get3A_692 = tpu.vector_load %arg7[%get3A_690, %get3A_691] {strides = array<i32>} : memref<256x64xf32, #tpu.memory_space<vmem>>, vector<1x16xf32>,
      %get3A_693 = vector.shape_cast %get3A_692 : vector<1x16xf32> to vector<16xf32>
      %sub3A_694 = arith.subf %get3A_689, %get3A_693 : vector<16xf32>
      %mul3A_695 = arith.mulf %sub3A_694, %sub3A_694 : vector<16xf32>
      %get3A_696 = arith.index_cast %add3A_685 : i32 to index
      %get3A_697 = arith.constant 16 : index
      %get3A_698 = tpu.vector_load %arg8[%get3A_696, %get3A_697] {strides = array<i32>} : memref<256x64xf32, #tpu.memory_space<vmem>>, vector<1x16xf32>,
      %get3A_699 = vector.shape_cast %get3A_698 : vector<1x16xf32> to vector<16xf32>
      %get3A_700 = arith.index_cast %add3A_685 : i32 to index
      %get3A_701 = arith.constant 16 : index
      %get3A_702 = tpu.vector_load %arg7[%get3A_700, %get3A_701] {strides = array<i32>} : memref<256x64xf32, #tpu.memory_space<vmem>>, vector<1x16xf32>,
      %get3A_703 = vector.shape_cast %get3A_702 : vector<1x16xf32> to vector<16xf32>
      %sub3A_704 = arith.subf %get3A_699, %get3A_703 : vector<16xf32>
      %mul3A_705 = arith.mulf %sub3A_704, %sub3A_704 : vector<16xf32>
      %get3A_706 = arith.index_cast %add3A_685 : i32 to index
      %get3A_707 = arith.constant 32 : index
      %get3A_708 = tpu.vector_load %arg8[%get3A_706, %get3A_707] {strides = array<i32>} : memref<256x64xf32, #tpu.memory_space<vmem>>, vector<1x16xf32>,
      %get3A_709 = vector.shape_cast %get3A_708 : vector<1x16xf32> to vector<16xf32>
      %get3A_710 = arith.index_cast %add3A_685 : i32 to index
      %get3A_711 = arith.constant 32 : index
      %get3A_712 = tpu.vector_load %arg7[%get3A_710, %get3A_711] {strides = array<i32>} : memref<256x64xf32, #tpu.memory_space<vmem>>, vector<1x16xf32>,
      %get3A_713 = vector.shape_cast %get3A_712 : vector<1x16xf32> to vector<16xf32>
      %sub3A_714 = arith.subf %get3A_709, %get3A_713 : vector<16xf32>
      %mul3A_715 = arith.mulf %sub3A_714, %sub3A_714 : vector<16xf32>
      %get3A_716 = arith.index_cast %add3A_685 : i32 to index
      %get3A_717 = arith.constant 48 : index
      %get3A_718 = tpu.vector_load %arg8[%get3A_716, %get3A_717] {strides = array<i32>} : memref<256x64xf32, #tpu.memory_space<vmem>>, vector<1x16xf32>,
      %get3A_719 = vector.shape_cast %get3A_718 : vector<1x16xf32> to vector<16xf32>
      %get3A_720 = arith.index_cast %add3A_685 : i32 to index
      %get3A_721 = arith.constant 48 : index
      %get3A_722 = tpu.vector_load %arg7[%get3A_720, %get3A_721] {strides = array<i32>} : memref<256x64xf32, #tpu.memory_space<vmem>>, vector<1x16xf32>,
      %get3A_723 = vector.shape_cast %get3A_722 : vector<1x16xf32> to vector<16xf32>
      %sub3A_724 = arith.subf %get3A_719, %get3A_723 : vector<16xf32>
      %mul3A_725 = arith.mulf %sub3A_724, %sub3A_724 : vector<16xf32>
      %add3A_726 = arith.addf %mul3A_695, %mul3A_705 : vector<16xf32>
      %add3A_727 = arith.addf %mul3A_715, %mul3A_725 : vector<16xf32>
      %add3A_728 = arith.addf %add3A_726, %add3A_727 : vector<16xf32>
      %broadcast_in_dim3A_729 = vector.shape_cast %xor3A_53 : vector<16xi32> to vector<16x1xi32>
      %gather3A_730 = vector.shape_cast %broadcast_in_dim3A_729 : vector<16x1xi32> to vector<16xi32>
      %gather3A_731 = tpu.dynamic_gather %add3A_728[%gather3A_730] in [0] : vector<16xf32>, vector<16xi32> -> vector<16xf32>
      %add3A_732 = arith.addf %add3A_728, %gather3A_731 : vector<16xf32>
      %broadcast_in_dim3A_733 = vector.shape_cast %xor3A_56 : vector<16xi32> to vector<16x1xi32>
      %gather3A_734 = vector.shape_cast %broadcast_in_dim3A_733 : vector<16x1xi32> to vector<16xi32>
      %gather3A_735 = tpu.dynamic_gather %add3A_732[%gather3A_734] in [0] : vector<16xf32>, vector<16xi32> -> vector<16xf32>
      %add3A_736 = arith.addf %add3A_732, %gather3A_735 : vector<16xf32>
      %broadcast_in_dim3A_737 = vector.shape_cast %xor3A_59 : vector<16xi32> to vector<16x1xi32>
      %gather3A_738 = vector.shape_cast %broadcast_in_dim3A_737 : vector<16x1xi32> to vector<16xi32>
      %gather3A_739 = tpu.dynamic_gather %add3A_736[%gather3A_738] in [0] : vector<16xf32>, vector<16xi32> -> vector<16xf32>
      %add3A_740 = arith.addf %add3A_736, %gather3A_739 : vector<16xf32>
      %broadcast_in_dim3A_741 = vector.shape_cast %xor3A_62 : vector<16xi32> to vector<16x1xi32>
      %gather3A_742 = vector.shape_cast %broadcast_in_dim3A_741 : vector<16x1xi32> to vector<16xi32>
      %gather3A_743 = tpu.dynamic_gather %add3A_740[%gather3A_742] in [0] : vector<16xf32>, vector<16xi32> -> vector<16xf32>
      %add3A_744 = arith.addf %add3A_740, %gather3A_743 : vector<16xf32>
      %select_n3A_745 = arith.select %eq3A_33, %add3A_744, %select_n3A_683 : vector<16xi1>, vector<16xf32>
      %add3A_746 = arith.constant 10 : i32
      %add3A_747 = arith.addi %mul3A_127, %add3A_746 : i32
      %get3A_748 = arith.index_cast %add3A_747 : i32 to index
      %get3A_749 = arith.constant 0 : index
      %get3A_750 = tpu.vector_load %arg8[%get3A_748, %get3A_749] {strides = array<i32>} : memref<256x64xf32, #tpu.memory_space<vmem>>, vector<1x16xf32>,
      %get3A_751 = vector.shape_cast %get3A_750 : vector<1x16xf32> to vector<16xf32>
      %get3A_752 = arith.index_cast %add3A_747 : i32 to index
      %get3A_753 = arith.constant 0 : index
      %get3A_754 = tpu.vector_load %arg7[%get3A_752, %get3A_753] {strides = array<i32>} : memref<256x64xf32, #tpu.memory_space<vmem>>, vector<1x16xf32>,
      %get3A_755 = vector.shape_cast %get3A_754 : vector<1x16xf32> to vector<16xf32>
      %sub3A_756 = arith.subf %get3A_751, %get3A_755 : vector<16xf32>
      %mul3A_757 = arith.mulf %sub3A_756, %sub3A_756 : vector<16xf32>
      %get3A_758 = arith.index_cast %add3A_747 : i32 to index
      %get3A_759 = arith.constant 16 : index
      %get3A_760 = tpu.vector_load %arg8[%get3A_758, %get3A_759] {strides = array<i32>} : memref<256x64xf32, #tpu.memory_space<vmem>>, vector<1x16xf32>,
      %get3A_761 = vector.shape_cast %get3A_760 : vector<1x16xf32> to vector<16xf32>
      %get3A_762 = arith.index_cast %add3A_747 : i32 to index
      %get3A_763 = arith.constant 16 : index
      %get3A_764 = tpu.vector_load %arg7[%get3A_762, %get3A_763] {strides = array<i32>} : memref<256x64xf32, #tpu.memory_space<vmem>>, vector<1x16xf32>,
      %get3A_765 = vector.shape_cast %get3A_764 : vector<1x16xf32> to vector<16xf32>
      %sub3A_766 = arith.subf %get3A_761, %get3A_765 : vector<16xf32>
      %mul3A_767 = arith.mulf %sub3A_766, %sub3A_766 : vector<16xf32>
      %get3A_768 = arith.index_cast %add3A_747 : i32 to index
      %get3A_769 = arith.constant 32 : index
      %get3A_770 = tpu.vector_load %arg8[%get3A_768, %get3A_769] {strides = array<i32>} : memref<256x64xf32, #tpu.memory_space<vmem>>, vector<1x16xf32>,
      %get3A_771 = vector.shape_cast %get3A_770 : vector<1x16xf32> to vector<16xf32>
      %get3A_772 = arith.index_cast %add3A_747 : i32 to index
      %get3A_773 = arith.constant 32 : index
      %get3A_774 = tpu.vector_load %arg7[%get3A_772, %get3A_773] {strides = array<i32>} : memref<256x64xf32, #tpu.memory_space<vmem>>, vector<1x16xf32>,
      %get3A_775 = vector.shape_cast %get3A_774 : vector<1x16xf32> to vector<16xf32>
      %sub3A_776 = arith.subf %get3A_771, %get3A_775 : vector<16xf32>
      %mul3A_777 = arith.mulf %sub3A_776, %sub3A_776 : vector<16xf32>
      %get3A_778 = arith.index_cast %add3A_747 : i32 to index
      %get3A_779 = arith.constant 48 : index
      %get3A_780 = tpu.vector_load %arg8[%get3A_778, %get3A_779] {strides = array<i32>} : memref<256x64xf32, #tpu.memory_space<vmem>>, vector<1x16xf32>,
      %get3A_781 = vector.shape_cast %get3A_780 : vector<1x16xf32> to vector<16xf32>
      %get3A_782 = arith.index_cast %add3A_747 : i32 to index
      %get3A_783 = arith.constant 48 : index
      %get3A_784 = tpu.vector_load %arg7[%get3A_782, %get3A_783] {strides = array<i32>} : memref<256x64xf32, #tpu.memory_space<vmem>>, vector<1x16xf32>,
      %get3A_785 = vector.shape_cast %get3A_784 : vector<1x16xf32> to vector<16xf32>
      %sub3A_786 = arith.subf %get3A_781, %get3A_785 : vector<16xf32>
      %mul3A_787 = arith.mulf %sub3A_786, %sub3A_786 : vector<16xf32>
      %add3A_788 = arith.addf %mul3A_757, %mul3A_767 : vector<16xf32>
      %add3A_789 = arith.addf %mul3A_777, %mul3A_787 : vector<16xf32>
      %add3A_790 = arith.addf %add3A_788, %add3A_789 : vector<16xf32>
      %broadcast_in_dim3A_791 = vector.shape_cast %xor3A_53 : vector<16xi32> to vector<16x1xi32>
      %gather3A_792 = vector.shape_cast %broadcast_in_dim3A_791 : vector<16x1xi32> to vector<16xi32>
      %gather3A_793 = tpu.dynamic_gather %add3A_790[%gather3A_792] in [0] : vector<16xf32>, vector<16xi32> -> vector<16xf32>
      %add3A_794 = arith.addf %add3A_790, %gather3A_793 : vector<16xf32>
      %broadcast_in_dim3A_795 = vector.shape_cast %xor3A_56 : vector<16xi32> to vector<16x1xi32>
      %gather3A_796 = vector.shape_cast %broadcast_in_dim3A_795 : vector<16x1xi32> to vector<16xi32>
      %gather3A_797 = tpu.dynamic_gather %add3A_794[%gather3A_796] in [0] : vector<16xf32>, vector<16xi32> -> vector<16xf32>
      %add3A_798 = arith.addf %add3A_794, %gather3A_797 : vector<16xf32>
      %broadcast_in_dim3A_799 = vector.shape_cast %xor3A_59 : vector<16xi32> to vector<16x1xi32>
      %gather3A_800 = vector.shape_cast %broadcast_in_dim3A_799 : vector<16x1xi32> to vector<16xi32>
      %gather3A_801 = tpu.dynamic_gather %add3A_798[%gather3A_800] in [0] : vector<16xf32>, vector<16xi32> -> vector<16xf32>
      %add3A_802 = arith.addf %add3A_798, %gather3A_801 : vector<16xf32>
      %broadcast_in_dim3A_803 = vector.shape_cast %xor3A_62 : vector<16xi32> to vector<16x1xi32>
      %gather3A_804 = vector.shape_cast %broadcast_in_dim3A_803 : vector<16x1xi32> to vector<16xi32>
      %gather3A_805 = tpu.dynamic_gather %add3A_802[%gather3A_804] in [0] : vector<16xf32>, vector<16xi32> -> vector<16xf32>
      %add3A_806 = arith.addf %add3A_802, %gather3A_805 : vector<16xf32>
      %select_n3A_807 = arith.select %eq3A_36, %add3A_806, %select_n3A_745 : vector<16xi1>, vector<16xf32>
      %add3A_808 = arith.constant 11 : i32
      %add3A_809 = arith.addi %mul3A_127, %add3A_808 : i32
      %get3A_810 = arith.index_cast %add3A_809 : i32 to index
      %get3A_811 = arith.constant 0 : index
      %get3A_812 = tpu.vector_load %arg8[%get3A_810, %get3A_811] {strides = array<i32>} : memref<256x64xf32, #tpu.memory_space<vmem>>, vector<1x16xf32>,
      %get3A_813 = vector.shape_cast %get3A_812 : vector<1x16xf32> to vector<16xf32>
      %get3A_814 = arith.index_cast %add3A_809 : i32 to index
      %get3A_815 = arith.constant 0 : index
      %get3A_816 = tpu.vector_load %arg7[%get3A_814, %get3A_815] {strides = array<i32>} : memref<256x64xf32, #tpu.memory_space<vmem>>, vector<1x16xf32>,
      %get3A_817 = vector.shape_cast %get3A_816 : vector<1x16xf32> to vector<16xf32>
      %sub3A_818 = arith.subf %get3A_813, %get3A_817 : vector<16xf32>
      %mul3A_819 = arith.mulf %sub3A_818, %sub3A_818 : vector<16xf32>
      %get3A_820 = arith.index_cast %add3A_809 : i32 to index
      %get3A_821 = arith.constant 16 : index
      %get3A_822 = tpu.vector_load %arg8[%get3A_820, %get3A_821] {strides = array<i32>} : memref<256x64xf32, #tpu.memory_space<vmem>>, vector<1x16xf32>,
      %get3A_823 = vector.shape_cast %get3A_822 : vector<1x16xf32> to vector<16xf32>
      %get3A_824 = arith.index_cast %add3A_809 : i32 to index
      %get3A_825 = arith.constant 16 : index
      %get3A_826 = tpu.vector_load %arg7[%get3A_824, %get3A_825] {strides = array<i32>} : memref<256x64xf32, #tpu.memory_space<vmem>>, vector<1x16xf32>,
      %get3A_827 = vector.shape_cast %get3A_826 : vector<1x16xf32> to vector<16xf32>
      %sub3A_828 = arith.subf %get3A_823, %get3A_827 : vector<16xf32>
      %mul3A_829 = arith.mulf %sub3A_828, %sub3A_828 : vector<16xf32>
      %get3A_830 = arith.index_cast %add3A_809 : i32 to index
      %get3A_831 = arith.constant 32 : index
      %get3A_832 = tpu.vector_load %arg8[%get3A_830, %get3A_831] {strides = array<i32>} : memref<256x64xf32, #tpu.memory_space<vmem>>, vector<1x16xf32>,
      %get3A_833 = vector.shape_cast %get3A_832 : vector<1x16xf32> to vector<16xf32>
      %get3A_834 = arith.index_cast %add3A_809 : i32 to index
      %get3A_835 = arith.constant 32 : index
      %get3A_836 = tpu.vector_load %arg7[%get3A_834, %get3A_835] {strides = array<i32>} : memref<256x64xf32, #tpu.memory_space<vmem>>, vector<1x16xf32>,
      %get3A_837 = vector.shape_cast %get3A_836 : vector<1x16xf32> to vector<16xf32>
      %sub3A_838 = arith.subf %get3A_833, %get3A_837 : vector<16xf32>
      %mul3A_839 = arith.mulf %sub3A_838, %sub3A_838 : vector<16xf32>
      %get3A_840 = arith.index_cast %add3A_809 : i32 to index
      %get3A_841 = arith.constant 48 : index
      %get3A_842 = tpu.vector_load %arg8[%get3A_840, %get3A_841] {strides = array<i32>} : memref<256x64xf32, #tpu.memory_space<vmem>>, vector<1x16xf32>,
      %get3A_843 = vector.shape_cast %get3A_842 : vector<1x16xf32> to vector<16xf32>
      %get3A_844 = arith.index_cast %add3A_809 : i32 to index
      %get3A_845 = arith.constant 48 : index
      %get3A_846 = tpu.vector_load %arg7[%get3A_844, %get3A_845] {strides = array<i32>} : memref<256x64xf32, #tpu.memory_space<vmem>>, vector<1x16xf32>,
      %get3A_847 = vector.shape_cast %get3A_846 : vector<1x16xf32> to vector<16xf32>
      %sub3A_848 = arith.subf %get3A_843, %get3A_847 : vector<16xf32>
      %mul3A_849 = arith.mulf %sub3A_848, %sub3A_848 : vector<16xf32>
      %add3A_850 = arith.addf %mul3A_819, %mul3A_829 : vector<16xf32>
      %add3A_851 = arith.addf %mul3A_839, %mul3A_849 : vector<16xf32>
      %add3A_852 = arith.addf %add3A_850, %add3A_851 : vector<16xf32>
      %broadcast_in_dim3A_853 = vector.shape_cast %xor3A_53 : vector<16xi32> to vector<16x1xi32>
      %gather3A_854 = vector.shape_cast %broadcast_in_dim3A_853 : vector<16x1xi32> to vector<16xi32>
      %gather3A_855 = tpu.dynamic_gather %add3A_852[%gather3A_854] in [0] : vector<16xf32>, vector<16xi32> -> vector<16xf32>
      %add3A_856 = arith.addf %add3A_852, %gather3A_855 : vector<16xf32>
      %broadcast_in_dim3A_857 = vector.shape_cast %xor3A_56 : vector<16xi32> to vector<16x1xi32>
      %gather3A_858 = vector.shape_cast %broadcast_in_dim3A_857 : vector<16x1xi32> to vector<16xi32>
      %gather3A_859 = tpu.dynamic_gather %add3A_856[%gather3A_858] in [0] : vector<16xf32>, vector<16xi32> -> vector<16xf32>
      %add3A_860 = arith.addf %add3A_856, %gather3A_859 : vector<16xf32>
      %broadcast_in_dim3A_861 = vector.shape_cast %xor3A_59 : vector<16xi32> to vector<16x1xi32>
      %gather3A_862 = vector.shape_cast %broadcast_in_dim3A_861 : vector<16x1xi32> to vector<16xi32>
      %gather3A_863 = tpu.dynamic_gather %add3A_860[%gather3A_862] in [0] : vector<16xf32>, vector<16xi32> -> vector<16xf32>
      %add3A_864 = arith.addf %add3A_860, %gather3A_863 : vector<16xf32>
      %broadcast_in_dim3A_865 = vector.shape_cast %xor3A_62 : vector<16xi32> to vector<16x1xi32>
      %gather3A_866 = vector.shape_cast %broadcast_in_dim3A_865 : vector<16x1xi32> to vector<16xi32>
      %gather3A_867 = tpu.dynamic_gather %add3A_864[%gather3A_866] in [0] : vector<16xf32>, vector<16xi32> -> vector<16xf32>
      %add3A_868 = arith.addf %add3A_864, %gather3A_867 : vector<16xf32>
      %select_n3A_869 = arith.select %eq3A_39, %add3A_868, %select_n3A_807 : vector<16xi1>, vector<16xf32>
      %add3A_870 = arith.constant 12 : i32
      %add3A_871 = arith.addi %mul3A_127, %add3A_870 : i32
      %get3A_872 = arith.index_cast %add3A_871 : i32 to index
      %get3A_873 = arith.constant 0 : index
      %get3A_874 = tpu.vector_load %arg8[%get3A_872, %get3A_873] {strides = array<i32>} : memref<256x64xf32, #tpu.memory_space<vmem>>, vector<1x16xf32>,
      %get3A_875 = vector.shape_cast %get3A_874 : vector<1x16xf32> to vector<16xf32>
      %get3A_876 = arith.index_cast %add3A_871 : i32 to index
      %get3A_877 = arith.constant 0 : index
      %get3A_878 = tpu.vector_load %arg7[%get3A_876, %get3A_877] {strides = array<i32>} : memref<256x64xf32, #tpu.memory_space<vmem>>, vector<1x16xf32>,
      %get3A_879 = vector.shape_cast %get3A_878 : vector<1x16xf32> to vector<16xf32>
      %sub3A_880 = arith.subf %get3A_875, %get3A_879 : vector<16xf32>
      %mul3A_881 = arith.mulf %sub3A_880, %sub3A_880 : vector<16xf32>
      %get3A_882 = arith.index_cast %add3A_871 : i32 to index
      %get3A_883 = arith.constant 16 : index
      %get3A_884 = tpu.vector_load %arg8[%get3A_882, %get3A_883] {strides = array<i32>} : memref<256x64xf32, #tpu.memory_space<vmem>>, vector<1x16xf32>,
      %get3A_885 = vector.shape_cast %get3A_884 : vector<1x16xf32> to vector<16xf32>
      %get3A_886 = arith.index_cast %add3A_871 : i32 to index
      %get3A_887 = arith.constant 16 : index
      %get3A_888 = tpu.vector_load %arg7[%get3A_886, %get3A_887] {strides = array<i32>} : memref<256x64xf32, #tpu.memory_space<vmem>>, vector<1x16xf32>,
      %get3A_889 = vector.shape_cast %get3A_888 : vector<1x16xf32> to vector<16xf32>
      %sub3A_890 = arith.subf %get3A_885, %get3A_889 : vector<16xf32>
      %mul3A_891 = arith.mulf %sub3A_890, %sub3A_890 : vector<16xf32>
      %get3A_892 = arith.index_cast %add3A_871 : i32 to index
      %get3A_893 = arith.constant 32 : index
      %get3A_894 = tpu.vector_load %arg8[%get3A_892, %get3A_893] {strides = array<i32>} : memref<256x64xf32, #tpu.memory_space<vmem>>, vector<1x16xf32>,
      %get3A_895 = vector.shape_cast %get3A_894 : vector<1x16xf32> to vector<16xf32>
      %get3A_896 = arith.index_cast %add3A_871 : i32 to index
      %get3A_897 = arith.constant 32 : index
      %get3A_898 = tpu.vector_load %arg7[%get3A_896, %get3A_897] {strides = array<i32>} : memref<256x64xf32, #tpu.memory_space<vmem>>, vector<1x16xf32>,
      %get3A_899 = vector.shape_cast %get3A_898 : vector<1x16xf32> to vector<16xf32>
      %sub3A_900 = arith.subf %get3A_895, %get3A_899 : vector<16xf32>
      %mul3A_901 = arith.mulf %sub3A_900, %sub3A_900 : vector<16xf32>
      %get3A_902 = arith.index_cast %add3A_871 : i32 to index
      %get3A_903 = arith.constant 48 : index
      %get3A_904 = tpu.vector_load %arg8[%get3A_902, %get3A_903] {strides = array<i32>} : memref<256x64xf32, #tpu.memory_space<vmem>>, vector<1x16xf32>,
      %get3A_905 = vector.shape_cast %get3A_904 : vector<1x16xf32> to vector<16xf32>
      %get3A_906 = arith.index_cast %add3A_871 : i32 to index
      %get3A_907 = arith.constant 48 : index
      %get3A_908 = tpu.vector_load %arg7[%get3A_906, %get3A_907] {strides = array<i32>} : memref<256x64xf32, #tpu.memory_space<vmem>>, vector<1x16xf32>,
      %get3A_909 = vector.shape_cast %get3A_908 : vector<1x16xf32> to vector<16xf32>
      %sub3A_910 = arith.subf %get3A_905, %get3A_909 : vector<16xf32>
      %mul3A_911 = arith.mulf %sub3A_910, %sub3A_910 : vector<16xf32>
      %add3A_912 = arith.addf %mul3A_881, %mul3A_891 : vector<16xf32>
      %add3A_913 = arith.addf %mul3A_901, %mul3A_911 : vector<16xf32>
      %add3A_914 = arith.addf %add3A_912, %add3A_913 : vector<16xf32>
      %broadcast_in_dim3A_915 = vector.shape_cast %xor3A_53 : vector<16xi32> to vector<16x1xi32>
      %gather3A_916 = vector.shape_cast %broadcast_in_dim3A_915 : vector<16x1xi32> to vector<16xi32>
      %gather3A_917 = tpu.dynamic_gather %add3A_914[%gather3A_916] in [0] : vector<16xf32>, vector<16xi32> -> vector<16xf32>
      %add3A_918 = arith.addf %add3A_914, %gather3A_917 : vector<16xf32>
      %broadcast_in_dim3A_919 = vector.shape_cast %xor3A_56 : vector<16xi32> to vector<16x1xi32>
      %gather3A_920 = vector.shape_cast %broadcast_in_dim3A_919 : vector<16x1xi32> to vector<16xi32>
      %gather3A_921 = tpu.dynamic_gather %add3A_918[%gather3A_920] in [0] : vector<16xf32>, vector<16xi32> -> vector<16xf32>
      %add3A_922 = arith.addf %add3A_918, %gather3A_921 : vector<16xf32>
      %broadcast_in_dim3A_923 = vector.shape_cast %xor3A_59 : vector<16xi32> to vector<16x1xi32>
      %gather3A_924 = vector.shape_cast %broadcast_in_dim3A_923 : vector<16x1xi32> to vector<16xi32>
      %gather3A_925 = tpu.dynamic_gather %add3A_922[%gather3A_924] in [0] : vector<16xf32>, vector<16xi32> -> vector<16xf32>
      %add3A_926 = arith.addf %add3A_922, %gather3A_925 : vector<16xf32>
      %broadcast_in_dim3A_927 = vector.shape_cast %xor3A_62 : vector<16xi32> to vector<16x1xi32>
      %gather3A_928 = vector.shape_cast %broadcast_in_dim3A_927 : vector<16x1xi32> to vector<16xi32>
      %gather3A_929 = tpu.dynamic_gather %add3A_926[%gather3A_928] in [0] : vector<16xf32>, vector<16xi32> -> vector<16xf32>
      %add3A_930 = arith.addf %add3A_926, %gather3A_929 : vector<16xf32>
      %select_n3A_931 = arith.select %eq3A_42, %add3A_930, %select_n3A_869 : vector<16xi1>, vector<16xf32>
      %add3A_932 = arith.constant 13 : i32
      %add3A_933 = arith.addi %mul3A_127, %add3A_932 : i32
      %get3A_934 = arith.index_cast %add3A_933 : i32 to index
      %get3A_935 = arith.constant 0 : index
      %get3A_936 = tpu.vector_load %arg8[%get3A_934, %get3A_935] {strides = array<i32>} : memref<256x64xf32, #tpu.memory_space<vmem>>, vector<1x16xf32>,
      %get3A_937 = vector.shape_cast %get3A_936 : vector<1x16xf32> to vector<16xf32>
      %get3A_938 = arith.index_cast %add3A_933 : i32 to index
      %get3A_939 = arith.constant 0 : index
      %get3A_940 = tpu.vector_load %arg7[%get3A_938, %get3A_939] {strides = array<i32>} : memref<256x64xf32, #tpu.memory_space<vmem>>, vector<1x16xf32>,
      %get3A_941 = vector.shape_cast %get3A_940 : vector<1x16xf32> to vector<16xf32>
      %sub3A_942 = arith.subf %get3A_937, %get3A_941 : vector<16xf32>
      %mul3A_943 = arith.mulf %sub3A_942, %sub3A_942 : vector<16xf32>
      %get3A_944 = arith.index_cast %add3A_933 : i32 to index
      %get3A_945 = arith.constant 16 : index
      %get3A_946 = tpu.vector_load %arg8[%get3A_944, %get3A_945] {strides = array<i32>} : memref<256x64xf32, #tpu.memory_space<vmem>>, vector<1x16xf32>,
      %get3A_947 = vector.shape_cast %get3A_946 : vector<1x16xf32> to vector<16xf32>
      %get3A_948 = arith.index_cast %add3A_933 : i32 to index
      %get3A_949 = arith.constant 16 : index
      %get3A_950 = tpu.vector_load %arg7[%get3A_948, %get3A_949] {strides = array<i32>} : memref<256x64xf32, #tpu.memory_space<vmem>>, vector<1x16xf32>,
      %get3A_951 = vector.shape_cast %get3A_950 : vector<1x16xf32> to vector<16xf32>
      %sub3A_952 = arith.subf %get3A_947, %get3A_951 : vector<16xf32>
      %mul3A_953 = arith.mulf %sub3A_952, %sub3A_952 : vector<16xf32>
      %get3A_954 = arith.index_cast %add3A_933 : i32 to index
      %get3A_955 = arith.constant 32 : index
      %get3A_956 = tpu.vector_load %arg8[%get3A_954, %get3A_955] {strides = array<i32>} : memref<256x64xf32, #tpu.memory_space<vmem>>, vector<1x16xf32>,
      %get3A_957 = vector.shape_cast %get3A_956 : vector<1x16xf32> to vector<16xf32>
      %get3A_958 = arith.index_cast %add3A_933 : i32 to index
      %get3A_959 = arith.constant 32 : index
      %get3A_960 = tpu.vector_load %arg7[%get3A_958, %get3A_959] {strides = array<i32>} : memref<256x64xf32, #tpu.memory_space<vmem>>, vector<1x16xf32>,
      %get3A_961 = vector.shape_cast %get3A_960 : vector<1x16xf32> to vector<16xf32>
      %sub3A_962 = arith.subf %get3A_957, %get3A_961 : vector<16xf32>
      %mul3A_963 = arith.mulf %sub3A_962, %sub3A_962 : vector<16xf32>
      %get3A_964 = arith.index_cast %add3A_933 : i32 to index
      %get3A_965 = arith.constant 48 : index
      %get3A_966 = tpu.vector_load %arg8[%get3A_964, %get3A_965] {strides = array<i32>} : memref<256x64xf32, #tpu.memory_space<vmem>>, vector<1x16xf32>,
      %get3A_967 = vector.shape_cast %get3A_966 : vector<1x16xf32> to vector<16xf32>
      %get3A_968 = arith.index_cast %add3A_933 : i32 to index
      %get3A_969 = arith.constant 48 : index
      %get3A_970 = tpu.vector_load %arg7[%get3A_968, %get3A_969] {strides = array<i32>} : memref<256x64xf32, #tpu.memory_space<vmem>>, vector<1x16xf32>,
      %get3A_971 = vector.shape_cast %get3A_970 : vector<1x16xf32> to vector<16xf32>
      %sub3A_972 = arith.subf %get3A_967, %get3A_971 : vector<16xf32>
      %mul3A_973 = arith.mulf %sub3A_972, %sub3A_972 : vector<16xf32>
      %add3A_974 = arith.addf %mul3A_943, %mul3A_953 : vector<16xf32>
      %add3A_975 = arith.addf %mul3A_963, %mul3A_973 : vector<16xf32>
      %add3A_976 = arith.addf %add3A_974, %add3A_975 : vector<16xf32>
      %broadcast_in_dim3A_977 = vector.shape_cast %xor3A_53 : vector<16xi32> to vector<16x1xi32>
      %gather3A_978 = vector.shape_cast %broadcast_in_dim3A_977 : vector<16x1xi32> to vector<16xi32>
      %gather3A_979 = tpu.dynamic_gather %add3A_976[%gather3A_978] in [0] : vector<16xf32>, vector<16xi32> -> vector<16xf32>
      %add3A_980 = arith.addf %add3A_976, %gather3A_979 : vector<16xf32>
      %broadcast_in_dim3A_981 = vector.shape_cast %xor3A_56 : vector<16xi32> to vector<16x1xi32>
      %gather3A_982 = vector.shape_cast %broadcast_in_dim3A_981 : vector<16x1xi32> to vector<16xi32>
      %gather3A_983 = tpu.dynamic_gather %add3A_980[%gather3A_982] in [0] : vector<16xf32>, vector<16xi32> -> vector<16xf32>
      %add3A_984 = arith.addf %add3A_980, %gather3A_983 : vector<16xf32>
      %broadcast_in_dim3A_985 = vector.shape_cast %xor3A_59 : vector<16xi32> to vector<16x1xi32>
      %gather3A_986 = vector.shape_cast %broadcast_in_dim3A_985 : vector<16x1xi32> to vector<16xi32>
      %gather3A_987 = tpu.dynamic_gather %add3A_984[%gather3A_986] in [0] : vector<16xf32>, vector<16xi32> -> vector<16xf32>
      %add3A_988 = arith.addf %add3A_984, %gather3A_987 : vector<16xf32>
      %broadcast_in_dim3A_989 = vector.shape_cast %xor3A_62 : vector<16xi32> to vector<16x1xi32>
      %gather3A_990 = vector.shape_cast %broadcast_in_dim3A_989 : vector<16x1xi32> to vector<16xi32>
      %gather3A_991 = tpu.dynamic_gather %add3A_988[%gather3A_990] in [0] : vector<16xf32>, vector<16xi32> -> vector<16xf32>
      %add3A_992 = arith.addf %add3A_988, %gather3A_991 : vector<16xf32>
      %select_n3A_993 = arith.select %eq3A_45, %add3A_992, %select_n3A_931 : vector<16xi1>, vector<16xf32>
      %add3A_994 = arith.constant 14 : i32
      %add3A_995 = arith.addi %mul3A_127, %add3A_994 : i32
      %get3A_996 = arith.index_cast %add3A_995 : i32 to index
      %get3A_997 = arith.constant 0 : index
      %get3A_998 = tpu.vector_load %arg8[%get3A_996, %get3A_997] {strides = array<i32>} : memref<256x64xf32, #tpu.memory_space<vmem>>, vector<1x16xf32>,
      %get3A_999 = vector.shape_cast %get3A_998 : vector<1x16xf32> to vector<16xf32>
      %get3A_1000 = arith.index_cast %add3A_995 : i32 to index
      %get3A_1001 = arith.constant 0 : index
      %get3A_1002 = tpu.vector_load %arg7[%get3A_1000, %get3A_1001] {strides = array<i32>} : memref<256x64xf32, #tpu.memory_space<vmem>>, vector<1x16xf32>,
      %get3A_1003 = vector.shape_cast %get3A_1002 : vector<1x16xf32> to vector<16xf32>
      %sub3A_1004 = arith.subf %get3A_999, %get3A_1003 : vector<16xf32>
      %mul3A_1005 = arith.mulf %sub3A_1004, %sub3A_1004 : vector<16xf32>
      %get3A_1006 = arith.index_cast %add3A_995 : i32 to index
      %get3A_1007 = arith.constant 16 : index
      %get3A_1008 = tpu.vector_load %arg8[%get3A_1006, %get3A_1007] {strides = array<i32>} : memref<256x64xf32, #tpu.memory_space<vmem>>, vector<1x16xf32>,
      %get3A_1009 = vector.shape_cast %get3A_1008 : vector<1x16xf32> to vector<16xf32>
      %get3A_1010 = arith.index_cast %add3A_995 : i32 to index
      %get3A_1011 = arith.constant 16 : index
      %get3A_1012 = tpu.vector_load %arg7[%get3A_1010, %get3A_1011] {strides = array<i32>} : memref<256x64xf32, #tpu.memory_space<vmem>>, vector<1x16xf32>,
      %get3A_1013 = vector.shape_cast %get3A_1012 : vector<1x16xf32> to vector<16xf32>
      %sub3A_1014 = arith.subf %get3A_1009, %get3A_1013 : vector<16xf32>
      %mul3A_1015 = arith.mulf %sub3A_1014, %sub3A_1014 : vector<16xf32>
      %get3A_1016 = arith.index_cast %add3A_995 : i32 to index
      %get3A_1017 = arith.constant 32 : index
      %get3A_1018 = tpu.vector_load %arg8[%get3A_1016, %get3A_1017] {strides = array<i32>} : memref<256x64xf32, #tpu.memory_space<vmem>>, vector<1x16xf32>,
      %get3A_1019 = vector.shape_cast %get3A_1018 : vector<1x16xf32> to vector<16xf32>
      %get3A_1020 = arith.index_cast %add3A_995 : i32 to index
      %get3A_1021 = arith.constant 32 : index
      %get3A_1022 = tpu.vector_load %arg7[%get3A_1020, %get3A_1021] {strides = array<i32>} : memref<256x64xf32, #tpu.memory_space<vmem>>, vector<1x16xf32>,
      %get3A_1023 = vector.shape_cast %get3A_1022 : vector<1x16xf32> to vector<16xf32>
      %sub3A_1024 = arith.subf %get3A_1019, %get3A_1023 : vector<16xf32>
      %mul3A_1025 = arith.mulf %sub3A_1024, %sub3A_1024 : vector<16xf32>
      %get3A_1026 = arith.index_cast %add3A_995 : i32 to index
      %get3A_1027 = arith.constant 48 : index
      %get3A_1028 = tpu.vector_load %arg8[%get3A_1026, %get3A_1027] {strides = array<i32>} : memref<256x64xf32, #tpu.memory_space<vmem>>, vector<1x16xf32>,
      %get3A_1029 = vector.shape_cast %get3A_1028 : vector<1x16xf32> to vector<16xf32>
      %get3A_1030 = arith.index_cast %add3A_995 : i32 to index
      %get3A_1031 = arith.constant 48 : index
      %get3A_1032 = tpu.vector_load %arg7[%get3A_1030, %get3A_1031] {strides = array<i32>} : memref<256x64xf32, #tpu.memory_space<vmem>>, vector<1x16xf32>,
      %get3A_1033 = vector.shape_cast %get3A_1032 : vector<1x16xf32> to vector<16xf32>
      %sub3A_1034 = arith.subf %get3A_1029, %get3A_1033 : vector<16xf32>
      %mul3A_1035 = arith.mulf %sub3A_1034, %sub3A_1034 : vector<16xf32>
      %add3A_1036 = arith.addf %mul3A_1005, %mul3A_1015 : vector<16xf32>
      %add3A_1037 = arith.addf %mul3A_1025, %mul3A_1035 : vector<16xf32>
      %add3A_1038 = arith.addf %add3A_1036, %add3A_1037 : vector<16xf32>
      %broadcast_in_dim3A_1039 = vector.shape_cast %xor3A_53 : vector<16xi32> to vector<16x1xi32>
      %gather3A_1040 = vector.shape_cast %broadcast_in_dim3A_1039 : vector<16x1xi32> to vector<16xi32>
      %gather3A_1041 = tpu.dynamic_gather %add3A_1038[%gather3A_1040] in [0] : vector<16xf32>, vector<16xi32> -> vector<16xf32>
      %add3A_1042 = arith.addf %add3A_1038, %gather3A_1041 : vector<16xf32>
      %broadcast_in_dim3A_1043 = vector.shape_cast %xor3A_56 : vector<16xi32> to vector<16x1xi32>
      %gather3A_1044 = vector.shape_cast %broadcast_in_dim3A_1043 : vector<16x1xi32> to vector<16xi32>
      %gather3A_1045 = tpu.dynamic_gather %add3A_1042[%gather3A_1044] in [0] : vector<16xf32>, vector<16xi32> -> vector<16xf32>
      %add3A_1046 = arith.addf %add3A_1042, %gather3A_1045 : vector<16xf32>
      %broadcast_in_dim3A_1047 = vector.shape_cast %xor3A_59 : vector<16xi32> to vector<16x1xi32>
      %gather3A_1048 = vector.shape_cast %broadcast_in_dim3A_1047 : vector<16x1xi32> to vector<16xi32>
      %gather3A_1049 = tpu.dynamic_gather %add3A_1046[%gather3A_1048] in [0] : vector<16xf32>, vector<16xi32> -> vector<16xf32>
      %add3A_1050 = arith.addf %add3A_1046, %gather3A_1049 : vector<16xf32>
      %broadcast_in_dim3A_1051 = vector.shape_cast %xor3A_62 : vector<16xi32> to vector<16x1xi32>
      %gather3A_1052 = vector.shape_cast %broadcast_in_dim3A_1051 : vector<16x1xi32> to vector<16xi32>
      %gather3A_1053 = tpu.dynamic_gather %add3A_1050[%gather3A_1052] in [0] : vector<16xf32>, vector<16xi32> -> vector<16xf32>
      %add3A_1054 = arith.addf %add3A_1050, %gather3A_1053 : vector<16xf32>
      %select_n3A_1055 = arith.select %eq3A_48, %add3A_1054, %select_n3A_993 : vector<16xi1>, vector<16xf32>
      %add3A_1056 = arith.constant 15 : i32
      %add3A_1057 = arith.addi %mul3A_127, %add3A_1056 : i32
      %get3A_1058 = arith.index_cast %add3A_1057 : i32 to index
      %get3A_1059 = arith.constant 0 : index
      %get3A_1060 = tpu.vector_load %arg8[%get3A_1058, %get3A_1059] {strides = array<i32>} : memref<256x64xf32, #tpu.memory_space<vmem>>, vector<1x16xf32>,
      %get3A_1061 = vector.shape_cast %get3A_1060 : vector<1x16xf32> to vector<16xf32>
      %get3A_1062 = arith.index_cast %add3A_1057 : i32 to index
      %get3A_1063 = arith.constant 0 : index
      %get3A_1064 = tpu.vector_load %arg7[%get3A_1062, %get3A_1063] {strides = array<i32>} : memref<256x64xf32, #tpu.memory_space<vmem>>, vector<1x16xf32>,
      %get3A_1065 = vector.shape_cast %get3A_1064 : vector<1x16xf32> to vector<16xf32>
      %sub3A_1066 = arith.subf %get3A_1061, %get3A_1065 : vector<16xf32>
      %mul3A_1067 = arith.mulf %sub3A_1066, %sub3A_1066 : vector<16xf32>
      %get3A_1068 = arith.index_cast %add3A_1057 : i32 to index
      %get3A_1069 = arith.constant 16 : index
      %get3A_1070 = tpu.vector_load %arg8[%get3A_1068, %get3A_1069] {strides = array<i32>} : memref<256x64xf32, #tpu.memory_space<vmem>>, vector<1x16xf32>,
      %get3A_1071 = vector.shape_cast %get3A_1070 : vector<1x16xf32> to vector<16xf32>
      %get3A_1072 = arith.index_cast %add3A_1057 : i32 to index
      %get3A_1073 = arith.constant 16 : index
      %get3A_1074 = tpu.vector_load %arg7[%get3A_1072, %get3A_1073] {strides = array<i32>} : memref<256x64xf32, #tpu.memory_space<vmem>>, vector<1x16xf32>,
      %get3A_1075 = vector.shape_cast %get3A_1074 : vector<1x16xf32> to vector<16xf32>
      %sub3A_1076 = arith.subf %get3A_1071, %get3A_1075 : vector<16xf32>
      %mul3A_1077 = arith.mulf %sub3A_1076, %sub3A_1076 : vector<16xf32>
      %get3A_1078 = arith.index_cast %add3A_1057 : i32 to index
      %get3A_1079 = arith.constant 32 : index
      %get3A_1080 = tpu.vector_load %arg8[%get3A_1078, %get3A_1079] {strides = array<i32>} : memref<256x64xf32, #tpu.memory_space<vmem>>, vector<1x16xf32>,
      %get3A_1081 = vector.shape_cast %get3A_1080 : vector<1x16xf32> to vector<16xf32>
      %get3A_1082 = arith.index_cast %add3A_1057 : i32 to index
      %get3A_1083 = arith.constant 32 : index
      %get3A_1084 = tpu.vector_load %arg7[%get3A_1082, %get3A_1083] {strides = array<i32>} : memref<256x64xf32, #tpu.memory_space<vmem>>, vector<1x16xf32>,
      %get3A_1085 = vector.shape_cast %get3A_1084 : vector<1x16xf32> to vector<16xf32>
      %sub3A_1086 = arith.subf %get3A_1081, %get3A_1085 : vector<16xf32>
      %mul3A_1087 = arith.mulf %sub3A_1086, %sub3A_1086 : vector<16xf32>
      %get3A_1088 = arith.index_cast %add3A_1057 : i32 to index
      %get3A_1089 = arith.constant 48 : index
      %get3A_1090 = tpu.vector_load %arg8[%get3A_1088, %get3A_1089] {strides = array<i32>} : memref<256x64xf32, #tpu.memory_space<vmem>>, vector<1x16xf32>,
      %get3A_1091 = vector.shape_cast %get3A_1090 : vector<1x16xf32> to vector<16xf32>
      %get3A_1092 = arith.index_cast %add3A_1057 : i32 to index
      %get3A_1093 = arith.constant 48 : index
      %get3A_1094 = tpu.vector_load %arg7[%get3A_1092, %get3A_1093] {strides = array<i32>} : memref<256x64xf32, #tpu.memory_space<vmem>>, vector<1x16xf32>,
      %get3A_1095 = vector.shape_cast %get3A_1094 : vector<1x16xf32> to vector<16xf32>
      %sub3A_1096 = arith.subf %get3A_1091, %get3A_1095 : vector<16xf32>
      %mul3A_1097 = arith.mulf %sub3A_1096, %sub3A_1096 : vector<16xf32>
      %add3A_1098 = arith.addf %mul3A_1067, %mul3A_1077 : vector<16xf32>
      %add3A_1099 = arith.addf %mul3A_1087, %mul3A_1097 : vector<16xf32>
      %add3A_1100 = arith.addf %add3A_1098, %add3A_1099 : vector<16xf32>
      %broadcast_in_dim3A_1101 = vector.shape_cast %xor3A_53 : vector<16xi32> to vector<16x1xi32>
      %gather3A_1102 = vector.shape_cast %broadcast_in_dim3A_1101 : vector<16x1xi32> to vector<16xi32>
      %gather3A_1103 = tpu.dynamic_gather %add3A_1100[%gather3A_1102] in [0] : vector<16xf32>, vector<16xi32> -> vector<16xf32>
      %add3A_1104 = arith.addf %add3A_1100, %gather3A_1103 : vector<16xf32>
      %broadcast_in_dim3A_1105 = vector.shape_cast %xor3A_56 : vector<16xi32> to vector<16x1xi32>
      %gather3A_1106 = vector.shape_cast %broadcast_in_dim3A_1105 : vector<16x1xi32> to vector<16xi32>
      %gather3A_1107 = tpu.dynamic_gather %add3A_1104[%gather3A_1106] in [0] : vector<16xf32>, vector<16xi32> -> vector<16xf32>
      %add3A_1108 = arith.addf %add3A_1104, %gather3A_1107 : vector<16xf32>
      %broadcast_in_dim3A_1109 = vector.shape_cast %xor3A_59 : vector<16xi32> to vector<16x1xi32>
      %gather3A_1110 = vector.shape_cast %broadcast_in_dim3A_1109 : vector<16x1xi32> to vector<16xi32>
      %gather3A_1111 = tpu.dynamic_gather %add3A_1108[%gather3A_1110] in [0] : vector<16xf32>, vector<16xi32> -> vector<16xf32>
      %add3A_1112 = arith.addf %add3A_1108, %gather3A_1111 : vector<16xf32>
      %broadcast_in_dim3A_1113 = vector.shape_cast %xor3A_62 : vector<16xi32> to vector<16x1xi32>
      %gather3A_1114 = vector.shape_cast %broadcast_in_dim3A_1113 : vector<16x1xi32> to vector<16xi32>
      %gather3A_1115 = tpu.dynamic_gather %add3A_1112[%gather3A_1114] in [0] : vector<16xf32>, vector<16xi32> -> vector<16xf32>
      %add3A_1116 = arith.addf %add3A_1112, %gather3A_1115 : vector<16xf32>
      %select_n3A_1117 = arith.select %eq3A_51, %add3A_1116, %select_n3A_1055 : vector<16xi1>, vector<16xf32>
      %bitcast_convert_type3A = tpu.bitcast %select_n3A_1117 : vector<16xf32> -> vector<16xi32>
      %shift_right_arithmetic3A = arith.constant 1 : i32
      %shift_right_arithmetic3A_1118 = vector.broadcast %shift_right_arithmetic3A : i32 to vector<16xi32>
      %shift_right_arithmetic3A_1119 = arith.shrsi %bitcast_convert_type3A, %shift_right_arithmetic3A_1118 : vector<16xi32>
      %sub3A_1120 = arith.constant 1597463007 : i32
      %sub3A_1121 = vector.broadcast %sub3A_1120 : i32 to vector<16xi32>
      %sub3A_1122 = arith.subi %sub3A_1121, %shift_right_arithmetic3A_1119 : vector<16xi32>
      %bitcast_convert_type3A_1123 = tpu.bitcast %sub3A_1122 : vector<16xi32> -> vector<16xf32>
      %mul3A_1124 = arith.constant 5.000000e-01 : f32
      %mul3A_1125 = vector.broadcast %mul3A_1124 : f32 to vector<16xf32>
      %mul3A_1126 = arith.mulf %mul3A_1125, %select_n3A_1117 : vector<16xf32>
      %mul3A_1127 = arith.mulf %mul3A_1126, %bitcast_convert_type3A_1123 : vector<16xf32>
      %mul3A_1128 = arith.mulf %mul3A_1127, %bitcast_convert_type3A_1123 : vector<16xf32>
      %sub3A_1129 = arith.constant 1.500000e+00 : f32
      %sub3A_1130 = vector.broadcast %sub3A_1129 : f32 to vector<16xf32>
      %sub3A_1131 = arith.subf %sub3A_1130, %mul3A_1128 : vector<16xf32>
      %mul3A_1132 = arith.mulf %bitcast_convert_type3A_1123, %sub3A_1131 : vector<16xf32>
      %mul3A_1133 = arith.constant 5.000000e-01 : f32
      %mul3A_1134 = vector.broadcast %mul3A_1133 : f32 to vector<16xf32>
      %mul3A_1135 = arith.mulf %mul3A_1134, %select_n3A_1117 : vector<16xf32>
      %mul3A_1136 = arith.mulf %mul3A_1135, %mul3A_1132 : vector<16xf32>
      %mul3A_1137 = arith.mulf %mul3A_1136, %mul3A_1132 : vector<16xf32>
      %sub3A_1138 = arith.constant 1.500000e+00 : f32
      %sub3A_1139 = vector.broadcast %sub3A_1138 : f32 to vector<16xf32>
      %sub3A_1140 = arith.subf %sub3A_1139, %mul3A_1137 : vector<16xf32>
      %mul3A_1141 = arith.mulf %mul3A_1132, %sub3A_1140 : vector<16xf32>
      %mul3A_1142 = arith.constant 5.000000e-01 : f32
      %mul3A_1143 = vector.broadcast %mul3A_1142 : f32 to vector<16xf32>
      %mul3A_1144 = arith.mulf %mul3A_1143, %select_n3A_1117 : vector<16xf32>
      %mul3A_1145 = arith.mulf %mul3A_1144, %mul3A_1141 : vector<16xf32>
      %mul3A_1146 = arith.mulf %mul3A_1145, %mul3A_1141 : vector<16xf32>
      %sub3A_1147 = arith.constant 1.500000e+00 : f32
      %sub3A_1148 = vector.broadcast %sub3A_1147 : f32 to vector<16xf32>
      %sub3A_1149 = arith.subf %sub3A_1148, %mul3A_1146 : vector<16xf32>
      %mul3A_1150 = arith.mulf %mul3A_1141, %sub3A_1149 : vector<16xf32>
      %mul3A_1151 = arith.mulf %select_n3A_1117, %mul3A_1150 : vector<16xf32>
      %add3A_1152 = arith.addf %scan3A_125, %mul3A_1151 : vector<16xf32>
      scf.yield %add3A_1152 : vector<16xf32>
    }
    %scan3A_90 = arith.constant 16 : i32
    %add3A_91 = arith.constant 256 : i32
    %add3A_92 = arith.addi %mul3A_2, %add3A_91 : i32
    %dma_start3A_93 = arith.constant 0 : i32
    %dma_start3A_94 = tpu.memref_slice %arg2[%add3A_92, %dma_start3A_93] : memref<16384x64xf32, #tpu.memory_space<hbm>> -> memref<256x64xf32, #tpu.memory_space<hbm>>
    %dma_start3A_95 = arith.constant 0 : i32
    %dma_start3A_96 = tpu.memref_slice %arg2[%add3A_92, %dma_start3A_95] : memref<16384x64xf32, #tpu.memory_space<hbm>> -> memref<256x64xf32, #tpu.memory_space<hbm>>
    tpu.enqueue_dma source(%dma_start3A_96 : memref<256x64xf32, #tpu.memory_space<hbm>>) target(%arg8 : memref<256x64xf32, #tpu.memory_space<vmem>>) target_semaphore(%arg11 : memref<!tpu.dma_semaphore, #tpu.memory_space<semaphore_mem>>)
    %scan3A_97 = arith.constant 0 : i32
    %scan3A_98 = arith.constant 0 : i32
    %scan3A_99 = arith.constant 16 : i32
    %scan3A_100 = arith.addi %scan3A_98, %scan3A_99 : i32
    %scan3A_101 = arith.constant 1 : i32
    scf.for %scan3A_124 = %scan3A_98 to %scan3A_100 step %scan3A_101  : i32 {
      %mul3A_125 = arith.constant 16 : i32
      %mul3A_126 = arith.muli %scan3A_124, %mul3A_125 : i32
      %add3A_127 = arith.constant 256 : i32
      %add3A_128 = arith.addi %add3A_127, %mul3A_126 : i32
      %get3A = arith.index_cast %add3A_128 : i32 to index
      %get3A_129 = tpu.vector_load %arg6[%get3A] {strides = array<i32>} : memref<512xi32, #tpu.memory_space<vmem>>, vector<16xi32>,
      %get3A_130 = vector.shape_cast %get3A_129 : vector<16xi32> to vector<16xi32>
      %slice3A = vector.extract_strided_slice %get3A_130 {offsets = [0], sizes = [1], strides = [1]} : vector<16xi32> to vector<1xi32>
      %squeeze3A = vector.extract %slice3A[0] : i32 from vector<1xi32>
      %mul3A_131 = arith.constant 16 : i32
      %mul3A_132 = arith.muli %scan3A_124, %mul3A_131 : i32
      %add3A_133 = arith.constant 0 : i32
      %add3A_134 = arith.addi %mul3A_132, %add3A_133 : i32
      %dma_start3A_135 = arith.constant 0 : i32
      %dma_start3A_136 = tpu.memref_slice %arg7[%add3A_134, %dma_start3A_135] : memref<256x64xf32, #tpu.memory_space<vmem>> -> memref<1x64xf32, #tpu.memory_space<vmem>>
      %dma_start3A_137 = arith.constant 0 : i32
      %dma_start3A_138 = tpu.memref_slice %arg3[%squeeze3A, %dma_start3A_137] : memref<100000x64xf32, #tpu.memory_space<hbm>> -> memref<1x64xf32, #tpu.memory_space<hbm>>
      %dma_start3A_139 = arith.constant 0 : i32
      %dma_start3A_140 = tpu.memref_slice %arg7[%add3A_134, %dma_start3A_139] : memref<256x64xf32, #tpu.memory_space<vmem>> -> memref<1x64xf32, #tpu.memory_space<vmem>>
      %dma_start3A_141 = arith.constant 0 : i32
      %dma_start3A_142 = tpu.memref_slice %arg3[%squeeze3A, %dma_start3A_141] : memref<100000x64xf32, #tpu.memory_space<hbm>> -> memref<1x64xf32, #tpu.memory_space<hbm>>
      tpu.enqueue_dma source(%dma_start3A_142 : memref<1x64xf32, #tpu.memory_space<hbm>>) target(%dma_start3A_140 : memref<1x64xf32, #tpu.memory_space<vmem>>) target_semaphore(%arg12 : memref<!tpu.dma_semaphore, #tpu.memory_space<semaphore_mem>>)
      %slice3A_143 = vector.extract_strided_slice %get3A_130 {offsets = [1], sizes = [1], strides = [1]} : vector<16xi32> to vector<1xi32>
      %squeeze3A_144 = vector.extract %slice3A_143[0] : i32 from vector<1xi32>
      %mul3A_145 = arith.constant 16 : i32
      %mul3A_146 = arith.muli %scan3A_124, %mul3A_145 : i32
      %add3A_147 = arith.constant 1 : i32
      %add3A_148 = arith.addi %mul3A_146, %add3A_147 : i32
      %dma_start3A_149 = arith.constant 0 : i32
      %dma_start3A_150 = tpu.memref_slice %arg7[%add3A_148, %dma_start3A_149] : memref<256x64xf32, #tpu.memory_space<vmem>> -> memref<1x64xf32, #tpu.memory_space<vmem>>
      %dma_start3A_151 = arith.constant 0 : i32
      %dma_start3A_152 = tpu.memref_slice %arg3[%squeeze3A_144, %dma_start3A_151] : memref<100000x64xf32, #tpu.memory_space<hbm>> -> memref<1x64xf32, #tpu.memory_space<hbm>>
      %dma_start3A_153 = arith.constant 0 : i32
      %dma_start3A_154 = tpu.memref_slice %arg7[%add3A_148, %dma_start3A_153] : memref<256x64xf32, #tpu.memory_space<vmem>> -> memref<1x64xf32, #tpu.memory_space<vmem>>
      %dma_start3A_155 = arith.constant 0 : i32
      %dma_start3A_156 = tpu.memref_slice %arg3[%squeeze3A_144, %dma_start3A_155] : memref<100000x64xf32, #tpu.memory_space<hbm>> -> memref<1x64xf32, #tpu.memory_space<hbm>>
      tpu.enqueue_dma source(%dma_start3A_156 : memref<1x64xf32, #tpu.memory_space<hbm>>) target(%dma_start3A_154 : memref<1x64xf32, #tpu.memory_space<vmem>>) target_semaphore(%arg12 : memref<!tpu.dma_semaphore, #tpu.memory_space<semaphore_mem>>)
      %slice3A_157 = vector.extract_strided_slice %get3A_130 {offsets = [2], sizes = [1], strides = [1]} : vector<16xi32> to vector<1xi32>
      %squeeze3A_158 = vector.extract %slice3A_157[0] : i32 from vector<1xi32>
      %mul3A_159 = arith.constant 16 : i32
      %mul3A_160 = arith.muli %scan3A_124, %mul3A_159 : i32
      %add3A_161 = arith.constant 2 : i32
      %add3A_162 = arith.addi %mul3A_160, %add3A_161 : i32
      %dma_start3A_163 = arith.constant 0 : i32
      %dma_start3A_164 = tpu.memref_slice %arg7[%add3A_162, %dma_start3A_163] : memref<256x64xf32, #tpu.memory_space<vmem>> -> memref<1x64xf32, #tpu.memory_space<vmem>>
      %dma_start3A_165 = arith.constant 0 : i32
      %dma_start3A_166 = tpu.memref_slice %arg3[%squeeze3A_158, %dma_start3A_165] : memref<100000x64xf32, #tpu.memory_space<hbm>> -> memref<1x64xf32, #tpu.memory_space<hbm>>
      %dma_start3A_167 = arith.constant 0 : i32
      %dma_start3A_168 = tpu.memref_slice %arg7[%add3A_162, %dma_start3A_167] : memref<256x64xf32, #tpu.memory_space<vmem>> -> memref<1x64xf32, #tpu.memory_space<vmem>>
      %dma_start3A_169 = arith.constant 0 : i32
      %dma_start3A_170 = tpu.memref_slice %arg3[%squeeze3A_158, %dma_start3A_169] : memref<100000x64xf32, #tpu.memory_space<hbm>> -> memref<1x64xf32, #tpu.memory_space<hbm>>
      tpu.enqueue_dma source(%dma_start3A_170 : memref<1x64xf32, #tpu.memory_space<hbm>>) target(%dma_start3A_168 : memref<1x64xf32, #tpu.memory_space<vmem>>) target_semaphore(%arg12 : memref<!tpu.dma_semaphore, #tpu.memory_space<semaphore_mem>>)
      %slice3A_171 = vector.extract_strided_slice %get3A_130 {offsets = [3], sizes = [1], strides = [1]} : vector<16xi32> to vector<1xi32>
      %squeeze3A_172 = vector.extract %slice3A_171[0] : i32 from vector<1xi32>
      %mul3A_173 = arith.constant 16 : i32
      %mul3A_174 = arith.muli %scan3A_124, %mul3A_173 : i32
      %add3A_175 = arith.constant 3 : i32
      %add3A_176 = arith.addi %mul3A_174, %add3A_175 : i32
      %dma_start3A_177 = arith.constant 0 : i32
      %dma_start3A_178 = tpu.memref_slice %arg7[%add3A_176, %dma_start3A_177] : memref<256x64xf32, #tpu.memory_space<vmem>> -> memref<1x64xf32, #tpu.memory_space<vmem>>
      %dma_start3A_179 = arith.constant 0 : i32
      %dma_start3A_180 = tpu.memref_slice %arg3[%squeeze3A_172, %dma_start3A_179] : memref<100000x64xf32, #tpu.memory_space<hbm>> -> memref<1x64xf32, #tpu.memory_space<hbm>>
      %dma_start3A_181 = arith.constant 0 : i32
      %dma_start3A_182 = tpu.memref_slice %arg7[%add3A_176, %dma_start3A_181] : memref<256x64xf32, #tpu.memory_space<vmem>> -> memref<1x64xf32, #tpu.memory_space<vmem>>
      %dma_start3A_183 = arith.constant 0 : i32
      %dma_start3A_184 = tpu.memref_slice %arg3[%squeeze3A_172, %dma_start3A_183] : memref<100000x64xf32, #tpu.memory_space<hbm>> -> memref<1x64xf32, #tpu.memory_space<hbm>>
      tpu.enqueue_dma source(%dma_start3A_184 : memref<1x64xf32, #tpu.memory_space<hbm>>) target(%dma_start3A_182 : memref<1x64xf32, #tpu.memory_space<vmem>>) target_semaphore(%arg12 : memref<!tpu.dma_semaphore, #tpu.memory_space<semaphore_mem>>)
      %slice3A_185 = vector.extract_strided_slice %get3A_130 {offsets = [4], sizes = [1], strides = [1]} : vector<16xi32> to vector<1xi32>
      %squeeze3A_186 = vector.extract %slice3A_185[0] : i32 from vector<1xi32>
      %mul3A_187 = arith.constant 16 : i32
      %mul3A_188 = arith.muli %scan3A_124, %mul3A_187 : i32
      %add3A_189 = arith.constant 4 : i32
      %add3A_190 = arith.addi %mul3A_188, %add3A_189 : i32
      %dma_start3A_191 = arith.constant 0 : i32
      %dma_start3A_192 = tpu.memref_slice %arg7[%add3A_190, %dma_start3A_191] : memref<256x64xf32, #tpu.memory_space<vmem>> -> memref<1x64xf32, #tpu.memory_space<vmem>>
      %dma_start3A_193 = arith.constant 0 : i32
      %dma_start3A_194 = tpu.memref_slice %arg3[%squeeze3A_186, %dma_start3A_193] : memref<100000x64xf32, #tpu.memory_space<hbm>> -> memref<1x64xf32, #tpu.memory_space<hbm>>
      %dma_start3A_195 = arith.constant 0 : i32
      %dma_start3A_196 = tpu.memref_slice %arg7[%add3A_190, %dma_start3A_195] : memref<256x64xf32, #tpu.memory_space<vmem>> -> memref<1x64xf32, #tpu.memory_space<vmem>>
      %dma_start3A_197 = arith.constant 0 : i32
      %dma_start3A_198 = tpu.memref_slice %arg3[%squeeze3A_186, %dma_start3A_197] : memref<100000x64xf32, #tpu.memory_space<hbm>> -> memref<1x64xf32, #tpu.memory_space<hbm>>
      tpu.enqueue_dma source(%dma_start3A_198 : memref<1x64xf32, #tpu.memory_space<hbm>>) target(%dma_start3A_196 : memref<1x64xf32, #tpu.memory_space<vmem>>) target_semaphore(%arg12 : memref<!tpu.dma_semaphore, #tpu.memory_space<semaphore_mem>>)
      %slice3A_199 = vector.extract_strided_slice %get3A_130 {offsets = [5], sizes = [1], strides = [1]} : vector<16xi32> to vector<1xi32>
      %squeeze3A_200 = vector.extract %slice3A_199[0] : i32 from vector<1xi32>
      %mul3A_201 = arith.constant 16 : i32
      %mul3A_202 = arith.muli %scan3A_124, %mul3A_201 : i32
      %add3A_203 = arith.constant 5 : i32
      %add3A_204 = arith.addi %mul3A_202, %add3A_203 : i32
      %dma_start3A_205 = arith.constant 0 : i32
      %dma_start3A_206 = tpu.memref_slice %arg7[%add3A_204, %dma_start3A_205] : memref<256x64xf32, #tpu.memory_space<vmem>> -> memref<1x64xf32, #tpu.memory_space<vmem>>
      %dma_start3A_207 = arith.constant 0 : i32
      %dma_start3A_208 = tpu.memref_slice %arg3[%squeeze3A_200, %dma_start3A_207] : memref<100000x64xf32, #tpu.memory_space<hbm>> -> memref<1x64xf32, #tpu.memory_space<hbm>>
      %dma_start3A_209 = arith.constant 0 : i32
      %dma_start3A_210 = tpu.memref_slice %arg7[%add3A_204, %dma_start3A_209] : memref<256x64xf32, #tpu.memory_space<vmem>> -> memref<1x64xf32, #tpu.memory_space<vmem>>
      %dma_start3A_211 = arith.constant 0 : i32
      %dma_start3A_212 = tpu.memref_slice %arg3[%squeeze3A_200, %dma_start3A_211] : memref<100000x64xf32, #tpu.memory_space<hbm>> -> memref<1x64xf32, #tpu.memory_space<hbm>>
      tpu.enqueue_dma source(%dma_start3A_212 : memref<1x64xf32, #tpu.memory_space<hbm>>) target(%dma_start3A_210 : memref<1x64xf32, #tpu.memory_space<vmem>>) target_semaphore(%arg12 : memref<!tpu.dma_semaphore, #tpu.memory_space<semaphore_mem>>)
      %slice3A_213 = vector.extract_strided_slice %get3A_130 {offsets = [6], sizes = [1], strides = [1]} : vector<16xi32> to vector<1xi32>
      %squeeze3A_214 = vector.extract %slice3A_213[0] : i32 from vector<1xi32>
      %mul3A_215 = arith.constant 16 : i32
      %mul3A_216 = arith.muli %scan3A_124, %mul3A_215 : i32
      %add3A_217 = arith.constant 6 : i32
      %add3A_218 = arith.addi %mul3A_216, %add3A_217 : i32
      %dma_start3A_219 = arith.constant 0 : i32
      %dma_start3A_220 = tpu.memref_slice %arg7[%add3A_218, %dma_start3A_219] : memref<256x64xf32, #tpu.memory_space<vmem>> -> memref<1x64xf32, #tpu.memory_space<vmem>>
      %dma_start3A_221 = arith.constant 0 : i32
      %dma_start3A_222 = tpu.memref_slice %arg3[%squeeze3A_214, %dma_start3A_221] : memref<100000x64xf32, #tpu.memory_space<hbm>> -> memref<1x64xf32, #tpu.memory_space<hbm>>
      %dma_start3A_223 = arith.constant 0 : i32
      %dma_start3A_224 = tpu.memref_slice %arg7[%add3A_218, %dma_start3A_223] : memref<256x64xf32, #tpu.memory_space<vmem>> -> memref<1x64xf32, #tpu.memory_space<vmem>>
      %dma_start3A_225 = arith.constant 0 : i32
      %dma_start3A_226 = tpu.memref_slice %arg3[%squeeze3A_214, %dma_start3A_225] : memref<100000x64xf32, #tpu.memory_space<hbm>> -> memref<1x64xf32, #tpu.memory_space<hbm>>
      tpu.enqueue_dma source(%dma_start3A_226 : memref<1x64xf32, #tpu.memory_space<hbm>>) target(%dma_start3A_224 : memref<1x64xf32, #tpu.memory_space<vmem>>) target_semaphore(%arg12 : memref<!tpu.dma_semaphore, #tpu.memory_space<semaphore_mem>>)
      %slice3A_227 = vector.extract_strided_slice %get3A_130 {offsets = [7], sizes = [1], strides = [1]} : vector<16xi32> to vector<1xi32>
      %squeeze3A_228 = vector.extract %slice3A_227[0] : i32 from vector<1xi32>
      %mul3A_229 = arith.constant 16 : i32
      %mul3A_230 = arith.muli %scan3A_124, %mul3A_229 : i32
      %add3A_231 = arith.constant 7 : i32
      %add3A_232 = arith.addi %mul3A_230, %add3A_231 : i32
      %dma_start3A_233 = arith.constant 0 : i32
      %dma_start3A_234 = tpu.memref_slice %arg7[%add3A_232, %dma_start3A_233] : memref<256x64xf32, #tpu.memory_space<vmem>> -> memref<1x64xf32, #tpu.memory_space<vmem>>
      %dma_start3A_235 = arith.constant 0 : i32
      %dma_start3A_236 = tpu.memref_slice %arg3[%squeeze3A_228, %dma_start3A_235] : memref<100000x64xf32, #tpu.memory_space<hbm>> -> memref<1x64xf32, #tpu.memory_space<hbm>>
      %dma_start3A_237 = arith.constant 0 : i32
      %dma_start3A_238 = tpu.memref_slice %arg7[%add3A_232, %dma_start3A_237] : memref<256x64xf32, #tpu.memory_space<vmem>> -> memref<1x64xf32, #tpu.memory_space<vmem>>
      %dma_start3A_239 = arith.constant 0 : i32
      %dma_start3A_240 = tpu.memref_slice %arg3[%squeeze3A_228, %dma_start3A_239] : memref<100000x64xf32, #tpu.memory_space<hbm>> -> memref<1x64xf32, #tpu.memory_space<hbm>>
      tpu.enqueue_dma source(%dma_start3A_240 : memref<1x64xf32, #tpu.memory_space<hbm>>) target(%dma_start3A_238 : memref<1x64xf32, #tpu.memory_space<vmem>>) target_semaphore(%arg12 : memref<!tpu.dma_semaphore, #tpu.memory_space<semaphore_mem>>)
      %slice3A_241 = vector.extract_strided_slice %get3A_130 {offsets = [8], sizes = [1], strides = [1]} : vector<16xi32> to vector<1xi32>
      %squeeze3A_242 = vector.extract %slice3A_241[0] : i32 from vector<1xi32>
      %mul3A_243 = arith.constant 16 : i32
      %mul3A_244 = arith.muli %scan3A_124, %mul3A_243 : i32
      %add3A_245 = arith.constant 8 : i32
      %add3A_246 = arith.addi %mul3A_244, %add3A_245 : i32
      %dma_start3A_247 = arith.constant 0 : i32
      %dma_start3A_248 = tpu.memref_slice %arg7[%add3A_246, %dma_start3A_247] : memref<256x64xf32, #tpu.memory_space<vmem>> -> memref<1x64xf32, #tpu.memory_space<vmem>>
      %dma_start3A_249 = arith.constant 0 : i32
      %dma_start3A_250 = tpu.memref_slice %arg3[%squeeze3A_242, %dma_start3A_249] : memref<100000x64xf32, #tpu.memory_space<hbm>> -> memref<1x64xf32, #tpu.memory_space<hbm>>
      %dma_start3A_251 = arith.constant 0 : i32
      %dma_start3A_252 = tpu.memref_slice %arg7[%add3A_246, %dma_start3A_251] : memref<256x64xf32, #tpu.memory_space<vmem>> -> memref<1x64xf32, #tpu.memory_space<vmem>>
      %dma_start3A_253 = arith.constant 0 : i32
      %dma_start3A_254 = tpu.memref_slice %arg3[%squeeze3A_242, %dma_start3A_253] : memref<100000x64xf32, #tpu.memory_space<hbm>> -> memref<1x64xf32, #tpu.memory_space<hbm>>
      tpu.enqueue_dma source(%dma_start3A_254 : memref<1x64xf32, #tpu.memory_space<hbm>>) target(%dma_start3A_252 : memref<1x64xf32, #tpu.memory_space<vmem>>) target_semaphore(%arg12 : memref<!tpu.dma_semaphore, #tpu.memory_space<semaphore_mem>>)
      %slice3A_255 = vector.extract_strided_slice %get3A_130 {offsets = [9], sizes = [1], strides = [1]} : vector<16xi32> to vector<1xi32>
      %squeeze3A_256 = vector.extract %slice3A_255[0] : i32 from vector<1xi32>
      %mul3A_257 = arith.constant 16 : i32
      %mul3A_258 = arith.muli %scan3A_124, %mul3A_257 : i32
      %add3A_259 = arith.constant 9 : i32
      %add3A_260 = arith.addi %mul3A_258, %add3A_259 : i32
      %dma_start3A_261 = arith.constant 0 : i32
      %dma_start3A_262 = tpu.memref_slice %arg7[%add3A_260, %dma_start3A_261] : memref<256x64xf32, #tpu.memory_space<vmem>> -> memref<1x64xf32, #tpu.memory_space<vmem>>
      %dma_start3A_263 = arith.constant 0 : i32
      %dma_start3A_264 = tpu.memref_slice %arg3[%squeeze3A_256, %dma_start3A_263] : memref<100000x64xf32, #tpu.memory_space<hbm>> -> memref<1x64xf32, #tpu.memory_space<hbm>>
      %dma_start3A_265 = arith.constant 0 : i32
      %dma_start3A_266 = tpu.memref_slice %arg7[%add3A_260, %dma_start3A_265] : memref<256x64xf32, #tpu.memory_space<vmem>> -> memref<1x64xf32, #tpu.memory_space<vmem>>
      %dma_start3A_267 = arith.constant 0 : i32
      %dma_start3A_268 = tpu.memref_slice %arg3[%squeeze3A_256, %dma_start3A_267] : memref<100000x64xf32, #tpu.memory_space<hbm>> -> memref<1x64xf32, #tpu.memory_space<hbm>>
      tpu.enqueue_dma source(%dma_start3A_268 : memref<1x64xf32, #tpu.memory_space<hbm>>) target(%dma_start3A_266 : memref<1x64xf32, #tpu.memory_space<vmem>>) target_semaphore(%arg12 : memref<!tpu.dma_semaphore, #tpu.memory_space<semaphore_mem>>)
      %slice3A_269 = vector.extract_strided_slice %get3A_130 {offsets = [10], sizes = [1], strides = [1]} : vector<16xi32> to vector<1xi32>
      %squeeze3A_270 = vector.extract %slice3A_269[0] : i32 from vector<1xi32>
      %mul3A_271 = arith.constant 16 : i32
      %mul3A_272 = arith.muli %scan3A_124, %mul3A_271 : i32
      %add3A_273 = arith.constant 10 : i32
      %add3A_274 = arith.addi %mul3A_272, %add3A_273 : i32
      %dma_start3A_275 = arith.constant 0 : i32
      %dma_start3A_276 = tpu.memref_slice %arg7[%add3A_274, %dma_start3A_275] : memref<256x64xf32, #tpu.memory_space<vmem>> -> memref<1x64xf32, #tpu.memory_space<vmem>>
      %dma_start3A_277 = arith.constant 0 : i32
      %dma_start3A_278 = tpu.memref_slice %arg3[%squeeze3A_270, %dma_start3A_277] : memref<100000x64xf32, #tpu.memory_space<hbm>> -> memref<1x64xf32, #tpu.memory_space<hbm>>
      %dma_start3A_279 = arith.constant 0 : i32
      %dma_start3A_280 = tpu.memref_slice %arg7[%add3A_274, %dma_start3A_279] : memref<256x64xf32, #tpu.memory_space<vmem>> -> memref<1x64xf32, #tpu.memory_space<vmem>>
      %dma_start3A_281 = arith.constant 0 : i32
      %dma_start3A_282 = tpu.memref_slice %arg3[%squeeze3A_270, %dma_start3A_281] : memref<100000x64xf32, #tpu.memory_space<hbm>> -> memref<1x64xf32, #tpu.memory_space<hbm>>
      tpu.enqueue_dma source(%dma_start3A_282 : memref<1x64xf32, #tpu.memory_space<hbm>>) target(%dma_start3A_280 : memref<1x64xf32, #tpu.memory_space<vmem>>) target_semaphore(%arg12 : memref<!tpu.dma_semaphore, #tpu.memory_space<semaphore_mem>>)
      %slice3A_283 = vector.extract_strided_slice %get3A_130 {offsets = [11], sizes = [1], strides = [1]} : vector<16xi32> to vector<1xi32>
      %squeeze3A_284 = vector.extract %slice3A_283[0] : i32 from vector<1xi32>
      %mul3A_285 = arith.constant 16 : i32
      %mul3A_286 = arith.muli %scan3A_124, %mul3A_285 : i32
      %add3A_287 = arith.constant 11 : i32
      %add3A_288 = arith.addi %mul3A_286, %add3A_287 : i32
      %dma_start3A_289 = arith.constant 0 : i32
      %dma_start3A_290 = tpu.memref_slice %arg7[%add3A_288, %dma_start3A_289] : memref<256x64xf32, #tpu.memory_space<vmem>> -> memref<1x64xf32, #tpu.memory_space<vmem>>
      %dma_start3A_291 = arith.constant 0 : i32
      %dma_start3A_292 = tpu.memref_slice %arg3[%squeeze3A_284, %dma_start3A_291] : memref<100000x64xf32, #tpu.memory_space<hbm>> -> memref<1x64xf32, #tpu.memory_space<hbm>>
      %dma_start3A_293 = arith.constant 0 : i32
      %dma_start3A_294 = tpu.memref_slice %arg7[%add3A_288, %dma_start3A_293] : memref<256x64xf32, #tpu.memory_space<vmem>> -> memref<1x64xf32, #tpu.memory_space<vmem>>
      %dma_start3A_295 = arith.constant 0 : i32
      %dma_start3A_296 = tpu.memref_slice %arg3[%squeeze3A_284, %dma_start3A_295] : memref<100000x64xf32, #tpu.memory_space<hbm>> -> memref<1x64xf32, #tpu.memory_space<hbm>>
      tpu.enqueue_dma source(%dma_start3A_296 : memref<1x64xf32, #tpu.memory_space<hbm>>) target(%dma_start3A_294 : memref<1x64xf32, #tpu.memory_space<vmem>>) target_semaphore(%arg12 : memref<!tpu.dma_semaphore, #tpu.memory_space<semaphore_mem>>)
      %slice3A_297 = vector.extract_strided_slice %get3A_130 {offsets = [12], sizes = [1], strides = [1]} : vector<16xi32> to vector<1xi32>
      %squeeze3A_298 = vector.extract %slice3A_297[0] : i32 from vector<1xi32>
      %mul3A_299 = arith.constant 16 : i32
      %mul3A_300 = arith.muli %scan3A_124, %mul3A_299 : i32
      %add3A_301 = arith.constant 12 : i32
      %add3A_302 = arith.addi %mul3A_300, %add3A_301 : i32
      %dma_start3A_303 = arith.constant 0 : i32
      %dma_start3A_304 = tpu.memref_slice %arg7[%add3A_302, %dma_start3A_303] : memref<256x64xf32, #tpu.memory_space<vmem>> -> memref<1x64xf32, #tpu.memory_space<vmem>>
      %dma_start3A_305 = arith.constant 0 : i32
      %dma_start3A_306 = tpu.memref_slice %arg3[%squeeze3A_298, %dma_start3A_305] : memref<100000x64xf32, #tpu.memory_space<hbm>> -> memref<1x64xf32, #tpu.memory_space<hbm>>
      %dma_start3A_307 = arith.constant 0 : i32
      %dma_start3A_308 = tpu.memref_slice %arg7[%add3A_302, %dma_start3A_307] : memref<256x64xf32, #tpu.memory_space<vmem>> -> memref<1x64xf32, #tpu.memory_space<vmem>>
      %dma_start3A_309 = arith.constant 0 : i32
      %dma_start3A_310 = tpu.memref_slice %arg3[%squeeze3A_298, %dma_start3A_309] : memref<100000x64xf32, #tpu.memory_space<hbm>> -> memref<1x64xf32, #tpu.memory_space<hbm>>
      tpu.enqueue_dma source(%dma_start3A_310 : memref<1x64xf32, #tpu.memory_space<hbm>>) target(%dma_start3A_308 : memref<1x64xf32, #tpu.memory_space<vmem>>) target_semaphore(%arg12 : memref<!tpu.dma_semaphore, #tpu.memory_space<semaphore_mem>>)
      %slice3A_311 = vector.extract_strided_slice %get3A_130 {offsets = [13], sizes = [1], strides = [1]} : vector<16xi32> to vector<1xi32>
      %squeeze3A_312 = vector.extract %slice3A_311[0] : i32 from vector<1xi32>
      %mul3A_313 = arith.constant 16 : i32
      %mul3A_314 = arith.muli %scan3A_124, %mul3A_313 : i32
      %add3A_315 = arith.constant 13 : i32
      %add3A_316 = arith.addi %mul3A_314, %add3A_315 : i32
      %dma_start3A_317 = arith.constant 0 : i32
      %dma_start3A_318 = tpu.memref_slice %arg7[%add3A_316, %dma_start3A_317] : memref<256x64xf32, #tpu.memory_space<vmem>> -> memref<1x64xf32, #tpu.memory_space<vmem>>
      %dma_start3A_319 = arith.constant 0 : i32
      %dma_start3A_320 = tpu.memref_slice %arg3[%squeeze3A_312, %dma_start3A_319] : memref<100000x64xf32, #tpu.memory_space<hbm>> -> memref<1x64xf32, #tpu.memory_space<hbm>>
      %dma_start3A_321 = arith.constant 0 : i32
      %dma_start3A_322 = tpu.memref_slice %arg7[%add3A_316, %dma_start3A_321] : memref<256x64xf32, #tpu.memory_space<vmem>> -> memref<1x64xf32, #tpu.memory_space<vmem>>
      %dma_start3A_323 = arith.constant 0 : i32
      %dma_start3A_324 = tpu.memref_slice %arg3[%squeeze3A_312, %dma_start3A_323] : memref<100000x64xf32, #tpu.memory_space<hbm>> -> memref<1x64xf32, #tpu.memory_space<hbm>>
      tpu.enqueue_dma source(%dma_start3A_324 : memref<1x64xf32, #tpu.memory_space<hbm>>) target(%dma_start3A_322 : memref<1x64xf32, #tpu.memory_space<vmem>>) target_semaphore(%arg12 : memref<!tpu.dma_semaphore, #tpu.memory_space<semaphore_mem>>)
      %slice3A_325 = vector.extract_strided_slice %get3A_130 {offsets = [14], sizes = [1], strides = [1]} : vector<16xi32> to vector<1xi32>
      %squeeze3A_326 = vector.extract %slice3A_325[0] : i32 from vector<1xi32>
      %mul3A_327 = arith.constant 16 : i32
      %mul3A_328 = arith.muli %scan3A_124, %mul3A_327 : i32
      %add3A_329 = arith.constant 14 : i32
      %add3A_330 = arith.addi %mul3A_328, %add3A_329 : i32
      %dma_start3A_331 = arith.constant 0 : i32
      %dma_start3A_332 = tpu.memref_slice %arg7[%add3A_330, %dma_start3A_331] : memref<256x64xf32, #tpu.memory_space<vmem>> -> memref<1x64xf32, #tpu.memory_space<vmem>>
      %dma_start3A_333 = arith.constant 0 : i32
      %dma_start3A_334 = tpu.memref_slice %arg3[%squeeze3A_326, %dma_start3A_333] : memref<100000x64xf32, #tpu.memory_space<hbm>> -> memref<1x64xf32, #tpu.memory_space<hbm>>
      %dma_start3A_335 = arith.constant 0 : i32
      %dma_start3A_336 = tpu.memref_slice %arg7[%add3A_330, %dma_start3A_335] : memref<256x64xf32, #tpu.memory_space<vmem>> -> memref<1x64xf32, #tpu.memory_space<vmem>>
      %dma_start3A_337 = arith.constant 0 : i32
      %dma_start3A_338 = tpu.memref_slice %arg3[%squeeze3A_326, %dma_start3A_337] : memref<100000x64xf32, #tpu.memory_space<hbm>> -> memref<1x64xf32, #tpu.memory_space<hbm>>
      tpu.enqueue_dma source(%dma_start3A_338 : memref<1x64xf32, #tpu.memory_space<hbm>>) target(%dma_start3A_336 : memref<1x64xf32, #tpu.memory_space<vmem>>) target_semaphore(%arg12 : memref<!tpu.dma_semaphore, #tpu.memory_space<semaphore_mem>>)
      %slice3A_339 = vector.extract_strided_slice %get3A_130 {offsets = [15], sizes = [1], strides = [1]} : vector<16xi32> to vector<1xi32>
      %squeeze3A_340 = vector.extract %slice3A_339[0] : i32 from vector<1xi32>
      %mul3A_341 = arith.constant 16 : i32
      %mul3A_342 = arith.muli %scan3A_124, %mul3A_341 : i32
      %add3A_343 = arith.constant 15 : i32
      %add3A_344 = arith.addi %mul3A_342, %add3A_343 : i32
      %dma_start3A_345 = arith.constant 0 : i32
      %dma_start3A_346 = tpu.memref_slice %arg7[%add3A_344, %dma_start3A_345] : memref<256x64xf32, #tpu.memory_space<vmem>> -> memref<1x64xf32, #tpu.memory_space<vmem>>
      %dma_start3A_347 = arith.constant 0 : i32
      %dma_start3A_348 = tpu.memref_slice %arg3[%squeeze3A_340, %dma_start3A_347] : memref<100000x64xf32, #tpu.memory_space<hbm>> -> memref<1x64xf32, #tpu.memory_space<hbm>>
      %dma_start3A_349 = arith.constant 0 : i32
      %dma_start3A_350 = tpu.memref_slice %arg7[%add3A_344, %dma_start3A_349] : memref<256x64xf32, #tpu.memory_space<vmem>> -> memref<1x64xf32, #tpu.memory_space<vmem>>
      %dma_start3A_351 = arith.constant 0 : i32
      %dma_start3A_352 = tpu.memref_slice %arg3[%squeeze3A_340, %dma_start3A_351] : memref<100000x64xf32, #tpu.memory_space<hbm>> -> memref<1x64xf32, #tpu.memory_space<hbm>>
      tpu.enqueue_dma source(%dma_start3A_352 : memref<1x64xf32, #tpu.memory_space<hbm>>) target(%dma_start3A_350 : memref<1x64xf32, #tpu.memory_space<vmem>>) target_semaphore(%arg12 : memref<!tpu.dma_semaphore, #tpu.memory_space<semaphore_mem>>)
    }
    %scan3A_102 = arith.constant 16 : i32
    %dma_wait3A_103 = arith.constant 0 : i32
    %dma_wait3A_104 = arith.constant 0 : i32
    %dma_wait3A_105 = tpu.memref_slice %arg3[%dma_wait3A_103, %dma_wait3A_104] : memref<100000x64xf32, #tpu.memory_space<hbm>> -> memref<256x64xf32, #tpu.memory_space<hbm>>
    %dma_wait3A_106 = arith.constant 0 : i32
    %dma_wait3A_107 = arith.constant 0 : i32
    %dma_wait3A_108 = tpu.memref_slice %arg3[%dma_wait3A_106, %dma_wait3A_107] : memref<100000x64xf32, #tpu.memory_space<hbm>> -> memref<256x64xf32, #tpu.memory_space<hbm>>
    tpu.wait_dma2 semaphore(%arg12 : memref<!tpu.dma_semaphore, #tpu.memory_space<semaphore_mem>>) src(%dma_wait3A_108 : memref<256x64xf32, #tpu.memory_space<hbm>>) dst(%arg7 : memref<256x64xf32, #tpu.memory_space<vmem>>)
    %dma_wait3A_109 = arith.constant 0 : i32
    %dma_wait3A_110 = tpu.memref_slice %arg2[%add3A_92, %dma_wait3A_109] : memref<16384x64xf32, #tpu.memory_space<hbm>> -> memref<256x64xf32, #tpu.memory_space<hbm>>
    %dma_wait3A_111 = arith.constant 0 : i32
    %dma_wait3A_112 = tpu.memref_slice %arg2[%add3A_92, %dma_wait3A_111] : memref<16384x64xf32, #tpu.memory_space<hbm>> -> memref<256x64xf32, #tpu.memory_space<hbm>>
    tpu.wait_dma2 semaphore(%arg11 : memref<!tpu.dma_semaphore, #tpu.memory_space<semaphore_mem>>) src(%dma_wait3A_112 : memref<256x64xf32, #tpu.memory_space<hbm>>) dst(%arg8 : memref<256x64xf32, #tpu.memory_space<vmem>>)
    %scan3A_113 = arith.constant 0 : i32
    %scan3A_114 = arith.constant 16 : i32
    %scan3A_115 = arith.addi %scan3A_113, %scan3A_114 : i32
    %scan3A_116 = arith.constant 1 : i32
    %scan3A_117 = scf.for %scan3A_124 = %scan3A_113 to %scan3A_115 step %scan3A_116 iter_args(%scan3A_125 = %scan3A_89) -> (vector<16xf32>)  : i32 {
      %mul3A_126 = arith.constant 16 : i32
      %mul3A_127 = arith.muli %scan3A_124, %mul3A_126 : i32
      %broadcast_in_dim3A_128 = arith.constant 0.000000e+00 : f32
      %broadcast_in_dim3A_129 = vector.broadcast %broadcast_in_dim3A_128 : f32 to vector<16xf32>
      %add3A_130 = arith.constant 0 : i32
      %add3A_131 = arith.addi %mul3A_127, %add3A_130 : i32
      %get3A = arith.index_cast %add3A_131 : i32 to index
      %get3A_132 = arith.constant 0 : index
      %get3A_133 = tpu.vector_load %arg8[%get3A, %get3A_132] {strides = array<i32>} : memref<256x64xf32, #tpu.memory_space<vmem>>, vector<1x16xf32>,
      %get3A_134 = vector.shape_cast %get3A_133 : vector<1x16xf32> to vector<16xf32>
      %get3A_135 = arith.index_cast %add3A_131 : i32 to index
      %get3A_136 = arith.constant 0 : index
      %get3A_137 = tpu.vector_load %arg7[%get3A_135, %get3A_136] {strides = array<i32>} : memref<256x64xf32, #tpu.memory_space<vmem>>, vector<1x16xf32>,
      %get3A_138 = vector.shape_cast %get3A_137 : vector<1x16xf32> to vector<16xf32>
      %sub3A = arith.subf %get3A_134, %get3A_138 : vector<16xf32>
      %mul3A_139 = arith.mulf %sub3A, %sub3A : vector<16xf32>
      %get3A_140 = arith.index_cast %add3A_131 : i32 to index
      %get3A_141 = arith.constant 16 : index
      %get3A_142 = tpu.vector_load %arg8[%get3A_140, %get3A_141] {strides = array<i32>} : memref<256x64xf32, #tpu.memory_space<vmem>>, vector<1x16xf32>,
      %get3A_143 = vector.shape_cast %get3A_142 : vector<1x16xf32> to vector<16xf32>
      %get3A_144 = arith.index_cast %add3A_131 : i32 to index
      %get3A_145 = arith.constant 16 : index
      %get3A_146 = tpu.vector_load %arg7[%get3A_144, %get3A_145] {strides = array<i32>} : memref<256x64xf32, #tpu.memory_space<vmem>>, vector<1x16xf32>,
      %get3A_147 = vector.shape_cast %get3A_146 : vector<1x16xf32> to vector<16xf32>
      %sub3A_148 = arith.subf %get3A_143, %get3A_147 : vector<16xf32>
      %mul3A_149 = arith.mulf %sub3A_148, %sub3A_148 : vector<16xf32>
      %get3A_150 = arith.index_cast %add3A_131 : i32 to index
      %get3A_151 = arith.constant 32 : index
      %get3A_152 = tpu.vector_load %arg8[%get3A_150, %get3A_151] {strides = array<i32>} : memref<256x64xf32, #tpu.memory_space<vmem>>, vector<1x16xf32>,
      %get3A_153 = vector.shape_cast %get3A_152 : vector<1x16xf32> to vector<16xf32>
      %get3A_154 = arith.index_cast %add3A_131 : i32 to index
      %get3A_155 = arith.constant 32 : index
      %get3A_156 = tpu.vector_load %arg7[%get3A_154, %get3A_155] {strides = array<i32>} : memref<256x64xf32, #tpu.memory_space<vmem>>, vector<1x16xf32>,
      %get3A_157 = vector.shape_cast %get3A_156 : vector<1x16xf32> to vector<16xf32>
      %sub3A_158 = arith.subf %get3A_153, %get3A_157 : vector<16xf32>
      %mul3A_159 = arith.mulf %sub3A_158, %sub3A_158 : vector<16xf32>
      %get3A_160 = arith.index_cast %add3A_131 : i32 to index
      %get3A_161 = arith.constant 48 : index
      %get3A_162 = tpu.vector_load %arg8[%get3A_160, %get3A_161] {strides = array<i32>} : memref<256x64xf32, #tpu.memory_space<vmem>>, vector<1x16xf32>,
      %get3A_163 = vector.shape_cast %get3A_162 : vector<1x16xf32> to vector<16xf32>
      %get3A_164 = arith.index_cast %add3A_131 : i32 to index
      %get3A_165 = arith.constant 48 : index
      %get3A_166 = tpu.vector_load %arg7[%get3A_164, %get3A_165] {strides = array<i32>} : memref<256x64xf32, #tpu.memory_space<vmem>>, vector<1x16xf32>,
      %get3A_167 = vector.shape_cast %get3A_166 : vector<1x16xf32> to vector<16xf32>
      %sub3A_168 = arith.subf %get3A_163, %get3A_167 : vector<16xf32>
      %mul3A_169 = arith.mulf %sub3A_168, %sub3A_168 : vector<16xf32>
      %add3A_170 = arith.addf %mul3A_139, %mul3A_149 : vector<16xf32>
      %add3A_171 = arith.addf %mul3A_159, %mul3A_169 : vector<16xf32>
      %add3A_172 = arith.addf %add3A_170, %add3A_171 : vector<16xf32>
      %broadcast_in_dim3A_173 = vector.shape_cast %xor3A_53 : vector<16xi32> to vector<16x1xi32>
      %gather3A = vector.shape_cast %broadcast_in_dim3A_173 : vector<16x1xi32> to vector<16xi32>
      %gather3A_174 = tpu.dynamic_gather %add3A_172[%gather3A] in [0] : vector<16xf32>, vector<16xi32> -> vector<16xf32>
      %add3A_175 = arith.addf %add3A_172, %gather3A_174 : vector<16xf32>
      %broadcast_in_dim3A_176 = vector.shape_cast %xor3A_56 : vector<16xi32> to vector<16x1xi32>
      %gather3A_177 = vector.shape_cast %broadcast_in_dim3A_176 : vector<16x1xi32> to vector<16xi32>
      %gather3A_178 = tpu.dynamic_gather %add3A_175[%gather3A_177] in [0] : vector<16xf32>, vector<16xi32> -> vector<16xf32>
      %add3A_179 = arith.addf %add3A_175, %gather3A_178 : vector<16xf32>
      %broadcast_in_dim3A_180 = vector.shape_cast %xor3A_59 : vector<16xi32> to vector<16x1xi32>
      %gather3A_181 = vector.shape_cast %broadcast_in_dim3A_180 : vector<16x1xi32> to vector<16xi32>
      %gather3A_182 = tpu.dynamic_gather %add3A_179[%gather3A_181] in [0] : vector<16xf32>, vector<16xi32> -> vector<16xf32>
      %add3A_183 = arith.addf %add3A_179, %gather3A_182 : vector<16xf32>
      %broadcast_in_dim3A_184 = vector.shape_cast %xor3A_62 : vector<16xi32> to vector<16x1xi32>
      %gather3A_185 = vector.shape_cast %broadcast_in_dim3A_184 : vector<16x1xi32> to vector<16xi32>
      %gather3A_186 = tpu.dynamic_gather %add3A_183[%gather3A_185] in [0] : vector<16xf32>, vector<16xi32> -> vector<16xf32>
      %add3A_187 = arith.addf %add3A_183, %gather3A_186 : vector<16xf32>
      %select_n3A = arith.select %eq3A_6, %add3A_187, %broadcast_in_dim3A_129 : vector<16xi1>, vector<16xf32>
      %add3A_188 = arith.constant 1 : i32
      %add3A_189 = arith.addi %mul3A_127, %add3A_188 : i32
      %get3A_190 = arith.index_cast %add3A_189 : i32 to index
      %get3A_191 = arith.constant 0 : index
      %get3A_192 = tpu.vector_load %arg8[%get3A_190, %get3A_191] {strides = array<i32>} : memref<256x64xf32, #tpu.memory_space<vmem>>, vector<1x16xf32>,
      %get3A_193 = vector.shape_cast %get3A_192 : vector<1x16xf32> to vector<16xf32>
      %get3A_194 = arith.index_cast %add3A_189 : i32 to index
      %get3A_195 = arith.constant 0 : index
      %get3A_196 = tpu.vector_load %arg7[%get3A_194, %get3A_195] {strides = array<i32>} : memref<256x64xf32, #tpu.memory_space<vmem>>, vector<1x16xf32>,
      %get3A_197 = vector.shape_cast %get3A_196 : vector<1x16xf32> to vector<16xf32>
      %sub3A_198 = arith.subf %get3A_193, %get3A_197 : vector<16xf32>
      %mul3A_199 = arith.mulf %sub3A_198, %sub3A_198 : vector<16xf32>
      %get3A_200 = arith.index_cast %add3A_189 : i32 to index
      %get3A_201 = arith.constant 16 : index
      %get3A_202 = tpu.vector_load %arg8[%get3A_200, %get3A_201] {strides = array<i32>} : memref<256x64xf32, #tpu.memory_space<vmem>>, vector<1x16xf32>,
      %get3A_203 = vector.shape_cast %get3A_202 : vector<1x16xf32> to vector<16xf32>
      %get3A_204 = arith.index_cast %add3A_189 : i32 to index
      %get3A_205 = arith.constant 16 : index
      %get3A_206 = tpu.vector_load %arg7[%get3A_204, %get3A_205] {strides = array<i32>} : memref<256x64xf32, #tpu.memory_space<vmem>>, vector<1x16xf32>,
      %get3A_207 = vector.shape_cast %get3A_206 : vector<1x16xf32> to vector<16xf32>
      %sub3A_208 = arith.subf %get3A_203, %get3A_207 : vector<16xf32>
      %mul3A_209 = arith.mulf %sub3A_208, %sub3A_208 : vector<16xf32>
      %get3A_210 = arith.index_cast %add3A_189 : i32 to index
      %get3A_211 = arith.constant 32 : index
      %get3A_212 = tpu.vector_load %arg8[%get3A_210, %get3A_211] {strides = array<i32>} : memref<256x64xf32, #tpu.memory_space<vmem>>, vector<1x16xf32>,
      %get3A_213 = vector.shape_cast %get3A_212 : vector<1x16xf32> to vector<16xf32>
      %get3A_214 = arith.index_cast %add3A_189 : i32 to index
      %get3A_215 = arith.constant 32 : index
      %get3A_216 = tpu.vector_load %arg7[%get3A_214, %get3A_215] {strides = array<i32>} : memref<256x64xf32, #tpu.memory_space<vmem>>, vector<1x16xf32>,
      %get3A_217 = vector.shape_cast %get3A_216 : vector<1x16xf32> to vector<16xf32>
      %sub3A_218 = arith.subf %get3A_213, %get3A_217 : vector<16xf32>
      %mul3A_219 = arith.mulf %sub3A_218, %sub3A_218 : vector<16xf32>
      %get3A_220 = arith.index_cast %add3A_189 : i32 to index
      %get3A_221 = arith.constant 48 : index
      %get3A_222 = tpu.vector_load %arg8[%get3A_220, %get3A_221] {strides = array<i32>} : memref<256x64xf32, #tpu.memory_space<vmem>>, vector<1x16xf32>,
      %get3A_223 = vector.shape_cast %get3A_222 : vector<1x16xf32> to vector<16xf32>
      %get3A_224 = arith.index_cast %add3A_189 : i32 to index
      %get3A_225 = arith.constant 48 : index
      %get3A_226 = tpu.vector_load %arg7[%get3A_224, %get3A_225] {strides = array<i32>} : memref<256x64xf32, #tpu.memory_space<vmem>>, vector<1x16xf32>,
      %get3A_227 = vector.shape_cast %get3A_226 : vector<1x16xf32> to vector<16xf32>
      %sub3A_228 = arith.subf %get3A_223, %get3A_227 : vector<16xf32>
      %mul3A_229 = arith.mulf %sub3A_228, %sub3A_228 : vector<16xf32>
      %add3A_230 = arith.addf %mul3A_199, %mul3A_209 : vector<16xf32>
      %add3A_231 = arith.addf %mul3A_219, %mul3A_229 : vector<16xf32>
      %add3A_232 = arith.addf %add3A_230, %add3A_231 : vector<16xf32>
      %broadcast_in_dim3A_233 = vector.shape_cast %xor3A_53 : vector<16xi32> to vector<16x1xi32>
      %gather3A_234 = vector.shape_cast %broadcast_in_dim3A_233 : vector<16x1xi32> to vector<16xi32>
      %gather3A_235 = tpu.dynamic_gather %add3A_232[%gather3A_234] in [0] : vector<16xf32>, vector<16xi32> -> vector<16xf32>
      %add3A_236 = arith.addf %add3A_232, %gather3A_235 : vector<16xf32>
      %broadcast_in_dim3A_237 = vector.shape_cast %xor3A_56 : vector<16xi32> to vector<16x1xi32>
      %gather3A_238 = vector.shape_cast %broadcast_in_dim3A_237 : vector<16x1xi32> to vector<16xi32>
      %gather3A_239 = tpu.dynamic_gather %add3A_236[%gather3A_238] in [0] : vector<16xf32>, vector<16xi32> -> vector<16xf32>
      %add3A_240 = arith.addf %add3A_236, %gather3A_239 : vector<16xf32>
      %broadcast_in_dim3A_241 = vector.shape_cast %xor3A_59 : vector<16xi32> to vector<16x1xi32>
      %gather3A_242 = vector.shape_cast %broadcast_in_dim3A_241 : vector<16x1xi32> to vector<16xi32>
      %gather3A_243 = tpu.dynamic_gather %add3A_240[%gather3A_242] in [0] : vector<16xf32>, vector<16xi32> -> vector<16xf32>
      %add3A_244 = arith.addf %add3A_240, %gather3A_243 : vector<16xf32>
      %broadcast_in_dim3A_245 = vector.shape_cast %xor3A_62 : vector<16xi32> to vector<16x1xi32>
      %gather3A_246 = vector.shape_cast %broadcast_in_dim3A_245 : vector<16x1xi32> to vector<16xi32>
      %gather3A_247 = tpu.dynamic_gather %add3A_244[%gather3A_246] in [0] : vector<16xf32>, vector<16xi32> -> vector<16xf32>
      %add3A_248 = arith.addf %add3A_244, %gather3A_247 : vector<16xf32>
      %select_n3A_249 = arith.select %eq3A_9, %add3A_248, %select_n3A : vector<16xi1>, vector<16xf32>
      %add3A_250 = arith.constant 2 : i32
      %add3A_251 = arith.addi %mul3A_127, %add3A_250 : i32
      %get3A_252 = arith.index_cast %add3A_251 : i32 to index
      %get3A_253 = arith.constant 0 : index
      %get3A_254 = tpu.vector_load %arg8[%get3A_252, %get3A_253] {strides = array<i32>} : memref<256x64xf32, #tpu.memory_space<vmem>>, vector<1x16xf32>,
      %get3A_255 = vector.shape_cast %get3A_254 : vector<1x16xf32> to vector<16xf32>
      %get3A_256 = arith.index_cast %add3A_251 : i32 to index
      %get3A_257 = arith.constant 0 : index
      %get3A_258 = tpu.vector_load %arg7[%get3A_256, %get3A_257] {strides = array<i32>} : memref<256x64xf32, #tpu.memory_space<vmem>>, vector<1x16xf32>,
      %get3A_259 = vector.shape_cast %get3A_258 : vector<1x16xf32> to vector<16xf32>
      %sub3A_260 = arith.subf %get3A_255, %get3A_259 : vector<16xf32>
      %mul3A_261 = arith.mulf %sub3A_260, %sub3A_260 : vector<16xf32>
      %get3A_262 = arith.index_cast %add3A_251 : i32 to index
      %get3A_263 = arith.constant 16 : index
      %get3A_264 = tpu.vector_load %arg8[%get3A_262, %get3A_263] {strides = array<i32>} : memref<256x64xf32, #tpu.memory_space<vmem>>, vector<1x16xf32>,
      %get3A_265 = vector.shape_cast %get3A_264 : vector<1x16xf32> to vector<16xf32>
      %get3A_266 = arith.index_cast %add3A_251 : i32 to index
      %get3A_267 = arith.constant 16 : index
      %get3A_268 = tpu.vector_load %arg7[%get3A_266, %get3A_267] {strides = array<i32>} : memref<256x64xf32, #tpu.memory_space<vmem>>, vector<1x16xf32>,
      %get3A_269 = vector.shape_cast %get3A_268 : vector<1x16xf32> to vector<16xf32>
      %sub3A_270 = arith.subf %get3A_265, %get3A_269 : vector<16xf32>
      %mul3A_271 = arith.mulf %sub3A_270, %sub3A_270 : vector<16xf32>
      %get3A_272 = arith.index_cast %add3A_251 : i32 to index
      %get3A_273 = arith.constant 32 : index
      %get3A_274 = tpu.vector_load %arg8[%get3A_272, %get3A_273] {strides = array<i32>} : memref<256x64xf32, #tpu.memory_space<vmem>>, vector<1x16xf32>,
      %get3A_275 = vector.shape_cast %get3A_274 : vector<1x16xf32> to vector<16xf32>
      %get3A_276 = arith.index_cast %add3A_251 : i32 to index
      %get3A_277 = arith.constant 32 : index
      %get3A_278 = tpu.vector_load %arg7[%get3A_276, %get3A_277] {strides = array<i32>} : memref<256x64xf32, #tpu.memory_space<vmem>>, vector<1x16xf32>,
      %get3A_279 = vector.shape_cast %get3A_278 : vector<1x16xf32> to vector<16xf32>
      %sub3A_280 = arith.subf %get3A_275, %get3A_279 : vector<16xf32>
      %mul3A_281 = arith.mulf %sub3A_280, %sub3A_280 : vector<16xf32>
      %get3A_282 = arith.index_cast %add3A_251 : i32 to index
      %get3A_283 = arith.constant 48 : index
      %get3A_284 = tpu.vector_load %arg8[%get3A_282, %get3A_283] {strides = array<i32>} : memref<256x64xf32, #tpu.memory_space<vmem>>, vector<1x16xf32>,
      %get3A_285 = vector.shape_cast %get3A_284 : vector<1x16xf32> to vector<16xf32>
      %get3A_286 = arith.index_cast %add3A_251 : i32 to index
      %get3A_287 = arith.constant 48 : index
      %get3A_288 = tpu.vector_load %arg7[%get3A_286, %get3A_287] {strides = array<i32>} : memref<256x64xf32, #tpu.memory_space<vmem>>, vector<1x16xf32>,
      %get3A_289 = vector.shape_cast %get3A_288 : vector<1x16xf32> to vector<16xf32>
      %sub3A_290 = arith.subf %get3A_285, %get3A_289 : vector<16xf32>
      %mul3A_291 = arith.mulf %sub3A_290, %sub3A_290 : vector<16xf32>
      %add3A_292 = arith.addf %mul3A_261, %mul3A_271 : vector<16xf32>
      %add3A_293 = arith.addf %mul3A_281, %mul3A_291 : vector<16xf32>
      %add3A_294 = arith.addf %add3A_292, %add3A_293 : vector<16xf32>
      %broadcast_in_dim3A_295 = vector.shape_cast %xor3A_53 : vector<16xi32> to vector<16x1xi32>
      %gather3A_296 = vector.shape_cast %broadcast_in_dim3A_295 : vector<16x1xi32> to vector<16xi32>
      %gather3A_297 = tpu.dynamic_gather %add3A_294[%gather3A_296] in [0] : vector<16xf32>, vector<16xi32> -> vector<16xf32>
      %add3A_298 = arith.addf %add3A_294, %gather3A_297 : vector<16xf32>
      %broadcast_in_dim3A_299 = vector.shape_cast %xor3A_56 : vector<16xi32> to vector<16x1xi32>
      %gather3A_300 = vector.shape_cast %broadcast_in_dim3A_299 : vector<16x1xi32> to vector<16xi32>
      %gather3A_301 = tpu.dynamic_gather %add3A_298[%gather3A_300] in [0] : vector<16xf32>, vector<16xi32> -> vector<16xf32>
      %add3A_302 = arith.addf %add3A_298, %gather3A_301 : vector<16xf32>
      %broadcast_in_dim3A_303 = vector.shape_cast %xor3A_59 : vector<16xi32> to vector<16x1xi32>
      %gather3A_304 = vector.shape_cast %broadcast_in_dim3A_303 : vector<16x1xi32> to vector<16xi32>
      %gather3A_305 = tpu.dynamic_gather %add3A_302[%gather3A_304] in [0] : vector<16xf32>, vector<16xi32> -> vector<16xf32>
      %add3A_306 = arith.addf %add3A_302, %gather3A_305 : vector<16xf32>
      %broadcast_in_dim3A_307 = vector.shape_cast %xor3A_62 : vector<16xi32> to vector<16x1xi32>
      %gather3A_308 = vector.shape_cast %broadcast_in_dim3A_307 : vector<16x1xi32> to vector<16xi32>
      %gather3A_309 = tpu.dynamic_gather %add3A_306[%gather3A_308] in [0] : vector<16xf32>, vector<16xi32> -> vector<16xf32>
      %add3A_310 = arith.addf %add3A_306, %gather3A_309 : vector<16xf32>
      %select_n3A_311 = arith.select %eq3A_12, %add3A_310, %select_n3A_249 : vector<16xi1>, vector<16xf32>
      %add3A_312 = arith.constant 3 : i32
      %add3A_313 = arith.addi %mul3A_127, %add3A_312 : i32
      %get3A_314 = arith.index_cast %add3A_313 : i32 to index
      %get3A_315 = arith.constant 0 : index
      %get3A_316 = tpu.vector_load %arg8[%get3A_314, %get3A_315] {strides = array<i32>} : memref<256x64xf32, #tpu.memory_space<vmem>>, vector<1x16xf32>,
      %get3A_317 = vector.shape_cast %get3A_316 : vector<1x16xf32> to vector<16xf32>
      %get3A_318 = arith.index_cast %add3A_313 : i32 to index
      %get3A_319 = arith.constant 0 : index
      %get3A_320 = tpu.vector_load %arg7[%get3A_318, %get3A_319] {strides = array<i32>} : memref<256x64xf32, #tpu.memory_space<vmem>>, vector<1x16xf32>,
      %get3A_321 = vector.shape_cast %get3A_320 : vector<1x16xf32> to vector<16xf32>
      %sub3A_322 = arith.subf %get3A_317, %get3A_321 : vector<16xf32>
      %mul3A_323 = arith.mulf %sub3A_322, %sub3A_322 : vector<16xf32>
      %get3A_324 = arith.index_cast %add3A_313 : i32 to index
      %get3A_325 = arith.constant 16 : index
      %get3A_326 = tpu.vector_load %arg8[%get3A_324, %get3A_325] {strides = array<i32>} : memref<256x64xf32, #tpu.memory_space<vmem>>, vector<1x16xf32>,
      %get3A_327 = vector.shape_cast %get3A_326 : vector<1x16xf32> to vector<16xf32>
      %get3A_328 = arith.index_cast %add3A_313 : i32 to index
      %get3A_329 = arith.constant 16 : index
      %get3A_330 = tpu.vector_load %arg7[%get3A_328, %get3A_329] {strides = array<i32>} : memref<256x64xf32, #tpu.memory_space<vmem>>, vector<1x16xf32>,
      %get3A_331 = vector.shape_cast %get3A_330 : vector<1x16xf32> to vector<16xf32>
      %sub3A_332 = arith.subf %get3A_327, %get3A_331 : vector<16xf32>
      %mul3A_333 = arith.mulf %sub3A_332, %sub3A_332 : vector<16xf32>
      %get3A_334 = arith.index_cast %add3A_313 : i32 to index
      %get3A_335 = arith.constant 32 : index
      %get3A_336 = tpu.vector_load %arg8[%get3A_334, %get3A_335] {strides = array<i32>} : memref<256x64xf32, #tpu.memory_space<vmem>>, vector<1x16xf32>,
      %get3A_337 = vector.shape_cast %get3A_336 : vector<1x16xf32> to vector<16xf32>
      %get3A_338 = arith.index_cast %add3A_313 : i32 to index
      %get3A_339 = arith.constant 32 : index
      %get3A_340 = tpu.vector_load %arg7[%get3A_338, %get3A_339] {strides = array<i32>} : memref<256x64xf32, #tpu.memory_space<vmem>>, vector<1x16xf32>,
      %get3A_341 = vector.shape_cast %get3A_340 : vector<1x16xf32> to vector<16xf32>
      %sub3A_342 = arith.subf %get3A_337, %get3A_341 : vector<16xf32>
      %mul3A_343 = arith.mulf %sub3A_342, %sub3A_342 : vector<16xf32>
      %get3A_344 = arith.index_cast %add3A_313 : i32 to index
      %get3A_345 = arith.constant 48 : index
      %get3A_346 = tpu.vector_load %arg8[%get3A_344, %get3A_345] {strides = array<i32>} : memref<256x64xf32, #tpu.memory_space<vmem>>, vector<1x16xf32>,
      %get3A_347 = vector.shape_cast %get3A_346 : vector<1x16xf32> to vector<16xf32>
      %get3A_348 = arith.index_cast %add3A_313 : i32 to index
      %get3A_349 = arith.constant 48 : index
      %get3A_350 = tpu.vector_load %arg7[%get3A_348, %get3A_349] {strides = array<i32>} : memref<256x64xf32, #tpu.memory_space<vmem>>, vector<1x16xf32>,
      %get3A_351 = vector.shape_cast %get3A_350 : vector<1x16xf32> to vector<16xf32>
      %sub3A_352 = arith.subf %get3A_347, %get3A_351 : vector<16xf32>
      %mul3A_353 = arith.mulf %sub3A_352, %sub3A_352 : vector<16xf32>
      %add3A_354 = arith.addf %mul3A_323, %mul3A_333 : vector<16xf32>
      %add3A_355 = arith.addf %mul3A_343, %mul3A_353 : vector<16xf32>
      %add3A_356 = arith.addf %add3A_354, %add3A_355 : vector<16xf32>
      %broadcast_in_dim3A_357 = vector.shape_cast %xor3A_53 : vector<16xi32> to vector<16x1xi32>
      %gather3A_358 = vector.shape_cast %broadcast_in_dim3A_357 : vector<16x1xi32> to vector<16xi32>
      %gather3A_359 = tpu.dynamic_gather %add3A_356[%gather3A_358] in [0] : vector<16xf32>, vector<16xi32> -> vector<16xf32>
      %add3A_360 = arith.addf %add3A_356, %gather3A_359 : vector<16xf32>
      %broadcast_in_dim3A_361 = vector.shape_cast %xor3A_56 : vector<16xi32> to vector<16x1xi32>
      %gather3A_362 = vector.shape_cast %broadcast_in_dim3A_361 : vector<16x1xi32> to vector<16xi32>
      %gather3A_363 = tpu.dynamic_gather %add3A_360[%gather3A_362] in [0] : vector<16xf32>, vector<16xi32> -> vector<16xf32>
      %add3A_364 = arith.addf %add3A_360, %gather3A_363 : vector<16xf32>
      %broadcast_in_dim3A_365 = vector.shape_cast %xor3A_59 : vector<16xi32> to vector<16x1xi32>
      %gather3A_366 = vector.shape_cast %broadcast_in_dim3A_365 : vector<16x1xi32> to vector<16xi32>
      %gather3A_367 = tpu.dynamic_gather %add3A_364[%gather3A_366] in [0] : vector<16xf32>, vector<16xi32> -> vector<16xf32>
      %add3A_368 = arith.addf %add3A_364, %gather3A_367 : vector<16xf32>
      %broadcast_in_dim3A_369 = vector.shape_cast %xor3A_62 : vector<16xi32> to vector<16x1xi32>
      %gather3A_370 = vector.shape_cast %broadcast_in_dim3A_369 : vector<16x1xi32> to vector<16xi32>
      %gather3A_371 = tpu.dynamic_gather %add3A_368[%gather3A_370] in [0] : vector<16xf32>, vector<16xi32> -> vector<16xf32>
      %add3A_372 = arith.addf %add3A_368, %gather3A_371 : vector<16xf32>
      %select_n3A_373 = arith.select %eq3A_15, %add3A_372, %select_n3A_311 : vector<16xi1>, vector<16xf32>
      %add3A_374 = arith.constant 4 : i32
      %add3A_375 = arith.addi %mul3A_127, %add3A_374 : i32
      %get3A_376 = arith.index_cast %add3A_375 : i32 to index
      %get3A_377 = arith.constant 0 : index
      %get3A_378 = tpu.vector_load %arg8[%get3A_376, %get3A_377] {strides = array<i32>} : memref<256x64xf32, #tpu.memory_space<vmem>>, vector<1x16xf32>,
      %get3A_379 = vector.shape_cast %get3A_378 : vector<1x16xf32> to vector<16xf32>
      %get3A_380 = arith.index_cast %add3A_375 : i32 to index
      %get3A_381 = arith.constant 0 : index
      %get3A_382 = tpu.vector_load %arg7[%get3A_380, %get3A_381] {strides = array<i32>} : memref<256x64xf32, #tpu.memory_space<vmem>>, vector<1x16xf32>,
      %get3A_383 = vector.shape_cast %get3A_382 : vector<1x16xf32> to vector<16xf32>
      %sub3A_384 = arith.subf %get3A_379, %get3A_383 : vector<16xf32>
      %mul3A_385 = arith.mulf %sub3A_384, %sub3A_384 : vector<16xf32>
      %get3A_386 = arith.index_cast %add3A_375 : i32 to index
      %get3A_387 = arith.constant 16 : index
      %get3A_388 = tpu.vector_load %arg8[%get3A_386, %get3A_387] {strides = array<i32>} : memref<256x64xf32, #tpu.memory_space<vmem>>, vector<1x16xf32>,
      %get3A_389 = vector.shape_cast %get3A_388 : vector<1x16xf32> to vector<16xf32>
      %get3A_390 = arith.index_cast %add3A_375 : i32 to index
      %get3A_391 = arith.constant 16 : index
      %get3A_392 = tpu.vector_load %arg7[%get3A_390, %get3A_391] {strides = array<i32>} : memref<256x64xf32, #tpu.memory_space<vmem>>, vector<1x16xf32>,
      %get3A_393 = vector.shape_cast %get3A_392 : vector<1x16xf32> to vector<16xf32>
      %sub3A_394 = arith.subf %get3A_389, %get3A_393 : vector<16xf32>
      %mul3A_395 = arith.mulf %sub3A_394, %sub3A_394 : vector<16xf32>
      %get3A_396 = arith.index_cast %add3A_375 : i32 to index
      %get3A_397 = arith.constant 32 : index
      %get3A_398 = tpu.vector_load %arg8[%get3A_396, %get3A_397] {strides = array<i32>} : memref<256x64xf32, #tpu.memory_space<vmem>>, vector<1x16xf32>,
      %get3A_399 = vector.shape_cast %get3A_398 : vector<1x16xf32> to vector<16xf32>
      %get3A_400 = arith.index_cast %add3A_375 : i32 to index
      %get3A_401 = arith.constant 32 : index
      %get3A_402 = tpu.vector_load %arg7[%get3A_400, %get3A_401] {strides = array<i32>} : memref<256x64xf32, #tpu.memory_space<vmem>>, vector<1x16xf32>,
      %get3A_403 = vector.shape_cast %get3A_402 : vector<1x16xf32> to vector<16xf32>
      %sub3A_404 = arith.subf %get3A_399, %get3A_403 : vector<16xf32>
      %mul3A_405 = arith.mulf %sub3A_404, %sub3A_404 : vector<16xf32>
      %get3A_406 = arith.index_cast %add3A_375 : i32 to index
      %get3A_407 = arith.constant 48 : index
      %get3A_408 = tpu.vector_load %arg8[%get3A_406, %get3A_407] {strides = array<i32>} : memref<256x64xf32, #tpu.memory_space<vmem>>, vector<1x16xf32>,
      %get3A_409 = vector.shape_cast %get3A_408 : vector<1x16xf32> to vector<16xf32>
      %get3A_410 = arith.index_cast %add3A_375 : i32 to index
      %get3A_411 = arith.constant 48 : index
      %get3A_412 = tpu.vector_load %arg7[%get3A_410, %get3A_411] {strides = array<i32>} : memref<256x64xf32, #tpu.memory_space<vmem>>, vector<1x16xf32>,
      %get3A_413 = vector.shape_cast %get3A_412 : vector<1x16xf32> to vector<16xf32>
      %sub3A_414 = arith.subf %get3A_409, %get3A_413 : vector<16xf32>
      %mul3A_415 = arith.mulf %sub3A_414, %sub3A_414 : vector<16xf32>
      %add3A_416 = arith.addf %mul3A_385, %mul3A_395 : vector<16xf32>
      %add3A_417 = arith.addf %mul3A_405, %mul3A_415 : vector<16xf32>
      %add3A_418 = arith.addf %add3A_416, %add3A_417 : vector<16xf32>
      %broadcast_in_dim3A_419 = vector.shape_cast %xor3A_53 : vector<16xi32> to vector<16x1xi32>
      %gather3A_420 = vector.shape_cast %broadcast_in_dim3A_419 : vector<16x1xi32> to vector<16xi32>
      %gather3A_421 = tpu.dynamic_gather %add3A_418[%gather3A_420] in [0] : vector<16xf32>, vector<16xi32> -> vector<16xf32>
      %add3A_422 = arith.addf %add3A_418, %gather3A_421 : vector<16xf32>
      %broadcast_in_dim3A_423 = vector.shape_cast %xor3A_56 : vector<16xi32> to vector<16x1xi32>
      %gather3A_424 = vector.shape_cast %broadcast_in_dim3A_423 : vector<16x1xi32> to vector<16xi32>
      %gather3A_425 = tpu.dynamic_gather %add3A_422[%gather3A_424] in [0] : vector<16xf32>, vector<16xi32> -> vector<16xf32>
      %add3A_426 = arith.addf %add3A_422, %gather3A_425 : vector<16xf32>
      %broadcast_in_dim3A_427 = vector.shape_cast %xor3A_59 : vector<16xi32> to vector<16x1xi32>
      %gather3A_428 = vector.shape_cast %broadcast_in_dim3A_427 : vector<16x1xi32> to vector<16xi32>
      %gather3A_429 = tpu.dynamic_gather %add3A_426[%gather3A_428] in [0] : vector<16xf32>, vector<16xi32> -> vector<16xf32>
      %add3A_430 = arith.addf %add3A_426, %gather3A_429 : vector<16xf32>
      %broadcast_in_dim3A_431 = vector.shape_cast %xor3A_62 : vector<16xi32> to vector<16x1xi32>
      %gather3A_432 = vector.shape_cast %broadcast_in_dim3A_431 : vector<16x1xi32> to vector<16xi32>
      %gather3A_433 = tpu.dynamic_gather %add3A_430[%gather3A_432] in [0] : vector<16xf32>, vector<16xi32> -> vector<16xf32>
      %add3A_434 = arith.addf %add3A_430, %gather3A_433 : vector<16xf32>
      %select_n3A_435 = arith.select %eq3A_18, %add3A_434, %select_n3A_373 : vector<16xi1>, vector<16xf32>
      %add3A_436 = arith.constant 5 : i32
      %add3A_437 = arith.addi %mul3A_127, %add3A_436 : i32
      %get3A_438 = arith.index_cast %add3A_437 : i32 to index
      %get3A_439 = arith.constant 0 : index
      %get3A_440 = tpu.vector_load %arg8[%get3A_438, %get3A_439] {strides = array<i32>} : memref<256x64xf32, #tpu.memory_space<vmem>>, vector<1x16xf32>,
      %get3A_441 = vector.shape_cast %get3A_440 : vector<1x16xf32> to vector<16xf32>
      %get3A_442 = arith.index_cast %add3A_437 : i32 to index
      %get3A_443 = arith.constant 0 : index
      %get3A_444 = tpu.vector_load %arg7[%get3A_442, %get3A_443] {strides = array<i32>} : memref<256x64xf32, #tpu.memory_space<vmem>>, vector<1x16xf32>,
      %get3A_445 = vector.shape_cast %get3A_444 : vector<1x16xf32> to vector<16xf32>
      %sub3A_446 = arith.subf %get3A_441, %get3A_445 : vector<16xf32>
      %mul3A_447 = arith.mulf %sub3A_446, %sub3A_446 : vector<16xf32>
      %get3A_448 = arith.index_cast %add3A_437 : i32 to index
      %get3A_449 = arith.constant 16 : index
      %get3A_450 = tpu.vector_load %arg8[%get3A_448, %get3A_449] {strides = array<i32>} : memref<256x64xf32, #tpu.memory_space<vmem>>, vector<1x16xf32>,
      %get3A_451 = vector.shape_cast %get3A_450 : vector<1x16xf32> to vector<16xf32>
      %get3A_452 = arith.index_cast %add3A_437 : i32 to index
      %get3A_453 = arith.constant 16 : index
      %get3A_454 = tpu.vector_load %arg7[%get3A_452, %get3A_453] {strides = array<i32>} : memref<256x64xf32, #tpu.memory_space<vmem>>, vector<1x16xf32>,
      %get3A_455 = vector.shape_cast %get3A_454 : vector<1x16xf32> to vector<16xf32>
      %sub3A_456 = arith.subf %get3A_451, %get3A_455 : vector<16xf32>
      %mul3A_457 = arith.mulf %sub3A_456, %sub3A_456 : vector<16xf32>
      %get3A_458 = arith.index_cast %add3A_437 : i32 to index
      %get3A_459 = arith.constant 32 : index
      %get3A_460 = tpu.vector_load %arg8[%get3A_458, %get3A_459] {strides = array<i32>} : memref<256x64xf32, #tpu.memory_space<vmem>>, vector<1x16xf32>,
      %get3A_461 = vector.shape_cast %get3A_460 : vector<1x16xf32> to vector<16xf32>
      %get3A_462 = arith.index_cast %add3A_437 : i32 to index
      %get3A_463 = arith.constant 32 : index
      %get3A_464 = tpu.vector_load %arg7[%get3A_462, %get3A_463] {strides = array<i32>} : memref<256x64xf32, #tpu.memory_space<vmem>>, vector<1x16xf32>,
      %get3A_465 = vector.shape_cast %get3A_464 : vector<1x16xf32> to vector<16xf32>
      %sub3A_466 = arith.subf %get3A_461, %get3A_465 : vector<16xf32>
      %mul3A_467 = arith.mulf %sub3A_466, %sub3A_466 : vector<16xf32>
      %get3A_468 = arith.index_cast %add3A_437 : i32 to index
      %get3A_469 = arith.constant 48 : index
      %get3A_470 = tpu.vector_load %arg8[%get3A_468, %get3A_469] {strides = array<i32>} : memref<256x64xf32, #tpu.memory_space<vmem>>, vector<1x16xf32>,
      %get3A_471 = vector.shape_cast %get3A_470 : vector<1x16xf32> to vector<16xf32>
      %get3A_472 = arith.index_cast %add3A_437 : i32 to index
      %get3A_473 = arith.constant 48 : index
      %get3A_474 = tpu.vector_load %arg7[%get3A_472, %get3A_473] {strides = array<i32>} : memref<256x64xf32, #tpu.memory_space<vmem>>, vector<1x16xf32>,
      %get3A_475 = vector.shape_cast %get3A_474 : vector<1x16xf32> to vector<16xf32>
      %sub3A_476 = arith.subf %get3A_471, %get3A_475 : vector<16xf32>
      %mul3A_477 = arith.mulf %sub3A_476, %sub3A_476 : vector<16xf32>
      %add3A_478 = arith.addf %mul3A_447, %mul3A_457 : vector<16xf32>
      %add3A_479 = arith.addf %mul3A_467, %mul3A_477 : vector<16xf32>
      %add3A_480 = arith.addf %add3A_478, %add3A_479 : vector<16xf32>
      %broadcast_in_dim3A_481 = vector.shape_cast %xor3A_53 : vector<16xi32> to vector<16x1xi32>
      %gather3A_482 = vector.shape_cast %broadcast_in_dim3A_481 : vector<16x1xi32> to vector<16xi32>
      %gather3A_483 = tpu.dynamic_gather %add3A_480[%gather3A_482] in [0] : vector<16xf32>, vector<16xi32> -> vector<16xf32>
      %add3A_484 = arith.addf %add3A_480, %gather3A_483 : vector<16xf32>
      %broadcast_in_dim3A_485 = vector.shape_cast %xor3A_56 : vector<16xi32> to vector<16x1xi32>
      %gather3A_486 = vector.shape_cast %broadcast_in_dim3A_485 : vector<16x1xi32> to vector<16xi32>
      %gather3A_487 = tpu.dynamic_gather %add3A_484[%gather3A_486] in [0] : vector<16xf32>, vector<16xi32> -> vector<16xf32>
      %add3A_488 = arith.addf %add3A_484, %gather3A_487 : vector<16xf32>
      %broadcast_in_dim3A_489 = vector.shape_cast %xor3A_59 : vector<16xi32> to vector<16x1xi32>
      %gather3A_490 = vector.shape_cast %broadcast_in_dim3A_489 : vector<16x1xi32> to vector<16xi32>
      %gather3A_491 = tpu.dynamic_gather %add3A_488[%gather3A_490] in [0] : vector<16xf32>, vector<16xi32> -> vector<16xf32>
      %add3A_492 = arith.addf %add3A_488, %gather3A_491 : vector<16xf32>
      %broadcast_in_dim3A_493 = vector.shape_cast %xor3A_62 : vector<16xi32> to vector<16x1xi32>
      %gather3A_494 = vector.shape_cast %broadcast_in_dim3A_493 : vector<16x1xi32> to vector<16xi32>
      %gather3A_495 = tpu.dynamic_gather %add3A_492[%gather3A_494] in [0] : vector<16xf32>, vector<16xi32> -> vector<16xf32>
      %add3A_496 = arith.addf %add3A_492, %gather3A_495 : vector<16xf32>
      %select_n3A_497 = arith.select %eq3A_21, %add3A_496, %select_n3A_435 : vector<16xi1>, vector<16xf32>
      %add3A_498 = arith.constant 6 : i32
      %add3A_499 = arith.addi %mul3A_127, %add3A_498 : i32
      %get3A_500 = arith.index_cast %add3A_499 : i32 to index
      %get3A_501 = arith.constant 0 : index
      %get3A_502 = tpu.vector_load %arg8[%get3A_500, %get3A_501] {strides = array<i32>} : memref<256x64xf32, #tpu.memory_space<vmem>>, vector<1x16xf32>,
      %get3A_503 = vector.shape_cast %get3A_502 : vector<1x16xf32> to vector<16xf32>
      %get3A_504 = arith.index_cast %add3A_499 : i32 to index
      %get3A_505 = arith.constant 0 : index
      %get3A_506 = tpu.vector_load %arg7[%get3A_504, %get3A_505] {strides = array<i32>} : memref<256x64xf32, #tpu.memory_space<vmem>>, vector<1x16xf32>,
      %get3A_507 = vector.shape_cast %get3A_506 : vector<1x16xf32> to vector<16xf32>
      %sub3A_508 = arith.subf %get3A_503, %get3A_507 : vector<16xf32>
      %mul3A_509 = arith.mulf %sub3A_508, %sub3A_508 : vector<16xf32>
      %get3A_510 = arith.index_cast %add3A_499 : i32 to index
      %get3A_511 = arith.constant 16 : index
      %get3A_512 = tpu.vector_load %arg8[%get3A_510, %get3A_511] {strides = array<i32>} : memref<256x64xf32, #tpu.memory_space<vmem>>, vector<1x16xf32>,
      %get3A_513 = vector.shape_cast %get3A_512 : vector<1x16xf32> to vector<16xf32>
      %get3A_514 = arith.index_cast %add3A_499 : i32 to index
      %get3A_515 = arith.constant 16 : index
      %get3A_516 = tpu.vector_load %arg7[%get3A_514, %get3A_515] {strides = array<i32>} : memref<256x64xf32, #tpu.memory_space<vmem>>, vector<1x16xf32>,
      %get3A_517 = vector.shape_cast %get3A_516 : vector<1x16xf32> to vector<16xf32>
      %sub3A_518 = arith.subf %get3A_513, %get3A_517 : vector<16xf32>
      %mul3A_519 = arith.mulf %sub3A_518, %sub3A_518 : vector<16xf32>
      %get3A_520 = arith.index_cast %add3A_499 : i32 to index
      %get3A_521 = arith.constant 32 : index
      %get3A_522 = tpu.vector_load %arg8[%get3A_520, %get3A_521] {strides = array<i32>} : memref<256x64xf32, #tpu.memory_space<vmem>>, vector<1x16xf32>,
      %get3A_523 = vector.shape_cast %get3A_522 : vector<1x16xf32> to vector<16xf32>
      %get3A_524 = arith.index_cast %add3A_499 : i32 to index
      %get3A_525 = arith.constant 32 : index
      %get3A_526 = tpu.vector_load %arg7[%get3A_524, %get3A_525] {strides = array<i32>} : memref<256x64xf32, #tpu.memory_space<vmem>>, vector<1x16xf32>,
      %get3A_527 = vector.shape_cast %get3A_526 : vector<1x16xf32> to vector<16xf32>
      %sub3A_528 = arith.subf %get3A_523, %get3A_527 : vector<16xf32>
      %mul3A_529 = arith.mulf %sub3A_528, %sub3A_528 : vector<16xf32>
      %get3A_530 = arith.index_cast %add3A_499 : i32 to index
      %get3A_531 = arith.constant 48 : index
      %get3A_532 = tpu.vector_load %arg8[%get3A_530, %get3A_531] {strides = array<i32>} : memref<256x64xf32, #tpu.memory_space<vmem>>, vector<1x16xf32>,
      %get3A_533 = vector.shape_cast %get3A_532 : vector<1x16xf32> to vector<16xf32>
      %get3A_534 = arith.index_cast %add3A_499 : i32 to index
      %get3A_535 = arith.constant 48 : index
      %get3A_536 = tpu.vector_load %arg7[%get3A_534, %get3A_535] {strides = array<i32>} : memref<256x64xf32, #tpu.memory_space<vmem>>, vector<1x16xf32>,
      %get3A_537 = vector.shape_cast %get3A_536 : vector<1x16xf32> to vector<16xf32>
      %sub3A_538 = arith.subf %get3A_533, %get3A_537 : vector<16xf32>
      %mul3A_539 = arith.mulf %sub3A_538, %sub3A_538 : vector<16xf32>
      %add3A_540 = arith.addf %mul3A_509, %mul3A_519 : vector<16xf32>
      %add3A_541 = arith.addf %mul3A_529, %mul3A_539 : vector<16xf32>
      %add3A_542 = arith.addf %add3A_540, %add3A_541 : vector<16xf32>
      %broadcast_in_dim3A_543 = vector.shape_cast %xor3A_53 : vector<16xi32> to vector<16x1xi32>
      %gather3A_544 = vector.shape_cast %broadcast_in_dim3A_543 : vector<16x1xi32> to vector<16xi32>
      %gather3A_545 = tpu.dynamic_gather %add3A_542[%gather3A_544] in [0] : vector<16xf32>, vector<16xi32> -> vector<16xf32>
      %add3A_546 = arith.addf %add3A_542, %gather3A_545 : vector<16xf32>
      %broadcast_in_dim3A_547 = vector.shape_cast %xor3A_56 : vector<16xi32> to vector<16x1xi32>
      %gather3A_548 = vector.shape_cast %broadcast_in_dim3A_547 : vector<16x1xi32> to vector<16xi32>
      %gather3A_549 = tpu.dynamic_gather %add3A_546[%gather3A_548] in [0] : vector<16xf32>, vector<16xi32> -> vector<16xf32>
      %add3A_550 = arith.addf %add3A_546, %gather3A_549 : vector<16xf32>
      %broadcast_in_dim3A_551 = vector.shape_cast %xor3A_59 : vector<16xi32> to vector<16x1xi32>
      %gather3A_552 = vector.shape_cast %broadcast_in_dim3A_551 : vector<16x1xi32> to vector<16xi32>
      %gather3A_553 = tpu.dynamic_gather %add3A_550[%gather3A_552] in [0] : vector<16xf32>, vector<16xi32> -> vector<16xf32>
      %add3A_554 = arith.addf %add3A_550, %gather3A_553 : vector<16xf32>
      %broadcast_in_dim3A_555 = vector.shape_cast %xor3A_62 : vector<16xi32> to vector<16x1xi32>
      %gather3A_556 = vector.shape_cast %broadcast_in_dim3A_555 : vector<16x1xi32> to vector<16xi32>
      %gather3A_557 = tpu.dynamic_gather %add3A_554[%gather3A_556] in [0] : vector<16xf32>, vector<16xi32> -> vector<16xf32>
      %add3A_558 = arith.addf %add3A_554, %gather3A_557 : vector<16xf32>
      %select_n3A_559 = arith.select %eq3A_24, %add3A_558, %select_n3A_497 : vector<16xi1>, vector<16xf32>
      %add3A_560 = arith.constant 7 : i32
      %add3A_561 = arith.addi %mul3A_127, %add3A_560 : i32
      %get3A_562 = arith.index_cast %add3A_561 : i32 to index
      %get3A_563 = arith.constant 0 : index
      %get3A_564 = tpu.vector_load %arg8[%get3A_562, %get3A_563] {strides = array<i32>} : memref<256x64xf32, #tpu.memory_space<vmem>>, vector<1x16xf32>,
      %get3A_565 = vector.shape_cast %get3A_564 : vector<1x16xf32> to vector<16xf32>
      %get3A_566 = arith.index_cast %add3A_561 : i32 to index
      %get3A_567 = arith.constant 0 : index
      %get3A_568 = tpu.vector_load %arg7[%get3A_566, %get3A_567] {strides = array<i32>} : memref<256x64xf32, #tpu.memory_space<vmem>>, vector<1x16xf32>,
      %get3A_569 = vector.shape_cast %get3A_568 : vector<1x16xf32> to vector<16xf32>
      %sub3A_570 = arith.subf %get3A_565, %get3A_569 : vector<16xf32>
      %mul3A_571 = arith.mulf %sub3A_570, %sub3A_570 : vector<16xf32>
      %get3A_572 = arith.index_cast %add3A_561 : i32 to index
      %get3A_573 = arith.constant 16 : index
      %get3A_574 = tpu.vector_load %arg8[%get3A_572, %get3A_573] {strides = array<i32>} : memref<256x64xf32, #tpu.memory_space<vmem>>, vector<1x16xf32>,
      %get3A_575 = vector.shape_cast %get3A_574 : vector<1x16xf32> to vector<16xf32>
      %get3A_576 = arith.index_cast %add3A_561 : i32 to index
      %get3A_577 = arith.constant 16 : index
      %get3A_578 = tpu.vector_load %arg7[%get3A_576, %get3A_577] {strides = array<i32>} : memref<256x64xf32, #tpu.memory_space<vmem>>, vector<1x16xf32>,
      %get3A_579 = vector.shape_cast %get3A_578 : vector<1x16xf32> to vector<16xf32>
      %sub3A_580 = arith.subf %get3A_575, %get3A_579 : vector<16xf32>
      %mul3A_581 = arith.mulf %sub3A_580, %sub3A_580 : vector<16xf32>
      %get3A_582 = arith.index_cast %add3A_561 : i32 to index
      %get3A_583 = arith.constant 32 : index
      %get3A_584 = tpu.vector_load %arg8[%get3A_582, %get3A_583] {strides = array<i32>} : memref<256x64xf32, #tpu.memory_space<vmem>>, vector<1x16xf32>,
      %get3A_585 = vector.shape_cast %get3A_584 : vector<1x16xf32> to vector<16xf32>
      %get3A_586 = arith.index_cast %add3A_561 : i32 to index
      %get3A_587 = arith.constant 32 : index
      %get3A_588 = tpu.vector_load %arg7[%get3A_586, %get3A_587] {strides = array<i32>} : memref<256x64xf32, #tpu.memory_space<vmem>>, vector<1x16xf32>,
      %get3A_589 = vector.shape_cast %get3A_588 : vector<1x16xf32> to vector<16xf32>
      %sub3A_590 = arith.subf %get3A_585, %get3A_589 : vector<16xf32>
      %mul3A_591 = arith.mulf %sub3A_590, %sub3A_590 : vector<16xf32>
      %get3A_592 = arith.index_cast %add3A_561 : i32 to index
      %get3A_593 = arith.constant 48 : index
      %get3A_594 = tpu.vector_load %arg8[%get3A_592, %get3A_593] {strides = array<i32>} : memref<256x64xf32, #tpu.memory_space<vmem>>, vector<1x16xf32>,
      %get3A_595 = vector.shape_cast %get3A_594 : vector<1x16xf32> to vector<16xf32>
      %get3A_596 = arith.index_cast %add3A_561 : i32 to index
      %get3A_597 = arith.constant 48 : index
      %get3A_598 = tpu.vector_load %arg7[%get3A_596, %get3A_597] {strides = array<i32>} : memref<256x64xf32, #tpu.memory_space<vmem>>, vector<1x16xf32>,
      %get3A_599 = vector.shape_cast %get3A_598 : vector<1x16xf32> to vector<16xf32>
      %sub3A_600 = arith.subf %get3A_595, %get3A_599 : vector<16xf32>
      %mul3A_601 = arith.mulf %sub3A_600, %sub3A_600 : vector<16xf32>
      %add3A_602 = arith.addf %mul3A_571, %mul3A_581 : vector<16xf32>
      %add3A_603 = arith.addf %mul3A_591, %mul3A_601 : vector<16xf32>
      %add3A_604 = arith.addf %add3A_602, %add3A_603 : vector<16xf32>
      %broadcast_in_dim3A_605 = vector.shape_cast %xor3A_53 : vector<16xi32> to vector<16x1xi32>
      %gather3A_606 = vector.shape_cast %broadcast_in_dim3A_605 : vector<16x1xi32> to vector<16xi32>
      %gather3A_607 = tpu.dynamic_gather %add3A_604[%gather3A_606] in [0] : vector<16xf32>, vector<16xi32> -> vector<16xf32>
      %add3A_608 = arith.addf %add3A_604, %gather3A_607 : vector<16xf32>
      %broadcast_in_dim3A_609 = vector.shape_cast %xor3A_56 : vector<16xi32> to vector<16x1xi32>
      %gather3A_610 = vector.shape_cast %broadcast_in_dim3A_609 : vector<16x1xi32> to vector<16xi32>
      %gather3A_611 = tpu.dynamic_gather %add3A_608[%gather3A_610] in [0] : vector<16xf32>, vector<16xi32> -> vector<16xf32>
      %add3A_612 = arith.addf %add3A_608, %gather3A_611 : vector<16xf32>
      %broadcast_in_dim3A_613 = vector.shape_cast %xor3A_59 : vector<16xi32> to vector<16x1xi32>
      %gather3A_614 = vector.shape_cast %broadcast_in_dim3A_613 : vector<16x1xi32> to vector<16xi32>
      %gather3A_615 = tpu.dynamic_gather %add3A_612[%gather3A_614] in [0] : vector<16xf32>, vector<16xi32> -> vector<16xf32>
      %add3A_616 = arith.addf %add3A_612, %gather3A_615 : vector<16xf32>
      %broadcast_in_dim3A_617 = vector.shape_cast %xor3A_62 : vector<16xi32> to vector<16x1xi32>
      %gather3A_618 = vector.shape_cast %broadcast_in_dim3A_617 : vector<16x1xi32> to vector<16xi32>
      %gather3A_619 = tpu.dynamic_gather %add3A_616[%gather3A_618] in [0] : vector<16xf32>, vector<16xi32> -> vector<16xf32>
      %add3A_620 = arith.addf %add3A_616, %gather3A_619 : vector<16xf32>
      %select_n3A_621 = arith.select %eq3A_27, %add3A_620, %select_n3A_559 : vector<16xi1>, vector<16xf32>
      %add3A_622 = arith.constant 8 : i32
      %add3A_623 = arith.addi %mul3A_127, %add3A_622 : i32
      %get3A_624 = arith.index_cast %add3A_623 : i32 to index
      %get3A_625 = arith.constant 0 : index
      %get3A_626 = tpu.vector_load %arg8[%get3A_624, %get3A_625] {strides = array<i32>} : memref<256x64xf32, #tpu.memory_space<vmem>>, vector<1x16xf32>,
      %get3A_627 = vector.shape_cast %get3A_626 : vector<1x16xf32> to vector<16xf32>
      %get3A_628 = arith.index_cast %add3A_623 : i32 to index
      %get3A_629 = arith.constant 0 : index
      %get3A_630 = tpu.vector_load %arg7[%get3A_628, %get3A_629] {strides = array<i32>} : memref<256x64xf32, #tpu.memory_space<vmem>>, vector<1x16xf32>,
      %get3A_631 = vector.shape_cast %get3A_630 : vector<1x16xf32> to vector<16xf32>
      %sub3A_632 = arith.subf %get3A_627, %get3A_631 : vector<16xf32>
      %mul3A_633 = arith.mulf %sub3A_632, %sub3A_632 : vector<16xf32>
      %get3A_634 = arith.index_cast %add3A_623 : i32 to index
      %get3A_635 = arith.constant 16 : index
      %get3A_636 = tpu.vector_load %arg8[%get3A_634, %get3A_635] {strides = array<i32>} : memref<256x64xf32, #tpu.memory_space<vmem>>, vector<1x16xf32>,
      %get3A_637 = vector.shape_cast %get3A_636 : vector<1x16xf32> to vector<16xf32>
      %get3A_638 = arith.index_cast %add3A_623 : i32 to index
      %get3A_639 = arith.constant 16 : index
      %get3A_640 = tpu.vector_load %arg7[%get3A_638, %get3A_639] {strides = array<i32>} : memref<256x64xf32, #tpu.memory_space<vmem>>, vector<1x16xf32>,
      %get3A_641 = vector.shape_cast %get3A_640 : vector<1x16xf32> to vector<16xf32>
      %sub3A_642 = arith.subf %get3A_637, %get3A_641 : vector<16xf32>
      %mul3A_643 = arith.mulf %sub3A_642, %sub3A_642 : vector<16xf32>
      %get3A_644 = arith.index_cast %add3A_623 : i32 to index
      %get3A_645 = arith.constant 32 : index
      %get3A_646 = tpu.vector_load %arg8[%get3A_644, %get3A_645] {strides = array<i32>} : memref<256x64xf32, #tpu.memory_space<vmem>>, vector<1x16xf32>,
      %get3A_647 = vector.shape_cast %get3A_646 : vector<1x16xf32> to vector<16xf32>
      %get3A_648 = arith.index_cast %add3A_623 : i32 to index
      %get3A_649 = arith.constant 32 : index
      %get3A_650 = tpu.vector_load %arg7[%get3A_648, %get3A_649] {strides = array<i32>} : memref<256x64xf32, #tpu.memory_space<vmem>>, vector<1x16xf32>,
      %get3A_651 = vector.shape_cast %get3A_650 : vector<1x16xf32> to vector<16xf32>
      %sub3A_652 = arith.subf %get3A_647, %get3A_651 : vector<16xf32>
      %mul3A_653 = arith.mulf %sub3A_652, %sub3A_652 : vector<16xf32>
      %get3A_654 = arith.index_cast %add3A_623 : i32 to index
      %get3A_655 = arith.constant 48 : index
      %get3A_656 = tpu.vector_load %arg8[%get3A_654, %get3A_655] {strides = array<i32>} : memref<256x64xf32, #tpu.memory_space<vmem>>, vector<1x16xf32>,
      %get3A_657 = vector.shape_cast %get3A_656 : vector<1x16xf32> to vector<16xf32>
      %get3A_658 = arith.index_cast %add3A_623 : i32 to index
      %get3A_659 = arith.constant 48 : index
      %get3A_660 = tpu.vector_load %arg7[%get3A_658, %get3A_659] {strides = array<i32>} : memref<256x64xf32, #tpu.memory_space<vmem>>, vector<1x16xf32>,
      %get3A_661 = vector.shape_cast %get3A_660 : vector<1x16xf32> to vector<16xf32>
      %sub3A_662 = arith.subf %get3A_657, %get3A_661 : vector<16xf32>
      %mul3A_663 = arith.mulf %sub3A_662, %sub3A_662 : vector<16xf32>
      %add3A_664 = arith.addf %mul3A_633, %mul3A_643 : vector<16xf32>
      %add3A_665 = arith.addf %mul3A_653, %mul3A_663 : vector<16xf32>
      %add3A_666 = arith.addf %add3A_664, %add3A_665 : vector<16xf32>
      %broadcast_in_dim3A_667 = vector.shape_cast %xor3A_53 : vector<16xi32> to vector<16x1xi32>
      %gather3A_668 = vector.shape_cast %broadcast_in_dim3A_667 : vector<16x1xi32> to vector<16xi32>
      %gather3A_669 = tpu.dynamic_gather %add3A_666[%gather3A_668] in [0] : vector<16xf32>, vector<16xi32> -> vector<16xf32>
      %add3A_670 = arith.addf %add3A_666, %gather3A_669 : vector<16xf32>
      %broadcast_in_dim3A_671 = vector.shape_cast %xor3A_56 : vector<16xi32> to vector<16x1xi32>
      %gather3A_672 = vector.shape_cast %broadcast_in_dim3A_671 : vector<16x1xi32> to vector<16xi32>
      %gather3A_673 = tpu.dynamic_gather %add3A_670[%gather3A_672] in [0] : vector<16xf32>, vector<16xi32> -> vector<16xf32>
      %add3A_674 = arith.addf %add3A_670, %gather3A_673 : vector<16xf32>
      %broadcast_in_dim3A_675 = vector.shape_cast %xor3A_59 : vector<16xi32> to vector<16x1xi32>
      %gather3A_676 = vector.shape_cast %broadcast_in_dim3A_675 : vector<16x1xi32> to vector<16xi32>
      %gather3A_677 = tpu.dynamic_gather %add3A_674[%gather3A_676] in [0] : vector<16xf32>, vector<16xi32> -> vector<16xf32>
      %add3A_678 = arith.addf %add3A_674, %gather3A_677 : vector<16xf32>
      %broadcast_in_dim3A_679 = vector.shape_cast %xor3A_62 : vector<16xi32> to vector<16x1xi32>
      %gather3A_680 = vector.shape_cast %broadcast_in_dim3A_679 : vector<16x1xi32> to vector<16xi32>
      %gather3A_681 = tpu.dynamic_gather %add3A_678[%gather3A_680] in [0] : vector<16xf32>, vector<16xi32> -> vector<16xf32>
      %add3A_682 = arith.addf %add3A_678, %gather3A_681 : vector<16xf32>
      %select_n3A_683 = arith.select %eq3A_30, %add3A_682, %select_n3A_621 : vector<16xi1>, vector<16xf32>
      %add3A_684 = arith.constant 9 : i32
      %add3A_685 = arith.addi %mul3A_127, %add3A_684 : i32
      %get3A_686 = arith.index_cast %add3A_685 : i32 to index
      %get3A_687 = arith.constant 0 : index
      %get3A_688 = tpu.vector_load %arg8[%get3A_686, %get3A_687] {strides = array<i32>} : memref<256x64xf32, #tpu.memory_space<vmem>>, vector<1x16xf32>,
      %get3A_689 = vector.shape_cast %get3A_688 : vector<1x16xf32> to vector<16xf32>
      %get3A_690 = arith.index_cast %add3A_685 : i32 to index
      %get3A_691 = arith.constant 0 : index
      %get3A_692 = tpu.vector_load %arg7[%get3A_690, %get3A_691] {strides = array<i32>} : memref<256x64xf32, #tpu.memory_space<vmem>>, vector<1x16xf32>,
      %get3A_693 = vector.shape_cast %get3A_692 : vector<1x16xf32> to vector<16xf32>
      %sub3A_694 = arith.subf %get3A_689, %get3A_693 : vector<16xf32>
      %mul3A_695 = arith.mulf %sub3A_694, %sub3A_694 : vector<16xf32>
      %get3A_696 = arith.index_cast %add3A_685 : i32 to index
      %get3A_697 = arith.constant 16 : index
      %get3A_698 = tpu.vector_load %arg8[%get3A_696, %get3A_697] {strides = array<i32>} : memref<256x64xf32, #tpu.memory_space<vmem>>, vector<1x16xf32>,
      %get3A_699 = vector.shape_cast %get3A_698 : vector<1x16xf32> to vector<16xf32>
      %get3A_700 = arith.index_cast %add3A_685 : i32 to index
      %get3A_701 = arith.constant 16 : index
      %get3A_702 = tpu.vector_load %arg7[%get3A_700, %get3A_701] {strides = array<i32>} : memref<256x64xf32, #tpu.memory_space<vmem>>, vector<1x16xf32>,
      %get3A_703 = vector.shape_cast %get3A_702 : vector<1x16xf32> to vector<16xf32>
      %sub3A_704 = arith.subf %get3A_699, %get3A_703 : vector<16xf32>
      %mul3A_705 = arith.mulf %sub3A_704, %sub3A_704 : vector<16xf32>
      %get3A_706 = arith.index_cast %add3A_685 : i32 to index
      %get3A_707 = arith.constant 32 : index
      %get3A_708 = tpu.vector_load %arg8[%get3A_706, %get3A_707] {strides = array<i32>} : memref<256x64xf32, #tpu.memory_space<vmem>>, vector<1x16xf32>,
      %get3A_709 = vector.shape_cast %get3A_708 : vector<1x16xf32> to vector<16xf32>
      %get3A_710 = arith.index_cast %add3A_685 : i32 to index
      %get3A_711 = arith.constant 32 : index
      %get3A_712 = tpu.vector_load %arg7[%get3A_710, %get3A_711] {strides = array<i32>} : memref<256x64xf32, #tpu.memory_space<vmem>>, vector<1x16xf32>,
      %get3A_713 = vector.shape_cast %get3A_712 : vector<1x16xf32> to vector<16xf32>
      %sub3A_714 = arith.subf %get3A_709, %get3A_713 : vector<16xf32>
      %mul3A_715 = arith.mulf %sub3A_714, %sub3A_714 : vector<16xf32>
      %get3A_716 = arith.index_cast %add3A_685 : i32 to index
      %get3A_717 = arith.constant 48 : index
      %get3A_718 = tpu.vector_load %arg8[%get3A_716, %get3A_717] {strides = array<i32>} : memref<256x64xf32, #tpu.memory_space<vmem>>, vector<1x16xf32>,
      %get3A_719 = vector.shape_cast %get3A_718 : vector<1x16xf32> to vector<16xf32>
      %get3A_720 = arith.index_cast %add3A_685 : i32 to index
      %get3A_721 = arith.constant 48 : index
      %get3A_722 = tpu.vector_load %arg7[%get3A_720, %get3A_721] {strides = array<i32>} : memref<256x64xf32, #tpu.memory_space<vmem>>, vector<1x16xf32>,
      %get3A_723 = vector.shape_cast %get3A_722 : vector<1x16xf32> to vector<16xf32>
      %sub3A_724 = arith.subf %get3A_719, %get3A_723 : vector<16xf32>
      %mul3A_725 = arith.mulf %sub3A_724, %sub3A_724 : vector<16xf32>
      %add3A_726 = arith.addf %mul3A_695, %mul3A_705 : vector<16xf32>
      %add3A_727 = arith.addf %mul3A_715, %mul3A_725 : vector<16xf32>
      %add3A_728 = arith.addf %add3A_726, %add3A_727 : vector<16xf32>
      %broadcast_in_dim3A_729 = vector.shape_cast %xor3A_53 : vector<16xi32> to vector<16x1xi32>
      %gather3A_730 = vector.shape_cast %broadcast_in_dim3A_729 : vector<16x1xi32> to vector<16xi32>
      %gather3A_731 = tpu.dynamic_gather %add3A_728[%gather3A_730] in [0] : vector<16xf32>, vector<16xi32> -> vector<16xf32>
      %add3A_732 = arith.addf %add3A_728, %gather3A_731 : vector<16xf32>
      %broadcast_in_dim3A_733 = vector.shape_cast %xor3A_56 : vector<16xi32> to vector<16x1xi32>
      %gather3A_734 = vector.shape_cast %broadcast_in_dim3A_733 : vector<16x1xi32> to vector<16xi32>
      %gather3A_735 = tpu.dynamic_gather %add3A_732[%gather3A_734] in [0] : vector<16xf32>, vector<16xi32> -> vector<16xf32>
      %add3A_736 = arith.addf %add3A_732, %gather3A_735 : vector<16xf32>
      %broadcast_in_dim3A_737 = vector.shape_cast %xor3A_59 : vector<16xi32> to vector<16x1xi32>
      %gather3A_738 = vector.shape_cast %broadcast_in_dim3A_737 : vector<16x1xi32> to vector<16xi32>
      %gather3A_739 = tpu.dynamic_gather %add3A_736[%gather3A_738] in [0] : vector<16xf32>, vector<16xi32> -> vector<16xf32>
      %add3A_740 = arith.addf %add3A_736, %gather3A_739 : vector<16xf32>
      %broadcast_in_dim3A_741 = vector.shape_cast %xor3A_62 : vector<16xi32> to vector<16x1xi32>
      %gather3A_742 = vector.shape_cast %broadcast_in_dim3A_741 : vector<16x1xi32> to vector<16xi32>
      %gather3A_743 = tpu.dynamic_gather %add3A_740[%gather3A_742] in [0] : vector<16xf32>, vector<16xi32> -> vector<16xf32>
      %add3A_744 = arith.addf %add3A_740, %gather3A_743 : vector<16xf32>
      %select_n3A_745 = arith.select %eq3A_33, %add3A_744, %select_n3A_683 : vector<16xi1>, vector<16xf32>
      %add3A_746 = arith.constant 10 : i32
      %add3A_747 = arith.addi %mul3A_127, %add3A_746 : i32
      %get3A_748 = arith.index_cast %add3A_747 : i32 to index
      %get3A_749 = arith.constant 0 : index
      %get3A_750 = tpu.vector_load %arg8[%get3A_748, %get3A_749] {strides = array<i32>} : memref<256x64xf32, #tpu.memory_space<vmem>>, vector<1x16xf32>,
      %get3A_751 = vector.shape_cast %get3A_750 : vector<1x16xf32> to vector<16xf32>
      %get3A_752 = arith.index_cast %add3A_747 : i32 to index
      %get3A_753 = arith.constant 0 : index
      %get3A_754 = tpu.vector_load %arg7[%get3A_752, %get3A_753] {strides = array<i32>} : memref<256x64xf32, #tpu.memory_space<vmem>>, vector<1x16xf32>,
      %get3A_755 = vector.shape_cast %get3A_754 : vector<1x16xf32> to vector<16xf32>
      %sub3A_756 = arith.subf %get3A_751, %get3A_755 : vector<16xf32>
      %mul3A_757 = arith.mulf %sub3A_756, %sub3A_756 : vector<16xf32>
      %get3A_758 = arith.index_cast %add3A_747 : i32 to index
      %get3A_759 = arith.constant 16 : index
      %get3A_760 = tpu.vector_load %arg8[%get3A_758, %get3A_759] {strides = array<i32>} : memref<256x64xf32, #tpu.memory_space<vmem>>, vector<1x16xf32>,
      %get3A_761 = vector.shape_cast %get3A_760 : vector<1x16xf32> to vector<16xf32>
      %get3A_762 = arith.index_cast %add3A_747 : i32 to index
      %get3A_763 = arith.constant 16 : index
      %get3A_764 = tpu.vector_load %arg7[%get3A_762, %get3A_763] {strides = array<i32>} : memref<256x64xf32, #tpu.memory_space<vmem>>, vector<1x16xf32>,
      %get3A_765 = vector.shape_cast %get3A_764 : vector<1x16xf32> to vector<16xf32>
      %sub3A_766 = arith.subf %get3A_761, %get3A_765 : vector<16xf32>
      %mul3A_767 = arith.mulf %sub3A_766, %sub3A_766 : vector<16xf32>
      %get3A_768 = arith.index_cast %add3A_747 : i32 to index
      %get3A_769 = arith.constant 32 : index
      %get3A_770 = tpu.vector_load %arg8[%get3A_768, %get3A_769] {strides = array<i32>} : memref<256x64xf32, #tpu.memory_space<vmem>>, vector<1x16xf32>,
      %get3A_771 = vector.shape_cast %get3A_770 : vector<1x16xf32> to vector<16xf32>
      %get3A_772 = arith.index_cast %add3A_747 : i32 to index
      %get3A_773 = arith.constant 32 : index
      %get3A_774 = tpu.vector_load %arg7[%get3A_772, %get3A_773] {strides = array<i32>} : memref<256x64xf32, #tpu.memory_space<vmem>>, vector<1x16xf32>,
      %get3A_775 = vector.shape_cast %get3A_774 : vector<1x16xf32> to vector<16xf32>
      %sub3A_776 = arith.subf %get3A_771, %get3A_775 : vector<16xf32>
      %mul3A_777 = arith.mulf %sub3A_776, %sub3A_776 : vector<16xf32>
      %get3A_778 = arith.index_cast %add3A_747 : i32 to index
      %get3A_779 = arith.constant 48 : index
      %get3A_780 = tpu.vector_load %arg8[%get3A_778, %get3A_779] {strides = array<i32>} : memref<256x64xf32, #tpu.memory_space<vmem>>, vector<1x16xf32>,
      %get3A_781 = vector.shape_cast %get3A_780 : vector<1x16xf32> to vector<16xf32>
      %get3A_782 = arith.index_cast %add3A_747 : i32 to index
      %get3A_783 = arith.constant 48 : index
      %get3A_784 = tpu.vector_load %arg7[%get3A_782, %get3A_783] {strides = array<i32>} : memref<256x64xf32, #tpu.memory_space<vmem>>, vector<1x16xf32>,
      %get3A_785 = vector.shape_cast %get3A_784 : vector<1x16xf32> to vector<16xf32>
      %sub3A_786 = arith.subf %get3A_781, %get3A_785 : vector<16xf32>
      %mul3A_787 = arith.mulf %sub3A_786, %sub3A_786 : vector<16xf32>
      %add3A_788 = arith.addf %mul3A_757, %mul3A_767 : vector<16xf32>
      %add3A_789 = arith.addf %mul3A_777, %mul3A_787 : vector<16xf32>
      %add3A_790 = arith.addf %add3A_788, %add3A_789 : vector<16xf32>
      %broadcast_in_dim3A_791 = vector.shape_cast %xor3A_53 : vector<16xi32> to vector<16x1xi32>
      %gather3A_792 = vector.shape_cast %broadcast_in_dim3A_791 : vector<16x1xi32> to vector<16xi32>
      %gather3A_793 = tpu.dynamic_gather %add3A_790[%gather3A_792] in [0] : vector<16xf32>, vector<16xi32> -> vector<16xf32>
      %add3A_794 = arith.addf %add3A_790, %gather3A_793 : vector<16xf32>
      %broadcast_in_dim3A_795 = vector.shape_cast %xor3A_56 : vector<16xi32> to vector<16x1xi32>
      %gather3A_796 = vector.shape_cast %broadcast_in_dim3A_795 : vector<16x1xi32> to vector<16xi32>
      %gather3A_797 = tpu.dynamic_gather %add3A_794[%gather3A_796] in [0] : vector<16xf32>, vector<16xi32> -> vector<16xf32>
      %add3A_798 = arith.addf %add3A_794, %gather3A_797 : vector<16xf32>
      %broadcast_in_dim3A_799 = vector.shape_cast %xor3A_59 : vector<16xi32> to vector<16x1xi32>
      %gather3A_800 = vector.shape_cast %broadcast_in_dim3A_799 : vector<16x1xi32> to vector<16xi32>
      %gather3A_801 = tpu.dynamic_gather %add3A_798[%gather3A_800] in [0] : vector<16xf32>, vector<16xi32> -> vector<16xf32>
      %add3A_802 = arith.addf %add3A_798, %gather3A_801 : vector<16xf32>
      %broadcast_in_dim3A_803 = vector.shape_cast %xor3A_62 : vector<16xi32> to vector<16x1xi32>
      %gather3A_804 = vector.shape_cast %broadcast_in_dim3A_803 : vector<16x1xi32> to vector<16xi32>
      %gather3A_805 = tpu.dynamic_gather %add3A_802[%gather3A_804] in [0] : vector<16xf32>, vector<16xi32> -> vector<16xf32>
      %add3A_806 = arith.addf %add3A_802, %gather3A_805 : vector<16xf32>
      %select_n3A_807 = arith.select %eq3A_36, %add3A_806, %select_n3A_745 : vector<16xi1>, vector<16xf32>
      %add3A_808 = arith.constant 11 : i32
      %add3A_809 = arith.addi %mul3A_127, %add3A_808 : i32
      %get3A_810 = arith.index_cast %add3A_809 : i32 to index
      %get3A_811 = arith.constant 0 : index
      %get3A_812 = tpu.vector_load %arg8[%get3A_810, %get3A_811] {strides = array<i32>} : memref<256x64xf32, #tpu.memory_space<vmem>>, vector<1x16xf32>,
      %get3A_813 = vector.shape_cast %get3A_812 : vector<1x16xf32> to vector<16xf32>
      %get3A_814 = arith.index_cast %add3A_809 : i32 to index
      %get3A_815 = arith.constant 0 : index
      %get3A_816 = tpu.vector_load %arg7[%get3A_814, %get3A_815] {strides = array<i32>} : memref<256x64xf32, #tpu.memory_space<vmem>>, vector<1x16xf32>,
      %get3A_817 = vector.shape_cast %get3A_816 : vector<1x16xf32> to vector<16xf32>
      %sub3A_818 = arith.subf %get3A_813, %get3A_817 : vector<16xf32>
      %mul3A_819 = arith.mulf %sub3A_818, %sub3A_818 : vector<16xf32>
      %get3A_820 = arith.index_cast %add3A_809 : i32 to index
      %get3A_821 = arith.constant 16 : index
      %get3A_822 = tpu.vector_load %arg8[%get3A_820, %get3A_821] {strides = array<i32>} : memref<256x64xf32, #tpu.memory_space<vmem>>, vector<1x16xf32>,
      %get3A_823 = vector.shape_cast %get3A_822 : vector<1x16xf32> to vector<16xf32>
      %get3A_824 = arith.index_cast %add3A_809 : i32 to index
      %get3A_825 = arith.constant 16 : index
      %get3A_826 = tpu.vector_load %arg7[%get3A_824, %get3A_825] {strides = array<i32>} : memref<256x64xf32, #tpu.memory_space<vmem>>, vector<1x16xf32>,
      %get3A_827 = vector.shape_cast %get3A_826 : vector<1x16xf32> to vector<16xf32>
      %sub3A_828 = arith.subf %get3A_823, %get3A_827 : vector<16xf32>
      %mul3A_829 = arith.mulf %sub3A_828, %sub3A_828 : vector<16xf32>
      %get3A_830 = arith.index_cast %add3A_809 : i32 to index
      %get3A_831 = arith.constant 32 : index
      %get3A_832 = tpu.vector_load %arg8[%get3A_830, %get3A_831] {strides = array<i32>} : memref<256x64xf32, #tpu.memory_space<vmem>>, vector<1x16xf32>,
      %get3A_833 = vector.shape_cast %get3A_832 : vector<1x16xf32> to vector<16xf32>
      %get3A_834 = arith.index_cast %add3A_809 : i32 to index
      %get3A_835 = arith.constant 32 : index
      %get3A_836 = tpu.vector_load %arg7[%get3A_834, %get3A_835] {strides = array<i32>} : memref<256x64xf32, #tpu.memory_space<vmem>>, vector<1x16xf32>,
      %get3A_837 = vector.shape_cast %get3A_836 : vector<1x16xf32> to vector<16xf32>
      %sub3A_838 = arith.subf %get3A_833, %get3A_837 : vector<16xf32>
      %mul3A_839 = arith.mulf %sub3A_838, %sub3A_838 : vector<16xf32>
      %get3A_840 = arith.index_cast %add3A_809 : i32 to index
      %get3A_841 = arith.constant 48 : index
      %get3A_842 = tpu.vector_load %arg8[%get3A_840, %get3A_841] {strides = array<i32>} : memref<256x64xf32, #tpu.memory_space<vmem>>, vector<1x16xf32>,
      %get3A_843 = vector.shape_cast %get3A_842 : vector<1x16xf32> to vector<16xf32>
      %get3A_844 = arith.index_cast %add3A_809 : i32 to index
      %get3A_845 = arith.constant 48 : index
      %get3A_846 = tpu.vector_load %arg7[%get3A_844, %get3A_845] {strides = array<i32>} : memref<256x64xf32, #tpu.memory_space<vmem>>, vector<1x16xf32>,
      %get3A_847 = vector.shape_cast %get3A_846 : vector<1x16xf32> to vector<16xf32>
      %sub3A_848 = arith.subf %get3A_843, %get3A_847 : vector<16xf32>
      %mul3A_849 = arith.mulf %sub3A_848, %sub3A_848 : vector<16xf32>
      %add3A_850 = arith.addf %mul3A_819, %mul3A_829 : vector<16xf32>
      %add3A_851 = arith.addf %mul3A_839, %mul3A_849 : vector<16xf32>
      %add3A_852 = arith.addf %add3A_850, %add3A_851 : vector<16xf32>
      %broadcast_in_dim3A_853 = vector.shape_cast %xor3A_53 : vector<16xi32> to vector<16x1xi32>
      %gather3A_854 = vector.shape_cast %broadcast_in_dim3A_853 : vector<16x1xi32> to vector<16xi32>
      %gather3A_855 = tpu.dynamic_gather %add3A_852[%gather3A_854] in [0] : vector<16xf32>, vector<16xi32> -> vector<16xf32>
      %add3A_856 = arith.addf %add3A_852, %gather3A_855 : vector<16xf32>
      %broadcast_in_dim3A_857 = vector.shape_cast %xor3A_56 : vector<16xi32> to vector<16x1xi32>
      %gather3A_858 = vector.shape_cast %broadcast_in_dim3A_857 : vector<16x1xi32> to vector<16xi32>
      %gather3A_859 = tpu.dynamic_gather %add3A_856[%gather3A_858] in [0] : vector<16xf32>, vector<16xi32> -> vector<16xf32>
      %add3A_860 = arith.addf %add3A_856, %gather3A_859 : vector<16xf32>
      %broadcast_in_dim3A_861 = vector.shape_cast %xor3A_59 : vector<16xi32> to vector<16x1xi32>
      %gather3A_862 = vector.shape_cast %broadcast_in_dim3A_861 : vector<16x1xi32> to vector<16xi32>
      %gather3A_863 = tpu.dynamic_gather %add3A_860[%gather3A_862] in [0] : vector<16xf32>, vector<16xi32> -> vector<16xf32>
      %add3A_864 = arith.addf %add3A_860, %gather3A_863 : vector<16xf32>
      %broadcast_in_dim3A_865 = vector.shape_cast %xor3A_62 : vector<16xi32> to vector<16x1xi32>
      %gather3A_866 = vector.shape_cast %broadcast_in_dim3A_865 : vector<16x1xi32> to vector<16xi32>
      %gather3A_867 = tpu.dynamic_gather %add3A_864[%gather3A_866] in [0] : vector<16xf32>, vector<16xi32> -> vector<16xf32>
      %add3A_868 = arith.addf %add3A_864, %gather3A_867 : vector<16xf32>
      %select_n3A_869 = arith.select %eq3A_39, %add3A_868, %select_n3A_807 : vector<16xi1>, vector<16xf32>
      %add3A_870 = arith.constant 12 : i32
      %add3A_871 = arith.addi %mul3A_127, %add3A_870 : i32
      %get3A_872 = arith.index_cast %add3A_871 : i32 to index
      %get3A_873 = arith.constant 0 : index
      %get3A_874 = tpu.vector_load %arg8[%get3A_872, %get3A_873] {strides = array<i32>} : memref<256x64xf32, #tpu.memory_space<vmem>>, vector<1x16xf32>,
      %get3A_875 = vector.shape_cast %get3A_874 : vector<1x16xf32> to vector<16xf32>
      %get3A_876 = arith.index_cast %add3A_871 : i32 to index
      %get3A_877 = arith.constant 0 : index
      %get3A_878 = tpu.vector_load %arg7[%get3A_876, %get3A_877] {strides = array<i32>} : memref<256x64xf32, #tpu.memory_space<vmem>>, vector<1x16xf32>,
      %get3A_879 = vector.shape_cast %get3A_878 : vector<1x16xf32> to vector<16xf32>
      %sub3A_880 = arith.subf %get3A_875, %get3A_879 : vector<16xf32>
      %mul3A_881 = arith.mulf %sub3A_880, %sub3A_880 : vector<16xf32>
      %get3A_882 = arith.index_cast %add3A_871 : i32 to index
      %get3A_883 = arith.constant 16 : index
      %get3A_884 = tpu.vector_load %arg8[%get3A_882, %get3A_883] {strides = array<i32>} : memref<256x64xf32, #tpu.memory_space<vmem>>, vector<1x16xf32>,
      %get3A_885 = vector.shape_cast %get3A_884 : vector<1x16xf32> to vector<16xf32>
      %get3A_886 = arith.index_cast %add3A_871 : i32 to index
      %get3A_887 = arith.constant 16 : index
      %get3A_888 = tpu.vector_load %arg7[%get3A_886, %get3A_887] {strides = array<i32>} : memref<256x64xf32, #tpu.memory_space<vmem>>, vector<1x16xf32>,
      %get3A_889 = vector.shape_cast %get3A_888 : vector<1x16xf32> to vector<16xf32>
      %sub3A_890 = arith.subf %get3A_885, %get3A_889 : vector<16xf32>
      %mul3A_891 = arith.mulf %sub3A_890, %sub3A_890 : vector<16xf32>
      %get3A_892 = arith.index_cast %add3A_871 : i32 to index
      %get3A_893 = arith.constant 32 : index
      %get3A_894 = tpu.vector_load %arg8[%get3A_892, %get3A_893] {strides = array<i32>} : memref<256x64xf32, #tpu.memory_space<vmem>>, vector<1x16xf32>,
      %get3A_895 = vector.shape_cast %get3A_894 : vector<1x16xf32> to vector<16xf32>
      %get3A_896 = arith.index_cast %add3A_871 : i32 to index
      %get3A_897 = arith.constant 32 : index
      %get3A_898 = tpu.vector_load %arg7[%get3A_896, %get3A_897] {strides = array<i32>} : memref<256x64xf32, #tpu.memory_space<vmem>>, vector<1x16xf32>,
      %get3A_899 = vector.shape_cast %get3A_898 : vector<1x16xf32> to vector<16xf32>
      %sub3A_900 = arith.subf %get3A_895, %get3A_899 : vector<16xf32>
      %mul3A_901 = arith.mulf %sub3A_900, %sub3A_900 : vector<16xf32>
      %get3A_902 = arith.index_cast %add3A_871 : i32 to index
      %get3A_903 = arith.constant 48 : index
      %get3A_904 = tpu.vector_load %arg8[%get3A_902, %get3A_903] {strides = array<i32>} : memref<256x64xf32, #tpu.memory_space<vmem>>, vector<1x16xf32>,
      %get3A_905 = vector.shape_cast %get3A_904 : vector<1x16xf32> to vector<16xf32>
      %get3A_906 = arith.index_cast %add3A_871 : i32 to index
      %get3A_907 = arith.constant 48 : index
      %get3A_908 = tpu.vector_load %arg7[%get3A_906, %get3A_907] {strides = array<i32>} : memref<256x64xf32, #tpu.memory_space<vmem>>, vector<1x16xf32>,
      %get3A_909 = vector.shape_cast %get3A_908 : vector<1x16xf32> to vector<16xf32>
      %sub3A_910 = arith.subf %get3A_905, %get3A_909 : vector<16xf32>
      %mul3A_911 = arith.mulf %sub3A_910, %sub3A_910 : vector<16xf32>
      %add3A_912 = arith.addf %mul3A_881, %mul3A_891 : vector<16xf32>
      %add3A_913 = arith.addf %mul3A_901, %mul3A_911 : vector<16xf32>
      %add3A_914 = arith.addf %add3A_912, %add3A_913 : vector<16xf32>
      %broadcast_in_dim3A_915 = vector.shape_cast %xor3A_53 : vector<16xi32> to vector<16x1xi32>
      %gather3A_916 = vector.shape_cast %broadcast_in_dim3A_915 : vector<16x1xi32> to vector<16xi32>
      %gather3A_917 = tpu.dynamic_gather %add3A_914[%gather3A_916] in [0] : vector<16xf32>, vector<16xi32> -> vector<16xf32>
      %add3A_918 = arith.addf %add3A_914, %gather3A_917 : vector<16xf32>
      %broadcast_in_dim3A_919 = vector.shape_cast %xor3A_56 : vector<16xi32> to vector<16x1xi32>
      %gather3A_920 = vector.shape_cast %broadcast_in_dim3A_919 : vector<16x1xi32> to vector<16xi32>
      %gather3A_921 = tpu.dynamic_gather %add3A_918[%gather3A_920] in [0] : vector<16xf32>, vector<16xi32> -> vector<16xf32>
      %add3A_922 = arith.addf %add3A_918, %gather3A_921 : vector<16xf32>
      %broadcast_in_dim3A_923 = vector.shape_cast %xor3A_59 : vector<16xi32> to vector<16x1xi32>
      %gather3A_924 = vector.shape_cast %broadcast_in_dim3A_923 : vector<16x1xi32> to vector<16xi32>
      %gather3A_925 = tpu.dynamic_gather %add3A_922[%gather3A_924] in [0] : vector<16xf32>, vector<16xi32> -> vector<16xf32>
      %add3A_926 = arith.addf %add3A_922, %gather3A_925 : vector<16xf32>
      %broadcast_in_dim3A_927 = vector.shape_cast %xor3A_62 : vector<16xi32> to vector<16x1xi32>
      %gather3A_928 = vector.shape_cast %broadcast_in_dim3A_927 : vector<16x1xi32> to vector<16xi32>
      %gather3A_929 = tpu.dynamic_gather %add3A_926[%gather3A_928] in [0] : vector<16xf32>, vector<16xi32> -> vector<16xf32>
      %add3A_930 = arith.addf %add3A_926, %gather3A_929 : vector<16xf32>
      %select_n3A_931 = arith.select %eq3A_42, %add3A_930, %select_n3A_869 : vector<16xi1>, vector<16xf32>
      %add3A_932 = arith.constant 13 : i32
      %add3A_933 = arith.addi %mul3A_127, %add3A_932 : i32
      %get3A_934 = arith.index_cast %add3A_933 : i32 to index
      %get3A_935 = arith.constant 0 : index
      %get3A_936 = tpu.vector_load %arg8[%get3A_934, %get3A_935] {strides = array<i32>} : memref<256x64xf32, #tpu.memory_space<vmem>>, vector<1x16xf32>,
      %get3A_937 = vector.shape_cast %get3A_936 : vector<1x16xf32> to vector<16xf32>
      %get3A_938 = arith.index_cast %add3A_933 : i32 to index
      %get3A_939 = arith.constant 0 : index
      %get3A_940 = tpu.vector_load %arg7[%get3A_938, %get3A_939] {strides = array<i32>} : memref<256x64xf32, #tpu.memory_space<vmem>>, vector<1x16xf32>,
      %get3A_941 = vector.shape_cast %get3A_940 : vector<1x16xf32> to vector<16xf32>
      %sub3A_942 = arith.subf %get3A_937, %get3A_941 : vector<16xf32>
      %mul3A_943 = arith.mulf %sub3A_942, %sub3A_942 : vector<16xf32>
      %get3A_944 = arith.index_cast %add3A_933 : i32 to index
      %get3A_945 = arith.constant 16 : index
      %get3A_946 = tpu.vector_load %arg8[%get3A_944, %get3A_945] {strides = array<i32>} : memref<256x64xf32, #tpu.memory_space<vmem>>, vector<1x16xf32>,
      %get3A_947 = vector.shape_cast %get3A_946 : vector<1x16xf32> to vector<16xf32>
      %get3A_948 = arith.index_cast %add3A_933 : i32 to index
      %get3A_949 = arith.constant 16 : index
      %get3A_950 = tpu.vector_load %arg7[%get3A_948, %get3A_949] {strides = array<i32>} : memref<256x64xf32, #tpu.memory_space<vmem>>, vector<1x16xf32>,
      %get3A_951 = vector.shape_cast %get3A_950 : vector<1x16xf32> to vector<16xf32>
      %sub3A_952 = arith.subf %get3A_947, %get3A_951 : vector<16xf32>
      %mul3A_953 = arith.mulf %sub3A_952, %sub3A_952 : vector<16xf32>
      %get3A_954 = arith.index_cast %add3A_933 : i32 to index
      %get3A_955 = arith.constant 32 : index
      %get3A_956 = tpu.vector_load %arg8[%get3A_954, %get3A_955] {strides = array<i32>} : memref<256x64xf32, #tpu.memory_space<vmem>>, vector<1x16xf32>,
      %get3A_957 = vector.shape_cast %get3A_956 : vector<1x16xf32> to vector<16xf32>
      %get3A_958 = arith.index_cast %add3A_933 : i32 to index
      %get3A_959 = arith.constant 32 : index
      %get3A_960 = tpu.vector_load %arg7[%get3A_958, %get3A_959] {strides = array<i32>} : memref<256x64xf32, #tpu.memory_space<vmem>>, vector<1x16xf32>,
      %get3A_961 = vector.shape_cast %get3A_960 : vector<1x16xf32> to vector<16xf32>
      %sub3A_962 = arith.subf %get3A_957, %get3A_961 : vector<16xf32>
      %mul3A_963 = arith.mulf %sub3A_962, %sub3A_962 : vector<16xf32>
      %get3A_964 = arith.index_cast %add3A_933 : i32 to index
      %get3A_965 = arith.constant 48 : index
      %get3A_966 = tpu.vector_load %arg8[%get3A_964, %get3A_965] {strides = array<i32>} : memref<256x64xf32, #tpu.memory_space<vmem>>, vector<1x16xf32>,
      %get3A_967 = vector.shape_cast %get3A_966 : vector<1x16xf32> to vector<16xf32>
      %get3A_968 = arith.index_cast %add3A_933 : i32 to index
      %get3A_969 = arith.constant 48 : index
      %get3A_970 = tpu.vector_load %arg7[%get3A_968, %get3A_969] {strides = array<i32>} : memref<256x64xf32, #tpu.memory_space<vmem>>, vector<1x16xf32>,
      %get3A_971 = vector.shape_cast %get3A_970 : vector<1x16xf32> to vector<16xf32>
      %sub3A_972 = arith.subf %get3A_967, %get3A_971 : vector<16xf32>
      %mul3A_973 = arith.mulf %sub3A_972, %sub3A_972 : vector<16xf32>
      %add3A_974 = arith.addf %mul3A_943, %mul3A_953 : vector<16xf32>
      %add3A_975 = arith.addf %mul3A_963, %mul3A_973 : vector<16xf32>
      %add3A_976 = arith.addf %add3A_974, %add3A_975 : vector<16xf32>
      %broadcast_in_dim3A_977 = vector.shape_cast %xor3A_53 : vector<16xi32> to vector<16x1xi32>
      %gather3A_978 = vector.shape_cast %broadcast_in_dim3A_977 : vector<16x1xi32> to vector<16xi32>
      %gather3A_979 = tpu.dynamic_gather %add3A_976[%gather3A_978] in [0] : vector<16xf32>, vector<16xi32> -> vector<16xf32>
      %add3A_980 = arith.addf %add3A_976, %gather3A_979 : vector<16xf32>
      %broadcast_in_dim3A_981 = vector.shape_cast %xor3A_56 : vector<16xi32> to vector<16x1xi32>
      %gather3A_982 = vector.shape_cast %broadcast_in_dim3A_981 : vector<16x1xi32> to vector<16xi32>
      %gather3A_983 = tpu.dynamic_gather %add3A_980[%gather3A_982] in [0] : vector<16xf32>, vector<16xi32> -> vector<16xf32>
      %add3A_984 = arith.addf %add3A_980, %gather3A_983 : vector<16xf32>
      %broadcast_in_dim3A_985 = vector.shape_cast %xor3A_59 : vector<16xi32> to vector<16x1xi32>
      %gather3A_986 = vector.shape_cast %broadcast_in_dim3A_985 : vector<16x1xi32> to vector<16xi32>
      %gather3A_987 = tpu.dynamic_gather %add3A_984[%gather3A_986] in [0] : vector<16xf32>, vector<16xi32> -> vector<16xf32>
      %add3A_988 = arith.addf %add3A_984, %gather3A_987 : vector<16xf32>
      %broadcast_in_dim3A_989 = vector.shape_cast %xor3A_62 : vector<16xi32> to vector<16x1xi32>
      %gather3A_990 = vector.shape_cast %broadcast_in_dim3A_989 : vector<16x1xi32> to vector<16xi32>
      %gather3A_991 = tpu.dynamic_gather %add3A_988[%gather3A_990] in [0] : vector<16xf32>, vector<16xi32> -> vector<16xf32>
      %add3A_992 = arith.addf %add3A_988, %gather3A_991 : vector<16xf32>
      %select_n3A_993 = arith.select %eq3A_45, %add3A_992, %select_n3A_931 : vector<16xi1>, vector<16xf32>
      %add3A_994 = arith.constant 14 : i32
      %add3A_995 = arith.addi %mul3A_127, %add3A_994 : i32
      %get3A_996 = arith.index_cast %add3A_995 : i32 to index
      %get3A_997 = arith.constant 0 : index
      %get3A_998 = tpu.vector_load %arg8[%get3A_996, %get3A_997] {strides = array<i32>} : memref<256x64xf32, #tpu.memory_space<vmem>>, vector<1x16xf32>,
      %get3A_999 = vector.shape_cast %get3A_998 : vector<1x16xf32> to vector<16xf32>
      %get3A_1000 = arith.index_cast %add3A_995 : i32 to index
      %get3A_1001 = arith.constant 0 : index
      %get3A_1002 = tpu.vector_load %arg7[%get3A_1000, %get3A_1001] {strides = array<i32>} : memref<256x64xf32, #tpu.memory_space<vmem>>, vector<1x16xf32>,
      %get3A_1003 = vector.shape_cast %get3A_1002 : vector<1x16xf32> to vector<16xf32>
      %sub3A_1004 = arith.subf %get3A_999, %get3A_1003 : vector<16xf32>
      %mul3A_1005 = arith.mulf %sub3A_1004, %sub3A_1004 : vector<16xf32>
      %get3A_1006 = arith.index_cast %add3A_995 : i32 to index
      %get3A_1007 = arith.constant 16 : index
      %get3A_1008 = tpu.vector_load %arg8[%get3A_1006, %get3A_1007] {strides = array<i32>} : memref<256x64xf32, #tpu.memory_space<vmem>>, vector<1x16xf32>,
      %get3A_1009 = vector.shape_cast %get3A_1008 : vector<1x16xf32> to vector<16xf32>
      %get3A_1010 = arith.index_cast %add3A_995 : i32 to index
      %get3A_1011 = arith.constant 16 : index
      %get3A_1012 = tpu.vector_load %arg7[%get3A_1010, %get3A_1011] {strides = array<i32>} : memref<256x64xf32, #tpu.memory_space<vmem>>, vector<1x16xf32>,
      %get3A_1013 = vector.shape_cast %get3A_1012 : vector<1x16xf32> to vector<16xf32>
      %sub3A_1014 = arith.subf %get3A_1009, %get3A_1013 : vector<16xf32>
      %mul3A_1015 = arith.mulf %sub3A_1014, %sub3A_1014 : vector<16xf32>
      %get3A_1016 = arith.index_cast %add3A_995 : i32 to index
      %get3A_1017 = arith.constant 32 : index
      %get3A_1018 = tpu.vector_load %arg8[%get3A_1016, %get3A_1017] {strides = array<i32>} : memref<256x64xf32, #tpu.memory_space<vmem>>, vector<1x16xf32>,
      %get3A_1019 = vector.shape_cast %get3A_1018 : vector<1x16xf32> to vector<16xf32>
      %get3A_1020 = arith.index_cast %add3A_995 : i32 to index
      %get3A_1021 = arith.constant 32 : index
      %get3A_1022 = tpu.vector_load %arg7[%get3A_1020, %get3A_1021] {strides = array<i32>} : memref<256x64xf32, #tpu.memory_space<vmem>>, vector<1x16xf32>,
      %get3A_1023 = vector.shape_cast %get3A_1022 : vector<1x16xf32> to vector<16xf32>
      %sub3A_1024 = arith.subf %get3A_1019, %get3A_1023 : vector<16xf32>
      %mul3A_1025 = arith.mulf %sub3A_1024, %sub3A_1024 : vector<16xf32>
      %get3A_1026 = arith.index_cast %add3A_995 : i32 to index
      %get3A_1027 = arith.constant 48 : index
      %get3A_1028 = tpu.vector_load %arg8[%get3A_1026, %get3A_1027] {strides = array<i32>} : memref<256x64xf32, #tpu.memory_space<vmem>>, vector<1x16xf32>,
      %get3A_1029 = vector.shape_cast %get3A_1028 : vector<1x16xf32> to vector<16xf32>
      %get3A_1030 = arith.index_cast %add3A_995 : i32 to index
      %get3A_1031 = arith.constant 48 : index
      %get3A_1032 = tpu.vector_load %arg7[%get3A_1030, %get3A_1031] {strides = array<i32>} : memref<256x64xf32, #tpu.memory_space<vmem>>, vector<1x16xf32>,
      %get3A_1033 = vector.shape_cast %get3A_1032 : vector<1x16xf32> to vector<16xf32>
      %sub3A_1034 = arith.subf %get3A_1029, %get3A_1033 : vector<16xf32>
      %mul3A_1035 = arith.mulf %sub3A_1034, %sub3A_1034 : vector<16xf32>
      %add3A_1036 = arith.addf %mul3A_1005, %mul3A_1015 : vector<16xf32>
      %add3A_1037 = arith.addf %mul3A_1025, %mul3A_1035 : vector<16xf32>
      %add3A_1038 = arith.addf %add3A_1036, %add3A_1037 : vector<16xf32>
      %broadcast_in_dim3A_1039 = vector.shape_cast %xor3A_53 : vector<16xi32> to vector<16x1xi32>
      %gather3A_1040 = vector.shape_cast %broadcast_in_dim3A_1039 : vector<16x1xi32> to vector<16xi32>
      %gather3A_1041 = tpu.dynamic_gather %add3A_1038[%gather3A_1040] in [0] : vector<16xf32>, vector<16xi32> -> vector<16xf32>
      %add3A_1042 = arith.addf %add3A_1038, %gather3A_1041 : vector<16xf32>
      %broadcast_in_dim3A_1043 = vector.shape_cast %xor3A_56 : vector<16xi32> to vector<16x1xi32>
      %gather3A_1044 = vector.shape_cast %broadcast_in_dim3A_1043 : vector<16x1xi32> to vector<16xi32>
      %gather3A_1045 = tpu.dynamic_gather %add3A_1042[%gather3A_1044] in [0] : vector<16xf32>, vector<16xi32> -> vector<16xf32>
      %add3A_1046 = arith.addf %add3A_1042, %gather3A_1045 : vector<16xf32>
      %broadcast_in_dim3A_1047 = vector.shape_cast %xor3A_59 : vector<16xi32> to vector<16x1xi32>
      %gather3A_1048 = vector.shape_cast %broadcast_in_dim3A_1047 : vector<16x1xi32> to vector<16xi32>
      %gather3A_1049 = tpu.dynamic_gather %add3A_1046[%gather3A_1048] in [0] : vector<16xf32>, vector<16xi32> -> vector<16xf32>
      %add3A_1050 = arith.addf %add3A_1046, %gather3A_1049 : vector<16xf32>
      %broadcast_in_dim3A_1051 = vector.shape_cast %xor3A_62 : vector<16xi32> to vector<16x1xi32>
      %gather3A_1052 = vector.shape_cast %broadcast_in_dim3A_1051 : vector<16x1xi32> to vector<16xi32>
      %gather3A_1053 = tpu.dynamic_gather %add3A_1050[%gather3A_1052] in [0] : vector<16xf32>, vector<16xi32> -> vector<16xf32>
      %add3A_1054 = arith.addf %add3A_1050, %gather3A_1053 : vector<16xf32>
      %select_n3A_1055 = arith.select %eq3A_48, %add3A_1054, %select_n3A_993 : vector<16xi1>, vector<16xf32>
      %add3A_1056 = arith.constant 15 : i32
      %add3A_1057 = arith.addi %mul3A_127, %add3A_1056 : i32
      %get3A_1058 = arith.index_cast %add3A_1057 : i32 to index
      %get3A_1059 = arith.constant 0 : index
      %get3A_1060 = tpu.vector_load %arg8[%get3A_1058, %get3A_1059] {strides = array<i32>} : memref<256x64xf32, #tpu.memory_space<vmem>>, vector<1x16xf32>,
      %get3A_1061 = vector.shape_cast %get3A_1060 : vector<1x16xf32> to vector<16xf32>
      %get3A_1062 = arith.index_cast %add3A_1057 : i32 to index
      %get3A_1063 = arith.constant 0 : index
      %get3A_1064 = tpu.vector_load %arg7[%get3A_1062, %get3A_1063] {strides = array<i32>} : memref<256x64xf32, #tpu.memory_space<vmem>>, vector<1x16xf32>,
      %get3A_1065 = vector.shape_cast %get3A_1064 : vector<1x16xf32> to vector<16xf32>
      %sub3A_1066 = arith.subf %get3A_1061, %get3A_1065 : vector<16xf32>
      %mul3A_1067 = arith.mulf %sub3A_1066, %sub3A_1066 : vector<16xf32>
      %get3A_1068 = arith.index_cast %add3A_1057 : i32 to index
      %get3A_1069 = arith.constant 16 : index
      %get3A_1070 = tpu.vector_load %arg8[%get3A_1068, %get3A_1069] {strides = array<i32>} : memref<256x64xf32, #tpu.memory_space<vmem>>, vector<1x16xf32>,
      %get3A_1071 = vector.shape_cast %get3A_1070 : vector<1x16xf32> to vector<16xf32>
      %get3A_1072 = arith.index_cast %add3A_1057 : i32 to index
      %get3A_1073 = arith.constant 16 : index
      %get3A_1074 = tpu.vector_load %arg7[%get3A_1072, %get3A_1073] {strides = array<i32>} : memref<256x64xf32, #tpu.memory_space<vmem>>, vector<1x16xf32>,
      %get3A_1075 = vector.shape_cast %get3A_1074 : vector<1x16xf32> to vector<16xf32>
      %sub3A_1076 = arith.subf %get3A_1071, %get3A_1075 : vector<16xf32>
      %mul3A_1077 = arith.mulf %sub3A_1076, %sub3A_1076 : vector<16xf32>
      %get3A_1078 = arith.index_cast %add3A_1057 : i32 to index
      %get3A_1079 = arith.constant 32 : index
      %get3A_1080 = tpu.vector_load %arg8[%get3A_1078, %get3A_1079] {strides = array<i32>} : memref<256x64xf32, #tpu.memory_space<vmem>>, vector<1x16xf32>,
      %get3A_1081 = vector.shape_cast %get3A_1080 : vector<1x16xf32> to vector<16xf32>
      %get3A_1082 = arith.index_cast %add3A_1057 : i32 to index
      %get3A_1083 = arith.constant 32 : index
      %get3A_1084 = tpu.vector_load %arg7[%get3A_1082, %get3A_1083] {strides = array<i32>} : memref<256x64xf32, #tpu.memory_space<vmem>>, vector<1x16xf32>,
      %get3A_1085 = vector.shape_cast %get3A_1084 : vector<1x16xf32> to vector<16xf32>
      %sub3A_1086 = arith.subf %get3A_1081, %get3A_1085 : vector<16xf32>
      %mul3A_1087 = arith.mulf %sub3A_1086, %sub3A_1086 : vector<16xf32>
      %get3A_1088 = arith.index_cast %add3A_1057 : i32 to index
      %get3A_1089 = arith.constant 48 : index
      %get3A_1090 = tpu.vector_load %arg8[%get3A_1088, %get3A_1089] {strides = array<i32>} : memref<256x64xf32, #tpu.memory_space<vmem>>, vector<1x16xf32>,
      %get3A_1091 = vector.shape_cast %get3A_1090 : vector<1x16xf32> to vector<16xf32>
      %get3A_1092 = arith.index_cast %add3A_1057 : i32 to index
      %get3A_1093 = arith.constant 48 : index
      %get3A_1094 = tpu.vector_load %arg7[%get3A_1092, %get3A_1093] {strides = array<i32>} : memref<256x64xf32, #tpu.memory_space<vmem>>, vector<1x16xf32>,
      %get3A_1095 = vector.shape_cast %get3A_1094 : vector<1x16xf32> to vector<16xf32>
      %sub3A_1096 = arith.subf %get3A_1091, %get3A_1095 : vector<16xf32>
      %mul3A_1097 = arith.mulf %sub3A_1096, %sub3A_1096 : vector<16xf32>
      %add3A_1098 = arith.addf %mul3A_1067, %mul3A_1077 : vector<16xf32>
      %add3A_1099 = arith.addf %mul3A_1087, %mul3A_1097 : vector<16xf32>
      %add3A_1100 = arith.addf %add3A_1098, %add3A_1099 : vector<16xf32>
      %broadcast_in_dim3A_1101 = vector.shape_cast %xor3A_53 : vector<16xi32> to vector<16x1xi32>
      %gather3A_1102 = vector.shape_cast %broadcast_in_dim3A_1101 : vector<16x1xi32> to vector<16xi32>
      %gather3A_1103 = tpu.dynamic_gather %add3A_1100[%gather3A_1102] in [0] : vector<16xf32>, vector<16xi32> -> vector<16xf32>
      %add3A_1104 = arith.addf %add3A_1100, %gather3A_1103 : vector<16xf32>
      %broadcast_in_dim3A_1105 = vector.shape_cast %xor3A_56 : vector<16xi32> to vector<16x1xi32>
      %gather3A_1106 = vector.shape_cast %broadcast_in_dim3A_1105 : vector<16x1xi32> to vector<16xi32>
      %gather3A_1107 = tpu.dynamic_gather %add3A_1104[%gather3A_1106] in [0] : vector<16xf32>, vector<16xi32> -> vector<16xf32>
      %add3A_1108 = arith.addf %add3A_1104, %gather3A_1107 : vector<16xf32>
      %broadcast_in_dim3A_1109 = vector.shape_cast %xor3A_59 : vector<16xi32> to vector<16x1xi32>
      %gather3A_1110 = vector.shape_cast %broadcast_in_dim3A_1109 : vector<16x1xi32> to vector<16xi32>
      %gather3A_1111 = tpu.dynamic_gather %add3A_1108[%gather3A_1110] in [0] : vector<16xf32>, vector<16xi32> -> vector<16xf32>
      %add3A_1112 = arith.addf %add3A_1108, %gather3A_1111 : vector<16xf32>
      %broadcast_in_dim3A_1113 = vector.shape_cast %xor3A_62 : vector<16xi32> to vector<16x1xi32>
      %gather3A_1114 = vector.shape_cast %broadcast_in_dim3A_1113 : vector<16x1xi32> to vector<16xi32>
      %gather3A_1115 = tpu.dynamic_gather %add3A_1112[%gather3A_1114] in [0] : vector<16xf32>, vector<16xi32> -> vector<16xf32>
      %add3A_1116 = arith.addf %add3A_1112, %gather3A_1115 : vector<16xf32>
      %select_n3A_1117 = arith.select %eq3A_51, %add3A_1116, %select_n3A_1055 : vector<16xi1>, vector<16xf32>
      %bitcast_convert_type3A = tpu.bitcast %select_n3A_1117 : vector<16xf32> -> vector<16xi32>
      %shift_right_arithmetic3A = arith.constant 1 : i32
      %shift_right_arithmetic3A_1118 = vector.broadcast %shift_right_arithmetic3A : i32 to vector<16xi32>
      %shift_right_arithmetic3A_1119 = arith.shrsi %bitcast_convert_type3A, %shift_right_arithmetic3A_1118 : vector<16xi32>
      %sub3A_1120 = arith.constant 1597463007 : i32
      %sub3A_1121 = vector.broadcast %sub3A_1120 : i32 to vector<16xi32>
      %sub3A_1122 = arith.subi %sub3A_1121, %shift_right_arithmetic3A_1119 : vector<16xi32>
      %bitcast_convert_type3A_1123 = tpu.bitcast %sub3A_1122 : vector<16xi32> -> vector<16xf32>
      %mul3A_1124 = arith.constant 5.000000e-01 : f32
      %mul3A_1125 = vector.broadcast %mul3A_1124 : f32 to vector<16xf32>
      %mul3A_1126 = arith.mulf %mul3A_1125, %select_n3A_1117 : vector<16xf32>
      %mul3A_1127 = arith.mulf %mul3A_1126, %bitcast_convert_type3A_1123 : vector<16xf32>
      %mul3A_1128 = arith.mulf %mul3A_1127, %bitcast_convert_type3A_1123 : vector<16xf32>
      %sub3A_1129 = arith.constant 1.500000e+00 : f32
      %sub3A_1130 = vector.broadcast %sub3A_1129 : f32 to vector<16xf32>
      %sub3A_1131 = arith.subf %sub3A_1130, %mul3A_1128 : vector<16xf32>
      %mul3A_1132 = arith.mulf %bitcast_convert_type3A_1123, %sub3A_1131 : vector<16xf32>
      %mul3A_1133 = arith.constant 5.000000e-01 : f32
      %mul3A_1134 = vector.broadcast %mul3A_1133 : f32 to vector<16xf32>
      %mul3A_1135 = arith.mulf %mul3A_1134, %select_n3A_1117 : vector<16xf32>
      %mul3A_1136 = arith.mulf %mul3A_1135, %mul3A_1132 : vector<16xf32>
      %mul3A_1137 = arith.mulf %mul3A_1136, %mul3A_1132 : vector<16xf32>
      %sub3A_1138 = arith.constant 1.500000e+00 : f32
      %sub3A_1139 = vector.broadcast %sub3A_1138 : f32 to vector<16xf32>
      %sub3A_1140 = arith.subf %sub3A_1139, %mul3A_1137 : vector<16xf32>
      %mul3A_1141 = arith.mulf %mul3A_1132, %sub3A_1140 : vector<16xf32>
      %mul3A_1142 = arith.constant 5.000000e-01 : f32
      %mul3A_1143 = vector.broadcast %mul3A_1142 : f32 to vector<16xf32>
      %mul3A_1144 = arith.mulf %mul3A_1143, %select_n3A_1117 : vector<16xf32>
      %mul3A_1145 = arith.mulf %mul3A_1144, %mul3A_1141 : vector<16xf32>
      %mul3A_1146 = arith.mulf %mul3A_1145, %mul3A_1141 : vector<16xf32>
      %sub3A_1147 = arith.constant 1.500000e+00 : f32
      %sub3A_1148 = vector.broadcast %sub3A_1147 : f32 to vector<16xf32>
      %sub3A_1149 = arith.subf %sub3A_1148, %mul3A_1146 : vector<16xf32>
      %mul3A_1150 = arith.mulf %mul3A_1141, %sub3A_1149 : vector<16xf32>
      %mul3A_1151 = arith.mulf %select_n3A_1117, %mul3A_1150 : vector<16xf32>
      %add3A_1152 = arith.addf %scan3A_125, %mul3A_1151 : vector<16xf32>
      scf.yield %add3A_1152 : vector<16xf32>
    }
    %scan3A_118 = arith.constant 16 : i32
    %swap3A = arith.constant 0 : index
    %swap3A_119 = tpu.vector_load %arg9[%swap3A] {strides = array<i32>} : memref<16xf32, #tpu.memory_space<vmem>>, vector<16xf32>,
    %swap3A_120 = vector.shape_cast %swap3A_119 : vector<16xf32> to vector<16xf32>
    %swap3A_121 = vector.shape_cast %scan3A_117 : vector<16xf32> to vector<16xf32>
    tpu.vector_store %arg9[%swap3A], %swap3A_121 {strides = array<i32>} : memref<16xf32, #tpu.memory_space<vmem>>, vector<16xf32>,
    %mul3A_122 = arith.constant 16 : i32
    %mul3A_123 = arith.muli %add3A, %mul3A_122 : i32
    "tpu.region"() ({
      %run_scoped3A = tpu.sem_alloc : memref<!tpu.dma_semaphore, #tpu.memory_space<semaphore_mem>>
      %dma_start3A_124 = tpu.memref_slice %arg5[%mul3A_123] : memref<512xf32, #tpu.memory_space<hbm>> -> memref<16xf32, #tpu.memory_space<hbm>>
      %dma_start3A_125 = tpu.memref_slice %arg5[%mul3A_123] : memref<512xf32, #tpu.memory_space<hbm>> -> memref<16xf32, #tpu.memory_space<hbm>>
      tpu.enqueue_dma source(%arg9 : memref<16xf32, #tpu.memory_space<vmem>>) target(%dma_start3A_125 : memref<16xf32, #tpu.memory_space<hbm>>) target_semaphore(%run_scoped3A : memref<!tpu.dma_semaphore, #tpu.memory_space<semaphore_mem>>)
      %dma_wait3A_126 = tpu.memref_slice %arg5[%mul3A_123] : memref<512xf32, #tpu.memory_space<hbm>> -> memref<16xf32, #tpu.memory_space<hbm>>
      %dma_wait3A_127 = tpu.memref_slice %arg5[%mul3A_123] : memref<512xf32, #tpu.memory_space<hbm>> -> memref<16xf32, #tpu.memory_space<hbm>>
      tpu.wait_dma2 semaphore(%run_scoped3A : memref<!tpu.dma_semaphore, #tpu.memory_space<semaphore_mem>>) src(%arg9 : memref<16xf32, #tpu.memory_space<vmem>>) dst(%dma_wait3A_127 : memref<16xf32, #tpu.memory_space<hbm>>)
      tpu.yield
    }) : () -> ()
    return
  }
}

</mosaic_0001>

<sc_bundles>
// kernel: kernel.3.cloned.1.call-start
scs
__scs_entry_jumppad:
0x0: {  	(pc) =	sbr.rel $0x88, $3  }
0x1: {  	(tag) =	ssettag $0x0;
	lr =	simm.s32 $0x1  }
0x2: {  	[smem:$0x3F9E] =	sst lr;
	_ =	strace $0xD0000000  }
0x3: {  	_ = 	snop  }
0x4: {  	_ = 	snop  }
0x5: {  	_ = 	snop  }
0x6: {  	_ = 	snop  }
0x7: {  	_ = 	snop  }
__scs_overlays_trampoline_lowered:
0x8: {  	[smem:$0x3FAD] =	sst s0  }
0x9: {  	[smem:$0x3FAE] =	sst s1  }
0xa: {  	[smem:$0x3FAF] =	sst s2  }
0xb: {  	[smem:$0x3FB0] =	sst s3  }
0xc: {  	[smem:$0x3FB1] =	sst s4  }
0xd: {  	[smem:$0x3FB2] =	sst s5  }
0xe: {  	[smem:$0x3FB3] =	sst s6  }
0xf: {  	[smem:$0x3FB4] =	sst s7  }
0x10: {  	[smem:$0x3FB5] =	sst s8  }
0x11: {  	[smem:$0x3FB6] =	sst s9;
	s0 =	simm.s32 @!p0 $0x0  }
0x12: {  	s1 =	sld [smem:$0x3F9C];
	s0 =	simm.s32 @p0 $0x1  }
0x13: {  	[smem:$0x3FB7] =	sst s0;
	s0 =	simm.s32 @!p1 $0x0  }
0x14: {  	s2 =	sld [smem:$0x3F9B];
	s0 =	simm.s32 @p1 $0x1  }
0x15: {  	[smem:$0x3FB8] =	sst s0;
	s0 =	simm.s32 @!p2 $0x0  }
0x16: {  	s3 =	sld [smem:$0x3FDB];
	s0 =	simm.s32 @p2 $0x1  }
0x17: {  	s4 =	simm.s32 $0x1BF5;
	[smem:$0x3FBA] =	sst s0  }
0x18: {  	s0 =	sld [smem:$0x3F9D];
	_ =	swait.ge [sflag:s4], $0x0  }
0x19: {  	s7 =	sld [smem:$0x3F9E]  }
0x1a: {  	s8 =	sadd.s32 $0xFFFFE003, lr  }
0x1b: {  	s9 =	sadd.s32 $0xFFFFFEF7, lr;
	s5 =	simm.s32 $0xFFFFFFFF;
	p2 =	slt.u32 s8, $0xFFFFF086  }
0x1c: {  	p1 =	slt.u32 s9, $0xF7A;
	s5 =	simm.s32 @!p2 $0x0  }
0x1d: {  	s5 =	simm.s32 @p1 $0x1;
	p0 =	seq.s32 s7, s2  }
0x1e: {  	s7 =	smul.u32 @!p0 $0xF7A, s2;
	p2 =	seq.s32 @!p0 s5, $0x0  }
0x1f: {  	s9 =	smul.u32 $0xF7A, s1;
	s8 =	simm.s32 @!p0 $0x1BF5;
	p2 =	por !p2, p0  }
0x20: {  	[sflag:s8] =	ssyncset.s32 @!p0 $0xFFFFF086;
	s6 =	sadd.s32 @!p0 s3, s7;
	s7 =	simm.s32 @!p0 $0x108  }
0x21: {  	s3 =	sadd.s32 s3, s9;
	s6 =	sadd.s32 @!p0 $0x88, s6;
	s7 =	simm.s32 @p2 $0x1082  }
0x22: {  	[simem:s7], [sflag:s8] =	dma.local @!p0 [hbm:s6], $0xF7A  }
0x23: {  	s9 =	sor.u32 $0xD0000000, s2;
	s6 =	simm.s32 $0x108;
	_ =	swait.ge @!p0 [sflag:s8], $0x0  }
0x24: {  	s3 =	sadd.s32 $0x88, s3;
	s6 =	simm.s32 @!p1 $0x1082;
	[sflag:s4] =	ssyncset.s32 $0xFFFFF086  }
0x25: {  	[simem:s6], [sflag:s4] =	dma.local [hbm:s3], $0xF7A  }
0x26: {  	[smem:$0x3F9E] =	sst s1;
	(tag) =	ssettag s2;
	_ =	strace s9  }
0x27: {  	s1 =	sld [smem:$0x3FAE]  }
0x28: {  	s2 =	sld [smem:$0x3FAF]  }
0x29: {  	s4 =	sld [smem:$0x3FB1]  }
0x2a: {  	p0 =	seq.s32 s5, $0x0;
	s5 =	sld [smem:$0x3FB2]  }
0x2b: {  	s6 =	sld [smem:$0x3FB3]  }
0x2c: {  	s7 =	sld [smem:$0x3FB4]  }
0x2d: {  	s3 =	simm.s32 $0x108;
	s8 =	sld [smem:$0x3FB5]  }
0x2e: {  	s3 =	simm.s32 @!p0 $0x1082;
	s9 =	sld [smem:$0x3FB6]  }
0x2f: {  	lr =	sadd.s32 s0, s3;
	s0 =	sld [smem:$0x3FAD]  }
0x30: {  	s3 =	sld [smem:$0x3FB0]  }
0x31: {  	[smem:$0x3FB9] =	sst s10  }
0x32: {  	s10 =	sld [smem:$0x3FB7];
	_ =	sdelay $0x3  }
0x33: {  	p0 =	seq.s32 s10, $0x1;
	s10 =	sld [smem:$0x3FB9];
	_ =	sdelay $0x3  }
0x34: {  	[smem:$0x3FB9] =	sst s10  }
0x35: {  	s10 =	sld [smem:$0x3FB8];
	_ =	sdelay $0x3  }
0x36: {  	p1 =	seq.s32 s10, $0x1;
	s10 =	sld [smem:$0x3FB9];
	_ =	sdelay $0x3  }
0x37: {  	[smem:$0x3FB9] =	sst s10  }
0x38: {  	s10 =	sld [smem:$0x3FBA]  }
0x39: {  	_ = 	snop;
	(pc) =	sbr.ind lr, $3  }
0x3a: {  	_ = 	snop  }
0x3b: {  	_ = 	snop  }
0x3c: {  	p2 =	seq.s32 s10, $0x1;
	s10 =	sld [smem:$0x3FB9]  }
0x3d: {  	_ =	shalt  }
0x3e: {  	_ =	shalt  }
0x3f: {  	_ =	shalt  }
0x40: {  	_ =	shalt  }
0x41: {  	_ =	shalt  }
0x42: {  	_ =	shalt  }
0x43: {  	_ =	shalt  }
0x44: {  	_ =	shalt  }
0x45: {  	_ =	shalt  }
0x46: {  	_ =	shalt  }
0x47: {  	_ =	shalt  }
0x48: {  	_ =	shalt  }
0x49: {  	_ =	shalt  }
0x4a: {  	_ =	shalt  }
0x4b: {  	_ =	shalt  }
0x4c: {  	_ =	shalt  }
0x4d: {  	_ =	shalt  }
0x4e: {  	_ =	shalt  }
0x4f: {  	_ =	shalt  }
0x50: {  	_ =	shalt  }
0x51: {  	_ =	shalt  }
0x52: {  	_ =	shalt  }
0x53: {  	_ =	shalt  }
0x54: {  	_ =	shalt  }
0x55: {  	_ =	shalt  }
0x56: {  	_ =	shalt  }
0x57: {  	_ =	shalt  }
0x58: {  	_ =	shalt  }
0x59: {  	_ =	shalt  }
0x5a: {  	_ =	shalt  }
0x5b: {  	_ =	shalt  }
0x5c: {  	_ =	shalt  }
0x5d: {  	_ =	shalt  }
0x5e: {  	_ =	shalt  }
0x5f: {  	_ =	shalt  }
0x60: {  	_ =	shalt  }
0x61: {  	_ =	shalt  }
0x62: {  	_ =	shalt  }
0x63: {  	_ =	shalt  }
0x64: {  	_ =	shalt  }
0x65: {  	_ =	shalt  }
0x66: {  	_ =	shalt  }
0x67: {  	_ =	shalt  }
0x68: {  	_ =	shalt  }
0x69: {  	_ =	shalt  }
0x6a: {  	_ =	shalt  }
0x6b: {  	_ =	shalt  }
0x6c: {  	_ =	shalt  }
0x6d: {  	_ =	shalt  }
0x6e: {  	_ =	shalt  }
0x6f: {  	_ =	shalt  }
0x70: {  	_ =	shalt  }
0x71: {  	_ =	shalt  }
0x72: {  	_ =	shalt  }
0x73: {  	_ =	shalt  }
0x74: {  	_ =	shalt  }
0x75: {  	_ =	shalt  }
0x76: {  	_ =	shalt  }
0x77: {  	_ =	shalt  }
0x78: {  	_ =	shalt  }
0x79: {  	_ =	shalt  }
0x7a: {  	_ =	shalt  }
0x7b: {  	_ =	shalt  }
0x7c: {  	_ =	shalt  }
0x7d: {  	_ =	shalt  }
0x7e: {  	_ =	shalt  }
0x7f: {  	_ =	shalt  }
0x80: {  	_ =	shalt  }
0x81: {  	_ =	shalt  }
0x82: {  	_ =	shalt  }
0x83: {  	_ =	shalt  }
0x84: {  	_ =	shalt  }
0x85: {  	_ =	shalt  }
0x86: {  	_ =	shalt  }
0x87: {  	_ =	shalt  }
.Lfunc_end0:
.L_simem_size_0:
called_computation_lowered:
.L_overlay_start_0:
0x88: {  	s2 =	sld [smem:$0x3FD9]  }
0x89: {  	s3 =	sld [smem:$0x3FFE];
	_ =	sdelay $0x1  }
0x8a: {  	s1 =	srdreg.scid  }
0x8b: {  	s0 =	sand.u32 $0x1, s1  }
0x8c: {  	s17 =	sshll.u32 s0, $0xA;
	s2 =	sadd.s32 s3, s2  }
0x8d: {  	s2 =	sadd.s32 s2, s17  }
0x8e: {  	[smem:$0x3FC5] =	sst s2  }
0x8f: {  	_ = 	snop  }
0x90: {  	s2 =	sld [smem:$0x3FC7];
	(tm) =	ssettm $0x1  }
0x91: {  	s18 =	sld [smem:$0x3FFB];
	_ =	sdelay $0x3  }
0x92: {  	_ =	strace s18  }
0x93: {  	s3 =	sld [smem:$0x3FFC];
	_ =	sdelay $0x3  }
0x94: {  	_ =	strace s3  }
0x95: {  	s3 =	sld [smem:$0x3FFD];
	_ =	sdelay $0x3  }
0x96: {  	_ =	strace s3  }
0x97: {  	_ =	strace $0x8FFFFFFF  }
0x98: {  	s19 =	sld [smem:$0x3FDB];
	_ =	sdelay $0x1  }
0x99: {  	s4 =	simm.s32 $_scs_section_size  }
0x9a: {  	s5 =	simm.s32 $_size__tile_overlayer_lowered;
	s6 =	simm.s32 $_tile_overlayer_lowered  }
0x9b: {  	s22 =	simm.s32 $0x1BFF;
	s21 =	sshll.u32 s6, $0x1;
	s3 =	sadd.s32 s4, s19  }
0x9c: {  	s7 =	simm.s32 $0x0;
	s20 =	sshll.u32 s5, $0x1;
	s5 =	sadd.s32 s21, s3  }
0x9d: {  	[timem:s7], [sflag:s22] =	dma.local [hbm:s5], s20  }
0x9e: {  	_ =	swait.ge [sflag:s22], s20  }
0x9f: {  	s4 =	ssub.s32 $0x0, s20;
	[sflag:s22] =	ssyncset.done $0x0  }
0xa0: {  	[sflag:s22] =	ssyncadd.s32 s4;
	_ =	sdelay $0x1  }
0xa1: {  	s23 =	simm.s32 $0x1B8B  }
0xa2: {  	_ =	swait.ge [sflag:s23], $0x1  }
0xa3: {  	[sflag:s23] =	ssyncset.done $0x0  }
0xa4: {  	s25 =	simm.s32 $0x1B8E;
	s24 =	sld [smem:$0x3FFE];
	[sflag:s23] =	ssyncadd.s32 $0xFFFFFFFF  }
0xa5: {  	s26 =	simm.s32 $execute0_lowered;
	[smem:$0x3FD2] =	sst s25  }
0xa6: {  	s5 =	sshll.u32 s26, $0x1;
	_ =	strace $0x80000046;
	[dreg:$0x1] =	wrdreg $0xFFFFFFFF  }
0xa7: {  	s28 =	simm.s32 $_size_execute0_lowered;
	s3 =	sadd.s32 s3, s5;
	[dreg:$0x0] =	wrdreg $0x0  }
0xa8: {  	s5 =	sshll.u32 s28, $0x1;
	[dreg:$0x2] =	wrdreg s3  }
0xa9: {  	[dreg:$0x3] =	wrdreg s5  }
0xaa: {  	[dreg:$0x4] =	wrdreg $0xC0  }
0xab: {  	_ =	task [dreg:s7], $0x5FFFF  }
0xac: {  	[dreg:$0x1] =	wrdreg $0xFFFFFFFF  }
0xad: {  	[dreg:$0x0] =	wrdreg $0x60  }
0xae: {  	[dreg:$0x2] =	wrdreg s24  }
0xaf: {  	[dreg:$0x3] =	wrdreg s2  }
0xb0: {  	[dreg:$0x4] =	wrdreg $0x9  }
0xb1: {  	_ =	task.clear_ibuf [dreg:s7], $0x5FFFF;
	_ =	strace $0x90000046  }
0xb2: {  	s29 =	simm.s32 $0x9;
	_ =	strace $0x80000048  }
0xb3: {  	_ =	swait.ge [sflag:s29], $0x1  }
0xb4: {  	[sflag:s29] =	ssyncadd.s32 $0xFFFFFFFF  }
0xb5: {  	_ =	strace $0x90000048  }
0xb6: {  	_ =	sfence  }
0xb7: {  	s30 =	sld [smem:$0x0];
	_ =	sdelay $0x2  }
0xb8: {  	s31 =	sshll.u32 s1, $0xD;
	s1 =	sshrl.u32 s1, $0x2  }
0xb9: {  	s3 =	sand.u32 $0x4000, s31;
	s1 =	sadd.s32 s1, s30  }
0xba: {  	s0 =	sor.u32 s3, s0;
	s1 =	sshll.u32 s1, $0x11  }
0xbb: {  	s0 =	sor.u32 s1, s0  }
0xbc: {  	s0 =	sadd.s32 $0x8F2B, s0  }
0xbd: {  	[sflag:s0] =	ssyncadd.remote.s32 $0x1  }
0xbe: {  	_ =	sfence.sel $0xFFFF  }
0xbf: {  	[dreg:$0x0] =	wrdreg $0xFFFFFFFF;
	(pc) =	sbr.abs _section_cstart, $3  }
0xc0: {  	[dreg:$0x1] =	wrdreg $0xFFFFFFFF  }
0xc1: {  	_ =	task.clear_ibuf [dreg:s7], $0x2FFFF;
	_ =	strace $0x9FFFFFFF  }
0xc2: {  	(tm) =	ssettm $0x7FFFFFFF  }
0xc3: {  	_ =	shalt  }
tec
execute0_lowered:
.L_overlay_start_1:
0x0: {  	(tag) =	ssettag $0x1  }
0x1: {  	v0 =	vimm.s32 $0xFEDCBA98;
	v1 =	vimm.s32 $0x76543210  }
0x2: {  	v2 =	vimm.s32 $0xBA98FEDC;
	v3 =	vimm.s32 $0x32107654;
	v4 =	vimm.s32 $0xDCFE98BA  }
0x3: {  	v5 =	vimm.s32 $0x54761032;
	v6 =	vimm.s32 $0xEFCDAB89;
	v7 =	vimm.s32 $0x67452301  }
0x4: {  	vm0 =	vmmov $0x1;
	vm1 =	vmmov $0x3;
	vm2 =	vmmov $0x7  }
0x5: {  	vm3 =	vmmov $0xf;
	vm4 =	vmmov $0x1f;
	v0 =	vunpack.c.l.s4.s8 v0  }
0x6: {  	s4 =	rddreg [dreg:$0x0];
	v1 =	vunpack.c.l.s4.s8 v1;
	v2 =	vunpack.c.l.s4.s8 v2;
	v3 =	vunpack.c.l.s4.s8 v3  }
0x7: {  	s5 =	rddreg [dreg:$0x1];
	v4 =	vunpack.c.l.s4.s8 v4;
	v5 =	vunpack.c.l.s4.s8 v5;
	v6 =	vunpack.c.l.s4.s8 v6  }
0x8: {  	s3 =	srdreg.scid;
	s0 =	stileid.u32;
	s2 =	simm.s32 $0x0;
	v7 =	vunpack.c.l.s4.s8 v7;
	v0 =	vunpack.c.0.s8.s32 v0;
	v2 =	vunpack.c.0.s8.s32 v2  }
0x9: {  	s11 =	simm.s32 $0x3;
	s12 =	simm.s32 $0x2;
	s14 =	simm.s32 $0x4;
	v3 =	vunpack.c.0.s8.s32 v3;
	v4 =	vunpack.c.0.s8.s32 v4;
	v1 =	vunpack.c.0.s8.s32 v1  }
0xa: {  	s15 =	simm.s32 $0x0;
	s6 =	sand.u32 $0x1, s3;
	s29 =	sshll.u32 s0, $0x1;
	v5 =	vunpack.c.0.s8.s32 v5;
	v6 =	vunpack.c.0.s8.s32 v6;
	v0 =	vand.u32 $0xF, v0  }
0xb: {  	[smem:$0x7FF] =	sst s2;
	s3 =	sadd.s32 $0x40000, s4;
	s7 =	sor.u32 s6, s29;
	v7 =	vunpack.c.0.s8.s32 v7;
	v2 =	vcombine.low v3, v2;
	v33 =	vcombine.low v0, v1  }
0xc: {  	vm5 =	vmmov $0x3f;
	vm6 =	vmmov $0x7f;
	_ =	strace $0x80000047;
	s6 =	ssub.s32 $0x2, s6;
	s8 =	sshll.u32 s7, $0x1;
	v58 =	vcombine.low v5, v4  }
0xd: {  	vm7 =	vmmov $0xff;
	s9 =	sshll.u32 s7, $0xD;
	s10 =	sshrl.u32 s6, $0x1;
	s7 =	sshll.u32 s7, $0x6;
	v59 =	vcombine.low v7, v6;
	v61 =	vand.u32 $0xF, v2;
	[tilespmem:$0x1FFC0] =	vst v33  }
0xe: {  	vm8 =	vmmov $0x1ff;
	vm9 =	vmmov $0x3ff;
	s8 =	sadd.s32 s8, s4;
	s4 =	sadd.s32 s4, s9;
	s31 =	sadd.s32 s5, s7;
	v62 =	vand.u32 $0xF, v58;
	[tilespmem:$0x1FFD0] =	vst v61  }
0xf: {  	vm10 =	vmmov $0x7ff;
	vm11 =	vmmov $0xfff;
	s30 =	ssub.s32 s6, s10;
	s9 =	simm.s32 $0x1;
	[dreg:$0x3] =	wrdreg s31;
	v63 =	vand.u32 $0xF, v59;
	[tilespmem:$0x1FFE0] =	vst v62  }
0x10: {  	vm12 =	vmmov $0x1fff;
	vm13 =	vmmov $0x3fff;
	vm14 =	vmmov $0x7fff;
	s6 =	sadd.s32 $0x1000, s4;
	s7 =	sadd.s32 $0x1C6A00, s8;
	s8 =	smax.u32 s30, $0x1;
	[tilespmem:$0x1FFF0] =	vst v63  }
.LBB2_1:
0x11: {  	s0 =	rddreg [dreg:$0x3]  }
0x12: {  	[tilespmem:s2], [sflag:$0x1] =	stream.linear.gather [hbm4b:s0+s2], $0x200, $0x38;
	[tilespmem:$0x10280] =	vst v63  }
0x13: {  	_ =	swait.ge [sflag:s9], $0x200  }
0x14: {  	[sflag:s9] =	ssyncset.done $0x0  }
0x15: {  	s31 =	simm.s32 $0x8200;
	[sflag:s9] =	ssyncadd.s32 $0xFFFFFE00  }
0x16: {  	[tilespmem:s31], [sflag:$0x2] =	stream.linear.gather [hbm4b:s4+s2], $0x8000, $0x38;
	[tilespmem:$0x10280] =	vst v63  }
0x17: {  	v4 =	vld [tilespmem:s2+$0x0];
	_ =	sdelay $0x4  }
0x18: {  	v4 =	vshll.u32 v4, $0x4  }
0x19: {  	(v2sf) =	vpush v4, $0x0  }
0x1a: {  	(v2sf) =	vpush v4, $0x1  }
0x1b: {  	(v2sf) =	vpush v4, $0x2;
	_ =	sdelay $0x1  }
0x1c: {  	(v2sf) =	vpush v4, $0x4;
	_ =	sdelay $0x1  }
0x1d: {  	(v2sf) =	vpush v4, $0x3  }
0x1e: {  	(v2sf) =	vpush v4, $0x5  }
0x1f: {  	s17 =	simm.s32 $0x2000;
	s16 =	simm.s32 $0x0;
	s18 =	simm.s32 $0x0;
	(v2sf) =	vpush v4, $0x6  }
.LBB2_2:
0x20: {  	p0 =	sne.s32 s17, $0x1E000  }
0x21: {  	s29 =	sadd.s32 $0x280, s16;
	s22 =	sadd.s32 $0x780, s16;
	s19 =	smov.u32 s17  }
0x22: {  	s17 =	sadd.s32 $0x2000, s17;
	s25 =	sadd.s32 $0x580, s16;
	s20 =	sadd.s32 $0x800, s16;
	(v2sf) =	vpush v4, $0x7  }
0x23: {  	s28 =	sadd.s32 $0x480, s16;
	s24 =	sadd.s32 $0x600, s16;
	s21 =	sadd.s32 $0x880, s16  }
0x24: {  	s30 =	sadd.s32 $0x200, s16;
	s31 =	sadd.s32 $0x400, s16;
	(v2sf) =	vpush v4, $0x8  }
0x25: {  	s0 =	sadd.s32 $0x500, s16;
	s18 =	sadd.s32 $0x10, s18  }
0x26: {  	s1 =	sadd.s32 $0x300, s16;
	s23 =	sadd.s32 $0x700, s16;
	s26 =	spop (v2sf);
	(v2sf) =	vpush v4, $0x9  }
0x27: {  	s13 =	sand.u32 $0x1FFFFFF0, s26;
	s26 =	sadd.s32 $0x680, s16;
	s10 =	spop (v2sf)  }
0x28: {  	s13 =	sadd.s32 s3, s13;
	s10 =	sand.u32 $0x1FFFFFF0, s10;
	s5 =	spop (v2sf);
	(v2sf) =	vpush v4, $0xA  }
0x29: {  	[tilespmem:s30], [sflag:$0x3] =	stream.linear.gather [hbm4b:s13+s2], $0x80, $0x38;
	[tilespmem:$0x10280] =	vst v63  }
0x2a: {  	s10 =	sadd.s32 s3, s10;
	s13 =	sadd.s32 $0x380, s16;
	s30 =	spop (v2sf);
	(v2sf) =	vpush v4, $0xB  }
0x2b: {  	[tilespmem:s29], [sflag:$0x3] =	stream.linear.gather [hbm4b:s10+s2], $0x80, $0x38;
	[tilespmem:$0x10280] =	vst v63  }
0x2c: {  	s5 =	sand.u32 $0x1FFFFFF0, s5;
	s10 =	sand.u32 $0x1FFFFFF0, s30;
	s29 =	spop (v2sf);
	(v2sf) =	vpush v4, $0xC  }
0x2d: {  	s5 =	sadd.s32 s3, s5;
	s29 =	sand.u32 $0x1FFFFFF0, s29;
	s30 =	spop (v2sf)  }
0x2e: {  	[tilespmem:s1], [sflag:$0x3] =	stream.linear.gather [hbm4b:s5+s2], $0x80, $0x38;
	(v2sf) =	vpush v4, $0xD;
	[tilespmem:$0x10280] =	vst v63  }
0x2f: {  	s1 =	sadd.s32 s3, s29;
	s5 =	sand.u32 $0x1FFFFFF0, s30;
	s29 =	spop (v2sf)  }
0x30: {  	[tilespmem:s13], [sflag:$0x3] =	stream.linear.gather [hbm4b:s1+s2], $0x80, $0x38;
	(v2sf) =	vpush v4, $0xE;
	[tilespmem:$0x10280] =	vst v63  }
0x31: {  	s1 =	sadd.s32 s3, s10;
	s10 =	sand.u32 $0x1FFFFFF0, s29;
	s13 =	spop (v2sf)  }
0x32: {  	[tilespmem:s31], [sflag:$0x3] =	stream.linear.gather [hbm4b:s1+s2], $0x80, $0x38;
	(v2sf) =	vpush v4, $0xF;
	[tilespmem:$0x10280] =	vst v63  }
0x33: {  	s1 =	sadd.s32 s3, s5;
	s5 =	sand.u32 $0x1FFFFFF0, s13;
	s13 =	spop (v2sf)  }
0x34: {  	[tilespmem:s28], [sflag:$0x3] =	stream.linear.gather [hbm4b:s1+s2], $0x80, $0x38;
	[tilespmem:$0x10280] =	vst v63  }
0x35: {  	s1 =	sadd.s32 s3, s10;
	s10 =	sand.u32 $0x1FFFFFF0, s13;
	s13 =	spop (v2sf)  }
0x36: {  	[tilespmem:s0], [sflag:$0x3] =	stream.linear.gather [hbm4b:s1+s2], $0x80, $0x38;
	[tilespmem:$0x10280] =	vst v63  }
0x37: {  	s0 =	sadd.s32 s3, s5;
	s1 =	sand.u32 $0x1FFFFFF0, s13;
	s5 =	spop (v2sf)  }
0x38: {  	[tilespmem:s25], [sflag:$0x3] =	stream.linear.gather [hbm4b:s0+s2], $0x80, $0x38;
	[tilespmem:$0x10280] =	vst v63  }
0x39: {  	s0 =	sadd.s32 s3, s10;
	s5 =	sand.u32 $0x1FFFFFF0, s5;
	s10 =	spop (v2sf)  }
0x3a: {  	[tilespmem:s24], [sflag:$0x3] =	stream.linear.gather [hbm4b:s0+s2], $0x80, $0x38;
	[tilespmem:$0x10280] =	vst v63  }
0x3b: {  	s0 =	sadd.s32 s3, s1;
	s1 =	sand.u32 $0x1FFFFFF0, s10;
	s10 =	spop (v2sf)  }
0x3c: {  	[tilespmem:s26], [sflag:$0x3] =	stream.linear.gather [hbm4b:s0+s2], $0x80, $0x38;
	[tilespmem:$0x10280] =	vst v63  }
0x3d: {  	s0 =	sadd.s32 s3, s5;
	s5 =	sand.u32 $0x1FFFFFF0, s10;
	s10 =	spop (v2sf)  }
0x3e: {  	[tilespmem:s23], [sflag:$0x3] =	stream.linear.gather [hbm4b:s0+s2], $0x80, $0x38;
	[tilespmem:$0x10280] =	vst v63  }
0x3f: {  	s0 =	sadd.s32 s3, s1;
	s1 =	sand.u32 $0x1FFFFFF0, s10;
	s10 =	spop (v2sf)  }
0x40: {  	[tilespmem:s22], [sflag:$0x3] =	stream.linear.gather [hbm4b:s0+s2], $0x80, $0x38;
	[tilespmem:$0x10280] =	vst v63  }
0x41: {  	s0 =	sadd.s32 s3, s5;
	s5 =	sand.u32 $0x1FFFFFF0, s10;
	s10 =	spop (v2sf)  }
0x42: {  	[tilespmem:s20], [sflag:$0x3] =	stream.linear.gather [hbm4b:s0+s2], $0x80, $0x38;
	[tilespmem:$0x10280] =	vst v63  }
0x43: {  	s0 =	sadd.s32 s3, s1;
	s1 =	sand.u32 $0x1FFFFFF0, s10  }
0x44: {  	[tilespmem:s21], [sflag:$0x3] =	stream.linear.gather [hbm4b:s0+s2], $0x80, $0x38;
	[tilespmem:$0x10280] =	vst v63  }
0x45: {  	s5 =	sadd.s32 s3, s5;
	s0 =	sadd.s32 $0x900, s16  }
0x46: {  	[tilespmem:s0], [sflag:$0x3] =	stream.linear.gather [hbm4b:s5+s2], $0x80, $0x38;
	[tilespmem:$0x10280] =	vst v63  }
0x47: {  	s1 =	sadd.s32 s3, s1;
	s0 =	sadd.s32 $0x980, s16  }
0x48: {  	[tilespmem:s0], [sflag:$0x3] =	stream.linear.gather [hbm4b:s1+s2], $0x80, $0x38;
	[tilespmem:$0x10280] =	vst v63  }
0x49: {  	v4 =	vld [tilespmem:s18+$0x0];
	_ =	sdelay $0x4  }
0x4a: {  	v4 =	vshll.u32 v4, $0x4  }
0x4b: {  	(v2sf) =	vpush v4, $0x0  }
0x4c: {  	(v2sf) =	vpush v4, $0x1  }
0x4d: {  	(v2sf) =	vpush v4, $0x2;
	_ =	sdelay $0x1  }
0x4e: {  	(v2sf) =	vpush v4, $0x4  }
.Ltmp0:
0x4f: {  	(pc) =	sbr.rel @p0 .LBB2_2-.Ltmp0, $3  }
0x50: {  	(v2sf) =	vpush v4, $0x3  }
0x51: {  	(v2sf) =	vpush v4, $0x5;
	_ =	sdelay $0x1  }
0x52: {  	s16 =	sshra.s32 s19, $0x2;
	(v2sf) =	vpush v4, $0x6  }
0x53: {  	_ =	sdelay $0x1  }
0x54: {  	s0 =	sadd.s32 $0x280, s16;
	s19 =	sadd.s32 $0x780, s16  }
0x55: {  	s1 =	sadd.s32 $0x580, s16;
	s17 =	sadd.s32 $0x800, s16;
	(v2sf) =	vpush v4, $0x7;
	s5 =	sadd.s32 $0x480, s16  }
0x56: {  	s10 =	sadd.s32 $0x600, s16;
	s18 =	sadd.s32 $0x880, s16;
	s13 =	sadd.s32 $0x200, s16  }
0x57: {  	s20 =	sadd.s32 $0x400, s16;
	s21 =	sadd.s32 $0x500, s16;
	(v2sf) =	vpush v4, $0x8;
	s22 =	spop (v2sf)  }
0x58: {  	s23 =	sadd.s32 $0x300, s16;
	s22 =	sand.u32 $0x1FFFFFF0, s22;
	s24 =	spop (v2sf)  }
0x59: {  	(v2sf) =	vpush v4, $0x9;
	s22 =	sadd.s32 s3, s22;
	s24 =	sand.u32 $0x1FFFFFF0, s24;
	s25 =	spop (v2sf)  }
0x5a: {  	[tilespmem:s13], [sflag:$0x3] =	stream.linear.gather [hbm4b:s22+s2], $0x80, $0x38;
	[tilespmem:$0x10280] =	vst v63  }
0x5b: {  	s26 =	sadd.s32 $0x380, s16;
	(v2sf) =	vpush v4, $0xA;
	s30 =	sadd.s32 s3, s24;
	s31 =	spop (v2sf)  }
0x5c: {  	[tilespmem:s0], [sflag:$0x3] =	stream.linear.gather [hbm4b:s30+s2], $0x80, $0x38;
	[tilespmem:$0x10280] =	vst v63  }
0x5d: {  	s13 =	sadd.s32 $0x700, s16;
	s28 =	sand.u32 $0x1FFFFFF0, s25;
	(v2sf) =	vpush v4, $0xB;
	s29 =	spop (v2sf)  }
0x5e: {  	s22 =	sadd.s32 s3, s28;
	s0 =	sadd.s32 $0x680, s16;
	s25 =	sand.u32 $0x1FFFFFF0, s29  }
0x5f: {  	(v2sf) =	vpush v4, $0xC;
	[tilespmem:s23], [sflag:$0x3] =	stream.linear.gather [hbm4b:s22+s2], $0x80, $0x38;
	[tilespmem:$0x10280] =	vst v63  }
0x60: {  	s30 =	sand.u32 $0x1FFFFFF0, s31;
	s31 =	spop (v2sf);
	s28 =	sadd.s32 s3, s25  }
0x61: {  	(v2sf) =	vpush v4, $0xD;
	[tilespmem:s26], [sflag:$0x3] =	stream.linear.gather [hbm4b:s28+s2], $0x80, $0x38;
	[tilespmem:$0x10280] =	vst v63  }
0x62: {  	s22 =	sadd.s32 s3, s30;
	s23 =	sand.u32 $0x1FFFFFF0, s31;
	s29 =	spop (v2sf)  }
0x63: {  	(v2sf) =	vpush v4, $0xE;
	[tilespmem:s20], [sflag:$0x3] =	stream.linear.gather [hbm4b:s22+s2], $0x80, $0x38;
	[tilespmem:$0x10280] =	vst v63  }
0x64: {  	s23 =	sadd.s32 s3, s23;
	s30 =	sand.u32 $0x1FFFFFF0, s29;
	s31 =	spop (v2sf)  }
0x65: {  	(v2sf) =	vpush v4, $0xF;
	[tilespmem:s5], [sflag:$0x3] =	stream.linear.gather [hbm4b:s23+s2], $0x80, $0x38;
	[tilespmem:$0x10280] =	vst v63  }
0x66: {  	s24 =	sand.u32 $0x1FFFFFF0, s31;
	s25 =	spop (v2sf);
	s20 =	sadd.s32 s3, s30  }
0x67: {  	[tilespmem:s21], [sflag:$0x3] =	stream.linear.gather [hbm4b:s20+s2], $0x80, $0x38;
	[tilespmem:$0x10280] =	vst v63  }
0x68: {  	s26 =	sand.u32 $0x1FFFFFF0, s25;
	s5 =	sadd.s32 s3, s24;
	s28 =	spop (v2sf)  }
0x69: {  	[tilespmem:s1], [sflag:$0x3] =	stream.linear.gather [hbm4b:s5+s2], $0x80, $0x38;
	[tilespmem:$0x10280] =	vst v63  }
0x6a: {  	s20 =	sadd.s32 s3, s26;
	s29 =	sand.u32 $0x1FFFFFF0, s28;
	s30 =	spop (v2sf)  }
0x6b: {  	[tilespmem:s10], [sflag:$0x3] =	stream.linear.gather [hbm4b:s20+s2], $0x80, $0x38;
	[tilespmem:$0x10280] =	vst v63  }
0x6c: {  	s5 =	sand.u32 $0x1FFFFFF0, s30;
	s1 =	sadd.s32 s3, s29;
	s31 =	spop (v2sf)  }
0x6d: {  	[tilespmem:s0], [sflag:$0x3] =	stream.linear.gather [hbm4b:s1+s2], $0x80, $0x38;
	[tilespmem:$0x10280] =	vst v63  }
0x6e: {  	s5 =	sadd.s32 s3, s5;
	s20 =	sand.u32 $0x1FFFFFF0, s31;
	s21 =	spop (v2sf)  }
0x6f: {  	[tilespmem:s13], [sflag:$0x3] =	stream.linear.gather [hbm4b:s5+s2], $0x80, $0x38;
	[tilespmem:$0x10280] =	vst v63  }
0x70: {  	s0 =	sadd.s32 s3, s20;
	s1 =	sand.u32 $0x1FFFFFF0, s21;
	s22 =	spop (v2sf)  }
0x71: {  	[tilespmem:s19], [sflag:$0x3] =	stream.linear.gather [hbm4b:s0+s2], $0x80, $0x38;
	[tilespmem:$0x10280] =	vst v63  }
0x72: {  	s23 =	sand.u32 $0x1FFFFFF0, s22;
	s1 =	sadd.s32 s3, s1;
	s24 =	spop (v2sf)  }
0x73: {  	[tilespmem:s17], [sflag:$0x3] =	stream.linear.gather [hbm4b:s1+s2], $0x80, $0x38;
	[tilespmem:$0x10280] =	vst v63  }
0x74: {  	s25 =	sand.u32 $0x1FFFFFF0, s24;
	s26 =	spop (v2sf);
	s0 =	sadd.s32 s3, s23  }
0x75: {  	[tilespmem:s18], [sflag:$0x3] =	stream.linear.gather [hbm4b:s0+s2], $0x80, $0x38;
	[tilespmem:$0x10280] =	vst v63  }
0x76: {  	s29 =	sadd.s32 $0x900, s16;
	s28 =	sand.u32 $0x1FFFFFF0, s26;
	s1 =	sadd.s32 s3, s25  }
0x77: {  	[tilespmem:s29], [sflag:$0x3] =	stream.linear.gather [hbm4b:s1+s2], $0x80, $0x38;
	[tilespmem:$0x10280] =	vst v63  }
0x78: {  	s30 =	sadd.s32 $0x980, s16;
	s0 =	sadd.s32 s3, s28  }
0x79: {  	[tilespmem:s30], [sflag:$0x3] =	stream.linear.gather [hbm4b:s0+s2], $0x80, $0x38;
	[tilespmem:$0x10280] =	vst v63  }
0x7a: {  	_ =	swait.ge [sflag:s11], $0x8000  }
0x7b: {  	[sflag:s11] =	ssyncset.done $0x0  }
0x7c: {  	[sflag:s11] =	ssyncadd.s32 $0xFFFF8000  }
0x7d: {  	_ =	swait.ge [sflag:s12], $0x8000  }
0x7e: {  	[sflag:s12] =	ssyncset.done $0x0  }
0x7f: {  	s31 =	simm.s32 $0x0;
	[sflag:s12] =	ssyncadd.s32 $0xFFFF8000  }
0x80: {  	v13 =	vld [tilespmem:s31+$0x920];
	_ =	sdelay $0x4  }
0x81: {  	[tilespmem:$0x1FBD0] =	vst v13;
	v13 =	vld [tilespmem:s31+$0x8930];
	_ =	sdelay $0x4  }
0x82: {  	[tilespmem:$0x1FBE0] =	vst v13;
	v13 =	vld [tilespmem:s31+$0x930];
	_ =	sdelay $0x4  }
0x83: {  	[tilespmem:$0x1FBF0] =	vst v13;
	v13 =	vld [tilespmem:s31+$0x8880];
	_ =	sdelay $0x4  }
0x84: {  	[tilespmem:$0x1FC00] =	vst v13;
	v13 =	vld [tilespmem:s31+$0x880]  }
0x85: {  	v0 =	vld [tilespmem:s31+$0x8980]  }
0x86: {  	v2 =	vld [tilespmem:s31+$0x980]  }
0x87: {  	v1 =	vld [tilespmem:s31+$0x8990]  }
0x88: {  	v3 =	vld [tilespmem:s31+$0x990]  }
0x89: {  	[tilespmem:$0x1FC10] =	vst v13;
	v13 =	vld [tilespmem:s31+$0x8890]  }
0x8a: {  	v5 =	vld [tilespmem:s31+$0x89B0]  }
0x8b: {  	v7 =	vld [tilespmem:s31+$0x9B0]  }
0x8c: {  	v8 =	vld [tilespmem:s31+$0x8900]  }
0x8d: {  	v10 =	vld [tilespmem:s31+$0x900]  }
0x8e: {  	v2 =	vsub.f32 v0, v2;
	v0 =	vsub.f32 v1, v3;
	[tilespmem:$0x1FC20] =	vst v13;
	v13 =	vld [tilespmem:s31+$0x890]  }
0x8f: {  	v9 =	vld [tilespmem:s31+$0x8910]  }
0x90: {  	v11 =	vld [tilespmem:s31+$0x910];
	[tilespmem:$0x1FE40] =	vst v0;
	v0 =	vsub.f32 v5, v7;
	_ =	sdelay $0x1  }
0x91: {  	[tilespmem:$0x1FE50] =	vst v0  }
0x92: {  	v0 =	vsub.f32 v8, v10;
	[tilespmem:$0x1FC30] =	vst v13;
	v13 =	vld [tilespmem:s31+$0x88A0];
	_ =	sdelay $0x1  }
0x93: {  	[tilespmem:$0x1FE60] =	vst v0;
	v0 =	vsub.f32 v9, v11  }
0x94: {  	v12 =	vld [tilespmem:s31+$0x8920]  }
0x95: {  	[tilespmem:$0x1FE70] =	vst v0;
	v0 =	vld [tilespmem:$0x1FBD0]  }
0x96: {  	[tilespmem:$0x1FC40] =	vst v13;
	v13 =	vld [tilespmem:s31+$0x8A0];
	_ =	sdelay $0x4  }
0x97: {  	v0 =	vsub.f32 v12, v0;
	[tilespmem:$0x1FC50] =	vst v13;
	v13 =	vld [tilespmem:s31+$0x88B0]  }
0x98: {  	v1 =	vld [tilespmem:$0x1FBF0]  }
0x99: {  	[tilespmem:$0x1FE80] =	vst v0;
	v0 =	vld [tilespmem:$0x1FBE0];
	_ =	sdelay $0x2  }
0x9a: {  	[tilespmem:$0x1FC60] =	vst v13;
	v13 =	vld [tilespmem:s31+$0x8B0]  }
0x9b: {  	v4 =	vld [tilespmem:s31+$0x89A0]  }
0x9c: {  	v6 =	vld [tilespmem:s31+$0x9A0];
	v0 =	vsub.f32 v0, v1  }
0x9d: {  	v1 =	vld [tilespmem:$0x1FC10]  }
0x9e: {  	[tilespmem:$0x1FE90] =	vst v0;
	v0 =	vld [tilespmem:$0x1FC00]  }
0x9f: {  	[tilespmem:$0x1FC70] =	vst v13;
	v13 =	vld [tilespmem:s31+$0x8800]  }
0xa0: {  	v56 =	vld [tilespmem:s31+$0x86A0]  }
0xa1: {  	v57 =	vld [tilespmem:s31+$0x6A0]  }
0xa2: {  	v58 =	vld [tilespmem:s31+$0x86B0]  }
0xa3: {  	v59 =	vld [tilespmem:s31+$0x6B0];
	v0 =	vsub.f32 v0, v1  }
0xa4: {  	[tilespmem:$0x1FC80] =	vst v13;
	v13 =	vld [tilespmem:s31+$0x800]  }
0xa5: {  	[tilespmem:$0x1FEA0] =	vst v0;
	v0 =	vld [tilespmem:$0x1FC20]  }
0xa6: {  	v1 =	vld [tilespmem:$0x1FC30]  }
0xa7: {  	v60 =	vld [tilespmem:s31+$0x8600]  }
0xa8: {  	v61 =	vld [tilespmem:s31+$0x600]  }
0xa9: {  	[tilespmem:$0x1FC90] =	vst v13;
	v13 =	vld [tilespmem:s31+$0x8810]  }
0xaa: {  	v62 =	vld [tilespmem:s31+$0x8610]  }
0xab: {  	v63 =	vld [tilespmem:s31+$0x610];
	v0 =	vsub.f32 v0, v1  }
0xac: {  	v55 =	vld [tilespmem:s31+$0x8620]  }
0xad: {  	[tilespmem:$0x1FEB0] =	vst v0;
	v0 =	vld [tilespmem:$0x1FC40]  }
0xae: {  	[tilespmem:$0x1FCA0] =	vst v13;
	v13 =	vld [tilespmem:s31+$0x810]  }
0xaf: {  	v1 =	vld [tilespmem:$0x1FC50]  }
0xb0: {  	v51 =	vld [tilespmem:s31+$0x620]  }
0xb1: {  	v54 =	vld [tilespmem:s31+$0x8630]  }
0xb2: {  	v53 =	vld [tilespmem:s31+$0x630]  }
0xb3: {  	[tilespmem:$0x1FCB0] =	vst v13;
	v13 =	vld [tilespmem:s31+$0x8820]  }
0xb4: {  	v50 =	vld [tilespmem:s31+$0x8580];
	v0 =	vsub.f32 v0, v1  }
0xb5: {  	v47 =	vld [tilespmem:s31+$0x580]  }
0xb6: {  	[tilespmem:$0x1FEC0] =	vst v0;
	v0 =	vld [tilespmem:$0x1FC60]  }
0xb7: {  	v1 =	vld [tilespmem:$0x1FC70]  }
0xb8: {  	[tilespmem:$0x1FCC0] =	vst v13;
	v13 =	vld [tilespmem:s31+$0x820]  }
0xb9: {  	v52 =	vld [tilespmem:s31+$0x8590]  }
0xba: {  	v49 =	vld [tilespmem:s31+$0x590]  }
0xbb: {  	v46 =	vld [tilespmem:s31+$0x85A0]  }
0xbc: {  	v43 =	vld [tilespmem:s31+$0x5A0];
	v0 =	vsub.f32 v0, v1  }
0xbd: {  	[tilespmem:$0x1FCD0] =	vst v13;
	v13 =	vld [tilespmem:s31+$0x8830]  }
0xbe: {  	[tilespmem:$0x1FED0] =	vst v0;
	v0 =	vld [tilespmem:$0x1FC80]  }
0xbf: {  	v1 =	vld [tilespmem:$0x1FC90]  }
0xc0: {  	v48 =	vld [tilespmem:s31+$0x85B0]  }
0xc1: {  	v45 =	vld [tilespmem:s31+$0x5B0]  }
0xc2: {  	[tilespmem:$0x1FCE0] =	vst v13;
	v13 =	vld [tilespmem:s31+$0x830]  }
0xc3: {  	v42 =	vld [tilespmem:s31+$0x8500]  }
0xc4: {  	v39 =	vld [tilespmem:s31+$0x500];
	v0 =	vsub.f32 v0, v1  }
0xc5: {  	v44 =	vld [tilespmem:s31+$0x8510]  }
0xc6: {  	[tilespmem:$0x1FEE0] =	vst v0;
	v0 =	vld [tilespmem:$0x1FCA0]  }
0xc7: {  	[tilespmem:$0x1FCF0] =	vst v13;
	v13 =	vld [tilespmem:s31+$0x8780]  }
0xc8: {  	v1 =	vld [tilespmem:$0x1FCB0]  }
0xc9: {  	v41 =	vld [tilespmem:s31+$0x510]  }
0xca: {  	v38 =	vld [tilespmem:s31+$0x8520]  }
0xcb: {  	v35 =	vld [tilespmem:s31+$0x520]  }
0xcc: {  	[tilespmem:$0x1FD00] =	vst v13;
	v13 =	vld [tilespmem:s31+$0x780]  }
0xcd: {  	v40 =	vld [tilespmem:s31+$0x8530];
	v0 =	vsub.f32 v0, v1  }
0xce: {  	v37 =	vld [tilespmem:s31+$0x530]  }
0xcf: {  	[tilespmem:$0x1FEF0] =	vst v0;
	v0 =	vld [tilespmem:$0x1FCC0]  }
0xd0: {  	v1 =	vld [tilespmem:$0x1FCD0]  }
0xd1: {  	[tilespmem:$0x1FD10] =	vst v13;
	v13 =	vld [tilespmem:s31+$0x8790]  }
0xd2: {  	v34 =	vld [tilespmem:s31+$0x8480]  }
0xd3: {  	v31 =	vld [tilespmem:s31+$0x480]  }
0xd4: {  	v36 =	vld [tilespmem:s31+$0x8490]  }
0xd5: {  	v33 =	vld [tilespmem:s31+$0x490];
	v0 =	vsub.f32 v0, v1  }
0xd6: {  	[tilespmem:$0x1FD20] =	vst v13;
	v13 =	vld [tilespmem:s31+$0x790]  }
0xd7: {  	[tilespmem:$0x1FF00] =	vst v0;
	v0 =	vld [tilespmem:$0x1FCE0]  }
0xd8: {  	v1 =	vld [tilespmem:$0x1FCF0]  }
0xd9: {  	v30 =	vld [tilespmem:s31+$0x84A0]  }
0xda: {  	v27 =	vld [tilespmem:s31+$0x4A0]  }
0xdb: {  	[tilespmem:$0x1FD30] =	vst v13;
	v13 =	vld [tilespmem:s31+$0x87A0]  }
0xdc: {  	v32 =	vld [tilespmem:s31+$0x84B0]  }
0xdd: {  	v29 =	vld [tilespmem:s31+$0x4B0];
	v0 =	vsub.f32 v0, v1  }
0xde: {  	v26 =	vld [tilespmem:s31+$0x8400]  }
0xdf: {  	[tilespmem:$0x1FF10] =	vst v0;
	v0 =	vld [tilespmem:$0x1FD00]  }
0xe0: {  	[tilespmem:$0x1FD40] =	vst v13;
	v13 =	vld [tilespmem:s31+$0x7A0]  }
0xe1: {  	v1 =	vld [tilespmem:$0x1FD10]  }
0xe2: {  	v23 =	vld [tilespmem:s31+$0x400]  }
0xe3: {  	v28 =	vld [tilespmem:s31+$0x8410]  }
0xe4: {  	v25 =	vld [tilespmem:s31+$0x410]  }
0xe5: {  	[tilespmem:$0x1FD50] =	vst v13;
	v13 =	vld [tilespmem:s31+$0x87B0]  }
0xe6: {  	v22 =	vld [tilespmem:s31+$0x8420];
	v0 =	vsub.f32 v0, v1  }
0xe7: {  	v19 =	vld [tilespmem:s31+$0x420]  }
0xe8: {  	[tilespmem:$0x1FF20] =	vst v0;
	v0 =	vld [tilespmem:$0x1FD20]  }
0xe9: {  	v3 =	vsub.f32 v4, v6;
	v4 =	vld [tilespmem:$0x1FD30]  }
0xea: {  	[tilespmem:$0x1FD60] =	vst v13;
	v13 =	vld [tilespmem:s31+$0x7B0]  }
0xeb: {  	v24 =	vld [tilespmem:s31+$0x8430]  }
0xec: {  	v21 =	vld [tilespmem:s31+$0x430]  }
0xed: {  	v18 =	vld [tilespmem:s31+$0x8380]  }
0xee: {  	v17 =	vld [tilespmem:s31+$0x380];
	v0 =	vsub.f32 v0, v4  }
0xef: {  	[tilespmem:$0x1FD70] =	vst v13;
	v13 =	vld [tilespmem:s31+$0x8700]  }
0xf0: {  	[tilespmem:$0x1FF30] =	vst v0;
	v0 =	vld [tilespmem:$0x1FD40]  }
0xf1: {  	v4 =	vld [tilespmem:$0x1FD50]  }
0xf2: {  	v20 =	vld [tilespmem:s31+$0x8390]  }
0xf3: {  	v16 =	vld [tilespmem:s31+$0x390]  }
0xf4: {  	[tilespmem:$0x1FD80] =	vst v13;
	v13 =	vld [tilespmem:s31+$0x700]  }
0xf5: {  	v15 =	vld [tilespmem:s31+$0x83A0]  }
0xf6: {  	v14 =	vld [tilespmem:s31+$0x3A0];
	v0 =	vsub.f32 v0, v4  }
0xf7: {  	v6 =	vld [tilespmem:s31+$0x320]  }
0xf8: {  	[tilespmem:$0x1FF40] =	vst v0;
	v0 =	vld [tilespmem:$0x1FD60]  }
0xf9: {  	[tilespmem:$0x1FD90] =	vst v13;
	v13 =	vld [tilespmem:s31+$0x8710]  }
0xfa: {  	v4 =	vld [tilespmem:$0x1FD70]  }
0xfb: {  	v56 =	vsub.f32 v56, v57;
	v57 =	vld [tilespmem:s31+$0x8200]  }
0xfc: {  	v58 =	vsub.f32 v58, v59;
	v59 =	vsub.f32 v60, v61;
	v60 =	vld [tilespmem:s31+$0x200]  }
0xfd: {  	v61 =	vsub.f32 v62, v63;
	v63 =	vld [tilespmem:s31+$0x8210]  }
0xfe: {  	[tilespmem:$0x1FDA0] =	vst v13;
	v13 =	vld [tilespmem:s31+$0x710]  }
0xff: {  	v49 =	vsub.f32 v52, v49;
	v52 =	vld [tilespmem:s31+$0x220];
	v0 =	vsub.f32 v0, v4  }
0x100: {  	v53 =	vsub.f32 v54, v53;
	v54 =	vld [tilespmem:s31+$0x8230]  }
0x101: {  	[tilespmem:$0x1FF50] =	vst v0;
	v0 =	vld [tilespmem:$0x1FD80]  }
0x102: {  	v4 =	vld [tilespmem:$0x1FD90]  }
0x103: {  	[tilespmem:$0x1FDB0] =	vst v13;
	v13 =	vld [tilespmem:s31+$0x8720]  }
0x104: {  	v62 =	vld [tilespmem:s31+$0x230]  }
0x105: {  	v27 =	vsub.f32 v30, v27;
	v30 =	vld [tilespmem:s31+$0x8280]  }
0x106: {  	v23 =	vsub.f32 v26, v23;
	v26 =	vld [tilespmem:s31+$0x280]  }
0x107: {  	v19 =	vsub.f32 v22, v19;
	v22 =	vld [tilespmem:s31+$0x8290];
	v0 =	vsub.f32 v0, v4  }
0x108: {  	[tilespmem:$0x1FDC0] =	vst v13;
	v13 =	vld [tilespmem:s31+$0x720]  }
0x109: {  	[tilespmem:$0x1FF60] =	vst v0;
	v0 =	vld [tilespmem:$0x1FDA0]  }
0x10a: {  	v4 =	vld [tilespmem:$0x1FDB0]  }
0x10b: {  	v17 =	vsub.f32 v18, v17;
	v18 =	vld [tilespmem:s31+$0x290]  }
0x10c: {  	v14 =	vsub.f32 v15, v14;
	v15 =	vld [tilespmem:s31+$0x82A0]  }
0x10d: {  	[tilespmem:$0x1FDD0] =	vst v13;
	v13 =	vld [tilespmem:s31+$0x8730]  }
0x10e: {  	v7 =	vld [tilespmem:s31+$0x8320]  }
0x10f: {  	v5 =	vld [tilespmem:s31+$0x8330];
	v0 =	vsub.f32 v0, v4  }
0x110: {  	v10 =	vld [tilespmem:s31+$0x300]  }
0x111: {  	[tilespmem:$0x1FF70] =	vst v0;
	v0 =	vld [tilespmem:$0x1FDC0]  }
0x112: {  	[tilespmem:$0x1FDE0] =	vst v13;
	v13 =	vld [tilespmem:s31+$0x730]  }
0x113: {  	v4 =	vld [tilespmem:$0x1FDD0]  }
0x114: {  	v8 =	vld [tilespmem:s31+$0x310]  }
0x115: {  	v29 =	vsub.f32 v32, v29;
	v32 =	vld [tilespmem:$0x1FE50]  }
0x116: {  	v11 =	vld [tilespmem:s31+$0x8300]  }
0x117: {  	[tilespmem:$0x1FDF0] =	vst v13;
	v13 =	vld [tilespmem:s31+$0x8680]  }
0x118: {  	v9 =	vld [tilespmem:s31+$0x8310];
	v0 =	vsub.f32 v0, v4  }
0x119: {  	v6 =	vsub.f32 v7, v6;
	v7 =	vld [tilespmem:s31+$0x82B0]  }
0x11a: {  	[tilespmem:$0x1FF80] =	vst v0;
	v0 =	vld [tilespmem:$0x1FDE0]  }
0x11b: {  	v4 =	vld [tilespmem:$0x1FDF0]  }
0x11c: {  	v47 =	vsub.f32 v50, v47;
	v43 =	vsub.f32 v46, v43;
	[tilespmem:$0x1FE00] =	vst v13;
	v13 =	vld [tilespmem:s31+$0x680]  }
0x11d: {  	v45 =	vsub.f32 v48, v45;
	v31 =	vsub.f32 v34, v31;
	v34 =	vld [tilespmem:$0x1FE60]  }
0x11e: {  	v39 =	vsub.f32 v42, v39;
	v33 =	vsub.f32 v36, v33;
	v36 =	vld [tilespmem:$0x1FE70]  }
0x11f: {  	v41 =	vsub.f32 v44, v41;
	v10 =	vsub.f32 v11, v10;
	v11 =	vld [tilespmem:s31+$0x2A0]  }
0x120: {  	v47 =	vmul.f32 v47, v47;
	v8 =	vsub.f32 v9, v8;
	v9 =	vld [tilespmem:s31+$0x2B0];
	v0 =	vsub.f32 v0, v4  }
0x121: {  	v35 =	vsub.f32 v38, v35;
	v49 =	vmul.f32 v49, v49;
	v43 =	vmul.f32 v43, v43;
	[tilespmem:$0x1FE10] =	vst v13;
	v13 =	vld [tilespmem:s31+$0x8690]  }
0x122: {  	v51 =	vsub.f32 v55, v51;
	v45 =	vmul.f32 v45, v45;
	v39 =	vmul.f32 v39, v39;
	[tilespmem:$0x1FF90] =	vst v0;
	v0 =	vld [tilespmem:$0x1FE00]  }
0x123: {  	v37 =	vsub.f32 v40, v37;
	v41 =	vmul.f32 v41, v41;
	v35 =	vmul.f32 v35, v35;
	v4 =	vld [tilespmem:$0x1FE10]  }
0x124: {  	v25 =	vsub.f32 v28, v25;
	v31 =	vmul.f32 v31, v31;
	v33 =	vmul.f32 v33, v33;
	v12 =	vld [tilespmem:s31+$0x3B0]  }
0x125: {  	v21 =	vsub.f32 v24, v21;
	v27 =	vmul.f32 v27, v27;
	v29 =	vmul.f32 v29, v29;
	v42 =	vld [tilespmem:$0x1FE90]  }
0x126: {  	v16 =	vsub.f32 v20, v16;
	v23 =	vmul.f32 v23, v23;
	v25 =	vmul.f32 v25, v25;
	[tilespmem:$0x1FE20] =	vst v13;
	v13 =	vld [tilespmem:s31+$0x690]  }
0x127: {  	v19 =	vmul.f32 v19, v19;
	v21 =	vmul.f32 v21, v21;
	v47 =	vadd.f32 v49, v47;
	v46 =	vld [tilespmem:$0x1FEA0]  }
0x128: {  	v17 =	vmul.f32 v17, v17;
	v24 =	vsub.f32 v54, v62;
	v54 =	vld [tilespmem:$0x1FEC0];
	v0 =	vsub.f32 v0, v4  }
0x129: {  	v16 =	vmul.f32 v16, v16;
	v39 =	vadd.f32 v41, v39;
	v31 =	vadd.f32 v33, v31;
	v55 =	vld [tilespmem:$0x1FED0]  }
0x12a: {  	v37 =	vmul.f32 v37, v37;
	v23 =	vadd.f32 v25, v23;
	v25 =	vadd.f32 v29, v27;
	v4 =	vld [tilespmem:s31+$0x330];
	[tilespmem:$0x1FFA0] =	vst v0  }
0x12b: {  	v14 =	vmul.f32 v14, v14;
	v16 =	vadd.f32 v16, v17;
	v17 =	vadd.f32 v21, v19;
	v0 =	vld [tilespmem:$0x1FE20];
	[tilespmem:$0x1FE30] =	vst v13  }
0x12c: {  	v18 =	vsub.f32 v22, v18;
	v22 =	vmul.f32 v2, v2;
	v2 =	vmul.f32 v59, v59;
	v1 =	vld [tilespmem:$0x1FE30]  }
0x12d: {  	v26 =	vsub.f32 v30, v26;
	v59 =	vmul.f32 v53, v53;
	v30 =	vmul.f32 v32, v32;
	v13 =	vld [tilespmem:s31+$0x83B0]  }
0x12e: {  	v11 =	vsub.f32 v15, v11;
	v15 =	vmul.f32 v3, v3;
	v48 =	vmul.f32 v46, v46;
	v46 =	vld [tilespmem:$0x1FF00]  }
0x12f: {  	v6 =	vmul.f32 v6, v6;
	v4 =	vsub.f32 v5, v4;
	v5 =	vsub.f32 v57, v60;
	v57 =	vld [tilespmem:$0x1FEE0]  }
0x130: {  	v38 =	vmul.f32 v36, v36;
	v15 =	vadd.f32 v30, v15;
	v30 =	vmul.f32 v54, v54;
	v54 =	vld [tilespmem:$0x1FF30]  }
0x131: {  	v7 =	vsub.f32 v7, v9;
	v9 =	vmul.f32 v34, v34;
	v50 =	vld [tilespmem:$0x1FEB0];
	v0 =	vsub.f32 v0, v1  }
0x132: {  	v10 =	vmul.f32 v10, v10;
	v8 =	vmul.f32 v8, v8;
	v12 =	vsub.f32 v13, v12;
	v1 =	vld [tilespmem:s31+$0x8220]  }
0x133: {  	v9 =	vadd.f32 v38, v9;
	v44 =	vmul.f32 v42, v42;
	v38 =	vmul.f32 v55, v55;
	[tilespmem:$0x1FFB0] =	vst v0;
	v0 =	vld [tilespmem:s31+$0x210]  }
0x134: {  	v17 =	vadd.f32 v17, v23;
	v60 =	vmul.f32 v57, v57;
	v57 =	vld [tilespmem:$0x1FF40];
	v12 =	vmul.f32 v12, v12  }
0x135: {  	v10 =	vadd.f32 v8, v10;
	v34 =	vmul.f32 v46, v46;
	v55 =	vmul.f32 v54, v54  }
0x136: {  	v33 =	vld [tilespmem:$0x1FFC0];
	v4 =	vmul.f32 v4, v4;
	v5 =	vmul.f32 v5, v5;
	v12 =	vadd.f32 v12, v14  }
0x137: {  	v14 =	vmul.f32 v24, v24;
	v20 =	vsub.f32 v1, v52;
	v52 =	vmul.f32 v50, v50;
	v50 =	vld [tilespmem:$0x1FF20]  }
0x138: {  	v62 =	vld [tilespmem:$0x1FEF0];
	v24 =	vadd.f32 v4, v6;
	v4 =	vmul.f32 v11, v11;
	v13 =	vsub.f32 v63, v0  }
0x139: {  	v30 =	vadd.f32 v38, v30;
	v6 =	vmul.f32 v7, v7;
	v38 =	vmul.f32 v57, v57;
	v63 =	vld [tilespmem:$0x1FE40]  }
0x13a: {  	v40 =	vld [tilespmem:$0x1FE80];
	v1 =	vmul.f32 v58, v58;
	v32 =	vadd.f32 v52, v48;
	v8 =	vmul.f32 v13, v13  }
0x13b: {  	v54 =	vld [tilespmem:$0x1FF80];
	v58 =	vmul.f32 v51, v51;
	v10 =	vadd.f32 v24, v10;
	v13 =	vmul.f32 v20, v20  }
0x13c: {  	v48 =	vld [tilespmem:$0x1FF10];
	v30 =	vadd.f32 v30, v32;
	v52 =	vmul.f32 v50, v50;
	v21 =	vadd.f32 v8, v5  }
0x13d: {  	v57 =	vld [tilespmem:$0x1FFA0];
	v5 =	vmul.f32 v26, v26;
	v8 =	vmul.f32 v18, v18;
	v11 =	vadd.f32 v14, v13  }
0x13e: {  	v50 =	vld [tilespmem:$0x1FF70];
	v14 =	vadd.f32 v6, v4;
	v28 =	vmul.f32 v63, v63;
	v63 =	vmul.f32 v62, v62  }
0x13f: {  	v0 =	vmul.f32 v56, v56;
	v62 =	vld [tilespmem:$0x1FF60];
	v13 =	vadd.f32 v8, v5;
	v8 =	vadd.f32 v25, v31  }
0x140: {  	v22 =	vadd.f32 v28, v22;
	v28 =	vmul.f32 v40, v40;
	v36 =	vadd.f32 v63, v60;
	v60 =	vld [tilespmem:$0x1FF50]  }
0x141: {  	v42 =	vmul.f32 v48, v48;
	v11 =	vadd.f32 v11, v21;
	v40 =	vadd.f32 v55, v52;
	v55 =	vld [tilespmem:$0x1FF90]  }
0x142: {  	v31 =	vperm.xlane v30, v33;
	v28 =	vadd.f32 v44, v28;
	v15 =	vadd.f32 v15, v22  }
0x143: {  	v34 =	vadd.f32 v42, v34;
	v42 =	vmul.f32 v54, v54;
	v52 =	vmul.f32 v50, v50  }
0x144: {  	v63 =	vmul.f32 v62, v62;
	v26 =	vadd.f32 v28, v9;
	v25 =	vperm.xlane v15, v33  }
0x145: {  	v62 =	vld [tilespmem:$0x1FFB0];
	v9 =	vadd.f32 v12, v16;
	v12 =	vadd.f32 v14, v13;
	v46 =	vmul.f32 v60, v60  }
0x146: {  	v50 =	vmul.f32 v55, v55;
	v44 =	vadd.f32 v52, v63;
	v60 =	vmul.f32 v57, v57  }
0x147: {  	v57 =	vmul.f32 v61, v61;
	v61 =	vadd.f32 v45, v43;
	v13 =	vadd.f32 v15, v25  }
0x148: {  	v24 =	vperm.xlane v8, v33;
	v38 =	vadd.f32 v46, v38;
	v42 =	vadd.f32 v50, v42  }
0x149: {  	v29 =	vperm.xlane v26, v33;
	v52 =	vadd.f32 v57, v2;
	v46 =	vadd.f32 v1, v0  }
0x14a: {  	v7 =	vadd.f32 v61, v47;
	v63 =	vmul.f32 v62, v62;
	v62 =	vadd.f32 v37, v35  }
0x14b: {  	v25 =	vperm.xlane v9, v33;
	v14 =	vadd.f32 v26, v29;
	v5 =	vadd.f32 v38, v40  }
0x14c: {  	v26 =	vperm.xlane v17, v33;
	v20 =	vadd.f32 v42, v44;
	v48 =	vadd.f32 v63, v60  }
0x14d: {  	v21 =	vperm.xlane v7, v33;
	v60 =	vadd.f32 v59, v58;
	v63 =	vadd.f32 v34, v36  }
0x14e: {  	v18 =	vadd.f32 v62, v39;
	v23 =	vperm.xlane v5, v33;
	v6 =	vadd.f32 v46, v48  }
0x14f: {  	v27 =	vperm.xlane v20, v33;
	v19 =	vadd.f32 v60, v52;
	v16 =	vperm.xlane v63, v33  }
0x150: {  	v54 =	vimm.f32 $0.0e+00;
	v29 =	vperm.xlane v18, v33;
	v22 =	vperm.xlane v6, v33  }
0x151: {  	s16 =	simm.s32 $0x2000;
	v61 =	vld [tilespmem:$0x1FFD0];
	v28 =	vperm.xlane v19, v33;
	v15 =	vadd.f32 v63, v16;
	v16 =	vadd.f32 v30, v31  }
.LBB2_4:
0x152: {  	v23 =	vadd.f32 v5, v23  }
0x153: {  	v30 =	vperm.xlane v10, v33;
	v20 =	vadd.f32 v20, v27;
	v19 =	vadd.f32 v19, v28  }
0x154: {  	v27 =	vperm.xlane v11, v33;
	v22 =	vadd.f32 v6, v22;
	v18 =	vadd.f32 v18, v29  }
0x155: {  	v28 =	vperm.xlane v12, v33;
	v21 =	vadd.f32 v7, v21;
	v26 =	vadd.f32 v17, v26  }
0x156: {  	v24 =	vadd.f32 v8, v24;
	v17 =	vperm.xlane v13, v61;
	v29 =	vperm.xlane v16, v61  }
0x157: {  	v25 =	vadd.f32 v9, v25;
	v31 =	vperm.xlane v14, v61;
	v55 =	vperm.xlane v15, v61  }
0x158: {  	v32 =	vperm.xlane v23, v61;
	v30 =	vadd.f32 v10, v30;
	v34 =	vperm.xlane v22, v61  }
0x159: {  	v27 =	vadd.f32 v11, v27;
	v35 =	vperm.xlane v20, v61;
	v36 =	vperm.xlane v21, v61  }
0x15a: {  	v28 =	vadd.f32 v12, v28;
	v37 =	vperm.xlane v19, v61;
	v38 =	vperm.xlane v24, v61  }
0x15b: {  	v0 =	vld [tilespmem:$0x1FFE0];
	v39 =	vperm.xlane v18, v61;
	v40 =	vadd.f32 v13, v17;
	v41 =	vperm.xlane v26, v61  }
0x15c: {  	v29 =	vadd.f32 v16, v29;
	v31 =	vadd.f32 v14, v31;
	v42 =	vperm.xlane v25, v61  }
0x15d: {  	v33 =	vadd.f32 v15, v55;
	v32 =	vadd.f32 v23, v32;
	v23 =	vperm.xlane v30, v61  }
0x15e: {  	v34 =	vadd.f32 v22, v34;
	v35 =	vadd.f32 v20, v35;
	v22 =	vperm.xlane v27, v61  }
0x15f: {  	v36 =	vadd.f32 v21, v36;
	v37 =	vadd.f32 v19, v37;
	v43 =	vperm.xlane v28, v61  }
0x160: {  	v38 =	vadd.f32 v24, v38;
	v41 =	vadd.f32 v26, v41;
	v24 =	vperm.xlane v31, v0  }
0x161: {  	v26 =	vperm.xlane v40, v0;
	v42 =	vadd.f32 v25, v42;
	v25 =	vperm.xlane v33, v0  }
0x162: {  	v39 =	vadd.f32 v18, v39;
	v44 =	vperm.xlane v29, v0;
	v46 =	vperm.xlane v32, v0  }
0x163: {  	v45 =	vperm.xlane v35, v0;
	v47 =	vadd.f32 v27, v22;
	v27 =	vperm.xlane v37, v0  }
0x164: {  	v48 =	vperm.xlane v34, v0;
	v28 =	vadd.f32 v28, v43;
	v43 =	vperm.xlane v39, v0  }
0x165: {  	v30 =	vadd.f32 v30, v23;
	v49 =	vperm.xlane v36, v0;
	v50 =	vperm.xlane v38, v0  }
0x166: {  	v51 =	vadd.f32 v31, v24;
	v52 =	vadd.f32 v40, v26;
	v31 =	vperm.xlane v47, v0  }
0x167: {  	v44 =	vadd.f32 v29, v44;
	v60 =	vperm.xlane v41, v0;
	v29 =	vperm.xlane v28, v0  }
0x168: {  	v56 =	vperm.xlane v30, v0;
	v57 =	vadd.f32 v47, v31;
	v31 =	vperm.xlane v42, v0;
	v0 =	vld [tilespmem:$0x1FFF0]  }
0x169: {  	v53 =	vadd.f32 v33, v25;
	v46 =	vadd.f32 v32, v46  }
0x16a: {  	v45 =	vadd.f32 v35, v45;
	v40 =	vadd.f32 v37, v27  }
0x16b: {  	v48 =	vadd.f32 v34, v48;
	v58 =	vadd.f32 v28, v29  }
0x16c: {  	v62 =	vadd.f32 v36, v49;
	v59 =	vadd.f32 v30, v56  }
0x16d: {  	s17 =	sshra.s32 s16, $0x2;
	v42 =	vadd.f32 v42, v31;
	v63 =	vperm.xlane v57, v0;
	v1 =	vperm.xlane v58, v0  }
0x16e: {  	v2 =	vld [tilespmem:s17+$0x8980];
	v41 =	vadd.f32 v41, v60;
	v38 =	vadd.f32 v38, v50;
	v55 =	vperm.xlane v59, v0  }
0x16f: {  	v3 =	vld [tilespmem:s17+$0x980];
	v56 =	vperm.xlane v42, v0;
	v36 =	vadd.f32 v57, v63;
	v34 =	vadd.f32 v58, v1  }
0x170: {  	v5 =	vld [tilespmem:s17+$0x8990];
	v39 =	vadd.f32 v39, v43;
	v35 =	vadd.f32 v59, v55;
	v57 =	vperm.xlane v41, v0  }
0x171: {  	v6 =	vld [tilespmem:s17+$0x990];
	v37 =	vadd.f32 v42, v56;
	v58 =	vperm.xlane v38, v0;
	v36 =	vsel vm0, v36, v34  }
0x172: {  	v7 =	vld [tilespmem:s17+$0x89A0];
	v43 =	vperm.xlane v39, v0;
	v41 =	vadd.f32 v41, v57;
	v36 =	vsel vm1, v36, v35  }
0x173: {  	v8 =	vld [tilespmem:s17+$0x9A0];
	v59 =	vperm.xlane v62, v0;
	v38 =	vadd.f32 v38, v58;
	v37 =	vsel vm2, v36, v37  }
0x174: {  	v9 =	vld [tilespmem:s17+$0x89B0];
	v60 =	vperm.xlane v40, v0;
	v39 =	vadd.f32 v39, v43;
	v41 =	vsel vm3, v37, v41  }
0x175: {  	v10 =	vld [tilespmem:s17+$0x9B0];
	v42 =	vadd.f32 v62, v59;
	v62 =	vperm.xlane v48, v0;
	v41 =	vsel vm4, v41, v38  }
0x176: {  	v11 =	vld [tilespmem:s17+$0x8900];
	v43 =	vadd.f32 v40, v60;
	v63 =	vperm.xlane v45, v0;
	v41 =	vsel vm5, v41, v39  }
0x177: {  	v12 =	vld [tilespmem:s17+$0x900];
	v35 =	vperm.xlane v46, v0;
	v1 =	vadd.f32 v48, v62;
	v41 =	vsel vm6, v41, v42  }
0x178: {  	v13 =	vld [tilespmem:s17+$0x8910];
	v55 =	vperm.xlane v53, v0;
	v45 =	vadd.f32 v45, v63;
	v43 =	vsel vm7, v41, v43  }
0x179: {  	v14 =	vld [tilespmem:s17+$0x910];
	v56 =	vperm.xlane v44, v0;
	v46 =	vadd.f32 v46, v35;
	v43 =	vsel vm8, v43, v1  }
0x17a: {  	v15 =	vld [tilespmem:s17+$0x8920];
	v57 =	vperm.xlane v51, v0;
	v48 =	vadd.f32 v53, v55;
	v45 =	vsel vm9, v43, v45  }
0x17b: {  	v16 =	vld [tilespmem:s17+$0x920];
	v58 =	vadd.f32 v44, v56;
	v59 =	vperm.xlane v52, v0;
	v45 =	vsel vm10, v45, v46  }
0x17c: {  	v17 =	vld [tilespmem:s17+$0x8930];
	v49 =	vadd.f32 v51, v57;
	v48 =	vsel vm11, v45, v48  }
0x17d: {  	v18 =	vld [tilespmem:s17+$0x930];
	v60 =	vadd.f32 v52, v59;
	v48 =	vsel vm12, v48, v58  }
0x17e: {  	v19 =	vld [tilespmem:s17+$0x8880];
	v48 =	vsel vm13, v48, v49  }
0x17f: {  	v20 =	vld [tilespmem:s17+$0x880];
	v63 =	vsel vm14, v48, v60  }
0x180: {  	v21 =	vld [tilespmem:s17+$0x8890];
	v50 =	vshra.s32 v63, $0x1;
	v4 =	vmul.f32 $5.000000000e-01, v63  }
0x181: {  	v22 =	vld [tilespmem:s17+$0x890];
	v57 =	vsub.s32 $0x5F3759DF, v50  }
0x182: {  	v23 =	vld [tilespmem:s17+$0x88A0];
	v35 =	vmul.f32 v57, v4  }
0x183: {  	v24 =	vld [tilespmem:s17+$0x8A0]  }
0x184: {  	v25 =	vld [tilespmem:s17+$0x88B0];
	v55 =	vmul.f32 v57, v35  }
0x185: {  	v26 =	vld [tilespmem:s17+$0x8B0]  }
0x186: {  	v33 =	vld [tilespmem:s17+$0x8830];
	v58 =	vsub.f32 $1.500000000e+00, v55  }
0x187: {  	v32 =	vld [tilespmem:s17+$0x820]  }
0x188: {  	v27 =	vld [tilespmem:s17+$0x8800];
	v55 =	vmul.f32 v57, v58  }
0x189: {  	v1 =	vld [tilespmem:s17+$0x6A0]  }
0x18a: {  	v47 =	vld [tilespmem:s17+$0x680];
	v60 =	vmul.f32 v55, v4  }
0x18b: {  	v28 =	vld [tilespmem:s17+$0x800]  }
0x18c: {  	v29 =	vld [tilespmem:s17+$0x8810];
	v60 =	vmul.f32 v60, v55  }
0x18d: {  	v30 =	vld [tilespmem:s17+$0x810]  }
0x18e: {  	v31 =	vld [tilespmem:s17+$0x8820];
	[tilespmem:$0x1F950] =	vst v1;
	v1 =	vsub.f32 $1.500000000e+00, v60  }
0x18f: {  	[tilespmem:$0x1F920] =	vst v47;
	v47 =	vld [tilespmem:s17+$0x610]  }
0x190: {  	v40 =	vld [tilespmem:s17+$0x790];
	v0 =	vmul.f32 v1, v55  }
0x191: {  	v34 =	vld [tilespmem:s17+$0x830]  }
0x192: {  	v44 =	vld [tilespmem:s17+$0x7B0];
	v4 =	vmul.f32 v0, v4  }
0x193: {  	v56 =	vld [tilespmem:s17+$0x86B0]  }
0x194: {  	[tilespmem:$0x1F9B0] =	vst v47;
	v47 =	vld [tilespmem:s17+$0x85B0];
	v4 =	vmul.f32 v4, v0  }
0x195: {  	v36 =	vld [tilespmem:s17+$0x8780]  }
0x196: {  	v62 =	vld [tilespmem:s17+$0x8720];
	v4 =	vsub.f32 $1.500000000e+00, v4  }
0x197: {  	v53 =	vld [tilespmem:s17+$0x87B0]  }
0x198: {  	v37 =	vld [tilespmem:s17+$0x780];
	v0 =	vmul.f32 v4, v0  }
0x199: {  	v39 =	vld [tilespmem:s17+$0x8730]  }
0x19a: {  	v43 =	vld [tilespmem:s17+$0x730];
	v0 =	vmul.f32 v0, v63  }
0x19b: {  	[tilespmem:$0x1F8F0] =	vst v62;
	v50 =	vld [tilespmem:s17+$0x720]  }
0x19c: {  	v4 =	vld [tilespmem:$0x1F8F0];
	v54 =	vadd.f32 v0, v54  }
0x19d: {  	v59 =	vld [tilespmem:s17+$0x710];
	v0 =	vsub.f32 v2, v3;
	v2 =	vsub.f32 v5, v6  }
0x19e: {  	v52 =	vld [tilespmem:s17+$0x8680];
	v3 =	vsub.f32 v9, v10;
	v10 =	vsub.f32 v11, v12  }
0x19f: {  	v51 =	vld [tilespmem:s17+$0x690];
	[tilespmem:$0x1F910] =	vst v43;
	v11 =	vsub.f32 v13, v14;
	v14 =	vsub.f32 v15, v16  }
0x1a0: {  	[tilespmem:$0x1F900] =	vst v39;
	v16 =	vsub.f32 v19, v20;
	v20 =	vsub.f32 v25, v26;
	v5 =	vld [tilespmem:$0x1F910]  }
0x1a1: {  	v26 =	vsub.f32 v36, v37;
	v36 =	vsub.f32 v4, v50;
	v4 =	vld [tilespmem:$0x1F900]  }
0x1a2: {  	v38 =	vld [tilespmem:s17+$0x8790]  }
0x1a3: {  	[tilespmem:$0x1F960] =	vst v56;
	v56 =	vld [tilespmem:s17+$0x630]  }
0x1a4: {  	v42 =	vld [tilespmem:s17+$0x7A0]  }
0x1a5: {  	v48 =	vld [tilespmem:s17+$0x8690]  }
0x1a6: {  	v25 =	vsub.f32 v33, v34;
	v34 =	vsub.f32 v4, v5;
	v4 =	vld [tilespmem:$0x1F920]  }
0x1a7: {  	[tilespmem:$0x1FA60] =	vst v47;
	v47 =	vld [tilespmem:s17+$0x8400]  }
0x1a8: {  	v41 =	vld [tilespmem:s17+$0x87A0]  }
0x1a9: {  	[tilespmem:$0x1F940] =	vst v51;
	v62 =	vld [tilespmem:s17+$0x8600]  }
0x1aa: {  	[tilespmem:$0x1F930] =	vst v48;
	v5 =	vld [tilespmem:$0x1F940]  }
0x1ab: {  	v37 =	vsub.f32 v52, v4;
	v4 =	vld [tilespmem:$0x1F930]  }
0x1ac: {  	v51 =	vld [tilespmem:s17+$0x620]  }
0x1ad: {  	v46 =	vld [tilespmem:s17+$0x700]  }
0x1ae: {  	v57 =	vld [tilespmem:s17+$0x6B0]  }
0x1af: {  	v58 =	vld [tilespmem:s17+$0x86A0];
	v19 =	vsub.f32 v23, v24;
	v23 =	vsub.f32 v27, v28  }
0x1b0: {  	v27 =	vsub.f32 v38, v40;
	v38 =	vsub.f32 v4, v5;
	v4 =	vld [tilespmem:$0x1F950]  }
0x1b1: {  	v39 =	vld [tilespmem:s17+$0x600]  }
0x1b2: {  	[tilespmem:$0x1F9F0] =	vst v56;
	v56 =	vld [tilespmem:s17+$0x8520]  }
0x1b3: {  	v45 =	vld [tilespmem:s17+$0x8700];
	[tilespmem:$0x1F970] =	vst v57  }
0x1b4: {  	v5 =	vld [tilespmem:$0x1F970]  }
0x1b5: {  	v40 =	vsub.f32 v58, v4;
	v4 =	vld [tilespmem:$0x1F960]  }
0x1b6: {  	[tilespmem:$0x1FB20] =	vst v47;
	v47 =	vld [tilespmem:s17+$0x8430]  }
0x1b7: {  	[tilespmem:$0x1F980] =	vst v62;
	v62 =	vld [tilespmem:s17+$0x8590]  }
0x1b8: {  	[tilespmem:$0x1F9D0] =	vst v51;
	v51 =	vld [tilespmem:s17+$0x8500];
	v13 =	vsub.f32 v17, v18  }
0x1b9: {  	v43 =	vld [tilespmem:s17+$0x8610];
	v17 =	vsub.f32 v21, v22;
	v22 =	vsub.f32 v29, v30  }
0x1ba: {  	[tilespmem:$0x1F990] =	vst v39;
	v29 =	vsub.f32 v41, v42;
	v41 =	vsub.f32 v4, v5;
	v4 =	vld [tilespmem:$0x1F980]  }
0x1bb: {  	v5 =	vld [tilespmem:$0x1F990]  }
0x1bc: {  	v49 =	vld [tilespmem:s17+$0x8710]  }
0x1bd: {  	v39 =	vld [tilespmem:s17+$0x85A0]  }
0x1be: {  	[tilespmem:$0x1FAB0] =	vst v56;
	v56 =	vld [tilespmem:s17+$0x8480]  }
0x1bf: {  	[tilespmem:$0x1F9A0] =	vst v43;
	v48 =	vld [tilespmem:s17+$0x8620]  }
0x1c0: {  	v30 =	vsub.f32 v53, v44;
	v44 =	vsub.f32 v4, v5;
	v4 =	vld [tilespmem:$0x1F9A0]  }
0x1c1: {  	v5 =	vld [tilespmem:$0x1F9B0]  }
0x1c2: {  	[tilespmem:$0x1FA20] =	vst v62;
	v62 =	vld [tilespmem:s17+$0x510]  }
0x1c3: {  	[tilespmem:$0x1FA80] =	vst v51;
	v51 =	vld [tilespmem:s17+$0x490]  }
0x1c4: {  	v35 =	vld [tilespmem:s17+$0x590]  }
0x1c5: {  	[tilespmem:$0x1F9C0] =	vst v48;
	v55 =	vld [tilespmem:s17+$0x8630]  }
0x1c6: {  	v42 =	vsub.f32 v4, v5;
	v4 =	vld [tilespmem:$0x1F9C0]  }
0x1c7: {  	v5 =	vld [tilespmem:$0x1F9D0]  }
0x1c8: {  	v43 =	vld [tilespmem:s17+$0x5A0]  }
0x1c9: {  	[tilespmem:$0x1FA40] =	vst v39;
	v39 =	vld [tilespmem:s17+$0x84B0]  }
0x1ca: {  	v57 =	vld [tilespmem:s17+$0x8580]  }
0x1cb: {  	v60 =	vld [tilespmem:s17+$0x580];
	[tilespmem:$0x1F9E0] =	vst v55  }
0x1cc: {  	v33 =	vsub.f32 v45, v46;
	v45 =	vsub.f32 v4, v5;
	v4 =	vld [tilespmem:$0x1F9E0]  }
0x1cd: {  	v5 =	vld [tilespmem:$0x1F9F0]  }
0x1ce: {  	[tilespmem:$0x1FA30] =	vst v35;
	v48 =	vld [tilespmem:s17+$0x5B0]  }
0x1cf: {  	[tilespmem:$0x1FA50] =	vst v43;
	v35 =	vld [tilespmem:s17+$0x84A0]  }
0x1d0: {  	v43 =	vld [tilespmem:s17+$0x4B0];
	[tilespmem:$0x1FB00] =	vst v39  }
0x1d1: {  	v39 =	vld [tilespmem:s17+$0x8380];
	[tilespmem:$0x1FA00] =	vst v57  }
0x1d2: {  	[tilespmem:$0x1FA10] =	vst v60;
	v46 =	vsub.f32 v4, v5;
	v4 =	vld [tilespmem:$0x1FA00]  }
0x1d3: {  	v5 =	vld [tilespmem:$0x1FA10]  }
0x1d4: {  	[tilespmem:$0x1FA70] =	vst v48;
	v48 =	vld [tilespmem:s17+$0x480]  }
0x1d5: {  	[tilespmem:$0x1FB10] =	vst v43;
	v43 =	vld [tilespmem:s17+$0x420]  }
0x1d6: {  	[tilespmem:$0x1FAF0] =	vst v35;
	v35 =	vld [tilespmem:s17+$0x430]  }
0x1d7: {  	v1 =	vsub.f32 v7, v8;
	v8 =	vld [tilespmem:s17+$0x3B0];
	v24 =	vsub.f32 v31, v32  }
0x1d8: {  	v32 =	vsub.f32 v49, v59;
	v49 =	vsub.f32 v4, v5;
	v4 =	vld [tilespmem:$0x1FA20]  }
0x1d9: {  	v5 =	vld [tilespmem:$0x1FA30]  }
0x1da: {  	v7 =	vld [tilespmem:s17+$0x8310]  }
0x1db: {  	v57 =	vld [tilespmem:s17+$0x520]  }
0x1dc: {  	v60 =	vld [tilespmem:s17+$0x8530]  }
0x1dd: {  	v35 =	vsub.f32 v47, v35;
	v47 =	vld [tilespmem:s17+$0x220]  }
0x1de: {  	v50 =	vsub.f32 v4, v5;
	v4 =	vld [tilespmem:$0x1FA40]  }
0x1df: {  	v5 =	vld [tilespmem:$0x1FA50]  }
0x1e0: {  	v55 =	vld [tilespmem:s17+$0x8510]  }
0x1e1: {  	[tilespmem:$0x1FAC0] =	vst v57;
	v57 =	vld [tilespmem:s17+$0x8410]  }
0x1e2: {  	v63 =	vld [tilespmem:s17+$0x8490]  }
0x1e3: {  	[tilespmem:$0x1FBC0] =	vst v54;
	v54 =	vld [tilespmem:s17+$0x500]  }
0x1e4: {  	v52 =	vsub.f32 v4, v5;
	v4 =	vld [tilespmem:$0x1FA60]  }
0x1e5: {  	[tilespmem:$0x1FAD0] =	vst v60;
	v5 =	vld [tilespmem:$0x1FA70]  }
0x1e6: {  	v60 =	vld [tilespmem:s17+$0x4A0];
	[tilespmem:$0x1FAA0] =	vst v55  }
0x1e7: {  	v55 =	vld [tilespmem:s17+$0x530];
	[tilespmem:$0x1FB40] =	vst v57  }
0x1e8: {  	v57 =	vld [tilespmem:s17+$0x8420];
	[tilespmem:$0x1FA90] =	vst v54  }
0x1e9: {  	[tilespmem:$0x1FAE0] =	vst v63;
	v63 =	vld [tilespmem:$0x1FA90]  }
0x1ea: {  	v53 =	vsub.f32 v4, v5;
	v5 =	vld [tilespmem:$0x1FA80]  }
0x1eb: {  	v28 =	vld [tilespmem:s17+$0x380]  }
0x1ec: {  	v31 =	vld [tilespmem:s17+$0x8390]  }
0x1ed: {  	v18 =	vld [tilespmem:s17+$0x390]  }
0x1ee: {  	v21 =	vld [tilespmem:s17+$0x83A0]  }
0x1ef: {  	v58 =	vsub.f32 v5, v63;
	v5 =	vld [tilespmem:$0x1FAA0]  }
0x1f0: {  	v12 =	vld [tilespmem:s17+$0x3A0];
	v0 =	vmul.f32 v0, v0  }
0x1f1: {  	v15 =	vld [tilespmem:s17+$0x83B0]  }
0x1f2: {  	[tilespmem:$0x1FB60] =	vst v0;
	v0 =	vld [tilespmem:$0x1FAF0]  }
0x1f3: {  	v63 =	vld [tilespmem:$0x1FAC0]  }
0x1f4: {  	v59 =	vsub.f32 v5, v62;
	v62 =	vld [tilespmem:$0x1FAB0]  }
0x1f5: {  	v9 =	vld [tilespmem:s17+$0x8300]  }
0x1f6: {  	v48 =	vsub.f32 v56, v48;
	v6 =	vld [tilespmem:s17+$0x300];
	v56 =	vmul.f32 v2, v2  }
0x1f7: {  	v2 =	vld [tilespmem:s17+$0x200]  }
0x1f8: {  	[tilespmem:$0x1FB70] =	vst v56;
	v56 =	vld [tilespmem:s17+$0x8330]  }
0x1f9: {  	v60 =	vsub.f32 v0, v60;
	v0 =	vmul.f32 v10, v10;
	v62 =	vsub.f32 v62, v63;
	v63 =	vld [tilespmem:$0x1FAE0]  }
0x1fa: {  	v43 =	vsub.f32 v57, v43;
	v57 =	vld [tilespmem:s17+$0x8220]  }
0x1fb: {  	v28 =	vsub.f32 v39, v28;
	v39 =	vld [tilespmem:s17+$0x8230];
	[tilespmem:$0x1FB80] =	vst v0;
	v0 =	vmul.f32 v11, v11  }
0x1fc: {  	v54 =	vld [tilespmem:s17+$0x400]  }
0x1fd: {  	[tilespmem:$0x1FB90] =	vst v0;
	v0 =	vld [tilespmem:$0x1FB00]  }
0x1fe: {  	v51 =	vsub.f32 v63, v51;
	v63 =	vmul.f32 v1, v1;
	v1 =	vld [tilespmem:$0x1FB10]  }
0x1ff: {  	v18 =	vsub.f32 v31, v18;
	v31 =	vld [tilespmem:s17+$0x230]  }
0x200: {  	v12 =	vsub.f32 v21, v12;
	v21 =	vmul.f32 v33, v33;
	v33 =	vld [tilespmem:s17+$0x8280]  }
0x201: {  	v47 =	vsub.f32 v57, v47;
	v57 =	vld [tilespmem:s17+$0x2B0]  }
0x202: {  	[tilespmem:$0x1FB30] =	vst v54;
	v54 =	vld [tilespmem:s17+$0x410]  }
0x203: {  	v11 =	vsub.f32 v0, v1;
	v0 =	vld [tilespmem:$0x1FB20]  }
0x204: {  	v1 =	vld [tilespmem:$0x1FB30]  }
0x205: {  	[tilespmem:$0x1FB50] =	vst v62;
	v62 =	vld [tilespmem:$0x1FAD0]  }
0x206: {  	v6 =	vsub.f32 v9, v6;
	v9 =	vmul.f32 v37, v37;
	v37 =	vmul.f32 v38, v38;
	v38 =	vld [tilespmem:s17+$0x8290]  }
0x207: {  	v4 =	vld [tilespmem:s17+$0x310]  }
0x208: {  	v35 =	vmul.f32 v35, v35;
	v14 =	vmul.f32 v14, v14;
	v5 =	vld [tilespmem:s17+$0x8320]  }
0x209: {  	v13 =	vmul.f32 v13, v13;
	v16 =	vmul.f32 v16, v16;
	v10 =	vsub.f32 v0, v1;
	v0 =	vld [tilespmem:$0x1FB40]  }
0x20a: {  	v17 =	vmul.f32 v17, v17;
	v55 =	vsub.f32 v62, v55;
	v62 =	vld [tilespmem:s17+$0x320];
	[tilespmem:$0x1FBA0] =	vst v63;
	v63 =	vmul.f32 v3, v3  }
0x20b: {  	v19 =	vmul.f32 v19, v19;
	v20 =	vmul.f32 v20, v20;
	v3 =	vld [tilespmem:s17+$0x8200]  }
0x20c: {  	v23 =	vmul.f32 v23, v23;
	v22 =	vmul.f32 v22, v22;
	[tilespmem:$0x1FBB0] =	vst v63;
	v63 =	vld [tilespmem:s17+$0x330]  }
0x20d: {  	v24 =	vmul.f32 v24, v24;
	v25 =	vmul.f32 v25, v25;
	v16 =	vadd.f32 v17, v16;
	v1 =	vld [tilespmem:s17+$0x8210]  }
0x20e: {  	v26 =	vmul.f32 v26, v26;
	v13 =	vadd.f32 v13, v14;
	v54 =	vsub.f32 v0, v54;
	v0 =	vld [tilespmem:s17+$0x210]  }
0x20f: {  	v4 =	vsub.f32 v7, v4;
	v7 =	vmul.f32 v40, v40;
	v40 =	vmul.f32 v41, v41;
	v41 =	vld [tilespmem:s17+$0x290]  }
0x210: {  	v27 =	vmul.f32 v27, v27;
	v14 =	vadd.f32 v22, v23;
	v5 =	vsub.f32 v5, v62;
	v62 =	vld [tilespmem:s17+$0x82A0]  }
0x211: {  	v29 =	vmul.f32 v29, v29;
	v17 =	vadd.f32 v20, v19;
	v2 =	vsub.f32 v3, v2;
	v3 =	vld [tilespmem:s17+$0x2A0]  }
0x212: {  	v30 =	vmul.f32 v30, v30;
	v19 =	vadd.f32 v27, v26;
	v56 =	vsub.f32 v56, v63;
	v63 =	vld [tilespmem:$0x1FB50]  }
0x213: {  	v32 =	vmul.f32 v32, v32;
	v20 =	vadd.f32 v25, v24;
	v0 =	vsub.f32 v1, v0;
	v1 =	vld [tilespmem:s17+$0x82B0]  }
0x214: {  	v22 =	vadd.f32 v30, v29;
	v8 =	vsub.f32 v15, v8;
	v15 =	vmul.f32 v36, v36;
	v36 =	vld [tilespmem:s17+$0x280]  }
0x215: {  	v16 =	vadd.f32 v17, v16;
	v38 =	vsub.f32 v38, v41;
	v41 =	vmul.f32 v60, v60;
	v60 =	vld [tilespmem:$0x1FB90]  }
0x216: {  	v43 =	vmul.f32 v43, v43;
	v28 =	vmul.f32 v28, v28;
	v3 =	vsub.f32 v62, v3;
	v62 =	vld [tilespmem:$0x1FB60]  }
0x217: {  	v18 =	vmul.f32 v18, v18;
	v31 =	vsub.f32 v39, v31;
	v39 =	vmul.f32 v63, v63;
	v63 =	vld [tilespmem:$0x1FB70]  }
0x218: {  	v12 =	vmul.f32 v12, v12;
	v8 =	vmul.f32 v8, v8;
	v1 =	vsub.f32 v1, v57;
	v57 =	vld [tilespmem:$0x1FB80]  }
0x219: {  	v21 =	vadd.f32 v32, v21;
	v34 =	vmul.f32 v34, v34;
	v28 =	vadd.f32 v18, v28  }
0x21a: {  	v6 =	vmul.f32 v6, v6;
	v35 =	vadd.f32 v35, v43;
	v12 =	vadd.f32 v8, v12  }
0x21b: {  	v33 =	vsub.f32 v33, v36;
	v36 =	vmul.f32 v48, v48;
	v15 =	vadd.f32 v34, v15  }
0x21c: {  	v48 =	vmul.f32 v51, v51;
	v51 =	vmul.f32 v54, v54;
	v54 =	vadd.f32 v63, v62;
	v62 =	vld [tilespmem:$0x1FBB0]  }
0x21d: {  	v27 =	vmul.f32 v47, v47;
	v31 =	vmul.f32 v31, v31;
	v57 =	vadd.f32 v60, v57;
	v60 =	vld [tilespmem:$0x1FBA0]  }
0x21e: {  	v33 =	vmul.f32 v33, v33;
	v9 =	vadd.f32 v37, v9;
	v44 =	vmul.f32 v44, v44  }
0x21f: {  	v42 =	vmul.f32 v42, v42;
	v4 =	vmul.f32 v4, v4;
	v7 =	vadd.f32 v40, v7  }
0x220: {  	v31 =	vadd.f32 v31, v27;
	v45 =	vmul.f32 v45, v45;
	v46 =	vmul.f32 v46, v46  }
0x221: {  	v49 =	vmul.f32 v49, v49;
	v4 =	vadd.f32 v4, v6;
	v6 =	vadd.f32 v7, v9;
	v9 =	vld [tilespmem:$0x1FFC0]  }
0x222: {  	v3 =	vmul.f32 v3, v3;
	v1 =	vmul.f32 v1, v1;
	v60 =	vadd.f32 v62, v60  }
0x223: {  	v24 =	vadd.f32 v42, v44;
	v50 =	vmul.f32 v50, v50;
	v10 =	vmul.f32 v10, v10  }
0x224: {  	v52 =	vmul.f32 v52, v52;
	v1 =	vadd.f32 v1, v3;
	v3 =	vadd.f32 v60, v54  }
0x225: {  	v53 =	vmul.f32 v53, v53;
	v10 =	vadd.f32 v51, v10;
	v13 =	vadd.f32 v13, v57  }
0x226: {  	v57 =	vadd.f32 v20, v14;
	v20 =	vadd.f32 v15, v21;
	v15 =	vperm.xlane v3, v9;
	v9 =	vld [tilespmem:$0x1FFC0]  }
0x227: {  	v58 =	vmul.f32 v58, v58;
	v59 =	vmul.f32 v59, v59;
	v17 =	vadd.f32 v35, v10;
	v10 =	vld [tilespmem:$0x1FFC0]  }
0x228: {  	v25 =	vadd.f32 v50, v49;
	v5 =	vmul.f32 v5, v5;
	v23 =	vmul.f32 v56, v56  }
0x229: {  	v30 =	vadd.f32 v53, v52;
	v50 =	vmul.f32 v38, v38;
	v29 =	vadd.f32 v59, v58  }
0x22a: {  	v59 =	vld [tilespmem:$0x1FFC0];
	v11 =	vmul.f32 v11, v11;
	v51 =	vadd.f32 v23, v5;
	v5 =	vadd.f32 v22, v19  }
0x22b: {  	v7 =	vadd.f32 v30, v25;
	v55 =	vmul.f32 v55, v55;
	v30 =	vperm.xlane v16, v9;
	v9 =	vld [tilespmem:$0x1FFC0]  }
0x22c: {  	v48 =	vadd.f32 v48, v36;
	v11 =	vadd.f32 v11, v41;
	v23 =	vperm.xlane v5, v10;
	v10 =	vld [tilespmem:$0x1FFC0]  }
0x22d: {  	v26 =	vadd.f32 v46, v45;
	v2 =	vmul.f32 v2, v2;
	v0 =	vmul.f32 v0, v0;
	v62 =	vld [tilespmem:$0x1FFC0]  }
0x22e: {  	v33 =	vadd.f32 v50, v33;
	v8 =	vadd.f32 v11, v48;
	v60 =	vld [tilespmem:$0x1FFC0]  }
0x22f: {  	v49 =	vadd.f32 v55, v39;
	v63 =	vld [tilespmem:$0x1FFC0];
	v0 =	vadd.f32 v0, v2  }
0x230: {  	v14 =	vperm.xlane v13, v9;
	v9 =	vadd.f32 v12, v28;
	v12 =	vadd.f32 v1, v33;
	v33 =	vld [tilespmem:$0x1FFC0]  }
0x231: {  	p0 =	sne.s32 s16, $0x1E000;
	v18 =	vadd.f32 v49, v29;
	v19 =	vadd.f32 v26, v24  }
.Ltmp1:
0x232: {  	v22 =	vperm.xlane v6, v59;
	v11 =	vadd.f32 v31, v0;
	v58 =	vperm.xlane v57, v10;
	(pc) =	sbr.rel @p0 .LBB2_4-.Ltmp1, $4  }
0x233: {  	v10 =	vadd.f32 v51, v4;
	v21 =	vperm.xlane v7, v62;
	v27 =	vperm.xlane v20, v60  }
0x234: {  	v16 =	vadd.f32 v16, v30;
	v28 =	vperm.xlane v19, v63;
	v14 =	vadd.f32 v13, v14  }
0x235: {  	v13 =	vadd.f32 v3, v15;
	v24 =	vperm.xlane v8, v33;
	v29 =	vperm.xlane v18, v33  }
0x236: {  	s16 =	sadd.s32 $0x2000, s16;
	v54 =	vld [tilespmem:$0x1FBC0];
	v15 =	vadd.f32 v57, v58;
	v26 =	vperm.xlane v17, v33;
	v25 =	vperm.xlane v9, v33  }
0x237: {  	v0 =	vperm.xlane v10, v33;
	v1 =	vadd.f32 v20, v27;
	v2 =	vadd.f32 v5, v23  }
0x238: {  	v3 =	vperm.xlane v11, v33;
	v4 =	vadd.f32 v19, v28;
	v5 =	vadd.f32 v6, v22  }
0x239: {  	v6 =	vperm.xlane v12, v33;
	v18 =	vadd.f32 v18, v29;
	v7 =	vadd.f32 v7, v21  }
0x23a: {  	v8 =	vadd.f32 v8, v24;
	v48 =	vperm.xlane v13, v61;
	v49 =	vperm.xlane v16, v61  }
0x23b: {  	v50 =	vperm.xlane v14, v61;
	v17 =	vadd.f32 v17, v26;
	v9 =	vadd.f32 v9, v25  }
0x23c: {  	v52 =	vperm.xlane v15, v61;
	v0 =	vadd.f32 v10, v0;
	v51 =	vperm.xlane v2, v61  }
0x23d: {  	v3 =	vadd.f32 v11, v3;
	v53 =	vperm.xlane v5, v61;
	v55 =	vperm.xlane v1, v61  }
0x23e: {  	v6 =	vadd.f32 v12, v6;
	v56 =	vperm.xlane v7, v61;
	v57 =	vperm.xlane v4, v61  }
0x23f: {  	v58 =	vperm.xlane v8, v61;
	v59 =	vperm.xlane v18, v61;
	v13 =	vadd.f32 v13, v48  }
0x240: {  	v33 =	vld [tilespmem:$0x1FFE0];
	v16 =	vadd.f32 v16, v49;
	v14 =	vadd.f32 v14, v50;
	v60 =	vperm.xlane v17, v61  }
0x241: {  	v62 =	vperm.xlane v9, v61;
	v63 =	vadd.f32 v15, v52;
	v2 =	vadd.f32 v2, v51  }
0x242: {  	v30 =	vperm.xlane v0, v61;
	v5 =	vadd.f32 v5, v53;
	v1 =	vadd.f32 v1, v55  }
0x243: {  	v31 =	vperm.xlane v3, v61;
	v7 =	vadd.f32 v7, v56;
	v4 =	vadd.f32 v4, v57  }
0x244: {  	v32 =	vperm.xlane v6, v61;
	v8 =	vadd.f32 v8, v58;
	v18 =	vadd.f32 v18, v59  }
0x245: {  	v17 =	vadd.f32 v17, v60;
	v34 =	vperm.xlane v14, v33;
	v35 =	vperm.xlane v13, v33  }
0x246: {  	v9 =	vadd.f32 v9, v62;
	v36 =	vperm.xlane v63, v33;
	v37 =	vperm.xlane v16, v33  }
0x247: {  	v0 =	vadd.f32 v0, v30;
	v38 =	vperm.xlane v1, v33;
	v39 =	vperm.xlane v2, v33  }
0x248: {  	v3 =	vadd.f32 v3, v31;
	v40 =	vperm.xlane v4, v33;
	v41 =	vperm.xlane v5, v33  }
0x249: {  	v6 =	vadd.f32 v6, v32;
	v42 =	vperm.xlane v18, v33;
	v43 =	vperm.xlane v7, v33  }
0x24a: {  	v44 =	vperm.xlane v8, v33;
	v14 =	vadd.f32 v14, v34;
	v13 =	vadd.f32 v13, v35  }
0x24b: {  	v50 =	vld [tilespmem:$0x1FFF0];
	v10 =	vadd.f32 v63, v36;
	v16 =	vadd.f32 v16, v37;
	v45 =	vperm.xlane v3, v33  }
0x24c: {  	v46 =	vperm.xlane v6, v33;
	v1 =	vadd.f32 v1, v38;
	v2 =	vadd.f32 v2, v39  }
0x24d: {  	v47 =	vperm.xlane v0, v33;
	v4 =	vadd.f32 v4, v40;
	v5 =	vadd.f32 v5, v41  }
0x24e: {  	v48 =	vperm.xlane v9, v33;
	v3 =	vadd.f32 v3, v45;
	v6 =	vadd.f32 v6, v46  }
0x24f: {  	v49 =	vperm.xlane v17, v33;
	v7 =	vadd.f32 v7, v43;
	v0 =	vadd.f32 v0, v47  }
0x250: {  	v9 =	vadd.f32 v9, v48;
	v19 =	vperm.xlane v3, v50;
	v20 =	vperm.xlane v6, v50  }
0x251: {  	v8 =	vadd.f32 v8, v44;
	v15 =	vadd.f32 v17, v49;
	v51 =	vperm.xlane v0, v50  }
0x252: {  	v52 =	vperm.xlane v9, v50;
	v3 =	vadd.f32 v3, v19;
	v6 =	vadd.f32 v6, v20  }
0x253: {  	v12 =	vadd.f32 v18, v42;
	v53 =	vperm.xlane v15, v50;
	v0 =	vadd.f32 v0, v51  }
0x254: {  	v55 =	vperm.xlane v8, v50;
	v3 =	vsel vm0, v3, v6;
	v6 =	vadd.f32 v9, v52  }
0x255: {  	v56 =	vperm.xlane v12, v50;
	v0 =	vsel vm1, v3, v0;
	v3 =	vadd.f32 v15, v53  }
0x256: {  	v57 =	vperm.xlane v7, v50;
	v0 =	vsel vm2, v0, v6;
	v6 =	vadd.f32 v8, v55  }
0x257: {  	v58 =	vperm.xlane v4, v50;
	v0 =	vsel vm3, v0, v3;
	v3 =	vadd.f32 v12, v56  }
0x258: {  	v0 =	vsel vm4, v0, v6;
	v6 =	vadd.f32 v7, v57;
	v7 =	vperm.xlane v5, v50  }
0x259: {  	v0 =	vsel vm5, v0, v3;
	v3 =	vadd.f32 v4, v58;
	v4 =	vperm.xlane v1, v50  }
0x25a: {  	v0 =	vsel vm6, v0, v6;
	v5 =	vadd.f32 v5, v7;
	v6 =	vperm.xlane v2, v50  }
0x25b: {  	v0 =	vsel vm7, v0, v3;
	v1 =	vadd.f32 v1, v4;
	v3 =	vperm.xlane v10, v50  }
0x25c: {  	v4 =	vperm.xlane v16, v50;
	v0 =	vsel vm8, v0, v5;
	v2 =	vadd.f32 v2, v6  }
0x25d: {  	v0 =	vsel vm9, v0, v1;
	v59 =	vadd.f32 v10, v3;
	v3 =	vperm.xlane v14, v50  }
0x25e: {  	v60 =	vadd.f32 v16, v4;
	v4 =	vperm.xlane v13, v50;
	v0 =	vsel vm10, v0, v2  }
0x25f: {  	v0 =	vsel vm11, v0, v59;
	v61 =	vadd.f32 v14, v3  }
0x260: {  	v62 =	vadd.f32 v13, v4;
	v0 =	vsel vm12, v0, v60  }
0x261: {  	v0 =	vsel vm13, v0, v61  }
0x262: {  	v0 =	vsel vm14, v0, v62  }
0x263: {  	v63 =	vshra.s32 v0, $0x1;
	v2 =	vmul.f32 $5.000000000e-01, v0  }
0x264: {  	v1 =	vsub.s32 $0x5F3759DF, v63  }
0x265: {  	v3 =	vmul.f32 v1, v2;
	_ =	sdelay $0x1  }
0x266: {  	v3 =	vmul.f32 v1, v3;
	_ =	sdelay $0x1  }
0x267: {  	v3 =	vsub.f32 $1.500000000e+00, v3;
	_ =	sdelay $0x1  }
0x268: {  	v1 =	vmul.f32 v1, v3;
	_ =	sdelay $0x1  }
0x269: {  	v3 =	vmul.f32 v1, v2;
	_ =	sdelay $0x1  }
0x26a: {  	v3 =	vmul.f32 v3, v1  }
0x26b: {  	s16 =	simm.s32 $0x0;
	s0 =	simm.s32 $0x8200  }
0x26c: {  	[tilespmem:s0], [sflag:$0x2] =	stream.linear.gather [hbm4b:s6+s16], $0x8000, $0x38;
	v3 =	vsub.f32 $1.500000000e+00, v3;
	[tilespmem:$0x10280] =	vst v63  }
0x26d: {  	s31 =	sand.u32 $0xF0, s16  }
0x26e: {  	v1 =	vmul.f32 v3, v1;
	v3 =	vld [tilespmem:s31+$0x100];
	_ =	sdelay $0x1  }
0x26f: {  	v2 =	vmul.f32 v1, v2;
	_ =	sdelay $0x1  }
0x270: {  	v2 =	vmul.f32 v2, v1  }
0x271: {  	v5 =	vshll.u32 v3, $0x4  }
0x272: {  	v2 =	vsub.f32 $1.500000000e+00, v2;
	(v2sf) =	vpush v5, $0x0  }
0x273: {  	(v2sf) =	vpush v5, $0x2  }
0x274: {  	v1 =	vmul.f32 v2, v1;
	(v2sf) =	vpush v5, $0x1;
	_ =	sdelay $0x1  }
0x275: {  	(v2sf) =	vpush v5, $0x3;
	v0 =	vmul.f32 v1, v0  }
0x276: {  	(v2sf) =	vpush v5, $0x4  }
0x277: {  	v0 =	vadd.f32 v0, v54;
	_ =	sdelay $0x1  }
0x278: {  	s17 =	simm.s32 $0x2000;
	s18 =	simm.s32 $0x10;
	[tilespmem:$0x1F8E0] =	vst v0  }
.LBB2_6:
0x279: {  	p0 =	sne.s32 s17, $0x1E000;
	(v2sf) =	vpush v5, $0x5;
	s0 =	smov.u32 s17;
	s17 =	sadd.s32 $0x2000, s17  }
0x27a: {  	s19 =	sshra.s32 s16, $0x2;
	s16 =	smov.u32 s0  }
0x27b: {  	s0 =	sadd.s32 $0x280, s19;
	(v2sf) =	vpush v5, $0x6  }
0x27c: {  	s1 =	sadd.s32 $0x200, s19  }
0x27d: {  	s22 =	sadd.s32 $0x780, s19;
	s21 =	sadd.s32 $0x800, s19;
	s20 =	sadd.s32 $0x880, s19;
	(v2sf) =	vpush v5, $0x7  }
0x27e: {  	s25 =	sadd.s32 $0x600, s19;
	s24 =	sadd.s32 $0x680, s19;
	s23 =	sadd.s32 $0x700, s19  }
0x27f: {  	s5 =	sadd.s32 $0x500, s19;
	s26 =	sadd.s32 $0x580, s19;
	s10 =	spop (v2sf);
	(v2sf) =	vpush v5, $0x8  }
0x280: {  	s13 =	sadd.s32 $0x300, s19;
	s10 =	sand.u32 $0x1FFFFFF0, s10;
	s28 =	spop (v2sf)  }
0x281: {  	s29 =	sadd.s32 $0x480, s19;
	s10 =	sadd.s32 s3, s10;
	s30 =	spop (v2sf);
	(v2sf) =	vpush v5, $0x9  }
0x282: {  	[tilespmem:s1], [sflag:$0x3] =	stream.linear.gather [hbm4b:s10+s2], $0x80, $0x38;
	[tilespmem:$0x10280] =	vst v63  }
0x283: {  	s1 =	sand.u32 $0x1FFFFFF0, s30;
	s10 =	sand.u32 $0x1FFFFFF0, s28;
	s28 =	spop (v2sf);
	(v2sf) =	vpush v5, $0xA  }
0x284: {  	s30 =	sadd.s32 $0x400, s19;
	s1 =	sadd.s32 s3, s1;
	s31 =	spop (v2sf)  }
0x285: {  	[tilespmem:s0], [sflag:$0x3] =	stream.linear.gather [hbm4b:s1+s2], $0x80, $0x38;
	(v2sf) =	vpush v5, $0xB;
	[tilespmem:$0x10280] =	vst v63  }
0x286: {  	s0 =	sadd.s32 s3, s10;
	s1 =	sand.u32 $0x1FFFFFF0, s28;
	s10 =	sand.u32 $0x1FFFFFF0, s31  }
0x287: {  	[tilespmem:s13], [sflag:$0x3] =	stream.linear.gather [hbm4b:s0+s2], $0x80, $0x38;
	(v2sf) =	vpush v5, $0xC;
	[tilespmem:$0x10280] =	vst v63  }
0x288: {  	s1 =	sadd.s32 s3, s1;
	s0 =	sadd.s32 $0x380, s19;
	s13 =	spop (v2sf)  }
0x289: {  	[tilespmem:s0], [sflag:$0x3] =	stream.linear.gather [hbm4b:s1+s2], $0x80, $0x38;
	(v2sf) =	vpush v5, $0xD;
	[tilespmem:$0x10280] =	vst v63  }
0x28a: {  	s0 =	sadd.s32 s3, s10;
	s1 =	sand.u32 $0x1FFFFFF0, s13;
	s10 =	spop (v2sf)  }
0x28b: {  	[tilespmem:s30], [sflag:$0x3] =	stream.linear.gather [hbm4b:s0+s2], $0x80, $0x38;
	(v2sf) =	vpush v5, $0xE;
	[tilespmem:$0x10280] =	vst v63  }
0x28c: {  	s0 =	sadd.s32 s3, s1;
	s1 =	sand.u32 $0x1FFFFFF0, s10;
	s10 =	spop (v2sf)  }
0x28d: {  	[tilespmem:s29], [sflag:$0x3] =	stream.linear.gather [hbm4b:s0+s2], $0x80, $0x38;
	(v2sf) =	vpush v5, $0xF;
	[tilespmem:$0x10280] =	vst v63  }
0x28e: {  	s0 =	sadd.s32 s3, s1;
	s1 =	sand.u32 $0x1FFFFFF0, s10;
	s10 =	spop (v2sf)  }
0x28f: {  	[tilespmem:s5], [sflag:$0x3] =	stream.linear.gather [hbm4b:s0+s2], $0x80, $0x38;
	[tilespmem:$0x10280] =	vst v63  }
0x290: {  	s0 =	sadd.s32 s3, s1;
	s1 =	sand.u32 $0x1FFFFFF0, s10;
	s5 =	spop (v2sf)  }
0x291: {  	[tilespmem:s26], [sflag:$0x3] =	stream.linear.gather [hbm4b:s0+s2], $0x80, $0x38;
	[tilespmem:$0x10280] =	vst v63  }
0x292: {  	s0 =	sadd.s32 s3, s1;
	s1 =	sand.u32 $0x1FFFFFF0, s5;
	s5 =	spop (v2sf)  }
0x293: {  	[tilespmem:s25], [sflag:$0x3] =	stream.linear.gather [hbm4b:s0+s2], $0x80, $0x38;
	[tilespmem:$0x10280] =	vst v63  }
0x294: {  	s0 =	sadd.s32 s3, s1;
	s1 =	sand.u32 $0x1FFFFFF0, s5;
	s5 =	spop (v2sf)  }
0x295: {  	[tilespmem:s24], [sflag:$0x3] =	stream.linear.gather [hbm4b:s0+s2], $0x80, $0x38;
	[tilespmem:$0x10280] =	vst v63  }
0x296: {  	s0 =	sadd.s32 s3, s1;
	s1 =	sand.u32 $0x1FFFFFF0, s5;
	s5 =	spop (v2sf)  }
0x297: {  	[tilespmem:s23], [sflag:$0x3] =	stream.linear.gather [hbm4b:s0+s2], $0x80, $0x38;
	[tilespmem:$0x10280] =	vst v63  }
0x298: {  	s0 =	sadd.s32 s3, s1;
	s1 =	sand.u32 $0x1FFFFFF0, s5;
	s5 =	spop (v2sf)  }
0x299: {  	[tilespmem:s22], [sflag:$0x3] =	stream.linear.gather [hbm4b:s0+s2], $0x80, $0x38;
	[tilespmem:$0x10280] =	vst v63  }
0x29a: {  	s0 =	sadd.s32 s3, s1;
	s1 =	sand.u32 $0x1FFFFFF0, s5;
	s5 =	spop (v2sf)  }
0x29b: {  	[tilespmem:s21], [sflag:$0x3] =	stream.linear.gather [hbm4b:s0+s2], $0x80, $0x38;
	[tilespmem:$0x10280] =	vst v63  }
0x29c: {  	s0 =	sadd.s32 s3, s1;
	s1 =	sand.u32 $0x1FFFFFF0, s5;
	s5 =	spop (v2sf)  }
0x29d: {  	[tilespmem:s20], [sflag:$0x3] =	stream.linear.gather [hbm4b:s0+s2], $0x80, $0x38;
	[tilespmem:$0x10280] =	vst v63  }
0x29e: {  	s1 =	sadd.s32 s3, s1;
	s0 =	sadd.s32 $0x900, s19;
	s5 =	sand.u32 $0x1FFFFFF0, s5  }
0x29f: {  	[tilespmem:s0], [sflag:$0x3] =	stream.linear.gather [hbm4b:s1+s2], $0x80, $0x38;
	[tilespmem:$0x10280] =	vst v63  }
0x2a0: {  	s5 =	sadd.s32 s3, s5;
	s0 =	sand.u32 $0xF0, s18;
	s1 =	sadd.s32 $0x980, s19  }
0x2a1: {  	[tilespmem:s1], [sflag:$0x3] =	stream.linear.gather [hbm4b:s5+s2], $0x80, $0x38;
	[tilespmem:$0x10280] =	vst v63  }
0x2a2: {  	v0 =	vld [tilespmem:s0+$0x100];
	_ =	sdelay $0x4  }
0x2a3: {  	v5 =	vshll.u32 v0, $0x4  }
0x2a4: {  	(v2sf) =	vpush v5, $0x0  }
0x2a5: {  	(v2sf) =	vpush v5, $0x2  }
0x2a6: {  	(v2sf) =	vpush v5, $0x1;
	_ =	sdelay $0x1  }
.Ltmp2:
0x2a7: {  	(v2sf) =	vpush v5, $0x3;
	(pc) =	sbr.rel @p0 .LBB2_6-.Ltmp2, $2  }
0x2a8: {  	(v2sf) =	vpush v5, $0x4;
	_ =	sdelay $0x2  }
0x2a9: {  	s18 =	sadd.s32 $0x10, s18  }
0x2aa: {  	(v2sf) =	vpush v5, $0x5;
	_ =	sdelay $0x1  }
0x2ab: {  	s16 =	sshra.s32 s16, $0x2;
	(v2sf) =	vpush v5, $0x6  }
0x2ac: {  	s0 =	sadd.s32 $0x280, s16;
	s1 =	sadd.s32 $0x200, s16  }
0x2ad: {  	s19 =	sadd.s32 $0x780, s16;
	s18 =	sadd.s32 $0x800, s16;
	s17 =	sadd.s32 $0x880, s16;
	(v2sf) =	vpush v5, $0x7  }
0x2ae: {  	s5 =	sadd.s32 $0x600, s16;
	s10 =	sadd.s32 $0x680, s16;
	s13 =	sadd.s32 $0x700, s16  }
0x2af: {  	s20 =	sadd.s32 $0x500, s16;
	s21 =	sadd.s32 $0x580, s16;
	s22 =	spop (v2sf);
	(v2sf) =	vpush v5, $0x8  }
0x2b0: {  	s23 =	sadd.s32 $0x300, s16;
	s22 =	sand.u32 $0x1FFFFFF0, s22;
	s24 =	spop (v2sf)  }
0x2b1: {  	s25 =	sadd.s32 $0x480, s16;
	s22 =	sadd.s32 s3, s22;
	s26 =	spop (v2sf);
	(v2sf) =	vpush v5, $0x9  }
0x2b2: {  	[tilespmem:s1], [sflag:$0x3] =	stream.linear.gather [hbm4b:s22+s2], $0x80, $0x38;
	[tilespmem:$0x10280] =	vst v63  }
0x2b3: {  	s30 =	sand.u32 $0x1FFFFFF0, s24;
	s29 =	sand.u32 $0x1FFFFFF0, s26;
	s31 =	spop (v2sf);
	(v2sf) =	vpush v5, $0xA  }
0x2b4: {  	s24 =	sadd.s32 $0x380, s16;
	s1 =	sadd.s32 s3, s29;
	s28 =	spop (v2sf)  }
0x2b5: {  	[tilespmem:s0], [sflag:$0x3] =	stream.linear.gather [hbm4b:s1+s2], $0x80, $0x38;
	(v2sf) =	vpush v5, $0xB;
	[tilespmem:$0x10280] =	vst v63  }
0x2b6: {  	s26 =	sadd.s32 $0x400, s16;
	s29 =	sadd.s32 s3, s30;
	s30 =	sand.u32 $0x1FFFFFF0, s31  }
0x2b7: {  	(v2sf) =	vpush v5, $0xC;
	[tilespmem:s23], [sflag:$0x3] =	stream.linear.gather [hbm4b:s29+s2], $0x80, $0x38;
	[tilespmem:$0x10280] =	vst v63  }
0x2b8: {  	s31 =	sand.u32 $0x1FFFFFF0, s28;
	s1 =	sadd.s32 s3, s30;
	s28 =	spop (v2sf)  }
0x2b9: {  	[tilespmem:s24], [sflag:$0x3] =	stream.linear.gather [hbm4b:s1+s2], $0x80, $0x38;
	(v2sf) =	vpush v5, $0xD;
	[tilespmem:$0x10280] =	vst v63  }
0x2ba: {  	s29 =	sadd.s32 s3, s31;
	s30 =	sand.u32 $0x1FFFFFF0, s28;
	s31 =	spop (v2sf)  }
0x2bb: {  	(v2sf) =	vpush v5, $0xE;
	[tilespmem:s26], [sflag:$0x3] =	stream.linear.gather [hbm4b:s29+s2], $0x80, $0x38;
	[tilespmem:$0x10280] =	vst v63  }
0x2bc: {  	s1 =	sadd.s32 s3, s30;
	s23 =	sand.u32 $0x1FFFFFF0, s31;
	s24 =	spop (v2sf)  }
0x2bd: {  	(v2sf) =	vpush v5, $0xF;
	[tilespmem:s25], [sflag:$0x3] =	stream.linear.gather [hbm4b:s1+s2], $0x80, $0x38;
	[tilespmem:$0x10280] =	vst v63  }
0x2be: {  	s26 =	sand.u32 $0x1FFFFFF0, s24;
	s25 =	sadd.s32 s3, s23;
	s28 =	spop (v2sf)  }
0x2bf: {  	[tilespmem:s20], [sflag:$0x3] =	stream.linear.gather [hbm4b:s25+s2], $0x80, $0x38;
	[tilespmem:$0x10280] =	vst v63  }
0x2c0: {  	s29 =	sadd.s32 s3, s26;
	s30 =	sand.u32 $0x1FFFFFF0, s28;
	s31 =	spop (v2sf)  }
0x2c1: {  	[tilespmem:s21], [sflag:$0x3] =	stream.linear.gather [hbm4b:s29+s2], $0x80, $0x38;
	[tilespmem:$0x10280] =	vst v63  }
0x2c2: {  	s22 =	sadd.s32 s3, s30;
	s23 =	sand.u32 $0x1FFFFFF0, s31;
	s24 =	spop (v2sf)  }
0x2c3: {  	[tilespmem:s5], [sflag:$0x3] =	stream.linear.gather [hbm4b:s22+s2], $0x80, $0x38;
	[tilespmem:$0x10280] =	vst v63  }
0x2c4: {  	s25 =	sadd.s32 s3, s23;
	s26 =	sand.u32 $0x1FFFFFF0, s24;
	s28 =	spop (v2sf)  }
0x2c5: {  	[tilespmem:s10], [sflag:$0x3] =	stream.linear.gather [hbm4b:s25+s2], $0x80, $0x38;
	[tilespmem:$0x10280] =	vst v63  }
0x2c6: {  	s29 =	sadd.s32 s3, s26;
	s30 =	sand.u32 $0x1FFFFFF0, s28;
	s31 =	spop (v2sf)  }
0x2c7: {  	[tilespmem:s13], [sflag:$0x3] =	stream.linear.gather [hbm4b:s29+s2], $0x80, $0x38;
	[tilespmem:$0x10280] =	vst v63  }
0x2c8: {  	s10 =	sadd.s32 s3, s30;
	s13 =	sand.u32 $0x1FFFFFF0, s31;
	s20 =	spop (v2sf)  }
0x2c9: {  	[tilespmem:s19], [sflag:$0x3] =	stream.linear.gather [hbm4b:s10+s2], $0x80, $0x38;
	[tilespmem:$0x10280] =	vst v63  }
0x2ca: {  	s21 =	sadd.s32 s3, s13;
	s22 =	sand.u32 $0x1FFFFFF0, s20;
	s23 =	spop (v2sf)  }
0x2cb: {  	[tilespmem:s18], [sflag:$0x3] =	stream.linear.gather [hbm4b:s21+s2], $0x80, $0x38;
	[tilespmem:$0x10280] =	vst v63  }
0x2cc: {  	s24 =	sadd.s32 s3, s22;
	s25 =	sand.u32 $0x1FFFFFF0, s23;
	s26 =	spop (v2sf)  }
0x2cd: {  	[tilespmem:s17], [sflag:$0x3] =	stream.linear.gather [hbm4b:s24+s2], $0x80, $0x38;
	[tilespmem:$0x10280] =	vst v63  }
0x2ce: {  	s28 =	sadd.s32 $0x900, s16;
	s1 =	sadd.s32 s3, s25;
	s5 =	sand.u32 $0x1FFFFFF0, s26  }
0x2cf: {  	[tilespmem:s28], [sflag:$0x3] =	stream.linear.gather [hbm4b:s1+s2], $0x80, $0x38;
	[tilespmem:$0x10280] =	vst v63  }
0x2d0: {  	s29 =	sadd.s32 $0x980, s16;
	s30 =	sadd.s32 s3, s5  }
0x2d1: {  	[tilespmem:s29], [sflag:$0x3] =	stream.linear.gather [hbm4b:s30+s2], $0x80, $0x38;
	[tilespmem:$0x10280] =	vst v63  }
0x2d2: {  	_ =	swait.ge [sflag:s11], $0x8000  }
0x2d3: {  	[sflag:s11] =	ssyncset.done $0x0  }
0x2d4: {  	[sflag:s11] =	ssyncadd.s32 $0xFFFF8000  }
0x2d5: {  	_ =	swait.ge [sflag:s12], $0x8000  }
0x2d6: {  	[sflag:s12] =	ssyncset.done $0x0  }
0x2d7: {  	s31 =	simm.s32 $0x0;
	[sflag:s12] =	ssyncadd.s32 $0xFFFF8000  }
0x2d8: {  	v10 =	vld [tilespmem:s31+$0x900];
	_ =	sdelay $0x4  }
0x2d9: {  	[tilespmem:$0x1F4F0] =	vst v10;
	v10 =	vld [tilespmem:s31+$0x8910];
	_ =	sdelay $0x4  }
0x2da: {  	[tilespmem:$0x1F500] =	vst v10;
	v10 =	vld [tilespmem:s31+$0x910];
	_ =	sdelay $0x4  }
0x2db: {  	[tilespmem:$0x1F510] =	vst v10;
	v10 =	vld [tilespmem:s31+$0x8920];
	_ =	sdelay $0x4  }
0x2dc: {  	[tilespmem:$0x1F520] =	vst v10;
	v10 =	vld [tilespmem:s31+$0x920];
	_ =	sdelay $0x4  }
0x2dd: {  	[tilespmem:$0x1F530] =	vst v10;
	v10 =	vld [tilespmem:s31+$0x8930];
	_ =	sdelay $0x3  }
0x2de: {  	v0 =	vld [tilespmem:s31+$0x8980]  }
0x2df: {  	[tilespmem:$0x1F540] =	vst v10;
	v10 =	vld [tilespmem:s31+$0x930]  }
0x2e0: {  	v2 =	vld [tilespmem:s31+$0x980]  }
0x2e1: {  	v1 =	vld [tilespmem:s31+$0x8990]  }
0x2e2: {  	v3 =	vld [tilespmem:s31+$0x990]  }
0x2e3: {  	v5 =	vld [tilespmem:s31+$0x89A0]  }
0x2e4: {  	[tilespmem:$0x1F550] =	vst v10;
	v10 =	vld [tilespmem:s31+$0x8880]  }
0x2e5: {  	v7 =	vld [tilespmem:s31+$0x9A0]  }
0x2e6: {  	v6 =	vld [tilespmem:s31+$0x89B0]  }
0x2e7: {  	v8 =	vld [tilespmem:s31+$0x9B0]  }
0x2e8: {  	v9 =	vld [tilespmem:s31+$0x8900]  }
0x2e9: {  	[tilespmem:$0x1F560] =	vst v10;
	v10 =	vld [tilespmem:s31+$0x880]  }
0x2ea: {  	v4 =	vld [tilespmem:s31+$0x7A0]  }
0x2eb: {  	v50 =	vld [tilespmem:s31+$0x680];
	v49 =	vsub.f32 v1, v3  }
0x2ec: {  	v51 =	vld [tilespmem:s31+$0x8690]  }
0x2ed: {  	v52 =	vld [tilespmem:s31+$0x690];
	[tilespmem:$0x1F770] =	vst v49  }
0x2ee: {  	v49 =	vsub.f32 v5, v7;
	[tilespmem:$0x1F570] =	vst v10;
	v10 =	vld [tilespmem:s31+$0x8890]  }
0x2ef: {  	v53 =	vld [tilespmem:s31+$0x86A0]  }
0x2f0: {  	v54 =	vld [tilespmem:s31+$0x6A0];
	[tilespmem:$0x1F780] =	vst v49;
	v49 =	vsub.f32 v6, v8  }
0x2f1: {  	v55 =	vld [tilespmem:s31+$0x86B0]  }
0x2f2: {  	[tilespmem:$0x1F790] =	vst v49;
	v49 =	vld [tilespmem:$0x1F4F0]  }
0x2f3: {  	[tilespmem:$0x1F580] =	vst v10;
	v10 =	vld [tilespmem:s31+$0x890]  }
0x2f4: {  	v56 =	vld [tilespmem:s31+$0x6B0]  }
0x2f5: {  	v57 =	vld [tilespmem:s31+$0x8600];
	v0 =	vsub.f32 v0, v2  }
0x2f6: {  	v58 =	vld [tilespmem:s31+$0x600]  }
0x2f7: {  	[tilespmem:$0x1F760] =	vst v0;
	v0 =	vsub.f32 v9, v49;
	v49 =	vld [tilespmem:$0x1F510]  }
0x2f8: {  	[tilespmem:$0x1F590] =	vst v10;
	v10 =	vld [tilespmem:s31+$0x88A0]  }
0x2f9: {  	[tilespmem:$0x1F7A0] =	vst v0;
	v0 =	vld [tilespmem:$0x1F500]  }
0x2fa: {  	v59 =	vld [tilespmem:s31+$0x8610]  }
0x2fb: {  	v60 =	vld [tilespmem:s31+$0x610]  }
0x2fc: {  	v61 =	vld [tilespmem:s31+$0x8620]  }
0x2fd: {  	[tilespmem:$0x1F5A0] =	vst v10;
	v10 =	vld [tilespmem:s31+$0x8A0]  }
0x2fe: {  	v62 =	vld [tilespmem:s31+$0x620];
	v0 =	vsub.f32 v0, v49  }
0x2ff: {  	v63 =	vld [tilespmem:s31+$0x8630]  }
0x300: {  	[tilespmem:$0x1F7B0] =	vst v0;
	v0 =	vld [tilespmem:$0x1F520]  }
0x301: {  	v49 =	vld [tilespmem:$0x1F530]  }
0x302: {  	[tilespmem:$0x1F5B0] =	vst v10;
	v10 =	vld [tilespmem:s31+$0x88B0]  }
0x303: {  	v48 =	vld [tilespmem:s31+$0x630]  }
0x304: {  	v47 =	vld [tilespmem:s31+$0x8580]  }
0x305: {  	v44 =	vld [tilespmem:s31+$0x580]  }
0x306: {  	v46 =	vld [tilespmem:s31+$0x8590];
	v0 =	vsub.f32 v0, v49  }
0x307: {  	[tilespmem:$0x1F5C0] =	vst v10;
	v10 =	vld [tilespmem:s31+$0x8B0]  }
0x308: {  	[tilespmem:$0x1F7C0] =	vst v0;
	v0 =	vld [tilespmem:$0x1F540]  }
0x309: {  	v49 =	vld [tilespmem:$0x1F550]  }
0x30a: {  	v42 =	vld [tilespmem:s31+$0x590]  }
0x30b: {  	v43 =	vld [tilespmem:s31+$0x85A0]  }
0x30c: {  	[tilespmem:$0x1F5D0] =	vst v10;
	v10 =	vld [tilespmem:s31+$0x8800]  }
0x30d: {  	v40 =	vld [tilespmem:s31+$0x5A0]  }
0x30e: {  	v45 =	vld [tilespmem:s31+$0x85B0];
	v0 =	vsub.f32 v0, v49  }
0x30f: {  	v38 =	vld [tilespmem:s31+$0x5B0]  }
0x310: {  	[tilespmem:$0x1F7D0] =	vst v0;
	v0 =	vld [tilespmem:$0x1F560]  }
0x311: {  	[tilespmem:$0x1F5E0] =	vst v10;
	v10 =	vld [tilespmem:s31+$0x800]  }
0x312: {  	v49 =	vld [tilespmem:$0x1F570]  }
0x313: {  	v39 =	vld [tilespmem:s31+$0x8500]  }
0x314: {  	v36 =	vld [tilespmem:s31+$0x500]  }
0x315: {  	v41 =	vld [tilespmem:s31+$0x8510]  }
0x316: {  	[tilespmem:$0x1F5F0] =	vst v10;
	v10 =	vld [tilespmem:s31+$0x8810]  }
0x317: {  	v34 =	vld [tilespmem:s31+$0x510];
	v0 =	vsub.f32 v0, v49  }
0x318: {  	v35 =	vld [tilespmem:s31+$0x8520]  }
0x319: {  	[tilespmem:$0x1F7E0] =	vst v0;
	v0 =	vld [tilespmem:$0x1F580]  }
0x31a: {  	v49 =	vld [tilespmem:$0x1F590]  }
0x31b: {  	[tilespmem:$0x1F600] =	vst v10;
	v10 =	vld [tilespmem:s31+$0x810]  }
0x31c: {  	v32 =	vld [tilespmem:s31+$0x520]  }
0x31d: {  	v37 =	vld [tilespmem:s31+$0x8530]  }
0x31e: {  	v30 =	vld [tilespmem:s31+$0x530]  }
0x31f: {  	v31 =	vld [tilespmem:s31+$0x8480];
	v0 =	vsub.f32 v0, v49  }
0x320: {  	[tilespmem:$0x1F610] =	vst v10;
	v10 =	vld [tilespmem:s31+$0x8820]  }
0x321: {  	[tilespmem:$0x1F7F0] =	vst v0;
	v0 =	vld [tilespmem:$0x1F5A0]  }
0x322: {  	v49 =	vld [tilespmem:$0x1F5B0]  }
0x323: {  	v28 =	vld [tilespmem:s31+$0x480]  }
0x324: {  	v33 =	vld [tilespmem:s31+$0x8490]  }
0x325: {  	[tilespmem:$0x1F620] =	vst v10;
	v10 =	vld [tilespmem:s31+$0x820]  }
0x326: {  	v26 =	vld [tilespmem:s31+$0x490]  }
0x327: {  	v27 =	vld [tilespmem:s31+$0x84A0];
	v0 =	vsub.f32 v0, v49  }
0x328: {  	v24 =	vld [tilespmem:s31+$0x4A0]  }
0x329: {  	[tilespmem:$0x1F800] =	vst v0;
	v0 =	vld [tilespmem:$0x1F5C0]  }
0x32a: {  	[tilespmem:$0x1F630] =	vst v10;
	v10 =	vld [tilespmem:s31+$0x8830]  }
0x32b: {  	v49 =	vld [tilespmem:$0x1F5D0]  }
0x32c: {  	v29 =	vld [tilespmem:s31+$0x84B0]  }
0x32d: {  	v22 =	vld [tilespmem:s31+$0x4B0]  }
0x32e: {  	v23 =	vld [tilespmem:s31+$0x8400]  }
0x32f: {  	[tilespmem:$0x1F640] =	vst v10;
	v10 =	vld [tilespmem:s31+$0x830]  }
0x330: {  	v20 =	vld [tilespmem:s31+$0x400];
	v0 =	vsub.f32 v0, v49  }
0x331: {  	v25 =	vld [tilespmem:s31+$0x8410]  }
0x332: {  	[tilespmem:$0x1F810] =	vst v0;
	v0 =	vld [tilespmem:$0x1F5E0]  }
0x333: {  	v49 =	vld [tilespmem:$0x1F5F0]  }
0x334: {  	[tilespmem:$0x1F650] =	vst v10;
	v10 =	vld [tilespmem:s31+$0x8780]  }
0x335: {  	v18 =	vld [tilespmem:s31+$0x410]  }
0x336: {  	v19 =	vld [tilespmem:s31+$0x8420]  }
0x337: {  	v16 =	vld [tilespmem:s31+$0x420]  }
0x338: {  	v21 =	vld [tilespmem:s31+$0x8430];
	v0 =	vsub.f32 v0, v49  }
0x339: {  	[tilespmem:$0x1F660] =	vst v10;
	v10 =	vld [tilespmem:s31+$0x780]  }
0x33a: {  	[tilespmem:$0x1F820] =	vst v0;
	v0 =	vld [tilespmem:$0x1F600]  }
0x33b: {  	v49 =	vld [tilespmem:$0x1F610]  }
0x33c: {  	v14 =	vld [tilespmem:s31+$0x430]  }
0x33d: {  	v15 =	vld [tilespmem:s31+$0x8380]  }
0x33e: {  	[tilespmem:$0x1F670] =	vst v10;
	v10 =	vld [tilespmem:s31+$0x8790]  }
0x33f: {  	v13 =	vld [tilespmem:s31+$0x380]  }
0x340: {  	v17 =	vld [tilespmem:s31+$0x8390];
	v0 =	vsub.f32 v0, v49  }
0x341: {  	v12 =	vld [tilespmem:s31+$0x390]  }
0x342: {  	[tilespmem:$0x1F830] =	vst v0;
	v0 =	vld [tilespmem:$0x1F620]  }
0x343: {  	[tilespmem:$0x1F680] =	vst v10;
	v10 =	vld [tilespmem:s31+$0x790]  }
0x344: {  	v49 =	vld [tilespmem:$0x1F630]  }
0x345: {  	v11 =	vld [tilespmem:s31+$0x83A0]  }
0x346: {  	v3 =	vld [tilespmem:s31+$0x310]  }
0x347: {  	v2 =	vld [tilespmem:s31+$0x8320]  }
0x348: {  	[tilespmem:$0x1F690] =	vst v10;
	v10 =	vld [tilespmem:s31+$0x87A0]  }
0x349: {  	v1 =	vld [tilespmem:s31+$0x320];
	v0 =	vsub.f32 v0, v49  }
0x34a: {  	v51 =	vsub.f32 v51, v52;
	v52 =	vsub.f32 v53, v54;
	v53 =	vld [tilespmem:s31+$0x8200]  }
0x34b: {  	[tilespmem:$0x1F840] =	vst v0;
	v0 =	vld [tilespmem:$0x1F640]  }
0x34c: {  	v49 =	vld [tilespmem:$0x1F650]  }
0x34d: {  	[tilespmem:$0x1F6A0] =	vst v10;
	v10 =	vld [tilespmem:s31+$0x87B0]  }
0x34e: {  	v54 =	vsub.f32 v55, v56;
	v56 =	vld [tilespmem:s31+$0x200]  }
0x34f: {  	v55 =	vsub.f32 v57, v58;
	v57 =	vsub.f32 v59, v60;
	v60 =	vld [tilespmem:s31+$0x8210]  }
0x350: {  	v58 =	vsub.f32 v61, v62;
	v61 =	vld [tilespmem:s31+$0x210]  }
0x351: {  	v62 =	vld [tilespmem:s31+$0x8220];
	v0 =	vsub.f32 v0, v49  }
0x352: {  	[tilespmem:$0x1F6B0] =	vst v10;
	v10 =	vld [tilespmem:s31+$0x7B0]  }
0x353: {  	[tilespmem:$0x1F850] =	vst v0;
	v0 =	vld [tilespmem:$0x1F660]  }
0x354: {  	v49 =	vld [tilespmem:$0x1F670]  }
0x355: {  	v48 =	vsub.f32 v63, v48;
	v63 =	vld [tilespmem:s31+$0x220]  }
0x356: {  	v38 =	vsub.f32 v45, v38;
	v45 =	vld [tilespmem:s31+$0x8230]  }
0x357: {  	[tilespmem:$0x1F6C0] =	vst v10;
	v10 =	vld [tilespmem:s31+$0x8700]  }
0x358: {  	v28 =	vsub.f32 v31, v28;
	v31 =	vld [tilespmem:s31+$0x230]  }
0x359: {  	v24 =	vsub.f32 v27, v24;
	v27 =	vld [tilespmem:s31+$0x8280];
	v0 =	vsub.f32 v0, v49  }
0x35a: {  	v20 =	vsub.f32 v23, v20;
	v23 =	vld [tilespmem:s31+$0x280]  }
0x35b: {  	[tilespmem:$0x1F860] =	vst v0;
	v0 =	vld [tilespmem:$0x1F680]  }
0x35c: {  	[tilespmem:$0x1F6D0] =	vst v10;
	v10 =	vld [tilespmem:s31+$0x700]  }
0x35d: {  	v49 =	vld [tilespmem:$0x1F690]  }
0x35e: {  	v16 =	vsub.f32 v19, v16;
	v19 =	vld [tilespmem:s31+$0x8290]  }
0x35f: {  	v13 =	vsub.f32 v15, v13;
	v15 =	vld [tilespmem:s31+$0x290]  }
0x360: {  	v42 =	vsub.f32 v46, v42;
	v46 =	vld [tilespmem:s31+$0x82B0]  }
0x361: {  	[tilespmem:$0x1F6E0] =	vst v10;
	v10 =	vld [tilespmem:s31+$0x8710]  }
0x362: {  	v0 =	vsub.f32 v0, v49;
	v49 =	vld [tilespmem:$0x1F6A0]  }
0x363: {  	v7 =	vld [tilespmem:s31+$0x8300]  }
0x364: {  	v5 =	vld [tilespmem:s31+$0x8310]  }
0x365: {  	v8 =	vld [tilespmem:s31+$0x3B0]  }
0x366: {  	[tilespmem:$0x1F6F0] =	vst v10;
	v10 =	vld [tilespmem:s31+$0x710]  }
0x367: {  	v9 =	vld [tilespmem:s31+$0x83B0];
	[tilespmem:$0x1F870] =	vst v0;
	v0 =	vsub.f32 v49, v4  }
0x368: {  	v6 =	vld [tilespmem:s31+$0x300]  }
0x369: {  	[tilespmem:$0x1F880] =	vst v0;
	v0 =	vld [tilespmem:$0x1F6B0]  }
0x36a: {  	v49 =	vld [tilespmem:$0x1F6C0]  }
0x36b: {  	[tilespmem:$0x1F700] =	vst v10;
	v10 =	vld [tilespmem:s31+$0x8720]  }
0x36c: {  	v8 =	vsub.f32 v9, v8;
	v9 =	vld [tilespmem:s31+$0x2B0]  }
0x36d: {  	v15 =	vsub.f32 v19, v15;
	v19 =	vld [tilespmem:$0x1F760]  }
0x36e: {  	v23 =	vsub.f32 v27, v23;
	v27 =	vld [tilespmem:$0x1F770]  }
0x36f: {  	v22 =	vsub.f32 v29, v22;
	v29 =	vld [tilespmem:$0x1F790]  }
0x370: {  	v0 =	vsub.f32 v0, v49;
	[tilespmem:$0x1F710] =	vst v10;
	v10 =	vld [tilespmem:s31+$0x720]  }
0x371: {  	v1 =	vsub.f32 v2, v1;
	v2 =	vsub.f32 v46, v9;
	v9 =	vld [tilespmem:$0x1F7A0]  }
0x372: {  	[tilespmem:$0x1F890] =	vst v0;
	v0 =	vld [tilespmem:$0x1F6D0]  }
0x373: {  	v49 =	vld [tilespmem:$0x1F6E0]  }
0x374: {  	v18 =	vsub.f32 v25, v18;
	v25 =	vsub.f32 v45, v31;
	v31 =	vld [tilespmem:$0x1F7B0]  }
0x375: {  	v19 =	vmul.f32 v19, v19;
	v27 =	vmul.f32 v27, v27;
	[tilespmem:$0x1F720] =	vst v10;
	v10 =	vld [tilespmem:s31+$0x8730]  }
0x376: {  	v6 =	vsub.f32 v7, v6;
	v7 =	vld [tilespmem:s31+$0x2A0]  }
0x377: {  	v44 =	vsub.f32 v47, v44;
	v19 =	vadd.f32 v27, v19;
	v27 =	vld [tilespmem:$0x1F7C0]  }
0x378: {  	v40 =	vsub.f32 v43, v40;
	v0 =	vsub.f32 v0, v49;
	v49 =	vld [tilespmem:$0x1F6F0]  }
0x379: {  	v36 =	vsub.f32 v39, v36;
	v34 =	vsub.f32 v41, v34;
	v54 =	vmul.f32 v54, v54;
	v4 =	vld [tilespmem:$0x1F700]  }
0x37a: {  	v32 =	vsub.f32 v35, v32;
	v9 =	vmul.f32 v9, v9;
	v31 =	vmul.f32 v31, v31;
	[tilespmem:$0x1F730] =	vst v10;
	v10 =	vld [tilespmem:s31+$0x730]  }
0x37b: {  	v57 =	vmul.f32 v57, v57;
	v3 =	vsub.f32 v5, v3;
	v5 =	vsub.f32 v53, v56;
	v53 =	vld [tilespmem:$0x1F7D0]  }
0x37c: {  	v58 =	vmul.f32 v58, v58;
	v48 =	vmul.f32 v48, v48;
	v9 =	vadd.f32 v31, v9;
	v31 =	vld [tilespmem:$0x1F7E0]  }
0x37d: {  	v30 =	vsub.f32 v37, v30;
	v44 =	vmul.f32 v44, v44;
	v42 =	vmul.f32 v42, v42;
	v56 =	vld [tilespmem:$0x1F7F0]  }
0x37e: {  	v40 =	vmul.f32 v40, v40;
	v38 =	vmul.f32 v38, v38;
	[tilespmem:$0x1F8A0] =	vst v0;
	v0 =	vsub.f32 v49, v4;
	v49 =	vld [tilespmem:$0x1F710]  }
0x37f: {  	v26 =	vsub.f32 v33, v26;
	v36 =	vmul.f32 v36, v36;
	v34 =	vmul.f32 v34, v34;
	[tilespmem:$0x1F740] =	vst v10;
	v10 =	vld [tilespmem:s31+$0x8680]  }
0x380: {  	v14 =	vsub.f32 v21, v14;
	v32 =	vmul.f32 v32, v32;
	v30 =	vmul.f32 v30, v30;
	v4 =	vld [tilespmem:$0x1F720]  }
0x381: {  	v12 =	vsub.f32 v17, v12;
	v28 =	vmul.f32 v28, v28;
	v26 =	vmul.f32 v26, v26;
	v59 =	vld [tilespmem:$0x1F810]  }
0x382: {  	v24 =	vmul.f32 v24, v24;
	v20 =	vmul.f32 v20, v20;
	v17 =	vsub.f32 v60, v61;
	v60 =	vld [tilespmem:$0x1F820]  }
0x383: {  	v18 =	vmul.f32 v18, v18;
	v16 =	vmul.f32 v16, v16;
	v42 =	vadd.f32 v42, v44;
	v61 =	vld [tilespmem:$0x1F830]  }
0x384: {  	v13 =	vmul.f32 v13, v13;
	v34 =	vadd.f32 v34, v36;
	v26 =	vadd.f32 v26, v28;
	[tilespmem:$0x1F750] =	vst v10;
	v10 =	vld [tilespmem:s31+$0x3A0]  }
0x385: {  	v12 =	vmul.f32 v12, v12;
	v28 =	vadd.f32 v30, v32;
	[tilespmem:$0x1F8B0] =	vst v0;
	v0 =	vsub.f32 v49, v4;
	v4 =	vld [tilespmem:$0x1F730]  }
0x386: {  	v30 =	vadd.f32 v18, v20;
	v3 =	vmul.f32 v3, v3;
	v6 =	vmul.f32 v6, v6;
	v49 =	vld [tilespmem:$0x1F740]  }
0x387: {  	v14 =	vmul.f32 v14, v14;
	v12 =	vadd.f32 v12, v13;
	v21 =	vsub.f32 v62, v63;
	v62 =	vld [tilespmem:$0x1F840]  }
0x388: {  	v5 =	vmul.f32 v5, v5;
	v3 =	vadd.f32 v3, v6;
	v6 =	vmul.f32 v17, v17;
	v63 =	vld [tilespmem:$0x1F850]  }
0x389: {  	v22 =	vmul.f32 v22, v22;
	v13 =	vadd.f32 v14, v16;
	v10 =	vsub.f32 v11, v10;
	v11 =	vld [tilespmem:s31+$0x82A0]  }
0x38a: {  	v1 =	vmul.f32 v1, v1;
	v14 =	vmul.f32 v25, v25;
	v16 =	vadd.f32 v6, v5;
	v45 =	vld [tilespmem:$0x1F860]  }
0x38b: {  	v5 =	vmul.f32 v23, v23;
	v6 =	vmul.f32 v15, v15;
	v46 =	vld [tilespmem:$0x1F870];
	v4 =	vsub.f32 v4, v49  }
0x38c: {  	v18 =	vadd.f32 v22, v24;
	v29 =	vmul.f32 v29, v29;
	v33 =	vmul.f32 v53, v53;
	v53 =	vld [tilespmem:$0x1F8A0]  }
0x38d: {  	v17 =	vadd.f32 v13, v30;
	v15 =	vadd.f32 v6, v5;
	v27 =	vmul.f32 v27, v27;
	[tilespmem:$0x1F8D0] =	vst v4;
	v4 =	vld [tilespmem:$0x1F750]  }
0x38e: {  	v31 =	vmul.f32 v31, v31;
	v35 =	vmul.f32 v56, v56;
	v7 =	vsub.f32 v11, v7;
	v11 =	vld [tilespmem:$0x1F780]  }
0x38f: {  	v8 =	vmul.f32 v8, v8;
	v2 =	vmul.f32 v2, v2;
	v27 =	vadd.f32 v33, v27;
	v56 =	vld [tilespmem:$0x1F8B0]  }
0x390: {  	v31 =	vadd.f32 v35, v31;
	v35 =	vmul.f32 v60, v60;
	v39 =	vmul.f32 v61, v61;
	[tilespmem:$0x1F8C0] =	vst v0  }
0x391: {  	v24 =	vadd.f32 v27, v9;
	v37 =	vmul.f32 v59, v59;
	v33 =	vmul.f32 v62, v62;
	v59 =	vld [tilespmem:$0x1F8C0]  }
0x392: {  	v35 =	vadd.f32 v39, v35;
	v39 =	vmul.f32 v45, v45;
	v43 =	vmul.f32 v46, v46;
	v0 =	vld [tilespmem:s31+$0x8330]  }
0x393: {  	v41 =	vmul.f32 v63, v63;
	v49 =	vsub.f32 v4, v50;
	v50 =	vld [tilespmem:s31+$0x330];
	v11 =	vmul.f32 v11, v11  }
0x394: {  	v39 =	vadd.f32 v43, v39;
	v43 =	vmul.f32 v53, v53;
	v46 =	vmul.f32 v56, v56;
	v4 =	vld [tilespmem:$0x1F8D0]  }
0x395: {  	v33 =	vadd.f32 v41, v33;
	v10 =	vmul.f32 v10, v10;
	v11 =	vadd.f32 v29, v11;
	v29 =	vld [tilespmem:$0x1F800]  }
0x396: {  	v56 =	vmul.f32 v55, v55;
	v43 =	vadd.f32 v46, v43;
	v41 =	vmul.f32 v59, v59  }
0x397: {  	v59 =	vadd.f32 v48, v58;
	v10 =	vadd.f32 v8, v10;
	v8 =	vmul.f32 v21, v21  }
0x398: {  	v61 =	vmul.f32 v49, v49;
	v49 =	vadd.f32 v57, v56;
	v0 =	vsub.f32 v0, v50;
	v50 =	vld [tilespmem:$0x1F890]  }
0x399: {  	v62 =	vmul.f32 v51, v51;
	v47 =	vld [tilespmem:$0x1F880];
	v14 =	vadd.f32 v14, v8;
	v8 =	vadd.f32 v18, v26  }
0x39a: {  	v18 =	vadd.f32 v28, v34;
	v60 =	vmul.f32 v4, v4;
	v29 =	vmul.f32 v29, v29  }
0x39b: {  	v9 =	vadd.f32 v10, v12;
	v46 =	vadd.f32 v62, v61;
	v0 =	vmul.f32 v0, v0  }
0x39c: {  	v61 =	vmul.f32 v7, v7;
	v41 =	vadd.f32 v60, v41;
	v29 =	vadd.f32 v37, v29  }
0x39d: {  	v60 =	vadd.f32 v38, v40;
	v0 =	vadd.f32 v0, v1;
	v45 =	vmul.f32 v50, v50  }
0x39e: {  	v37 =	vmul.f32 v47, v47;
	v25 =	vadd.f32 v29, v31;
	v31 =	vadd.f32 v33, v35;
	v33 =	vld [tilespmem:$0x1FFC0]  }
0x39f: {  	v63 =	vmul.f32 v52, v52;
	v1 =	vadd.f32 v2, v61;
	v20 =	vadd.f32 v41, v43  }
0x3a0: {  	v7 =	vadd.f32 v60, v42;
	v37 =	vadd.f32 v45, v37  }
0x3a1: {  	v62 =	vadd.f32 v11, v19;
	v45 =	vadd.f32 v54, v63  }
0x3a2: {  	v19 =	vadd.f32 v59, v49;
	v5 =	vadd.f32 v37, v39  }
0x3a3: {  	v6 =	vadd.f32 v45, v46;
	v26 =	vperm.xlane v62, v33;
	v30 =	vperm.xlane v25, v33  }
0x3a4: {  	v10 =	vadd.f32 v0, v3;
	v13 =	vperm.xlane v24, v33;
	v23 =	vperm.xlane v5, v33  }
0x3a5: {  	v11 =	vadd.f32 v14, v16;
	v63 =	vperm.xlane v31, v33;
	v22 =	vperm.xlane v6, v33  }
0x3a6: {  	v12 =	vadd.f32 v1, v15;
	v27 =	vperm.xlane v20, v33;
	v21 =	vperm.xlane v7, v33  }
0x3a7: {  	v28 =	vperm.xlane v19, v33;
	v29 =	vperm.xlane v18, v33;
	v14 =	vadd.f32 v24, v13  }
0x3a8: {  	v61 =	vld [tilespmem:$0x1FFD0];
	v24 =	vperm.xlane v8, v33;
	v13 =	vadd.f32 v62, v26;
	v15 =	vadd.f32 v31, v63  }
0x3a9: {  	s16 =	simm.s32 $0x2000;
	v51 =	vld [tilespmem:$0x1F8E0];
	v26 =	vperm.xlane v17, v33;
	v16 =	vadd.f32 v25, v30;
	v25 =	vperm.xlane v9, v33  }
.LBB2_8:
0x3aa: {  	v2 =	vadd.f32 v5, v23;
	v0 =	vperm.xlane v10, v33;
	v1 =	vadd.f32 v20, v27  }
0x3ab: {  	v3 =	vperm.xlane v11, v33;
	v19 =	vadd.f32 v19, v28;
	v20 =	vadd.f32 v6, v22  }
0x3ac: {  	v22 =	vperm.xlane v12, v33;
	v18 =	vadd.f32 v18, v29;
	v21 =	vadd.f32 v7, v21  }
0x3ad: {  	v23 =	vadd.f32 v17, v26;
	v24 =	vadd.f32 v8, v24;
	v17 =	vperm.xlane v13, v61  }
0x3ae: {  	v25 =	vadd.f32 v9, v25;
	v26 =	vperm.xlane v16, v61;
	v27 =	vperm.xlane v14, v61  }
0x3af: {  	v29 =	vperm.xlane v15, v61;
	v28 =	vperm.xlane v2, v61;
	v0 =	vadd.f32 v10, v0  }
0x3b0: {  	v3 =	vadd.f32 v11, v3;
	v30 =	vperm.xlane v20, v61;
	v31 =	vperm.xlane v1, v61  }
0x3b1: {  	v32 =	vadd.f32 v12, v22;
	v22 =	vperm.xlane v21, v61;
	v59 =	vperm.xlane v19, v61  }
0x3b2: {  	v34 =	vperm.xlane v24, v61;
	v35 =	vperm.xlane v18, v61;
	v36 =	vadd.f32 v13, v17  }
0x3b3: {  	v4 =	vld [tilespmem:$0x1FFE0];
	v37 =	vperm.xlane v23, v61;
	v26 =	vadd.f32 v16, v26;
	v27 =	vadd.f32 v14, v27  }
0x3b4: {  	v38 =	vperm.xlane v25, v61;
	v2 =	vadd.f32 v2, v28;
	v28 =	vadd.f32 v15, v29  }
0x3b5: {  	v29 =	vperm.xlane v0, v61;
	v30 =	vadd.f32 v20, v30;
	v1 =	vadd.f32 v1, v31  }
0x3b6: {  	v31 =	vperm.xlane v3, v61;
	v39 =	vadd.f32 v21, v22;
	v33 =	vadd.f32 v19, v59  }
0x3b7: {  	v40 =	vperm.xlane v32, v61;
	v34 =	vadd.f32 v24, v34;
	v35 =	vadd.f32 v18, v35  }
0x3b8: {  	v37 =	vadd.f32 v23, v37;
	v24 =	vperm.xlane v27, v4;
	v41 =	vperm.xlane v36, v4  }
0x3b9: {  	v38 =	vadd.f32 v25, v38;
	v42 =	vperm.xlane v26, v4;
	v25 =	vperm.xlane v28, v4  }
0x3ba: {  	v43 =	vperm.xlane v2, v4;
	v0 =	vadd.f32 v0, v29;
	v29 =	vperm.xlane v1, v4  }
0x3bb: {  	v3 =	vadd.f32 v3, v31;
	v31 =	vperm.xlane v33, v4;
	v44 =	vperm.xlane v30, v4  }
0x3bc: {  	v32 =	vadd.f32 v32, v40;
	v60 =	vperm.xlane v35, v4;
	v45 =	vperm.xlane v39, v4  }
0x3bd: {  	v46 =	vperm.xlane v34, v4;
	v48 =	vadd.f32 v36, v41;
	v50 =	vadd.f32 v26, v42  }
0x3be: {  	v49 =	vadd.f32 v28, v25;
	v62 =	vperm.xlane v3, v4;
	v28 =	vperm.xlane v32, v4  }
0x3bf: {  	v1 =	vadd.f32 v1, v29;
	v29 =	vperm.xlane v0, v4;
	v41 =	vadd.f32 v33, v31  }
0x3c0: {  	v42 =	vadd.f32 v30, v44;
	v30 =	vperm.xlane v38, v4;
	v31 =	vperm.xlane v37, v4;
	v4 =	vld [tilespmem:$0x1FFF0];
	_ =	sdelay $0x1  }
0x3c1: {  	v47 =	vadd.f32 v27, v24;
	v2 =	vadd.f32 v2, v43  }
0x3c2: {  	v3 =	vadd.f32 v3, v62;
	v32 =	vadd.f32 v32, v28  }
0x3c3: {  	v39 =	vadd.f32 v39, v45;
	v0 =	vadd.f32 v0, v29  }
0x3c4: {  	v38 =	vadd.f32 v38, v30;
	v63 =	vperm.xlane v3, v4;
	v52 =	vperm.xlane v32, v4  }
0x3c5: {  	v54 =	vadd.f32 v34, v46;
	v37 =	vadd.f32 v37, v31;
	v53 =	vperm.xlane v0, v4  }
0x3c6: {  	v56 =	vperm.xlane v38, v4;
	v3 =	vadd.f32 v3, v63;
	v55 =	vadd.f32 v32, v52  }
0x3c7: {  	v40 =	vadd.f32 v35, v60;
	v57 =	vperm.xlane v37, v4;
	v0 =	vadd.f32 v0, v53  }
0x3c8: {  	v58 =	vperm.xlane v54, v4;
	v36 =	vadd.f32 v38, v56;
	v3 =	vsel vm0, v3, v55  }
0x3c9: {  	v59 =	vperm.xlane v40, v4;
	v0 =	vsel vm1, v3, v0;
	v3 =	vadd.f32 v37, v57  }
0x3ca: {  	v60 =	vperm.xlane v39, v4;
	v38 =	vadd.f32 v54, v58;
	v0 =	vsel vm2, v0, v36  }
0x3cb: {  	s17 =	sshra.s32 s16, $0x2;
	v62 =	vperm.xlane v41, v4;
	v0 =	vsel vm3, v0, v3;
	v3 =	vadd.f32 v40, v59  }
0x3cc: {  	v5 =	vld [tilespmem:s17+$0x8980];
	v43 =	vadd.f32 v39, v60;
	v63 =	vperm.xlane v42, v4;
	v0 =	vsel vm4, v0, v38  }
0x3cd: {  	v6 =	vld [tilespmem:s17+$0x980];
	v35 =	vperm.xlane v1, v4;
	v0 =	vsel vm5, v0, v3;
	v3 =	vadd.f32 v41, v62  }
0x3ce: {  	v7 =	vld [tilespmem:s17+$0x8990];
	v46 =	vperm.xlane v2, v4;
	v42 =	vadd.f32 v42, v63;
	v0 =	vsel vm6, v0, v43  }
0x3cf: {  	v8 =	vld [tilespmem:s17+$0x990];
	v1 =	vadd.f32 v1, v35;
	v0 =	vsel vm7, v0, v3;
	v3 =	vperm.xlane v49, v4  }
0x3d0: {  	v9 =	vld [tilespmem:s17+$0x89A0];
	v2 =	vadd.f32 v2, v46;
	v55 =	vperm.xlane v50, v4;
	v0 =	vsel vm8, v0, v42  }
0x3d1: {  	v10 =	vld [tilespmem:s17+$0x9A0];
	v0 =	vsel vm9, v0, v1;
	v56 =	vadd.f32 v49, v3;
	v3 =	vperm.xlane v47, v4  }
0x3d2: {  	v11 =	vld [tilespmem:s17+$0x89B0];
	v58 =	vperm.xlane v48, v4;
	v57 =	vadd.f32 v50, v55;
	v0 =	vsel vm10, v0, v2  }
0x3d3: {  	v12 =	vld [tilespmem:s17+$0x9B0];
	v0 =	vsel vm11, v0, v56;
	v59 =	vadd.f32 v47, v3  }
0x3d4: {  	v13 =	vld [tilespmem:s17+$0x8900];
	v60 =	vadd.f32 v48, v58;
	v0 =	vsel vm12, v0, v57  }
0x3d5: {  	v14 =	vld [tilespmem:s17+$0x900];
	v0 =	vsel vm13, v0, v59  }
0x3d6: {  	v16 =	vld [tilespmem:s17+$0x910];
	v0 =	vsel vm14, v0, v60  }
0x3d7: {  	v17 =	vld [tilespmem:s17+$0x8920];
	v62 =	vshra.s32 v0, $0x1;
	v2 =	vmul.f32 $5.000000000e-01, v0  }
0x3d8: {  	v15 =	vld [tilespmem:s17+$0x8910];
	v1 =	vsub.s32 $0x5F3759DF, v62  }
0x3d9: {  	v18 =	vld [tilespmem:s17+$0x920];
	v3 =	vmul.f32 v1, v2  }
0x3da: {  	v19 =	vld [tilespmem:s17+$0x8930]  }
0x3db: {  	v20 =	vld [tilespmem:s17+$0x930];
	v3 =	vmul.f32 v1, v3  }
0x3dc: {  	v21 =	vld [tilespmem:s17+$0x8880]  }
0x3dd: {  	v22 =	vld [tilespmem:s17+$0x880];
	v3 =	vsub.f32 $1.500000000e+00, v3  }
0x3de: {  	v23 =	vld [tilespmem:s17+$0x8890]  }
0x3df: {  	v1 =	vmul.f32 v1, v3;
	v3 =	vld [tilespmem:s17+$0x86A0]  }
0x3e0: {  	v24 =	vld [tilespmem:s17+$0x890]  }
0x3e1: {  	v26 =	vld [tilespmem:s17+$0x8A0]  }
0x3e2: {  	v27 =	vld [tilespmem:s17+$0x88B0]  }
0x3e3: {  	v25 =	vld [tilespmem:s17+$0x88A0]  }
0x3e4: {  	[tilespmem:$0x1F270] =	vst v3;
	v3 =	vld [tilespmem:s17+$0x6A0]  }
0x3e5: {  	v33 =	vld [tilespmem:s17+$0x8820]  }
0x3e6: {  	v34 =	vld [tilespmem:s17+$0x820]  }
0x3e7: {  	v45 =	vld [tilespmem:s17+$0x8830]  }
0x3e8: {  	v44 =	vld [tilespmem:s17+$0x8700]  }
0x3e9: {  	v28 =	vld [tilespmem:s17+$0x8B0];
	[tilespmem:$0x1F280] =	vst v3;
	v3 =	vmul.f32 v1, v2  }
0x3ea: {  	v29 =	vld [tilespmem:s17+$0x8800]  }
0x3eb: {  	v30 =	vld [tilespmem:s17+$0x800];
	v3 =	vmul.f32 v3, v1  }
0x3ec: {  	v31 =	vld [tilespmem:s17+$0x8810]  }
0x3ed: {  	v32 =	vld [tilespmem:s17+$0x810];
	v3 =	vsub.f32 $1.500000000e+00, v3  }
0x3ee: {  	v52 =	vld [tilespmem:s17+$0x790]  }
0x3ef: {  	v46 =	vld [tilespmem:s17+$0x700];
	v1 =	vmul.f32 v3, v1  }
0x3f0: {  	v53 =	vld [tilespmem:s17+$0x710]  }
0x3f1: {  	v39 =	vld [tilespmem:s17+$0x730];
	v2 =	vmul.f32 v1, v2  }
0x3f2: {  	v54 =	vld [tilespmem:s17+$0x690]  }
0x3f3: {  	v35 =	vld [tilespmem:s17+$0x84A0];
	v2 =	vmul.f32 v2, v1  }
0x3f4: {  	v63 =	vld [tilespmem:s17+$0x8730]  }
0x3f5: {  	v49 =	vld [tilespmem:s17+$0x87B0];
	v2 =	vsub.f32 $1.500000000e+00, v2  }
0x3f6: {  	v4 =	vld [tilespmem:s17+$0x7B0]  }
0x3f7: {  	v58 =	vld [tilespmem:s17+$0x8720];
	v1 =	vmul.f32 v2, v1  }
0x3f8: {  	v48 =	vld [tilespmem:s17+$0x8690]  }
0x3f9: {  	v43 =	vld [tilespmem:s17+$0x8680];
	v0 =	vmul.f32 v1, v0;
	v1 =	vsub.f32 v9, v10;
	v10 =	vsub.f32 v13, v14  }
0x3fa: {  	[tilespmem:$0x1F210] =	vst v63;
	v47 =	vld [tilespmem:s17+$0x680];
	v14 =	vsub.f32 v17, v18;
	v17 =	vsub.f32 v23, v24  }
0x3fb: {  	[tilespmem:$0x1F220] =	vst v39;
	v23 =	vsub.f32 v29, v30;
	v30 =	vsub.f32 v49, v4;
	v4 =	vld [tilespmem:$0x1F210]  }
0x3fc: {  	v51 =	vadd.f32 v0, v51;
	v0 =	vsub.f32 v5, v6;
	v5 =	vld [tilespmem:$0x1F220]  }
0x3fd: {  	v37 =	vld [tilespmem:s17+$0x8780]  }
0x3fe: {  	v36 =	vld [tilespmem:s17+$0x830]  }
0x3ff: {  	v50 =	vld [tilespmem:s17+$0x8710]  }
0x400: {  	v38 =	vld [tilespmem:s17+$0x780];
	[tilespmem:$0x1F230] =	vst v43  }
0x401: {  	[tilespmem:$0x1F240] =	vst v47;
	v24 =	vsub.f32 v33, v34;
	v34 =	vsub.f32 v4, v5;
	v4 =	vld [tilespmem:$0x1F230]  }
0x402: {  	v5 =	vld [tilespmem:$0x1F240]  }
0x403: {  	v55 =	vld [tilespmem:s17+$0x86B0]  }
0x404: {  	v40 =	vld [tilespmem:s17+$0x8790]  }
0x405: {  	v39 =	vld [tilespmem:s17+$0x85A0]  }
0x406: {  	[tilespmem:$0x1F250] =	vst v48;
	v3 =	vld [tilespmem:s17+$0x8620];
	v13 =	vsub.f32 v19, v20;
	v19 =	vsub.f32 v25, v26  }
0x407: {  	[tilespmem:$0x1F260] =	vst v54;
	v26 =	vsub.f32 v37, v38;
	v37 =	vsub.f32 v4, v5;
	v4 =	vld [tilespmem:$0x1F250]  }
0x408: {  	v5 =	vld [tilespmem:$0x1F260]  }
0x409: {  	v54 =	vld [tilespmem:s17+$0x500]  }
0x40a: {  	v41 =	vld [tilespmem:s17+$0x87A0]  }
0x40b: {  	v56 =	vld [tilespmem:s17+$0x6B0]  }
0x40c: {  	[tilespmem:$0x1F2F0] =	vst v3;
	v3 =	vld [tilespmem:s17+$0x620]  }
0x40d: {  	v38 =	vsub.f32 v4, v5;
	v4 =	vld [tilespmem:$0x1F270]  }
0x40e: {  	v5 =	vld [tilespmem:$0x1F280]  }
0x40f: {  	v42 =	vld [tilespmem:s17+$0x7A0]  }
0x410: {  	v57 =	vld [tilespmem:s17+$0x8600]  }
0x411: {  	[tilespmem:$0x1F290] =	vst v55;
	v60 =	vld [tilespmem:s17+$0x600]  }
0x412: {  	[tilespmem:$0x1F300] =	vst v3;
	v3 =	vld [tilespmem:s17+$0x8630];
	v20 =	vsub.f32 v27, v28  }
0x413: {  	[tilespmem:$0x1F2A0] =	vst v56;
	v27 =	vsub.f32 v40, v52;
	v40 =	vsub.f32 v4, v5;
	v4 =	vld [tilespmem:$0x1F290]  }
0x414: {  	v5 =	vld [tilespmem:$0x1F2A0]  }
0x415: {  	[tilespmem:$0x1F420] =	vst v35;
	v35 =	vld [tilespmem:s17+$0x430]  }
0x416: {  	v63 =	vld [tilespmem:s17+$0x610]  }
0x417: {  	v62 =	vld [tilespmem:s17+$0x8610];
	[tilespmem:$0x1F2B0] =	vst v57  }
0x418: {  	[tilespmem:$0x1F310] =	vst v3;
	v3 =	vld [tilespmem:s17+$0x630]  }
0x419: {  	[tilespmem:$0x1F2C0] =	vst v60;
	v29 =	vsub.f32 v41, v42;
	v41 =	vsub.f32 v4, v5;
	v4 =	vld [tilespmem:$0x1F2B0]  }
0x41a: {  	v5 =	vld [tilespmem:$0x1F2C0]  }
0x41b: {  	v48 =	vld [tilespmem:s17+$0x5B0]  }
0x41c: {  	v55 =	vld [tilespmem:s17+$0x8510];
	[tilespmem:$0x1F370] =	vst v39  }
0x41d: {  	v39 =	vld [tilespmem:s17+$0x84B0];
	[tilespmem:$0x1F2D0] =	vst v62  }
0x41e: {  	[tilespmem:$0x1F320] =	vst v3;
	v3 =	vld [tilespmem:s17+$0x8580]  }
0x41f: {  	[tilespmem:$0x1F2E0] =	vst v63;
	v33 =	vsub.f32 v44, v46;
	v44 =	vsub.f32 v4, v5;
	v4 =	vld [tilespmem:$0x1F2D0]  }
0x420: {  	v5 =	vld [tilespmem:$0x1F2E0]  }
0x421: {  	[tilespmem:$0x1F3C0] =	vst v54;
	v54 =	vld [tilespmem:s17+$0x400]  }
0x422: {  	[tilespmem:$0x1F3A0] =	vst v48;
	v48 =	vld [tilespmem:s17+$0x480]  }
0x423: {  	v63 =	vld [tilespmem:s17+$0x8490]  }
0x424: {  	[tilespmem:$0x1F330] =	vst v3;
	v3 =	vld [tilespmem:s17+$0x580]  }
0x425: {  	v42 =	vsub.f32 v4, v5;
	v4 =	vld [tilespmem:$0x1F2F0]  }
0x426: {  	v5 =	vld [tilespmem:$0x1F300]  }
0x427: {  	v43 =	vld [tilespmem:s17+$0x5A0]  }
0x428: {  	[tilespmem:$0x1F3D0] =	vst v55;
	v55 =	vld [tilespmem:s17+$0x530]  }
0x429: {  	v59 =	vld [tilespmem:s17+$0x720]  }
0x42a: {  	[tilespmem:$0x1F340] =	vst v3;
	v3 =	vld [tilespmem:s17+$0x8590]  }
0x42b: {  	v25 =	vsub.f32 v45, v36;
	v45 =	vsub.f32 v4, v5;
	v4 =	vld [tilespmem:$0x1F310]  }
0x42c: {  	v5 =	vld [tilespmem:$0x1F320]  }
0x42d: {  	[tilespmem:$0x1F460] =	vst v54;
	v54 =	vld [tilespmem:s17+$0x410]  }
0x42e: {  	[tilespmem:$0x1F430] =	vst v39;
	v39 =	vld [tilespmem:s17+$0x8380]  }
0x42f: {  	v47 =	vld [tilespmem:s17+$0x85B0]  }
0x430: {  	[tilespmem:$0x1F350] =	vst v3;
	v3 =	vld [tilespmem:s17+$0x590]  }
0x431: {  	v46 =	vsub.f32 v4, v5;
	v4 =	vld [tilespmem:$0x1F330]  }
0x432: {  	v5 =	vld [tilespmem:$0x1F340]  }
0x433: {  	[tilespmem:$0x1F410] =	vst v63;
	v63 =	vld [tilespmem:$0x1F3C0]  }
0x434: {  	v56 =	vld [tilespmem:s17+$0x8520]  }
0x435: {  	v57 =	vld [tilespmem:s17+$0x520]  }
0x436: {  	[tilespmem:$0x1F390] =	vst v47;
	v47 =	vld [tilespmem:s17+$0x8400]  }
0x437: {  	[tilespmem:$0x1F360] =	vst v3;
	v49 =	vsub.f32 v4, v5;
	v4 =	vld [tilespmem:$0x1F350]  }
0x438: {  	v5 =	vld [tilespmem:$0x1F360]  }
0x439: {  	[tilespmem:$0x1F380] =	vst v43;
	v43 =	vld [tilespmem:s17+$0x4B0]  }
0x43a: {  	v60 =	vld [tilespmem:s17+$0x8530]  }
0x43b: {  	[tilespmem:$0x1F3F0] =	vst v57;
	v57 =	vld [tilespmem:s17+$0x8410];
	v3 =	vsub.f32 v11, v12;
	v11 =	vsub.f32 v15, v16  }
0x43c: {  	[tilespmem:$0x1F450] =	vst v47;
	v47 =	vld [tilespmem:s17+$0x8430];
	v16 =	vsub.f32 v21, v22;
	v22 =	vsub.f32 v31, v32  }
0x43d: {  	v32 =	vsub.f32 v50, v53;
	v50 =	vsub.f32 v4, v5;
	v4 =	vld [tilespmem:$0x1F370]  }
0x43e: {  	v5 =	vld [tilespmem:$0x1F380]  }
0x43f: {  	[tilespmem:$0x1F440] =	vst v43;
	v43 =	vld [tilespmem:s17+$0x420]  }
0x440: {  	[tilespmem:$0x1F470] =	vst v57;
	v57 =	vld [tilespmem:s17+$0x8420]  }
0x441: {  	v35 =	vsub.f32 v47, v35;
	v47 =	vld [tilespmem:s17+$0x220]  }
0x442: {  	[tilespmem:$0x1F8E0] =	vst v51;
	v51 =	vld [tilespmem:s17+$0x8500]  }
0x443: {  	v52 =	vsub.f32 v4, v5;
	v4 =	vld [tilespmem:$0x1F390]  }
0x444: {  	v5 =	vld [tilespmem:$0x1F3A0]  }
0x445: {  	v43 =	vsub.f32 v57, v43;
	v57 =	vld [tilespmem:s17+$0x8220]  }
0x446: {  	v62 =	vld [tilespmem:s17+$0x510];
	[tilespmem:$0x1F3E0] =	vst v56  }
0x447: {  	v56 =	vld [tilespmem:s17+$0x8480];
	[tilespmem:$0x1F400] =	vst v60  }
0x448: {  	v60 =	vld [tilespmem:s17+$0x4A0];
	[tilespmem:$0x1F3B0] =	vst v51  }
0x449: {  	v53 =	vsub.f32 v4, v5;
	v5 =	vld [tilespmem:$0x1F3B0]  }
0x44a: {  	v47 =	vsub.f32 v57, v47;
	v57 =	vld [tilespmem:s17+$0x2B0]  }
0x44b: {  	v2 =	vsub.f32 v7, v8;
	v8 =	vld [tilespmem:s17+$0x3B0]  }
0x44c: {  	v7 =	vld [tilespmem:s17+$0x8310]  }
0x44d: {  	v28 =	vld [tilespmem:s17+$0x380]  }
0x44e: {  	v36 =	vsub.f32 v58, v59;
	v58 =	vsub.f32 v5, v63;
	v5 =	vld [tilespmem:$0x1F3D0]  }
0x44f: {  	v18 =	vld [tilespmem:s17+$0x390];
	v0 =	vmul.f32 v0, v0  }
0x450: {  	v9 =	vld [tilespmem:s17+$0x8300]  }
0x451: {  	[tilespmem:$0x1F490] =	vst v0;
	v0 =	vld [tilespmem:$0x1F420]  }
0x452: {  	v63 =	vld [tilespmem:$0x1F3F0]  }
0x453: {  	v59 =	vsub.f32 v5, v62;
	v62 =	vld [tilespmem:$0x1F3E0]  }
0x454: {  	v48 =	vsub.f32 v56, v48;
	v56 =	vmul.f32 v2, v2;
	v6 =	vld [tilespmem:s17+$0x300]  }
0x455: {  	v2 =	vld [tilespmem:s17+$0x200]  }
0x456: {  	[tilespmem:$0x1F4A0] =	vst v56;
	v56 =	vld [tilespmem:s17+$0x8330]  }
0x457: {  	v51 =	vld [tilespmem:s17+$0x490]  }
0x458: {  	v60 =	vsub.f32 v0, v60;
	v0 =	vmul.f32 v10, v10;
	v62 =	vsub.f32 v62, v63;
	v63 =	vld [tilespmem:$0x1F410]  }
0x459: {  	v28 =	vsub.f32 v39, v28;
	v39 =	vld [tilespmem:s17+$0x8230];
	v6 =	vsub.f32 v9, v6;
	v9 =	vmul.f32 v37, v37  }
0x45a: {  	[tilespmem:$0x1F4B0] =	vst v0;
	v37 =	vmul.f32 v38, v38;
	v38 =	vld [tilespmem:s17+$0x8290];
	v0 =	vmul.f32 v11, v11  }
0x45b: {  	v31 =	vld [tilespmem:s17+$0x8390]  }
0x45c: {  	[tilespmem:$0x1F4C0] =	vst v0;
	v0 =	vld [tilespmem:$0x1F430]  }
0x45d: {  	v51 =	vsub.f32 v63, v51;
	v63 =	vmul.f32 v1, v1;
	v1 =	vld [tilespmem:$0x1F440]  }
0x45e: {  	v21 =	vld [tilespmem:s17+$0x83A0]  }
0x45f: {  	v12 =	vld [tilespmem:s17+$0x3A0]  }
0x460: {  	v15 =	vld [tilespmem:s17+$0x83B0]  }
0x461: {  	v18 =	vsub.f32 v31, v18;
	v31 =	vld [tilespmem:s17+$0x230]  }
0x462: {  	v11 =	vsub.f32 v0, v1;
	v0 =	vld [tilespmem:$0x1F450]  }
0x463: {  	v1 =	vld [tilespmem:$0x1F460]  }
0x464: {  	[tilespmem:$0x1F480] =	vst v62;
	v62 =	vld [tilespmem:$0x1F400]  }
0x465: {  	v12 =	vsub.f32 v21, v12;
	v21 =	vmul.f32 v33, v33;
	v33 =	vld [tilespmem:s17+$0x8280]  }
0x466: {  	v4 =	vld [tilespmem:s17+$0x310]  }
0x467: {  	v35 =	vmul.f32 v35, v35;
	v5 =	vld [tilespmem:s17+$0x8320]  }
0x468: {  	v43 =	vmul.f32 v43, v43;
	v14 =	vmul.f32 v14, v14;
	v10 =	vsub.f32 v0, v1;
	v0 =	vld [tilespmem:$0x1F470]  }
0x469: {  	v13 =	vmul.f32 v13, v13;
	v55 =	vsub.f32 v62, v55;
	v62 =	vld [tilespmem:s17+$0x320];
	[tilespmem:$0x1F4D0] =	vst v63;
	v63 =	vmul.f32 v3, v3  }
0x46a: {  	v17 =	vmul.f32 v17, v17;
	v19 =	vmul.f32 v19, v19;
	v3 =	vld [tilespmem:s17+$0x8200]  }
0x46b: {  	v20 =	vmul.f32 v20, v20;
	v23 =	vmul.f32 v23, v23;
	[tilespmem:$0x1F4E0] =	vst v63;
	v63 =	vld [tilespmem:s17+$0x330]  }
0x46c: {  	v35 =	vadd.f32 v35, v43;
	v24 =	vmul.f32 v24, v24;
	v25 =	vmul.f32 v25, v25;
	v1 =	vld [tilespmem:s17+$0x8210]  }
0x46d: {  	v26 =	vmul.f32 v26, v26;
	v27 =	vmul.f32 v27, v27;
	v54 =	vsub.f32 v0, v54;
	v0 =	vld [tilespmem:s17+$0x210]  }
0x46e: {  	v4 =	vsub.f32 v7, v4;
	v7 =	vmul.f32 v40, v40;
	v40 =	vmul.f32 v41, v41;
	v41 =	vld [tilespmem:s17+$0x290]  }
0x46f: {  	v29 =	vmul.f32 v29, v29;
	v30 =	vmul.f32 v30, v30;
	v5 =	vsub.f32 v5, v62;
	v62 =	vld [tilespmem:s17+$0x82A0]  }
0x470: {  	v13 =	vadd.f32 v13, v14;
	v28 =	vmul.f32 v28, v28;
	v2 =	vsub.f32 v3, v2;
	v3 =	vld [tilespmem:s17+$0x2A0]  }
0x471: {  	v34 =	vmul.f32 v34, v34;
	v6 =	vmul.f32 v6, v6;
	v56 =	vsub.f32 v56, v63;
	v63 =	vld [tilespmem:$0x1F480]  }
0x472: {  	v9 =	vadd.f32 v37, v9;
	v16 =	vmul.f32 v16, v16;
	v0 =	vsub.f32 v1, v0;
	v1 =	vld [tilespmem:s17+$0x82B0]  }
0x473: {  	v22 =	vmul.f32 v22, v22;
	v8 =	vsub.f32 v15, v8;
	v15 =	vmul.f32 v36, v36;
	v36 =	vld [tilespmem:s17+$0x280]  }
0x474: {  	v16 =	vadd.f32 v17, v16;
	v38 =	vsub.f32 v38, v41;
	v41 =	vmul.f32 v60, v60;
	v60 =	vld [tilespmem:$0x1F4C0]  }
0x475: {  	v32 =	vmul.f32 v32, v32;
	v14 =	vadd.f32 v22, v23;
	v3 =	vsub.f32 v62, v3;
	v62 =	vld [tilespmem:$0x1F490]  }
0x476: {  	v17 =	vadd.f32 v20, v19;
	v31 =	vsub.f32 v39, v31;
	v39 =	vmul.f32 v63, v63;
	v63 =	vld [tilespmem:$0x1F4A0]  }
0x477: {  	v44 =	vmul.f32 v44, v44;
	v19 =	vadd.f32 v27, v26;
	v1 =	vsub.f32 v1, v57;
	v57 =	vld [tilespmem:$0x1F4B0]  }
0x478: {  	v20 =	vadd.f32 v25, v24;
	v22 =	vadd.f32 v30, v29;
	v18 =	vmul.f32 v18, v18  }
0x479: {  	v16 =	vadd.f32 v17, v16;
	v12 =	vmul.f32 v12, v12;
	v8 =	vmul.f32 v8, v8  }
0x47a: {  	v21 =	vadd.f32 v32, v21;
	v33 =	vsub.f32 v33, v36;
	v36 =	vmul.f32 v48, v48  }
0x47b: {  	v48 =	vmul.f32 v51, v51;
	v51 =	vmul.f32 v54, v54;
	v54 =	vadd.f32 v63, v62;
	v62 =	vld [tilespmem:$0x1F4E0]  }
0x47c: {  	v27 =	vmul.f32 v47, v47;
	v15 =	vadd.f32 v34, v15;
	v57 =	vadd.f32 v60, v57;
	v60 =	vld [tilespmem:$0x1F4D0]  }
0x47d: {  	v42 =	vmul.f32 v42, v42;
	v28 =	vadd.f32 v18, v28;
	v12 =	vadd.f32 v8, v12  }
0x47e: {  	v31 =	vmul.f32 v31, v31;
	v4 =	vmul.f32 v4, v4;
	v7 =	vadd.f32 v40, v7  }
0x47f: {  	v24 =	vadd.f32 v42, v44;
	v33 =	vmul.f32 v33, v33;
	v45 =	vmul.f32 v45, v45  }
0x480: {  	v49 =	vmul.f32 v49, v49;
	v4 =	vadd.f32 v4, v6;
	v6 =	vadd.f32 v7, v9;
	v9 =	vld [tilespmem:$0x1FFC0]  }
0x481: {  	v3 =	vmul.f32 v3, v3;
	v1 =	vmul.f32 v1, v1;
	v60 =	vadd.f32 v62, v60  }
0x482: {  	v31 =	vadd.f32 v31, v27;
	v50 =	vmul.f32 v50, v50;
	v10 =	vmul.f32 v10, v10  }
0x483: {  	v52 =	vmul.f32 v52, v52;
	v1 =	vadd.f32 v1, v3;
	v3 =	vadd.f32 v60, v54  }
0x484: {  	v53 =	vmul.f32 v53, v53;
	v10 =	vadd.f32 v51, v10;
	v13 =	vadd.f32 v13, v57  }
0x485: {  	v57 =	vadd.f32 v20, v14;
	v20 =	vadd.f32 v15, v21;
	v15 =	vperm.xlane v3, v9;
	v9 =	vld [tilespmem:$0x1FFC0]  }
0x486: {  	v58 =	vmul.f32 v58, v58;
	v59 =	vmul.f32 v59, v59;
	v17 =	vadd.f32 v35, v10;
	v10 =	vld [tilespmem:$0x1FFC0]  }
0x487: {  	v25 =	vadd.f32 v50, v49;
	v5 =	vmul.f32 v5, v5;
	v23 =	vmul.f32 v56, v56  }
0x488: {  	v46 =	vmul.f32 v46, v46;
	v30 =	vadd.f32 v53, v52;
	v29 =	vadd.f32 v59, v58  }
0x489: {  	v59 =	vld [tilespmem:$0x1FFC0];
	v55 =	vmul.f32 v55, v55;
	v56 =	vadd.f32 v23, v5;
	v5 =	vadd.f32 v22, v19  }
0x48a: {  	v7 =	vadd.f32 v30, v25;
	v11 =	vmul.f32 v11, v11;
	v30 =	vperm.xlane v16, v9;
	v9 =	vld [tilespmem:$0x1FFC0]  }
0x48b: {  	v47 =	vadd.f32 v55, v39;
	v55 =	vmul.f32 v38, v38;
	v23 =	vperm.xlane v5, v10;
	v10 =	vld [tilespmem:$0x1FFC0]  }
0x48c: {  	v26 =	vadd.f32 v46, v45;
	v2 =	vmul.f32 v2, v2;
	v0 =	vmul.f32 v0, v0;
	v62 =	vld [tilespmem:$0x1FFC0]  }
0x48d: {  	v46 =	vadd.f32 v48, v36;
	v33 =	vadd.f32 v55, v33;
	v60 =	vld [tilespmem:$0x1FFC0]  }
0x48e: {  	v11 =	vadd.f32 v11, v41;
	v63 =	vld [tilespmem:$0x1FFC0];
	v0 =	vadd.f32 v0, v2  }
0x48f: {  	v14 =	vperm.xlane v13, v9;
	v9 =	vadd.f32 v12, v28;
	v12 =	vadd.f32 v1, v33;
	v33 =	vld [tilespmem:$0x1FFC0]  }
0x490: {  	p0 =	sne.s32 s16, $0x1E000;
	v8 =	vadd.f32 v11, v46;
	v19 =	vadd.f32 v26, v24;
	v22 =	vperm.xlane v6, v59  }
.Ltmp3:
0x491: {  	v18 =	vadd.f32 v47, v29;
	v11 =	vadd.f32 v31, v0;
	v58 =	vperm.xlane v57, v10;
	(pc) =	sbr.rel @p0 .LBB2_8-.Ltmp3, $4  }
0x492: {  	v10 =	vadd.f32 v56, v4;
	v21 =	vperm.xlane v7, v62;
	v27 =	vperm.xlane v20, v60  }
0x493: {  	v16 =	vadd.f32 v16, v30;
	v28 =	vperm.xlane v19, v63;
	v14 =	vadd.f32 v13, v14  }
0x494: {  	v13 =	vadd.f32 v3, v15;
	v24 =	vperm.xlane v8, v33;
	v29 =	vperm.xlane v18, v33  }
0x495: {  	s16 =	sadd.s32 $0x2000, s16;
	v51 =	vld [tilespmem:$0x1F8E0];
	v15 =	vadd.f32 v57, v58;
	v26 =	vperm.xlane v17, v33;
	v25 =	vperm.xlane v9, v33  }
0x496: {  	v0 =	vperm.xlane v10, v33;
	v1 =	vadd.f32 v20, v27;
	v2 =	vadd.f32 v5, v23  }
0x497: {  	v3 =	vperm.xlane v11, v33;
	v4 =	vadd.f32 v19, v28;
	v35 =	vadd.f32 v6, v22  }
0x498: {  	v36 =	vperm.xlane v12, v33;
	v18 =	vadd.f32 v18, v29;
	v7 =	vadd.f32 v7, v21  }
0x499: {  	v8 =	vadd.f32 v8, v24;
	v37 =	vperm.xlane v13, v61;
	v38 =	vperm.xlane v16, v61  }
0x49a: {  	v39 =	vperm.xlane v14, v61;
	v17 =	vadd.f32 v17, v26;
	v9 =	vadd.f32 v9, v25  }
0x49b: {  	v41 =	vperm.xlane v15, v61;
	v0 =	vadd.f32 v10, v0;
	v40 =	vperm.xlane v2, v61  }
0x49c: {  	v3 =	vadd.f32 v11, v3;
	v42 =	vperm.xlane v35, v61;
	v43 =	vperm.xlane v1, v61  }
0x49d: {  	v6 =	vadd.f32 v12, v36;
	v44 =	vperm.xlane v7, v61;
	v45 =	vperm.xlane v4, v61  }
0x49e: {  	v46 =	vperm.xlane v8, v61;
	v47 =	vperm.xlane v18, v61;
	v13 =	vadd.f32 v13, v37  }
0x49f: {  	v55 =	vld [tilespmem:$0x1FFE0];
	v16 =	vadd.f32 v16, v38;
	v14 =	vadd.f32 v14, v39;
	v48 =	vperm.xlane v17, v61  }
0x4a0: {  	v49 =	vperm.xlane v9, v61;
	v50 =	vadd.f32 v15, v41;
	v2 =	vadd.f32 v2, v40  }
0x4a1: {  	v52 =	vperm.xlane v0, v61;
	v5 =	vadd.f32 v35, v42;
	v1 =	vadd.f32 v1, v43  }
0x4a2: {  	v53 =	vperm.xlane v3, v61;
	v7 =	vadd.f32 v7, v44;
	v4 =	vadd.f32 v4, v45  }
0x4a3: {  	v54 =	vperm.xlane v6, v61;
	v8 =	vadd.f32 v8, v46;
	v18 =	vadd.f32 v18, v47  }
0x4a4: {  	v17 =	vadd.f32 v17, v48;
	v56 =	vperm.xlane v14, v55;
	v57 =	vperm.xlane v13, v55  }
0x4a5: {  	v9 =	vadd.f32 v9, v49;
	v58 =	vperm.xlane v50, v55;
	v59 =	vperm.xlane v16, v55  }
0x4a6: {  	v0 =	vadd.f32 v0, v52;
	v60 =	vperm.xlane v1, v55;
	v61 =	vperm.xlane v2, v55  }
0x4a7: {  	v3 =	vadd.f32 v3, v53;
	v62 =	vperm.xlane v4, v55;
	v63 =	vperm.xlane v5, v55  }
0x4a8: {  	v6 =	vadd.f32 v6, v54;
	v28 =	vperm.xlane v18, v55;
	v29 =	vperm.xlane v7, v55  }
0x4a9: {  	v30 =	vperm.xlane v8, v55;
	v14 =	vadd.f32 v14, v56;
	v13 =	vadd.f32 v13, v57  }
0x4aa: {  	v36 =	vld [tilespmem:$0x1FFF0];
	v10 =	vadd.f32 v50, v58;
	v16 =	vadd.f32 v16, v59;
	v31 =	vperm.xlane v3, v55  }
0x4ab: {  	v32 =	vperm.xlane v6, v55;
	v1 =	vadd.f32 v1, v60;
	v2 =	vadd.f32 v2, v61  }
0x4ac: {  	v33 =	vperm.xlane v0, v55;
	v4 =	vadd.f32 v4, v62;
	v5 =	vadd.f32 v5, v63  }
0x4ad: {  	v34 =	vperm.xlane v9, v55;
	v3 =	vadd.f32 v3, v31;
	v6 =	vadd.f32 v6, v32  }
0x4ae: {  	v35 =	vperm.xlane v17, v55;
	v7 =	vadd.f32 v7, v29;
	v0 =	vadd.f32 v0, v33  }
0x4af: {  	v9 =	vadd.f32 v9, v34;
	v19 =	vperm.xlane v3, v36;
	v20 =	vperm.xlane v6, v36  }
0x4b0: {  	v8 =	vadd.f32 v8, v30;
	v15 =	vadd.f32 v17, v35;
	v37 =	vperm.xlane v0, v36  }
0x4b1: {  	v38 =	vperm.xlane v9, v36;
	v3 =	vadd.f32 v3, v19;
	v6 =	vadd.f32 v6, v20  }
0x4b2: {  	v12 =	vadd.f32 v18, v28;
	v39 =	vperm.xlane v15, v36;
	v0 =	vadd.f32 v0, v37  }
0x4b3: {  	v41 =	vperm.xlane v8, v36;
	v40 =	vadd.f32 v9, v38;
	v3 =	vsel vm0, v3, v6  }
0x4b4: {  	v43 =	vperm.xlane v12, v36;
	v42 =	vadd.f32 v15, v39;
	v0 =	vsel vm1, v3, v0  }
0x4b5: {  	v45 =	vperm.xlane v7, v36;
	v44 =	vadd.f32 v8, v41;
	v0 =	vsel vm2, v0, v40  }
0x4b6: {  	v47 =	vperm.xlane v4, v36;
	v46 =	vadd.f32 v12, v43;
	v0 =	vsel vm3, v0, v42  }
0x4b7: {  	v49 =	vperm.xlane v5, v36;
	v48 =	vadd.f32 v7, v45;
	v0 =	vsel vm4, v0, v44  }
0x4b8: {  	v52 =	vperm.xlane v1, v36;
	v50 =	vadd.f32 v4, v47;
	v0 =	vsel vm5, v0, v46  }
0x4b9: {  	v53 =	vperm.xlane v2, v36;
	v5 =	vadd.f32 v5, v49;
	v0 =	vsel vm6, v0, v48  }
0x4ba: {  	v54 =	vperm.xlane v10, v36;
	v1 =	vadd.f32 v1, v52;
	v0 =	vsel vm7, v0, v50  }
0x4bb: {  	v55 =	vperm.xlane v16, v36;
	v2 =	vadd.f32 v2, v53;
	v0 =	vsel vm8, v0, v5  }
0x4bc: {  	v57 =	vperm.xlane v14, v36;
	v56 =	vadd.f32 v10, v54;
	v0 =	vsel vm9, v0, v1  }
0x4bd: {  	v59 =	vperm.xlane v13, v36;
	v58 =	vadd.f32 v16, v55;
	v0 =	vsel vm10, v0, v2  }
0x4be: {  	v60 =	vadd.f32 v14, v57;
	v0 =	vsel vm11, v0, v56  }
0x4bf: {  	v61 =	vadd.f32 v13, v59;
	v0 =	vsel vm12, v0, v58  }
0x4c0: {  	v0 =	vsel vm13, v0, v60  }
0x4c1: {  	v0 =	vsel vm14, v0, v61  }
0x4c2: {  	v62 =	vshra.s32 v0, $0x1;
	v2 =	vmul.f32 $5.000000000e-01, v0  }
0x4c3: {  	v1 =	vsub.s32 $0x5F3759DF, v62  }
0x4c4: {  	v63 =	vmul.f32 v1, v2;
	_ =	sdelay $0x1  }
0x4c5: {  	v3 =	vmul.f32 v1, v63;
	_ =	sdelay $0x1  }
0x4c6: {  	v3 =	vsub.f32 $1.500000000e+00, v3;
	_ =	sdelay $0x1  }
0x4c7: {  	v1 =	vmul.f32 v1, v3;
	_ =	sdelay $0x1  }
0x4c8: {  	v3 =	vmul.f32 v1, v2;
	_ =	sdelay $0x1  }
0x4c9: {  	v3 =	vmul.f32 v3, v1;
	_ =	sdelay $0x1  }
0x4ca: {  	v3 =	vsub.f32 $1.500000000e+00, v3;
	_ =	sdelay $0x1  }
0x4cb: {  	v1 =	vmul.f32 v3, v1;
	_ =	sdelay $0x1  }
0x4cc: {  	v2 =	vmul.f32 v1, v2;
	_ =	sdelay $0x1  }
0x4cd: {  	v2 =	vmul.f32 v2, v1;
	_ =	sdelay $0x1  }
0x4ce: {  	v2 =	vsub.f32 $1.500000000e+00, v2;
	_ =	sdelay $0x1  }
0x4cf: {  	v1 =	vmul.f32 v2, v1;
	_ =	sdelay $0x1  }
0x4d0: {  	v0 =	vmul.f32 v1, v0;
	_ =	sdelay $0x1  }
0x4d1: {  	s15 =	sadd.s32 $0x1, s15;
	v0 =	vadd.f32 v0, v51  }
0x4d2: {  	p0 =	sne.s32 s15, s8  }
.Ltmp4:
0x4d3: {  	s0 =	simm.s32 $0x10200;
	[tilespmem:$0x10200] =	vst v0;
	(pc) =	sbr.rel @p0 .LBB2_1-.Ltmp4, $4  }
0x4d4: {  	[hbm4b:s7+s2] =	stream.linear.scatter [tilespmem:s0], [sflag:$0x4], $0x10, $0x38;
	[tilespmem:$0x10280] =	vst v63  }
0x4d5: {  	_ =	swait.ge [sflag:s14], $0x10  }
0x4d6: {  	[sflag:s14] =	ssyncset.done $0x0  }
0x4d7: {  	[sflag:s14] =	ssyncadd.s32 $0xFFFFFFF0  }
0x4d8: {  	_ =	sfence.sel $0x180000  }
0x4d9: {  	[bflag:$0x0] =	sbarrier.arrive $0xFFFF  }
0x4da: {  	_ =	strace $0x90000047  }
0x4db: {  	s0 =	stileid.u32;
	[bflag:$0x2] =	sbarrier.arrive $0xFFFF  }
0x4dc: {  	p0 =	sne.s32 s0, $0x0;
	s0 =	rddreg [dreg:$0x2]  }
0x4dd: {  	s0 =	sadd.s32 @!p0 $0x100000, s0  }
0x4de: {  	[sflag:s0] =	ssyncadd.tile.s32 @!p0 $0x1;
	_ =	shalt  }
.Lfunc_end2:
_tile_overlayer_lowered:
.L_overlay_start_2:
0x4df: {  	(tag) =	ssettag $0x2  }
0x4e0: {  	s0 =	rddreg [dreg:$0x0];
	s2 =	stileid.u32  }
0x4e1: {  	s1 =	rddreg [dreg:$0x1];
	p0 =	sne.s32 s2, $0x0  }
0x4e2: {  	s3 =	rddreg [dreg:$0x2];
	[bflag:$0x3] =	sbarrier.arrive $0xFFFF;
	s2 =	simm.s32 @!p0 $0x1C04  }
0x4e3: {  	[timem:s3], [sflag:s2] =	dma.local @!p0 [hbm:s0], s1  }
0x4e4: {  	s0 =	simm.s32 @!p0 $0x4  }
0x4e5: {  	_ =	swait.ge @!p0 [sflag:s0], s1  }
0x4e6: {  	s1 =	ssub.s32 @!p0 $0x0, s1;
	[sflag:s0] =	ssyncset.done @!p0 $0x0  }
0x4e7: {  	[sflag:s0] =	ssyncadd.s32 @!p0 s1  }
0x4e8: {  	[bflag:$0x3] =	sbarrier.arrive $0xFFFF  }
0x4e9: {  	_ =	shalt  }

</sc_bundles>
